<compile_context>
chip_gen: v7x
topology: tpu7x:2x2x1
jax: 0.10.2.dev20260603
libtpu: 0.0.44.dev20260713+nightly
codegen_flags: <defaults>
</compile_context>

<pallas_src>
import functools

import jax
import jax.numpy as jnp
from jax import lax
from jax.experimental import pallas as pl
from jax.experimental.pallas import tpu as pltpu
from jax.experimental.pallas import tpu_sc as plsc

_NC = 2
_NS = 16
_NW = _NC * _NS
_L = 16

_C = 80



def _tc_table_body(z_ref, w_ref, b_ref, o1_ref, o2_ref):
    zw = lax.dot_general(
        z_ref[...], w_ref[...],
        dimension_numbers=(((1,), (1,)), ((), ())),
        preferred_element_type=jnp.float32,
    )
    o1_ref[...] = z_ref[...].astype(jnp.bfloat16)
    o2_ref[...] = ((1e-6 - b_ref[...]) - zw).astype(jnp.bfloat16)


def _make_tables(z, W, b):
    n, d = z.shape
    return pl.pallas_call(
        _tc_table_body,
        out_shape=[
            jax.ShapeDtypeStruct((n, d), jnp.bfloat16),
            jax.ShapeDtypeStruct((n, d), jnp.bfloat16),
        ],
    )(z, W, b.reshape(1, d))


def _sc_body(e_per_w, e0_hbm, e1_hbm, z_hbm, nzw_hbm, out_hbm,
             idx0_v, idx1_v, r0_v, out_v, sem_a, sem_b):
    wid = lax.axis_index("s") * _NC + lax.axis_index("c")
    base = wid * e_per_w

    pltpu.sync_copy(e0_hbm.at[pl.ds(base, e_per_w)], idx0_v)
    pltpu.sync_copy(e1_hbm.at[pl.ds(base, e_per_w)], idx1_v)

    n_groups = e_per_w // _C

    def issue_a(g):
        slot = lax.rem(g, 10)
        pltpu.async_copy(nzw_hbm.at[idx1_v.at[pl.ds(g * _C, _C)]],
                         r0_v.at[slot], sem_a.at[slot])

    def wait_a(g):
        slot = lax.rem(g, 10)
        pltpu.make_async_copy(nzw_hbm.at[idx1_v.at[pl.ds(0, _C)]],
                              r0_v.at[slot], sem_a.at[slot]).wait()

    def issue_b(g):
        slot = lax.rem(g, 10)
        pltpu.async_copy(z_hbm.at[idx0_v.at[pl.ds(g * _C, _C)]],
                         r0_v.at[slot], sem_b.at[slot], add=True)

    def wait_b(g):
        slot = lax.rem(g, 10)
        pltpu.make_async_copy(z_hbm.at[idx0_v.at[pl.ds(0, _C)]],
                              r0_v.at[slot], sem_b.at[slot]).wait()

    for _g in range(9):
        issue_a(_g)
    for _g in range(4):
        wait_a(_g)
        issue_b(_g)

    def group(g, carry):
        slot = lax.rem(g, 10)

        @pl.when(g + 9 < n_groups)
        def _():
            issue_a(g + 9)

        @pl.when(g + 4 < n_groups)
        def _():
            wait_a(g + 4)
            issue_b(g + 4)

        wait_b(g)
        off = g * _C
        lane = lax.iota(jnp.int32, _L)
        last_idx = jnp.full((_L,), _L - 1, dtype=jnp.int32)
        for s in range(_C // _L):
            vecsum = jnp.zeros((_L,), jnp.float32)
            for e in range(_L):
                ee = s * _L + e
                acc = None
                for k in range(128 // (2 * _L)):
                    d = r0_v[slot, ee, pl.ds(k * 2 * _L, 2 * _L)]
                    p = d * d
                    lo, hi = plsc.unpack(
                        p, format=plsc.PackFormat.INTERLEAVED)
                    acc = (lo + hi) if acc is None else (acc + lo + hi)
                cum = plsc.cumsum(acc)
                tot = jnp.take_along_axis(
                    cum, last_idx, axis=0, mode="promise_in_bounds")
                vecsum = jnp.where(lane == e, tot, vecsum)
            v = jnp.maximum(vecsum, 1e-30)
            i = lax.bitcast_convert_type(v, jnp.int32)
            i = 0x5F3759DF - lax.shift_right_arithmetic(i, 1)
            r = lax.bitcast_convert_type(i, jnp.float32)
            for _ in range(3):
                r = r * (1.5 - 0.5 * v * r * r)
            out_v[pl.ds(off + s * _L, _L)] = jnp.exp(-(v * r))
        return carry

    lax.fori_loop(0, n_groups, group, 0)

    pltpu.sync_copy(out_v, out_hbm.at[pl.ds(base, e_per_w)])


def _sc_distance(e0, e1, z_bf, nzw_bf):
    n_edges = e0.shape[0]
    assert n_edges % (_NW * _C) == 0
    e_per_w = n_edges // _NW
    mesh = plsc.VectorSubcoreMesh(core_axis_name="c", subcore_axis_name="s")
    k = pl.kernel(
        functools.partial(_sc_body, e_per_w),
        out_type=jax.ShapeDtypeStruct((n_edges,), jnp.float32),
        mesh=mesh,
        compiler_params=pltpu.CompilerParams(
            needs_layout_passes=False,
            use_tc_tiling_on_sc=False,
        ),
        scratch_types=[
            pltpu.VMEM((e_per_w,), jnp.int32),
            pltpu.VMEM((e_per_w,), jnp.int32),
            pltpu.VMEM((10, _C, 128), jnp.bfloat16),
            pltpu.VMEM((e_per_w,), jnp.float32),
            pltpu.SemaphoreType.DMA((10,)),
            pltpu.SemaphoreType.DMA((10,)),
        ],
    )
    return k(e0, e1, z_bf, nzw_bf)


def kernel(z, edge_index, W, b):
    e = edge_index.astype(jnp.int32)
    z_bf, nzw_bf = _make_tables(z, W, b)
    return _sc_distance(e[0], e[1], z_bf, nzw_bf)

# --- scband reference (transcript-rebuilt; emitter-appended) ---
"""Pipeline reference for scband-latent-distance-decoder-5523327942685 (READ-ONLY COPY).

The authoritative reference and input builder live on the scoring server;
editing this copy changes nothing except your own understanding.
"""

import jax, jax.numpy as jnp
import numpy as np

N_NODES = 10000
N_EDGES = 320000
D = 128


def setup_inputs(seed: int = 0) -> dict:
    key = jax.random.key(seed)
    k1, k2, k3, k4 = jax.random.split(key, 4)
    z = jax.random.normal(k1, (N_NODES, D), dtype=jnp.float32)
    edge_index = jax.random.randint(k2, (2, N_EDGES), 0, N_NODES).astype(jnp.int64)
    # Learned params of nn.Linear(n_latent, n_latent, bias=True)
    bound = 1.0 / np.sqrt(D)
    W = jax.random.uniform(k3, (D, D), dtype=jnp.float32, minval=-bound, maxval=bound)
    b = jax.random.uniform(k4, (D,), dtype=jnp.float32, minval=-bound, maxval=bound)
    return {"z": z, "edge_index": edge_index, "W": W, "b": b}


def reference(z, edge_index, W, b):
    # z[edge_index[0]] : gather source node features
    src = jnp.take(z, edge_index[0], axis=0)
    # self.W(z[edge_index[1]]) : gather dst node features then linear transform
    dst = jnp.take(z, edge_index[1], axis=0) @ W.T + b
    # nn.PairwiseDistance(p=2): ||x1 - x2 + eps||_2 with eps=1e-6
    diff = src - dst + 1e-6
    value = jnp.sqrt(jnp.sum(diff * diff, axis=-1))
    # sigmoid=True default -> exp(-value)
    return jnp.exp(-value)

if __name__ == "__main__":
    import jax
    _d = setup_inputs()
    print(jax.jit(kernel)(*tuple(_d.values())))

</pallas_src>

<mosaic_0001>
#map = affine_map<(d0, d1) -> (0)>
#map1 = affine_map<(d0, d1) -> (0, 0)>
module attributes {stable_mosaic.version = 14 : i64} {
  func.func @_sc_body(%arg0: i32, %arg1: i32, %arg2: memref<320000xi32, #tpu.memory_space<hbm>>, %arg3: memref<320000xi32, #tpu.memory_space<hbm>>, %arg4: memref<10000x128xbf16, #tpu.memory_space<hbm>>, %arg5: memref<10000x128xbf16, #tpu.memory_space<hbm>>, %arg6: memref<320000xf32, #tpu.memory_space<hbm>>, %arg7: memref<10000xi32, #tpu.memory_space<vmem>>, %arg8: memref<10000xi32, #tpu.memory_space<vmem>>, %arg9: memref<10x80x128xbf16, #tpu.memory_space<vmem>>, %arg10: memref<10000xf32, #tpu.memory_space<vmem>>, %arg11: memref<10x!tpu.dma_semaphore, #tpu.memory_space<semaphore_mem>>, %arg12: memref<10x!tpu.dma_semaphore, #tpu.memory_space<semaphore_mem>>) attributes {dimension_semantics = [#tpu.dimension_semantics<core_parallel>, #tpu.dimension_semantics<subcore_parallel>], iteration_bounds = array<i64: 2, 16>, scalar_prefetch = 0 : i64, scratch_operands = 6 : i64, tpu.core_type = #tpu.core_type<sc_vector_subcore>, window_params = [{transform_indices = #map}, {transform_indices = #map}, {transform_indices = #map1}, {transform_indices = #map1}, {transform_indices = #map}]} {
    %mul3A = arith.constant 2 : i32
    %mul3A_0 = arith.muli %arg1, %mul3A : i32
    %add3A = arith.addi %mul3A_0, %arg0 : i32
    %mul3A_1 = arith.constant 10000 : i32
    %mul3A_2 = arith.muli %add3A, %mul3A_1 : i32
    "tpu.region"() ({
      %run_scoped3A = tpu.sem_alloc : memref<!tpu.dma_semaphore, #tpu.memory_space<semaphore_mem>>
      %dma_start3A_243 = tpu.memref_slice %arg2[%mul3A_2] : memref<320000xi32, #tpu.memory_space<hbm>> -> memref<10000xi32, #tpu.memory_space<hbm>>
      %dma_start3A_244 = tpu.memref_slice %arg2[%mul3A_2] : memref<320000xi32, #tpu.memory_space<hbm>> -> memref<10000xi32, #tpu.memory_space<hbm>>
      tpu.enqueue_dma source(%dma_start3A_244 : memref<10000xi32, #tpu.memory_space<hbm>>) target(%arg7 : memref<10000xi32, #tpu.memory_space<vmem>>) target_semaphore(%run_scoped3A : memref<!tpu.dma_semaphore, #tpu.memory_space<semaphore_mem>>)
      %dma_wait3A_245 = tpu.memref_slice %arg2[%mul3A_2] : memref<320000xi32, #tpu.memory_space<hbm>> -> memref<10000xi32, #tpu.memory_space<hbm>>
      %dma_wait3A_246 = tpu.memref_slice %arg2[%mul3A_2] : memref<320000xi32, #tpu.memory_space<hbm>> -> memref<10000xi32, #tpu.memory_space<hbm>>
      tpu.wait_dma2 semaphore(%run_scoped3A : memref<!tpu.dma_semaphore, #tpu.memory_space<semaphore_mem>>) src(%dma_wait3A_246 : memref<10000xi32, #tpu.memory_space<hbm>>) dst(%arg7 : memref<10000xi32, #tpu.memory_space<vmem>>)
      tpu.yield
    }) : () -> ()
    "tpu.region"() ({
      %run_scoped3A = tpu.sem_alloc : memref<!tpu.dma_semaphore, #tpu.memory_space<semaphore_mem>>
      %dma_start3A_243 = tpu.memref_slice %arg3[%mul3A_2] : memref<320000xi32, #tpu.memory_space<hbm>> -> memref<10000xi32, #tpu.memory_space<hbm>>
      %dma_start3A_244 = tpu.memref_slice %arg3[%mul3A_2] : memref<320000xi32, #tpu.memory_space<hbm>> -> memref<10000xi32, #tpu.memory_space<hbm>>
      tpu.enqueue_dma source(%dma_start3A_244 : memref<10000xi32, #tpu.memory_space<hbm>>) target(%arg8 : memref<10000xi32, #tpu.memory_space<vmem>>) target_semaphore(%run_scoped3A : memref<!tpu.dma_semaphore, #tpu.memory_space<semaphore_mem>>)
      %dma_wait3A_245 = tpu.memref_slice %arg3[%mul3A_2] : memref<320000xi32, #tpu.memory_space<hbm>> -> memref<10000xi32, #tpu.memory_space<hbm>>
      %dma_wait3A_246 = tpu.memref_slice %arg3[%mul3A_2] : memref<320000xi32, #tpu.memory_space<hbm>> -> memref<10000xi32, #tpu.memory_space<hbm>>
      tpu.wait_dma2 semaphore(%run_scoped3A : memref<!tpu.dma_semaphore, #tpu.memory_space<semaphore_mem>>) src(%dma_wait3A_246 : memref<10000xi32, #tpu.memory_space<hbm>>) dst(%arg8 : memref<10000xi32, #tpu.memory_space<vmem>>)
      tpu.yield
    }) : () -> ()
    %rem3A = arith.constant 0 : i32
    %rem3A_3 = arith.constant 10 : i32
    %rem3A_4 = arith.remsi %rem3A, %rem3A_3 : i32
    %dma_start3A = arith.constant 0 : i32
    %dma_start3A_5 = arith.constant 0 : i32
    %dma_start3A_6 = tpu.memref_slice %arg9[%rem3A_4, %dma_start3A, %dma_start3A_5] : memref<10x80x128xbf16, #tpu.memory_space<vmem>> -> memref<1x80x128xbf16, #tpu.memory_space<vmem>>
    %dma_start3A_7 = tpu.memref_squeeze %dma_start3A_6 : memref<1x80x128xbf16, #tpu.memory_space<vmem>> -> memref<80x128xbf16, #tpu.memory_space<vmem>>
    %dma_start3A_8 = arith.constant 0 : i32
    %dma_start3A_9 = tpu.memref_slice %arg8[%dma_start3A_8] : memref<10000xi32, #tpu.memory_space<vmem>> -> memref<80xi32, #tpu.memory_space<vmem>>
    %dma_start3A_10 = arith.constant 0 : i32
    %dma_start3A_11 = arith.constant 0 : i32
    %dma_start3A_12 = tpu.memref_slice %arg5[%dma_start3A_10, %dma_start3A_11] : memref<10000x128xbf16, #tpu.memory_space<hbm>> -> memref<10000x128xbf16, #tpu.memory_space<hbm>>
    %dma_start3A_13 = tpu.memref_slice %arg11[%rem3A_4] : memref<10x!tpu.dma_semaphore, #tpu.memory_space<semaphore_mem>> -> memref<1x!tpu.dma_semaphore, #tpu.memory_space<semaphore_mem>>
    %dma_start3A_14 = tpu.memref_squeeze %dma_start3A_13 : memref<1x!tpu.dma_semaphore, #tpu.memory_space<semaphore_mem>> -> memref<!tpu.dma_semaphore, #tpu.memory_space<semaphore_mem>>
    tpu.enqueue_indirect_dma source(%dma_start3A_12 : memref<10000x128xbf16, #tpu.memory_space<hbm>>) target(%dma_start3A_7 : memref<80x128xbf16, #tpu.memory_space<vmem>>) offsets(%dma_start3A_9 : memref<80xi32, #tpu.memory_space<vmem>>) semaphore(%dma_start3A_14 : memref<!tpu.dma_semaphore, #tpu.memory_space<semaphore_mem>>)
    %rem3A_15 = arith.constant 1 : i32
    %rem3A_16 = arith.constant 10 : i32
    %rem3A_17 = arith.remsi %rem3A_15, %rem3A_16 : i32
    %dma_start3A_18 = arith.constant 0 : i32
    %dma_start3A_19 = arith.constant 0 : i32
    %dma_start3A_20 = tpu.memref_slice %arg9[%rem3A_17, %dma_start3A_18, %dma_start3A_19] : memref<10x80x128xbf16, #tpu.memory_space<vmem>> -> memref<1x80x128xbf16, #tpu.memory_space<vmem>>
    %dma_start3A_21 = tpu.memref_squeeze %dma_start3A_20 : memref<1x80x128xbf16, #tpu.memory_space<vmem>> -> memref<80x128xbf16, #tpu.memory_space<vmem>>
    %dma_start3A_22 = arith.constant 80 : i32
    %dma_start3A_23 = tpu.memref_slice %arg8[%dma_start3A_22] : memref<10000xi32, #tpu.memory_space<vmem>> -> memref<80xi32, #tpu.memory_space<vmem>>
    %dma_start3A_24 = arith.constant 0 : i32
    %dma_start3A_25 = arith.constant 0 : i32
    %dma_start3A_26 = tpu.memref_slice %arg5[%dma_start3A_24, %dma_start3A_25] : memref<10000x128xbf16, #tpu.memory_space<hbm>> -> memref<10000x128xbf16, #tpu.memory_space<hbm>>
    %dma_start3A_27 = tpu.memref_slice %arg11[%rem3A_17] : memref<10x!tpu.dma_semaphore, #tpu.memory_space<semaphore_mem>> -> memref<1x!tpu.dma_semaphore, #tpu.memory_space<semaphore_mem>>
    %dma_start3A_28 = tpu.memref_squeeze %dma_start3A_27 : memref<1x!tpu.dma_semaphore, #tpu.memory_space<semaphore_mem>> -> memref<!tpu.dma_semaphore, #tpu.memory_space<semaphore_mem>>
    tpu.enqueue_indirect_dma source(%dma_start3A_26 : memref<10000x128xbf16, #tpu.memory_space<hbm>>) target(%dma_start3A_21 : memref<80x128xbf16, #tpu.memory_space<vmem>>) offsets(%dma_start3A_23 : memref<80xi32, #tpu.memory_space<vmem>>) semaphore(%dma_start3A_28 : memref<!tpu.dma_semaphore, #tpu.memory_space<semaphore_mem>>)
    %rem3A_29 = arith.constant 2 : i32
    %rem3A_30 = arith.constant 10 : i32
    %rem3A_31 = arith.remsi %rem3A_29, %rem3A_30 : i32
    %dma_start3A_32 = arith.constant 0 : i32
    %dma_start3A_33 = arith.constant 0 : i32
    %dma_start3A_34 = tpu.memref_slice %arg9[%rem3A_31, %dma_start3A_32, %dma_start3A_33] : memref<10x80x128xbf16, #tpu.memory_space<vmem>> -> memref<1x80x128xbf16, #tpu.memory_space<vmem>>
    %dma_start3A_35 = tpu.memref_squeeze %dma_start3A_34 : memref<1x80x128xbf16, #tpu.memory_space<vmem>> -> memref<80x128xbf16, #tpu.memory_space<vmem>>
    %dma_start3A_36 = arith.constant 160 : i32
    %dma_start3A_37 = tpu.memref_slice %arg8[%dma_start3A_36] : memref<10000xi32, #tpu.memory_space<vmem>> -> memref<80xi32, #tpu.memory_space<vmem>>
    %dma_start3A_38 = arith.constant 0 : i32
    %dma_start3A_39 = arith.constant 0 : i32
    %dma_start3A_40 = tpu.memref_slice %arg5[%dma_start3A_38, %dma_start3A_39] : memref<10000x128xbf16, #tpu.memory_space<hbm>> -> memref<10000x128xbf16, #tpu.memory_space<hbm>>
    %dma_start3A_41 = tpu.memref_slice %arg11[%rem3A_31] : memref<10x!tpu.dma_semaphore, #tpu.memory_space<semaphore_mem>> -> memref<1x!tpu.dma_semaphore, #tpu.memory_space<semaphore_mem>>
    %dma_start3A_42 = tpu.memref_squeeze %dma_start3A_41 : memref<1x!tpu.dma_semaphore, #tpu.memory_space<semaphore_mem>> -> memref<!tpu.dma_semaphore, #tpu.memory_space<semaphore_mem>>
    tpu.enqueue_indirect_dma source(%dma_start3A_40 : memref<10000x128xbf16, #tpu.memory_space<hbm>>) target(%dma_start3A_35 : memref<80x128xbf16, #tpu.memory_space<vmem>>) offsets(%dma_start3A_37 : memref<80xi32, #tpu.memory_space<vmem>>) semaphore(%dma_start3A_42 : memref<!tpu.dma_semaphore, #tpu.memory_space<semaphore_mem>>)
    %rem3A_43 = arith.constant 3 : i32
    %rem3A_44 = arith.constant 10 : i32
    %rem3A_45 = arith.remsi %rem3A_43, %rem3A_44 : i32
    %dma_start3A_46 = arith.constant 0 : i32
    %dma_start3A_47 = arith.constant 0 : i32
    %dma_start3A_48 = tpu.memref_slice %arg9[%rem3A_45, %dma_start3A_46, %dma_start3A_47] : memref<10x80x128xbf16, #tpu.memory_space<vmem>> -> memref<1x80x128xbf16, #tpu.memory_space<vmem>>
    %dma_start3A_49 = tpu.memref_squeeze %dma_start3A_48 : memref<1x80x128xbf16, #tpu.memory_space<vmem>> -> memref<80x128xbf16, #tpu.memory_space<vmem>>
    %dma_start3A_50 = arith.constant 240 : i32
    %dma_start3A_51 = tpu.memref_slice %arg8[%dma_start3A_50] : memref<10000xi32, #tpu.memory_space<vmem>> -> memref<80xi32, #tpu.memory_space<vmem>>
    %dma_start3A_52 = arith.constant 0 : i32
    %dma_start3A_53 = arith.constant 0 : i32
    %dma_start3A_54 = tpu.memref_slice %arg5[%dma_start3A_52, %dma_start3A_53] : memref<10000x128xbf16, #tpu.memory_space<hbm>> -> memref<10000x128xbf16, #tpu.memory_space<hbm>>
    %dma_start3A_55 = tpu.memref_slice %arg11[%rem3A_45] : memref<10x!tpu.dma_semaphore, #tpu.memory_space<semaphore_mem>> -> memref<1x!tpu.dma_semaphore, #tpu.memory_space<semaphore_mem>>
    %dma_start3A_56 = tpu.memref_squeeze %dma_start3A_55 : memref<1x!tpu.dma_semaphore, #tpu.memory_space<semaphore_mem>> -> memref<!tpu.dma_semaphore, #tpu.memory_space<semaphore_mem>>
    tpu.enqueue_indirect_dma source(%dma_start3A_54 : memref<10000x128xbf16, #tpu.memory_space<hbm>>) target(%dma_start3A_49 : memref<80x128xbf16, #tpu.memory_space<vmem>>) offsets(%dma_start3A_51 : memref<80xi32, #tpu.memory_space<vmem>>) semaphore(%dma_start3A_56 : memref<!tpu.dma_semaphore, #tpu.memory_space<semaphore_mem>>)
    %rem3A_57 = arith.constant 4 : i32
    %rem3A_58 = arith.constant 10 : i32
    %rem3A_59 = arith.remsi %rem3A_57, %rem3A_58 : i32
    %dma_start3A_60 = arith.constant 0 : i32
    %dma_start3A_61 = arith.constant 0 : i32
    %dma_start3A_62 = tpu.memref_slice %arg9[%rem3A_59, %dma_start3A_60, %dma_start3A_61] : memref<10x80x128xbf16, #tpu.memory_space<vmem>> -> memref<1x80x128xbf16, #tpu.memory_space<vmem>>
    %dma_start3A_63 = tpu.memref_squeeze %dma_start3A_62 : memref<1x80x128xbf16, #tpu.memory_space<vmem>> -> memref<80x128xbf16, #tpu.memory_space<vmem>>
    %dma_start3A_64 = arith.constant 320 : i32
    %dma_start3A_65 = tpu.memref_slice %arg8[%dma_start3A_64] : memref<10000xi32, #tpu.memory_space<vmem>> -> memref<80xi32, #tpu.memory_space<vmem>>
    %dma_start3A_66 = arith.constant 0 : i32
    %dma_start3A_67 = arith.constant 0 : i32
    %dma_start3A_68 = tpu.memref_slice %arg5[%dma_start3A_66, %dma_start3A_67] : memref<10000x128xbf16, #tpu.memory_space<hbm>> -> memref<10000x128xbf16, #tpu.memory_space<hbm>>
    %dma_start3A_69 = tpu.memref_slice %arg11[%rem3A_59] : memref<10x!tpu.dma_semaphore, #tpu.memory_space<semaphore_mem>> -> memref<1x!tpu.dma_semaphore, #tpu.memory_space<semaphore_mem>>
    %dma_start3A_70 = tpu.memref_squeeze %dma_start3A_69 : memref<1x!tpu.dma_semaphore, #tpu.memory_space<semaphore_mem>> -> memref<!tpu.dma_semaphore, #tpu.memory_space<semaphore_mem>>
    tpu.enqueue_indirect_dma source(%dma_start3A_68 : memref<10000x128xbf16, #tpu.memory_space<hbm>>) target(%dma_start3A_63 : memref<80x128xbf16, #tpu.memory_space<vmem>>) offsets(%dma_start3A_65 : memref<80xi32, #tpu.memory_space<vmem>>) semaphore(%dma_start3A_70 : memref<!tpu.dma_semaphore, #tpu.memory_space<semaphore_mem>>)
    %rem3A_71 = arith.constant 5 : i32
    %rem3A_72 = arith.constant 10 : i32
    %rem3A_73 = arith.remsi %rem3A_71, %rem3A_72 : i32
    %dma_start3A_74 = arith.constant 0 : i32
    %dma_start3A_75 = arith.constant 0 : i32
    %dma_start3A_76 = tpu.memref_slice %arg9[%rem3A_73, %dma_start3A_74, %dma_start3A_75] : memref<10x80x128xbf16, #tpu.memory_space<vmem>> -> memref<1x80x128xbf16, #tpu.memory_space<vmem>>
    %dma_start3A_77 = tpu.memref_squeeze %dma_start3A_76 : memref<1x80x128xbf16, #tpu.memory_space<vmem>> -> memref<80x128xbf16, #tpu.memory_space<vmem>>
    %dma_start3A_78 = arith.constant 400 : i32
    %dma_start3A_79 = tpu.memref_slice %arg8[%dma_start3A_78] : memref<10000xi32, #tpu.memory_space<vmem>> -> memref<80xi32, #tpu.memory_space<vmem>>
    %dma_start3A_80 = arith.constant 0 : i32
    %dma_start3A_81 = arith.constant 0 : i32
    %dma_start3A_82 = tpu.memref_slice %arg5[%dma_start3A_80, %dma_start3A_81] : memref<10000x128xbf16, #tpu.memory_space<hbm>> -> memref<10000x128xbf16, #tpu.memory_space<hbm>>
    %dma_start3A_83 = tpu.memref_slice %arg11[%rem3A_73] : memref<10x!tpu.dma_semaphore, #tpu.memory_space<semaphore_mem>> -> memref<1x!tpu.dma_semaphore, #tpu.memory_space<semaphore_mem>>
    %dma_start3A_84 = tpu.memref_squeeze %dma_start3A_83 : memref<1x!tpu.dma_semaphore, #tpu.memory_space<semaphore_mem>> -> memref<!tpu.dma_semaphore, #tpu.memory_space<semaphore_mem>>
    tpu.enqueue_indirect_dma source(%dma_start3A_82 : memref<10000x128xbf16, #tpu.memory_space<hbm>>) target(%dma_start3A_77 : memref<80x128xbf16, #tpu.memory_space<vmem>>) offsets(%dma_start3A_79 : memref<80xi32, #tpu.memory_space<vmem>>) semaphore(%dma_start3A_84 : memref<!tpu.dma_semaphore, #tpu.memory_space<semaphore_mem>>)
    %rem3A_85 = arith.constant 6 : i32
    %rem3A_86 = arith.constant 10 : i32
    %rem3A_87 = arith.remsi %rem3A_85, %rem3A_86 : i32
    %dma_start3A_88 = arith.constant 0 : i32
    %dma_start3A_89 = arith.constant 0 : i32
    %dma_start3A_90 = tpu.memref_slice %arg9[%rem3A_87, %dma_start3A_88, %dma_start3A_89] : memref<10x80x128xbf16, #tpu.memory_space<vmem>> -> memref<1x80x128xbf16, #tpu.memory_space<vmem>>
    %dma_start3A_91 = tpu.memref_squeeze %dma_start3A_90 : memref<1x80x128xbf16, #tpu.memory_space<vmem>> -> memref<80x128xbf16, #tpu.memory_space<vmem>>
    %dma_start3A_92 = arith.constant 480 : i32
    %dma_start3A_93 = tpu.memref_slice %arg8[%dma_start3A_92] : memref<10000xi32, #tpu.memory_space<vmem>> -> memref<80xi32, #tpu.memory_space<vmem>>
    %dma_start3A_94 = arith.constant 0 : i32
    %dma_start3A_95 = arith.constant 0 : i32
    %dma_start3A_96 = tpu.memref_slice %arg5[%dma_start3A_94, %dma_start3A_95] : memref<10000x128xbf16, #tpu.memory_space<hbm>> -> memref<10000x128xbf16, #tpu.memory_space<hbm>>
    %dma_start3A_97 = tpu.memref_slice %arg11[%rem3A_87] : memref<10x!tpu.dma_semaphore, #tpu.memory_space<semaphore_mem>> -> memref<1x!tpu.dma_semaphore, #tpu.memory_space<semaphore_mem>>
    %dma_start3A_98 = tpu.memref_squeeze %dma_start3A_97 : memref<1x!tpu.dma_semaphore, #tpu.memory_space<semaphore_mem>> -> memref<!tpu.dma_semaphore, #tpu.memory_space<semaphore_mem>>
    tpu.enqueue_indirect_dma source(%dma_start3A_96 : memref<10000x128xbf16, #tpu.memory_space<hbm>>) target(%dma_start3A_91 : memref<80x128xbf16, #tpu.memory_space<vmem>>) offsets(%dma_start3A_93 : memref<80xi32, #tpu.memory_space<vmem>>) semaphore(%dma_start3A_98 : memref<!tpu.dma_semaphore, #tpu.memory_space<semaphore_mem>>)
    %rem3A_99 = arith.constant 7 : i32
    %rem3A_100 = arith.constant 10 : i32
    %rem3A_101 = arith.remsi %rem3A_99, %rem3A_100 : i32
    %dma_start3A_102 = arith.constant 0 : i32
    %dma_start3A_103 = arith.constant 0 : i32
    %dma_start3A_104 = tpu.memref_slice %arg9[%rem3A_101, %dma_start3A_102, %dma_start3A_103] : memref<10x80x128xbf16, #tpu.memory_space<vmem>> -> memref<1x80x128xbf16, #tpu.memory_space<vmem>>
    %dma_start3A_105 = tpu.memref_squeeze %dma_start3A_104 : memref<1x80x128xbf16, #tpu.memory_space<vmem>> -> memref<80x128xbf16, #tpu.memory_space<vmem>>
    %dma_start3A_106 = arith.constant 560 : i32
    %dma_start3A_107 = tpu.memref_slice %arg8[%dma_start3A_106] : memref<10000xi32, #tpu.memory_space<vmem>> -> memref<80xi32, #tpu.memory_space<vmem>>
    %dma_start3A_108 = arith.constant 0 : i32
    %dma_start3A_109 = arith.constant 0 : i32
    %dma_start3A_110 = tpu.memref_slice %arg5[%dma_start3A_108, %dma_start3A_109] : memref<10000x128xbf16, #tpu.memory_space<hbm>> -> memref<10000x128xbf16, #tpu.memory_space<hbm>>
    %dma_start3A_111 = tpu.memref_slice %arg11[%rem3A_101] : memref<10x!tpu.dma_semaphore, #tpu.memory_space<semaphore_mem>> -> memref<1x!tpu.dma_semaphore, #tpu.memory_space<semaphore_mem>>
    %dma_start3A_112 = tpu.memref_squeeze %dma_start3A_111 : memref<1x!tpu.dma_semaphore, #tpu.memory_space<semaphore_mem>> -> memref<!tpu.dma_semaphore, #tpu.memory_space<semaphore_mem>>
    tpu.enqueue_indirect_dma source(%dma_start3A_110 : memref<10000x128xbf16, #tpu.memory_space<hbm>>) target(%dma_start3A_105 : memref<80x128xbf16, #tpu.memory_space<vmem>>) offsets(%dma_start3A_107 : memref<80xi32, #tpu.memory_space<vmem>>) semaphore(%dma_start3A_112 : memref<!tpu.dma_semaphore, #tpu.memory_space<semaphore_mem>>)
    %rem3A_113 = arith.constant 8 : i32
    %rem3A_114 = arith.constant 10 : i32
    %rem3A_115 = arith.remsi %rem3A_113, %rem3A_114 : i32
    %dma_start3A_116 = arith.constant 0 : i32
    %dma_start3A_117 = arith.constant 0 : i32
    %dma_start3A_118 = tpu.memref_slice %arg9[%rem3A_115, %dma_start3A_116, %dma_start3A_117] : memref<10x80x128xbf16, #tpu.memory_space<vmem>> -> memref<1x80x128xbf16, #tpu.memory_space<vmem>>
    %dma_start3A_119 = tpu.memref_squeeze %dma_start3A_118 : memref<1x80x128xbf16, #tpu.memory_space<vmem>> -> memref<80x128xbf16, #tpu.memory_space<vmem>>
    %dma_start3A_120 = arith.constant 640 : i32
    %dma_start3A_121 = tpu.memref_slice %arg8[%dma_start3A_120] : memref<10000xi32, #tpu.memory_space<vmem>> -> memref<80xi32, #tpu.memory_space<vmem>>
    %dma_start3A_122 = arith.constant 0 : i32
    %dma_start3A_123 = arith.constant 0 : i32
    %dma_start3A_124 = tpu.memref_slice %arg5[%dma_start3A_122, %dma_start3A_123] : memref<10000x128xbf16, #tpu.memory_space<hbm>> -> memref<10000x128xbf16, #tpu.memory_space<hbm>>
    %dma_start3A_125 = tpu.memref_slice %arg11[%rem3A_115] : memref<10x!tpu.dma_semaphore, #tpu.memory_space<semaphore_mem>> -> memref<1x!tpu.dma_semaphore, #tpu.memory_space<semaphore_mem>>
    %dma_start3A_126 = tpu.memref_squeeze %dma_start3A_125 : memref<1x!tpu.dma_semaphore, #tpu.memory_space<semaphore_mem>> -> memref<!tpu.dma_semaphore, #tpu.memory_space<semaphore_mem>>
    tpu.enqueue_indirect_dma source(%dma_start3A_124 : memref<10000x128xbf16, #tpu.memory_space<hbm>>) target(%dma_start3A_119 : memref<80x128xbf16, #tpu.memory_space<vmem>>) offsets(%dma_start3A_121 : memref<80xi32, #tpu.memory_space<vmem>>) semaphore(%dma_start3A_126 : memref<!tpu.dma_semaphore, #tpu.memory_space<semaphore_mem>>)
    %rem3A_127 = arith.constant 0 : i32
    %rem3A_128 = arith.constant 10 : i32
    %rem3A_129 = arith.remsi %rem3A_127, %rem3A_128 : i32
    %dma_wait3A = arith.constant 0 : i32
    %dma_wait3A_130 = arith.constant 0 : i32
    %dma_wait3A_131 = tpu.memref_slice %arg9[%rem3A_129, %dma_wait3A, %dma_wait3A_130] : memref<10x80x128xbf16, #tpu.memory_space<vmem>> -> memref<1x80x128xbf16, #tpu.memory_space<vmem>>
    %dma_wait3A_132 = tpu.memref_squeeze %dma_wait3A_131 : memref<1x80x128xbf16, #tpu.memory_space<vmem>> -> memref<80x128xbf16, #tpu.memory_space<vmem>>
    %dma_wait3A_133 = arith.constant 0 : i32
    %dma_wait3A_134 = tpu.memref_slice %arg8[%dma_wait3A_133] : memref<10000xi32, #tpu.memory_space<vmem>> -> memref<80xi32, #tpu.memory_space<vmem>>
    %dma_wait3A_135 = arith.constant 0 : i32
    %dma_wait3A_136 = arith.constant 0 : i32
    %dma_wait3A_137 = tpu.memref_slice %arg5[%dma_wait3A_135, %dma_wait3A_136] : memref<10000x128xbf16, #tpu.memory_space<hbm>> -> memref<10000x128xbf16, #tpu.memory_space<hbm>>
    %dma_wait3A_138 = tpu.memref_slice %arg11[%rem3A_129] : memref<10x!tpu.dma_semaphore, #tpu.memory_space<semaphore_mem>> -> memref<1x!tpu.dma_semaphore, #tpu.memory_space<semaphore_mem>>
    %dma_wait3A_139 = tpu.memref_squeeze %dma_wait3A_138 : memref<1x!tpu.dma_semaphore, #tpu.memory_space<semaphore_mem>> -> memref<!tpu.dma_semaphore, #tpu.memory_space<semaphore_mem>>
    tpu.wait_indirect_dma semaphore(%dma_wait3A_139 : memref<!tpu.dma_semaphore, #tpu.memory_space<semaphore_mem>>) src(%dma_wait3A_137 : memref<10000x128xbf16, #tpu.memory_space<hbm>>) dst(%dma_wait3A_132 : memref<80x128xbf16, #tpu.memory_space<vmem>>)
    %rem3A_140 = arith.constant 0 : i32
    %rem3A_141 = arith.constant 10 : i32
    %rem3A_142 = arith.remsi %rem3A_140, %rem3A_141 : i32
    %dma_start3A_143 = arith.constant 0 : i32
    %dma_start3A_144 = arith.constant 0 : i32
    %dma_start3A_145 = tpu.memref_slice %arg9[%rem3A_142, %dma_start3A_143, %dma_start3A_144] : memref<10x80x128xbf16, #tpu.memory_space<vmem>> -> memref<1x80x128xbf16, #tpu.memory_space<vmem>>
    %dma_start3A_146 = tpu.memref_squeeze %dma_start3A_145 : memref<1x80x128xbf16, #tpu.memory_space<vmem>> -> memref<80x128xbf16, #tpu.memory_space<vmem>>
    %dma_start3A_147 = arith.constant 0 : i32
    %dma_start3A_148 = tpu.memref_slice %arg7[%dma_start3A_147] : memref<10000xi32, #tpu.memory_space<vmem>> -> memref<80xi32, #tpu.memory_space<vmem>>
    %dma_start3A_149 = arith.constant 0 : i32
    %dma_start3A_150 = arith.constant 0 : i32
    %dma_start3A_151 = tpu.memref_slice %arg4[%dma_start3A_149, %dma_start3A_150] : memref<10000x128xbf16, #tpu.memory_space<hbm>> -> memref<10000x128xbf16, #tpu.memory_space<hbm>>
    %dma_start3A_152 = tpu.memref_slice %arg12[%rem3A_142] : memref<10x!tpu.dma_semaphore, #tpu.memory_space<semaphore_mem>> -> memref<1x!tpu.dma_semaphore, #tpu.memory_space<semaphore_mem>>
    %dma_start3A_153 = tpu.memref_squeeze %dma_start3A_152 : memref<1x!tpu.dma_semaphore, #tpu.memory_space<semaphore_mem>> -> memref<!tpu.dma_semaphore, #tpu.memory_space<semaphore_mem>>
    tpu.enqueue_indirect_dma source(%dma_start3A_151 : memref<10000x128xbf16, #tpu.memory_space<hbm>>) target(%dma_start3A_146 : memref<80x128xbf16, #tpu.memory_space<vmem>>) offsets(%dma_start3A_148 : memref<80xi32, #tpu.memory_space<vmem>>) semaphore(%dma_start3A_153 : memref<!tpu.dma_semaphore, #tpu.memory_space<semaphore_mem>>) {add = true}
    %rem3A_154 = arith.constant 1 : i32
    %rem3A_155 = arith.constant 10 : i32
    %rem3A_156 = arith.remsi %rem3A_154, %rem3A_155 : i32
    %dma_wait3A_157 = arith.constant 0 : i32
    %dma_wait3A_158 = arith.constant 0 : i32
    %dma_wait3A_159 = tpu.memref_slice %arg9[%rem3A_156, %dma_wait3A_157, %dma_wait3A_158] : memref<10x80x128xbf16, #tpu.memory_space<vmem>> -> memref<1x80x128xbf16, #tpu.memory_space<vmem>>
    %dma_wait3A_160 = tpu.memref_squeeze %dma_wait3A_159 : memref<1x80x128xbf16, #tpu.memory_space<vmem>> -> memref<80x128xbf16, #tpu.memory_space<vmem>>
    %dma_wait3A_161 = arith.constant 0 : i32
    %dma_wait3A_162 = tpu.memref_slice %arg8[%dma_wait3A_161] : memref<10000xi32, #tpu.memory_space<vmem>> -> memref<80xi32, #tpu.memory_space<vmem>>
    %dma_wait3A_163 = arith.constant 0 : i32
    %dma_wait3A_164 = arith.constant 0 : i32
    %dma_wait3A_165 = tpu.memref_slice %arg5[%dma_wait3A_163, %dma_wait3A_164] : memref<10000x128xbf16, #tpu.memory_space<hbm>> -> memref<10000x128xbf16, #tpu.memory_space<hbm>>
    %dma_wait3A_166 = tpu.memref_slice %arg11[%rem3A_156] : memref<10x!tpu.dma_semaphore, #tpu.memory_space<semaphore_mem>> -> memref<1x!tpu.dma_semaphore, #tpu.memory_space<semaphore_mem>>
    %dma_wait3A_167 = tpu.memref_squeeze %dma_wait3A_166 : memref<1x!tpu.dma_semaphore, #tpu.memory_space<semaphore_mem>> -> memref<!tpu.dma_semaphore, #tpu.memory_space<semaphore_mem>>
    tpu.wait_indirect_dma semaphore(%dma_wait3A_167 : memref<!tpu.dma_semaphore, #tpu.memory_space<semaphore_mem>>) src(%dma_wait3A_165 : memref<10000x128xbf16, #tpu.memory_space<hbm>>) dst(%dma_wait3A_160 : memref<80x128xbf16, #tpu.memory_space<vmem>>)
    %rem3A_168 = arith.constant 1 : i32
    %rem3A_169 = arith.constant 10 : i32
    %rem3A_170 = arith.remsi %rem3A_168, %rem3A_169 : i32
    %dma_start3A_171 = arith.constant 0 : i32
    %dma_start3A_172 = arith.constant 0 : i32
    %dma_start3A_173 = tpu.memref_slice %arg9[%rem3A_170, %dma_start3A_171, %dma_start3A_172] : memref<10x80x128xbf16, #tpu.memory_space<vmem>> -> memref<1x80x128xbf16, #tpu.memory_space<vmem>>
    %dma_start3A_174 = tpu.memref_squeeze %dma_start3A_173 : memref<1x80x128xbf16, #tpu.memory_space<vmem>> -> memref<80x128xbf16, #tpu.memory_space<vmem>>
    %dma_start3A_175 = arith.constant 80 : i32
    %dma_start3A_176 = tpu.memref_slice %arg7[%dma_start3A_175] : memref<10000xi32, #tpu.memory_space<vmem>> -> memref<80xi32, #tpu.memory_space<vmem>>
    %dma_start3A_177 = arith.constant 0 : i32
    %dma_start3A_178 = arith.constant 0 : i32
    %dma_start3A_179 = tpu.memref_slice %arg4[%dma_start3A_177, %dma_start3A_178] : memref<10000x128xbf16, #tpu.memory_space<hbm>> -> memref<10000x128xbf16, #tpu.memory_space<hbm>>
    %dma_start3A_180 = tpu.memref_slice %arg12[%rem3A_170] : memref<10x!tpu.dma_semaphore, #tpu.memory_space<semaphore_mem>> -> memref<1x!tpu.dma_semaphore, #tpu.memory_space<semaphore_mem>>
    %dma_start3A_181 = tpu.memref_squeeze %dma_start3A_180 : memref<1x!tpu.dma_semaphore, #tpu.memory_space<semaphore_mem>> -> memref<!tpu.dma_semaphore, #tpu.memory_space<semaphore_mem>>
    tpu.enqueue_indirect_dma source(%dma_start3A_179 : memref<10000x128xbf16, #tpu.memory_space<hbm>>) target(%dma_start3A_174 : memref<80x128xbf16, #tpu.memory_space<vmem>>) offsets(%dma_start3A_176 : memref<80xi32, #tpu.memory_space<vmem>>) semaphore(%dma_start3A_181 : memref<!tpu.dma_semaphore, #tpu.memory_space<semaphore_mem>>) {add = true}
    %rem3A_182 = arith.constant 2 : i32
    %rem3A_183 = arith.constant 10 : i32
    %rem3A_184 = arith.remsi %rem3A_182, %rem3A_183 : i32
    %dma_wait3A_185 = arith.constant 0 : i32
    %dma_wait3A_186 = arith.constant 0 : i32
    %dma_wait3A_187 = tpu.memref_slice %arg9[%rem3A_184, %dma_wait3A_185, %dma_wait3A_186] : memref<10x80x128xbf16, #tpu.memory_space<vmem>> -> memref<1x80x128xbf16, #tpu.memory_space<vmem>>
    %dma_wait3A_188 = tpu.memref_squeeze %dma_wait3A_187 : memref<1x80x128xbf16, #tpu.memory_space<vmem>> -> memref<80x128xbf16, #tpu.memory_space<vmem>>
    %dma_wait3A_189 = arith.constant 0 : i32
    %dma_wait3A_190 = tpu.memref_slice %arg8[%dma_wait3A_189] : memref<10000xi32, #tpu.memory_space<vmem>> -> memref<80xi32, #tpu.memory_space<vmem>>
    %dma_wait3A_191 = arith.constant 0 : i32
    %dma_wait3A_192 = arith.constant 0 : i32
    %dma_wait3A_193 = tpu.memref_slice %arg5[%dma_wait3A_191, %dma_wait3A_192] : memref<10000x128xbf16, #tpu.memory_space<hbm>> -> memref<10000x128xbf16, #tpu.memory_space<hbm>>
    %dma_wait3A_194 = tpu.memref_slice %arg11[%rem3A_184] : memref<10x!tpu.dma_semaphore, #tpu.memory_space<semaphore_mem>> -> memref<1x!tpu.dma_semaphore, #tpu.memory_space<semaphore_mem>>
    %dma_wait3A_195 = tpu.memref_squeeze %dma_wait3A_194 : memref<1x!tpu.dma_semaphore, #tpu.memory_space<semaphore_mem>> -> memref<!tpu.dma_semaphore, #tpu.memory_space<semaphore_mem>>
    tpu.wait_indirect_dma semaphore(%dma_wait3A_195 : memref<!tpu.dma_semaphore, #tpu.memory_space<semaphore_mem>>) src(%dma_wait3A_193 : memref<10000x128xbf16, #tpu.memory_space<hbm>>) dst(%dma_wait3A_188 : memref<80x128xbf16, #tpu.memory_space<vmem>>)
    %rem3A_196 = arith.constant 2 : i32
    %rem3A_197 = arith.constant 10 : i32
    %rem3A_198 = arith.remsi %rem3A_196, %rem3A_197 : i32
    %dma_start3A_199 = arith.constant 0 : i32
    %dma_start3A_200 = arith.constant 0 : i32
    %dma_start3A_201 = tpu.memref_slice %arg9[%rem3A_198, %dma_start3A_199, %dma_start3A_200] : memref<10x80x128xbf16, #tpu.memory_space<vmem>> -> memref<1x80x128xbf16, #tpu.memory_space<vmem>>
    %dma_start3A_202 = tpu.memref_squeeze %dma_start3A_201 : memref<1x80x128xbf16, #tpu.memory_space<vmem>> -> memref<80x128xbf16, #tpu.memory_space<vmem>>
    %dma_start3A_203 = arith.constant 160 : i32
    %dma_start3A_204 = tpu.memref_slice %arg7[%dma_start3A_203] : memref<10000xi32, #tpu.memory_space<vmem>> -> memref<80xi32, #tpu.memory_space<vmem>>
    %dma_start3A_205 = arith.constant 0 : i32
    %dma_start3A_206 = arith.constant 0 : i32
    %dma_start3A_207 = tpu.memref_slice %arg4[%dma_start3A_205, %dma_start3A_206] : memref<10000x128xbf16, #tpu.memory_space<hbm>> -> memref<10000x128xbf16, #tpu.memory_space<hbm>>
    %dma_start3A_208 = tpu.memref_slice %arg12[%rem3A_198] : memref<10x!tpu.dma_semaphore, #tpu.memory_space<semaphore_mem>> -> memref<1x!tpu.dma_semaphore, #tpu.memory_space<semaphore_mem>>
    %dma_start3A_209 = tpu.memref_squeeze %dma_start3A_208 : memref<1x!tpu.dma_semaphore, #tpu.memory_space<semaphore_mem>> -> memref<!tpu.dma_semaphore, #tpu.memory_space<semaphore_mem>>
    tpu.enqueue_indirect_dma source(%dma_start3A_207 : memref<10000x128xbf16, #tpu.memory_space<hbm>>) target(%dma_start3A_202 : memref<80x128xbf16, #tpu.memory_space<vmem>>) offsets(%dma_start3A_204 : memref<80xi32, #tpu.memory_space<vmem>>) semaphore(%dma_start3A_209 : memref<!tpu.dma_semaphore, #tpu.memory_space<semaphore_mem>>) {add = true}
    %rem3A_210 = arith.constant 3 : i32
    %rem3A_211 = arith.constant 10 : i32
    %rem3A_212 = arith.remsi %rem3A_210, %rem3A_211 : i32
    %dma_wait3A_213 = arith.constant 0 : i32
    %dma_wait3A_214 = arith.constant 0 : i32
    %dma_wait3A_215 = tpu.memref_slice %arg9[%rem3A_212, %dma_wait3A_213, %dma_wait3A_214] : memref<10x80x128xbf16, #tpu.memory_space<vmem>> -> memref<1x80x128xbf16, #tpu.memory_space<vmem>>
    %dma_wait3A_216 = tpu.memref_squeeze %dma_wait3A_215 : memref<1x80x128xbf16, #tpu.memory_space<vmem>> -> memref<80x128xbf16, #tpu.memory_space<vmem>>
    %dma_wait3A_217 = arith.constant 0 : i32
    %dma_wait3A_218 = tpu.memref_slice %arg8[%dma_wait3A_217] : memref<10000xi32, #tpu.memory_space<vmem>> -> memref<80xi32, #tpu.memory_space<vmem>>
    %dma_wait3A_219 = arith.constant 0 : i32
    %dma_wait3A_220 = arith.constant 0 : i32
    %dma_wait3A_221 = tpu.memref_slice %arg5[%dma_wait3A_219, %dma_wait3A_220] : memref<10000x128xbf16, #tpu.memory_space<hbm>> -> memref<10000x128xbf16, #tpu.memory_space<hbm>>
    %dma_wait3A_222 = tpu.memref_slice %arg11[%rem3A_212] : memref<10x!tpu.dma_semaphore, #tpu.memory_space<semaphore_mem>> -> memref<1x!tpu.dma_semaphore, #tpu.memory_space<semaphore_mem>>
    %dma_wait3A_223 = tpu.memref_squeeze %dma_wait3A_222 : memref<1x!tpu.dma_semaphore, #tpu.memory_space<semaphore_mem>> -> memref<!tpu.dma_semaphore, #tpu.memory_space<semaphore_mem>>
    tpu.wait_indirect_dma semaphore(%dma_wait3A_223 : memref<!tpu.dma_semaphore, #tpu.memory_space<semaphore_mem>>) src(%dma_wait3A_221 : memref<10000x128xbf16, #tpu.memory_space<hbm>>) dst(%dma_wait3A_216 : memref<80x128xbf16, #tpu.memory_space<vmem>>)
    %rem3A_224 = arith.constant 3 : i32
    %rem3A_225 = arith.constant 10 : i32
    %rem3A_226 = arith.remsi %rem3A_224, %rem3A_225 : i32
    %dma_start3A_227 = arith.constant 0 : i32
    %dma_start3A_228 = arith.constant 0 : i32
    %dma_start3A_229 = tpu.memref_slice %arg9[%rem3A_226, %dma_start3A_227, %dma_start3A_228] : memref<10x80x128xbf16, #tpu.memory_space<vmem>> -> memref<1x80x128xbf16, #tpu.memory_space<vmem>>
    %dma_start3A_230 = tpu.memref_squeeze %dma_start3A_229 : memref<1x80x128xbf16, #tpu.memory_space<vmem>> -> memref<80x128xbf16, #tpu.memory_space<vmem>>
    %dma_start3A_231 = arith.constant 240 : i32
    %dma_start3A_232 = tpu.memref_slice %arg7[%dma_start3A_231] : memref<10000xi32, #tpu.memory_space<vmem>> -> memref<80xi32, #tpu.memory_space<vmem>>
    %dma_start3A_233 = arith.constant 0 : i32
    %dma_start3A_234 = arith.constant 0 : i32
    %dma_start3A_235 = tpu.memref_slice %arg4[%dma_start3A_233, %dma_start3A_234] : memref<10000x128xbf16, #tpu.memory_space<hbm>> -> memref<10000x128xbf16, #tpu.memory_space<hbm>>
    %dma_start3A_236 = tpu.memref_slice %arg12[%rem3A_226] : memref<10x!tpu.dma_semaphore, #tpu.memory_space<semaphore_mem>> -> memref<1x!tpu.dma_semaphore, #tpu.memory_space<semaphore_mem>>
    %dma_start3A_237 = tpu.memref_squeeze %dma_start3A_236 : memref<1x!tpu.dma_semaphore, #tpu.memory_space<semaphore_mem>> -> memref<!tpu.dma_semaphore, #tpu.memory_space<semaphore_mem>>
    tpu.enqueue_indirect_dma source(%dma_start3A_235 : memref<10000x128xbf16, #tpu.memory_space<hbm>>) target(%dma_start3A_230 : memref<80x128xbf16, #tpu.memory_space<vmem>>) offsets(%dma_start3A_232 : memref<80xi32, #tpu.memory_space<vmem>>) semaphore(%dma_start3A_237 : memref<!tpu.dma_semaphore, #tpu.memory_space<semaphore_mem>>) {add = true}
    %scan3A = arith.constant 0 : i32
    %scan3A_238 = arith.constant 0 : i32
    %scan3A_239 = arith.constant 125 : i32
    %scan3A_240 = arith.addi %scan3A_238, %scan3A_239 : i32
    %scan3A_241 = arith.constant 1 : i32
    scf.for %scan3A_243 = %scan3A_238 to %scan3A_240 step %scan3A_241  : i32 {
      %rem3A_244 = arith.constant 10 : i32
      %rem3A_245 = arith.remsi %scan3A_243, %rem3A_244 : i32
      %add3A_246 = arith.constant 9 : i32
      %add3A_247 = arith.addi %scan3A_243, %add3A_246 : i32
      %lt3A = arith.constant 125 : i32
      %lt3A_248 = arith.cmpi slt, %add3A_247, %lt3A : i32
      %convert_element_type3A = arith.extui %lt3A_248 : i1 to i32
      %cond3A = arith.constant 0 : i32
      %cond3A_249 = arith.cmpi ne, %convert_element_type3A, %cond3A : i32
      scf.if %cond3A_249 {
        %add3A_4424 = arith.constant 9 : i32
        %add3A_4425 = arith.addi %scan3A_243, %add3A_4424 : i32
        %rem3A_4426 = arith.constant 10 : i32
        %rem3A_4427 = arith.remsi %add3A_4425, %rem3A_4426 : i32
        %mul3A_4428 = arith.constant 80 : i32
        %mul3A_4429 = arith.muli %add3A_4425, %mul3A_4428 : i32
        %dma_start3A_4430 = arith.constant 0 : i32
        %dma_start3A_4431 = arith.constant 0 : i32
        %dma_start3A_4432 = tpu.memref_slice %arg9[%rem3A_4427, %dma_start3A_4430, %dma_start3A_4431] : memref<10x80x128xbf16, #tpu.memory_space<vmem>> -> memref<1x80x128xbf16, #tpu.memory_space<vmem>>
        %dma_start3A_4433 = tpu.memref_squeeze %dma_start3A_4432 : memref<1x80x128xbf16, #tpu.memory_space<vmem>> -> memref<80x128xbf16, #tpu.memory_space<vmem>>
        %dma_start3A_4434 = tpu.memref_slice %arg8[%mul3A_4429] : memref<10000xi32, #tpu.memory_space<vmem>> -> memref<80xi32, #tpu.memory_space<vmem>>
        %dma_start3A_4435 = arith.constant 0 : i32
        %dma_start3A_4436 = arith.constant 0 : i32
        %dma_start3A_4437 = tpu.memref_slice %arg5[%dma_start3A_4435, %dma_start3A_4436] : memref<10000x128xbf16, #tpu.memory_space<hbm>> -> memref<10000x128xbf16, #tpu.memory_space<hbm>>
        %dma_start3A_4438 = tpu.memref_slice %arg11[%rem3A_4427] : memref<10x!tpu.dma_semaphore, #tpu.memory_space<semaphore_mem>> -> memref<1x!tpu.dma_semaphore, #tpu.memory_space<semaphore_mem>>
        %dma_start3A_4439 = tpu.memref_squeeze %dma_start3A_4438 : memref<1x!tpu.dma_semaphore, #tpu.memory_space<semaphore_mem>> -> memref<!tpu.dma_semaphore, #tpu.memory_space<semaphore_mem>>
        tpu.enqueue_indirect_dma source(%dma_start3A_4437 : memref<10000x128xbf16, #tpu.memory_space<hbm>>) target(%dma_start3A_4433 : memref<80x128xbf16, #tpu.memory_space<vmem>>) offsets(%dma_start3A_4434 : memref<80xi32, #tpu.memory_space<vmem>>) semaphore(%dma_start3A_4439 : memref<!tpu.dma_semaphore, #tpu.memory_space<semaphore_mem>>)
      } else {
      }
      %add3A_250 = arith.constant 4 : i32
      %add3A_251 = arith.addi %scan3A_243, %add3A_250 : i32
      %lt3A_252 = arith.constant 125 : i32
      %lt3A_253 = arith.cmpi slt, %add3A_251, %lt3A_252 : i32
      %convert_element_type3A_254 = arith.extui %lt3A_253 : i1 to i32
      %cond3A_255 = arith.constant 0 : i32
      %cond3A_256 = arith.cmpi ne, %convert_element_type3A_254, %cond3A_255 : i32
      scf.if %cond3A_256 {
        %add3A_4424 = arith.constant 4 : i32
        %add3A_4425 = arith.addi %scan3A_243, %add3A_4424 : i32
        %rem3A_4426 = arith.constant 10 : i32
        %rem3A_4427 = arith.remsi %add3A_4425, %rem3A_4426 : i32
        %dma_wait3A_4428 = arith.constant 0 : i32
        %dma_wait3A_4429 = arith.constant 0 : i32
        %dma_wait3A_4430 = tpu.memref_slice %arg9[%rem3A_4427, %dma_wait3A_4428, %dma_wait3A_4429] : memref<10x80x128xbf16, #tpu.memory_space<vmem>> -> memref<1x80x128xbf16, #tpu.memory_space<vmem>>
        %dma_wait3A_4431 = tpu.memref_squeeze %dma_wait3A_4430 : memref<1x80x128xbf16, #tpu.memory_space<vmem>> -> memref<80x128xbf16, #tpu.memory_space<vmem>>
        %dma_wait3A_4432 = arith.constant 0 : i32
        %dma_wait3A_4433 = tpu.memref_slice %arg8[%dma_wait3A_4432] : memref<10000xi32, #tpu.memory_space<vmem>> -> memref<80xi32, #tpu.memory_space<vmem>>
        %dma_wait3A_4434 = arith.constant 0 : i32
        %dma_wait3A_4435 = arith.constant 0 : i32
        %dma_wait3A_4436 = tpu.memref_slice %arg5[%dma_wait3A_4434, %dma_wait3A_4435] : memref<10000x128xbf16, #tpu.memory_space<hbm>> -> memref<10000x128xbf16, #tpu.memory_space<hbm>>
        %dma_wait3A_4437 = tpu.memref_slice %arg11[%rem3A_4427] : memref<10x!tpu.dma_semaphore, #tpu.memory_space<semaphore_mem>> -> memref<1x!tpu.dma_semaphore, #tpu.memory_space<semaphore_mem>>
        %dma_wait3A_4438 = tpu.memref_squeeze %dma_wait3A_4437 : memref<1x!tpu.dma_semaphore, #tpu.memory_space<semaphore_mem>> -> memref<!tpu.dma_semaphore, #tpu.memory_space<semaphore_mem>>
        tpu.wait_indirect_dma semaphore(%dma_wait3A_4438 : memref<!tpu.dma_semaphore, #tpu.memory_space<semaphore_mem>>) src(%dma_wait3A_4436 : memref<10000x128xbf16, #tpu.memory_space<hbm>>) dst(%dma_wait3A_4431 : memref<80x128xbf16, #tpu.memory_space<vmem>>)
        %add3A_4439 = arith.constant 4 : i32
        %add3A_4440 = arith.addi %scan3A_243, %add3A_4439 : i32
        %rem3A_4441 = arith.constant 10 : i32
        %rem3A_4442 = arith.remsi %add3A_4440, %rem3A_4441 : i32
        %mul3A_4443 = arith.constant 80 : i32
        %mul3A_4444 = arith.muli %add3A_4440, %mul3A_4443 : i32
        %dma_start3A_4445 = arith.constant 0 : i32
        %dma_start3A_4446 = arith.constant 0 : i32
        %dma_start3A_4447 = tpu.memref_slice %arg9[%rem3A_4442, %dma_start3A_4445, %dma_start3A_4446] : memref<10x80x128xbf16, #tpu.memory_space<vmem>> -> memref<1x80x128xbf16, #tpu.memory_space<vmem>>
        %dma_start3A_4448 = tpu.memref_squeeze %dma_start3A_4447 : memref<1x80x128xbf16, #tpu.memory_space<vmem>> -> memref<80x128xbf16, #tpu.memory_space<vmem>>
        %dma_start3A_4449 = tpu.memref_slice %arg7[%mul3A_4444] : memref<10000xi32, #tpu.memory_space<vmem>> -> memref<80xi32, #tpu.memory_space<vmem>>
        %dma_start3A_4450 = arith.constant 0 : i32
        %dma_start3A_4451 = arith.constant 0 : i32
        %dma_start3A_4452 = tpu.memref_slice %arg4[%dma_start3A_4450, %dma_start3A_4451] : memref<10000x128xbf16, #tpu.memory_space<hbm>> -> memref<10000x128xbf16, #tpu.memory_space<hbm>>
        %dma_start3A_4453 = tpu.memref_slice %arg12[%rem3A_4442] : memref<10x!tpu.dma_semaphore, #tpu.memory_space<semaphore_mem>> -> memref<1x!tpu.dma_semaphore, #tpu.memory_space<semaphore_mem>>
        %dma_start3A_4454 = tpu.memref_squeeze %dma_start3A_4453 : memref<1x!tpu.dma_semaphore, #tpu.memory_space<semaphore_mem>> -> memref<!tpu.dma_semaphore, #tpu.memory_space<semaphore_mem>>
        tpu.enqueue_indirect_dma source(%dma_start3A_4452 : memref<10000x128xbf16, #tpu.memory_space<hbm>>) target(%dma_start3A_4448 : memref<80x128xbf16, #tpu.memory_space<vmem>>) offsets(%dma_start3A_4449 : memref<80xi32, #tpu.memory_space<vmem>>) semaphore(%dma_start3A_4454 : memref<!tpu.dma_semaphore, #tpu.memory_space<semaphore_mem>>) {add = true}
      } else {
      }
      %rem3A_257 = arith.constant 10 : i32
      %rem3A_258 = arith.remsi %scan3A_243, %rem3A_257 : i32
      %dma_wait3A_259 = arith.constant 0 : i32
      %dma_wait3A_260 = arith.constant 0 : i32
      %dma_wait3A_261 = tpu.memref_slice %arg9[%rem3A_258, %dma_wait3A_259, %dma_wait3A_260] : memref<10x80x128xbf16, #tpu.memory_space<vmem>> -> memref<1x80x128xbf16, #tpu.memory_space<vmem>>
      %dma_wait3A_262 = tpu.memref_squeeze %dma_wait3A_261 : memref<1x80x128xbf16, #tpu.memory_space<vmem>> -> memref<80x128xbf16, #tpu.memory_space<vmem>>
      %dma_wait3A_263 = arith.constant 0 : i32
      %dma_wait3A_264 = tpu.memref_slice %arg7[%dma_wait3A_263] : memref<10000xi32, #tpu.memory_space<vmem>> -> memref<80xi32, #tpu.memory_space<vmem>>
      %dma_wait3A_265 = arith.constant 0 : i32
      %dma_wait3A_266 = arith.constant 0 : i32
      %dma_wait3A_267 = tpu.memref_slice %arg4[%dma_wait3A_265, %dma_wait3A_266] : memref<10000x128xbf16, #tpu.memory_space<hbm>> -> memref<10000x128xbf16, #tpu.memory_space<hbm>>
      %dma_wait3A_268 = tpu.memref_slice %arg12[%rem3A_258] : memref<10x!tpu.dma_semaphore, #tpu.memory_space<semaphore_mem>> -> memref<1x!tpu.dma_semaphore, #tpu.memory_space<semaphore_mem>>
      %dma_wait3A_269 = tpu.memref_squeeze %dma_wait3A_268 : memref<1x!tpu.dma_semaphore, #tpu.memory_space<semaphore_mem>> -> memref<!tpu.dma_semaphore, #tpu.memory_space<semaphore_mem>>
      tpu.wait_indirect_dma semaphore(%dma_wait3A_269 : memref<!tpu.dma_semaphore, #tpu.memory_space<semaphore_mem>>) src(%dma_wait3A_267 : memref<10000x128xbf16, #tpu.memory_space<hbm>>) dst(%dma_wait3A_262 : memref<80x128xbf16, #tpu.memory_space<vmem>>)
      %mul3A_270 = arith.constant 80 : i32
      %mul3A_271 = arith.muli %scan3A_243, %mul3A_270 : i32
      %iota3A = tpu.iota {dimensions = array<i32: 0>} : vector<16xi32>
      %broadcast_in_dim3A = arith.constant 15 : i32
      %broadcast_in_dim3A_272 = vector.broadcast %broadcast_in_dim3A : i32 to vector<16xi32>
      %broadcast_in_dim3A_273 = arith.constant 0.000000e+00 : f32
      %broadcast_in_dim3A_274 = vector.broadcast %broadcast_in_dim3A_273 : f32 to vector<16xf32>
      %get3A = arith.constant 0 : i32
      %get3A_275 = arith.index_cast %rem3A_245 : i32 to index
      %get3A_276 = arith.index_cast %get3A : i32 to index
      %get3A_277 = arith.constant 0 : index
      %get3A_278 = tpu.vector_load %arg9[%get3A_275, %get3A_276, %get3A_277] {strides = array<i32>} : memref<10x80x128xbf16, #tpu.memory_space<vmem>>, vector<32xbf16>,
      %mul3A_279 = arith.mulf %get3A_278, %get3A_278 : vector<32xbf16>
      %unpack3A = tpu.unpack_subelements %mul3A_279, 0 {pack_format = #tpu.pack_format<interleaved>} : vector<32xbf16> -> vector<16xf32>
      %unpack3A_280 = tpu.unpack_subelements %mul3A_279, 1 {pack_format = #tpu.pack_format<interleaved>} : vector<32xbf16> -> vector<16xf32>
      %add3A_281 = arith.addf %unpack3A, %unpack3A_280 : vector<16xf32>
      %get3A_282 = arith.constant 0 : i32
      %get3A_283 = arith.index_cast %rem3A_245 : i32 to index
      %get3A_284 = arith.index_cast %get3A_282 : i32 to index
      %get3A_285 = arith.constant 32 : index
      %get3A_286 = tpu.vector_load %arg9[%get3A_283, %get3A_284, %get3A_285] {strides = array<i32>} : memref<10x80x128xbf16, #tpu.memory_space<vmem>>, vector<32xbf16>,
      %mul3A_287 = arith.mulf %get3A_286, %get3A_286 : vector<32xbf16>
      %unpack3A_288 = tpu.unpack_subelements %mul3A_287, 0 {pack_format = #tpu.pack_format<interleaved>} : vector<32xbf16> -> vector<16xf32>
      %unpack3A_289 = tpu.unpack_subelements %mul3A_287, 1 {pack_format = #tpu.pack_format<interleaved>} : vector<32xbf16> -> vector<16xf32>
      %add3A_290 = arith.addf %add3A_281, %unpack3A_288 : vector<16xf32>
      %add3A_291 = arith.addf %add3A_290, %unpack3A_289 : vector<16xf32>
      %get3A_292 = arith.constant 0 : i32
      %get3A_293 = arith.index_cast %rem3A_245 : i32 to index
      %get3A_294 = arith.index_cast %get3A_292 : i32 to index
      %get3A_295 = arith.constant 64 : index
      %get3A_296 = tpu.vector_load %arg9[%get3A_293, %get3A_294, %get3A_295] {strides = array<i32>} : memref<10x80x128xbf16, #tpu.memory_space<vmem>>, vector<32xbf16>,
      %mul3A_297 = arith.mulf %get3A_296, %get3A_296 : vector<32xbf16>
      %unpack3A_298 = tpu.unpack_subelements %mul3A_297, 0 {pack_format = #tpu.pack_format<interleaved>} : vector<32xbf16> -> vector<16xf32>
      %unpack3A_299 = tpu.unpack_subelements %mul3A_297, 1 {pack_format = #tpu.pack_format<interleaved>} : vector<32xbf16> -> vector<16xf32>
      %add3A_300 = arith.addf %add3A_291, %unpack3A_298 : vector<16xf32>
      %add3A_301 = arith.addf %add3A_300, %unpack3A_299 : vector<16xf32>
      %get3A_302 = arith.constant 0 : i32
      %get3A_303 = arith.index_cast %rem3A_245 : i32 to index
      %get3A_304 = arith.index_cast %get3A_302 : i32 to index
      %get3A_305 = arith.constant 96 : index
      %get3A_306 = tpu.vector_load %arg9[%get3A_303, %get3A_304, %get3A_305] {strides = array<i32>} : memref<10x80x128xbf16, #tpu.memory_space<vmem>>, vector<32xbf16>,
      %mul3A_307 = arith.mulf %get3A_306, %get3A_306 : vector<32xbf16>
      %unpack3A_308 = tpu.unpack_subelements %mul3A_307, 0 {pack_format = #tpu.pack_format<interleaved>} : vector<32xbf16> -> vector<16xf32>
      %unpack3A_309 = tpu.unpack_subelements %mul3A_307, 1 {pack_format = #tpu.pack_format<interleaved>} : vector<32xbf16> -> vector<16xf32>
      %add3A_310 = arith.addf %add3A_301, %unpack3A_308 : vector<16xf32>
      %add3A_311 = arith.addf %add3A_310, %unpack3A_309 : vector<16xf32>
      %broadcast_in_dim3A_312 = arith.constant true
      %broadcast_in_dim3A_313 = vector.broadcast %broadcast_in_dim3A_312 : i1 to vector<16xi1>
      %masked_cumsum3A = tpu.scan <sum>, %add3A_311 masked %broadcast_in_dim3A_313 : vector<16xf32>, vector<16xi1> -> vector<16xf32>
      %reshape3A = vector.shape_cast %broadcast_in_dim3A_272 : vector<16xi32> to vector<16x1xi32>
      %gather3A = vector.shape_cast %reshape3A : vector<16x1xi32> to vector<16xi32>
      %gather3A_314 = tpu.dynamic_gather %masked_cumsum3A[%gather3A] in [0] : vector<16xf32>, vector<16xi32> -> vector<16xf32>
      %eq3A = arith.constant 0 : i32
      %eq3A_315 = vector.broadcast %eq3A : i32 to vector<16xi32>
      %eq3A_316 = arith.cmpi eq, %iota3A, %eq3A_315 : vector<16xi32>
      %select_n3A = arith.select %eq3A_316, %gather3A_314, %broadcast_in_dim3A_274 : vector<16xi1>, vector<16xf32>
      %get3A_317 = arith.constant 1 : i32
      %get3A_318 = arith.index_cast %rem3A_245 : i32 to index
      %get3A_319 = arith.index_cast %get3A_317 : i32 to index
      %get3A_320 = arith.constant 0 : index
      %get3A_321 = tpu.vector_load %arg9[%get3A_318, %get3A_319, %get3A_320] {strides = array<i32>} : memref<10x80x128xbf16, #tpu.memory_space<vmem>>, vector<32xbf16>,
      %mul3A_322 = arith.mulf %get3A_321, %get3A_321 : vector<32xbf16>
      %unpack3A_323 = tpu.unpack_subelements %mul3A_322, 0 {pack_format = #tpu.pack_format<interleaved>} : vector<32xbf16> -> vector<16xf32>
      %unpack3A_324 = tpu.unpack_subelements %mul3A_322, 1 {pack_format = #tpu.pack_format<interleaved>} : vector<32xbf16> -> vector<16xf32>
      %add3A_325 = arith.addf %unpack3A_323, %unpack3A_324 : vector<16xf32>
      %get3A_326 = arith.constant 1 : i32
      %get3A_327 = arith.index_cast %rem3A_245 : i32 to index
      %get3A_328 = arith.index_cast %get3A_326 : i32 to index
      %get3A_329 = arith.constant 32 : index
      %get3A_330 = tpu.vector_load %arg9[%get3A_327, %get3A_328, %get3A_329] {strides = array<i32>} : memref<10x80x128xbf16, #tpu.memory_space<vmem>>, vector<32xbf16>,
      %mul3A_331 = arith.mulf %get3A_330, %get3A_330 : vector<32xbf16>
      %unpack3A_332 = tpu.unpack_subelements %mul3A_331, 0 {pack_format = #tpu.pack_format<interleaved>} : vector<32xbf16> -> vector<16xf32>
      %unpack3A_333 = tpu.unpack_subelements %mul3A_331, 1 {pack_format = #tpu.pack_format<interleaved>} : vector<32xbf16> -> vector<16xf32>
      %add3A_334 = arith.addf %add3A_325, %unpack3A_332 : vector<16xf32>
      %add3A_335 = arith.addf %add3A_334, %unpack3A_333 : vector<16xf32>
      %get3A_336 = arith.constant 1 : i32
      %get3A_337 = arith.index_cast %rem3A_245 : i32 to index
      %get3A_338 = arith.index_cast %get3A_336 : i32 to index
      %get3A_339 = arith.constant 64 : index
      %get3A_340 = tpu.vector_load %arg9[%get3A_337, %get3A_338, %get3A_339] {strides = array<i32>} : memref<10x80x128xbf16, #tpu.memory_space<vmem>>, vector<32xbf16>,
      %mul3A_341 = arith.mulf %get3A_340, %get3A_340 : vector<32xbf16>
      %unpack3A_342 = tpu.unpack_subelements %mul3A_341, 0 {pack_format = #tpu.pack_format<interleaved>} : vector<32xbf16> -> vector<16xf32>
      %unpack3A_343 = tpu.unpack_subelements %mul3A_341, 1 {pack_format = #tpu.pack_format<interleaved>} : vector<32xbf16> -> vector<16xf32>
      %add3A_344 = arith.addf %add3A_335, %unpack3A_342 : vector<16xf32>
      %add3A_345 = arith.addf %add3A_344, %unpack3A_343 : vector<16xf32>
      %get3A_346 = arith.constant 1 : i32
      %get3A_347 = arith.index_cast %rem3A_245 : i32 to index
      %get3A_348 = arith.index_cast %get3A_346 : i32 to index
      %get3A_349 = arith.constant 96 : index
      %get3A_350 = tpu.vector_load %arg9[%get3A_347, %get3A_348, %get3A_349] {strides = array<i32>} : memref<10x80x128xbf16, #tpu.memory_space<vmem>>, vector<32xbf16>,
      %mul3A_351 = arith.mulf %get3A_350, %get3A_350 : vector<32xbf16>
      %unpack3A_352 = tpu.unpack_subelements %mul3A_351, 0 {pack_format = #tpu.pack_format<interleaved>} : vector<32xbf16> -> vector<16xf32>
      %unpack3A_353 = tpu.unpack_subelements %mul3A_351, 1 {pack_format = #tpu.pack_format<interleaved>} : vector<32xbf16> -> vector<16xf32>
      %add3A_354 = arith.addf %add3A_345, %unpack3A_352 : vector<16xf32>
      %add3A_355 = arith.addf %add3A_354, %unpack3A_353 : vector<16xf32>
      %broadcast_in_dim3A_356 = arith.constant true
      %broadcast_in_dim3A_357 = vector.broadcast %broadcast_in_dim3A_356 : i1 to vector<16xi1>
      %masked_cumsum3A_358 = tpu.scan <sum>, %add3A_355 masked %broadcast_in_dim3A_357 : vector<16xf32>, vector<16xi1> -> vector<16xf32>
      %reshape3A_359 = vector.shape_cast %broadcast_in_dim3A_272 : vector<16xi32> to vector<16x1xi32>
      %gather3A_360 = vector.shape_cast %reshape3A_359 : vector<16x1xi32> to vector<16xi32>
      %gather3A_361 = tpu.dynamic_gather %masked_cumsum3A_358[%gather3A_360] in [0] : vector<16xf32>, vector<16xi32> -> vector<16xf32>
      %eq3A_362 = arith.constant 1 : i32
      %eq3A_363 = vector.broadcast %eq3A_362 : i32 to vector<16xi32>
      %eq3A_364 = arith.cmpi eq, %iota3A, %eq3A_363 : vector<16xi32>
      %select_n3A_365 = arith.select %eq3A_364, %gather3A_361, %select_n3A : vector<16xi1>, vector<16xf32>
      %get3A_366 = arith.constant 2 : i32
      %get3A_367 = arith.index_cast %rem3A_245 : i32 to index
      %get3A_368 = arith.index_cast %get3A_366 : i32 to index
      %get3A_369 = arith.constant 0 : index
      %get3A_370 = tpu.vector_load %arg9[%get3A_367, %get3A_368, %get3A_369] {strides = array<i32>} : memref<10x80x128xbf16, #tpu.memory_space<vmem>>, vector<32xbf16>,
      %mul3A_371 = arith.mulf %get3A_370, %get3A_370 : vector<32xbf16>
      %unpack3A_372 = tpu.unpack_subelements %mul3A_371, 0 {pack_format = #tpu.pack_format<interleaved>} : vector<32xbf16> -> vector<16xf32>
      %unpack3A_373 = tpu.unpack_subelements %mul3A_371, 1 {pack_format = #tpu.pack_format<interleaved>} : vector<32xbf16> -> vector<16xf32>
      %add3A_374 = arith.addf %unpack3A_372, %unpack3A_373 : vector<16xf32>
      %get3A_375 = arith.constant 2 : i32
      %get3A_376 = arith.index_cast %rem3A_245 : i32 to index
      %get3A_377 = arith.index_cast %get3A_375 : i32 to index
      %get3A_378 = arith.constant 32 : index
      %get3A_379 = tpu.vector_load %arg9[%get3A_376, %get3A_377, %get3A_378] {strides = array<i32>} : memref<10x80x128xbf16, #tpu.memory_space<vmem>>, vector<32xbf16>,
      %mul3A_380 = arith.mulf %get3A_379, %get3A_379 : vector<32xbf16>
      %unpack3A_381 = tpu.unpack_subelements %mul3A_380, 0 {pack_format = #tpu.pack_format<interleaved>} : vector<32xbf16> -> vector<16xf32>
      %unpack3A_382 = tpu.unpack_subelements %mul3A_380, 1 {pack_format = #tpu.pack_format<interleaved>} : vector<32xbf16> -> vector<16xf32>
      %add3A_383 = arith.addf %add3A_374, %unpack3A_381 : vector<16xf32>
      %add3A_384 = arith.addf %add3A_383, %unpack3A_382 : vector<16xf32>
      %get3A_385 = arith.constant 2 : i32
      %get3A_386 = arith.index_cast %rem3A_245 : i32 to index
      %get3A_387 = arith.index_cast %get3A_385 : i32 to index
      %get3A_388 = arith.constant 64 : index
      %get3A_389 = tpu.vector_load %arg9[%get3A_386, %get3A_387, %get3A_388] {strides = array<i32>} : memref<10x80x128xbf16, #tpu.memory_space<vmem>>, vector<32xbf16>,
      %mul3A_390 = arith.mulf %get3A_389, %get3A_389 : vector<32xbf16>
      %unpack3A_391 = tpu.unpack_subelements %mul3A_390, 0 {pack_format = #tpu.pack_format<interleaved>} : vector<32xbf16> -> vector<16xf32>
      %unpack3A_392 = tpu.unpack_subelements %mul3A_390, 1 {pack_format = #tpu.pack_format<interleaved>} : vector<32xbf16> -> vector<16xf32>
      %add3A_393 = arith.addf %add3A_384, %unpack3A_391 : vector<16xf32>
      %add3A_394 = arith.addf %add3A_393, %unpack3A_392 : vector<16xf32>
      %get3A_395 = arith.constant 2 : i32
      %get3A_396 = arith.index_cast %rem3A_245 : i32 to index
      %get3A_397 = arith.index_cast %get3A_395 : i32 to index
      %get3A_398 = arith.constant 96 : index
      %get3A_399 = tpu.vector_load %arg9[%get3A_396, %get3A_397, %get3A_398] {strides = array<i32>} : memref<10x80x128xbf16, #tpu.memory_space<vmem>>, vector<32xbf16>,
      %mul3A_400 = arith.mulf %get3A_399, %get3A_399 : vector<32xbf16>
      %unpack3A_401 = tpu.unpack_subelements %mul3A_400, 0 {pack_format = #tpu.pack_format<interleaved>} : vector<32xbf16> -> vector<16xf32>
      %unpack3A_402 = tpu.unpack_subelements %mul3A_400, 1 {pack_format = #tpu.pack_format<interleaved>} : vector<32xbf16> -> vector<16xf32>
      %add3A_403 = arith.addf %add3A_394, %unpack3A_401 : vector<16xf32>
      %add3A_404 = arith.addf %add3A_403, %unpack3A_402 : vector<16xf32>
      %broadcast_in_dim3A_405 = arith.constant true
      %broadcast_in_dim3A_406 = vector.broadcast %broadcast_in_dim3A_405 : i1 to vector<16xi1>
      %masked_cumsum3A_407 = tpu.scan <sum>, %add3A_404 masked %broadcast_in_dim3A_406 : vector<16xf32>, vector<16xi1> -> vector<16xf32>
      %reshape3A_408 = vector.shape_cast %broadcast_in_dim3A_272 : vector<16xi32> to vector<16x1xi32>
      %gather3A_409 = vector.shape_cast %reshape3A_408 : vector<16x1xi32> to vector<16xi32>
      %gather3A_410 = tpu.dynamic_gather %masked_cumsum3A_407[%gather3A_409] in [0] : vector<16xf32>, vector<16xi32> -> vector<16xf32>
      %eq3A_411 = arith.constant 2 : i32
      %eq3A_412 = vector.broadcast %eq3A_411 : i32 to vector<16xi32>
      %eq3A_413 = arith.cmpi eq, %iota3A, %eq3A_412 : vector<16xi32>
      %select_n3A_414 = arith.select %eq3A_413, %gather3A_410, %select_n3A_365 : vector<16xi1>, vector<16xf32>
      %get3A_415 = arith.constant 3 : i32
      %get3A_416 = arith.index_cast %rem3A_245 : i32 to index
      %get3A_417 = arith.index_cast %get3A_415 : i32 to index
      %get3A_418 = arith.constant 0 : index
      %get3A_419 = tpu.vector_load %arg9[%get3A_416, %get3A_417, %get3A_418] {strides = array<i32>} : memref<10x80x128xbf16, #tpu.memory_space<vmem>>, vector<32xbf16>,
      %mul3A_420 = arith.mulf %get3A_419, %get3A_419 : vector<32xbf16>
      %unpack3A_421 = tpu.unpack_subelements %mul3A_420, 0 {pack_format = #tpu.pack_format<interleaved>} : vector<32xbf16> -> vector<16xf32>
      %unpack3A_422 = tpu.unpack_subelements %mul3A_420, 1 {pack_format = #tpu.pack_format<interleaved>} : vector<32xbf16> -> vector<16xf32>
      %add3A_423 = arith.addf %unpack3A_421, %unpack3A_422 : vector<16xf32>
      %get3A_424 = arith.constant 3 : i32
      %get3A_425 = arith.index_cast %rem3A_245 : i32 to index
      %get3A_426 = arith.index_cast %get3A_424 : i32 to index
      %get3A_427 = arith.constant 32 : index
      %get3A_428 = tpu.vector_load %arg9[%get3A_425, %get3A_426, %get3A_427] {strides = array<i32>} : memref<10x80x128xbf16, #tpu.memory_space<vmem>>, vector<32xbf16>,
      %mul3A_429 = arith.mulf %get3A_428, %get3A_428 : vector<32xbf16>
      %unpack3A_430 = tpu.unpack_subelements %mul3A_429, 0 {pack_format = #tpu.pack_format<interleaved>} : vector<32xbf16> -> vector<16xf32>
      %unpack3A_431 = tpu.unpack_subelements %mul3A_429, 1 {pack_format = #tpu.pack_format<interleaved>} : vector<32xbf16> -> vector<16xf32>
      %add3A_432 = arith.addf %add3A_423, %unpack3A_430 : vector<16xf32>
      %add3A_433 = arith.addf %add3A_432, %unpack3A_431 : vector<16xf32>
      %get3A_434 = arith.constant 3 : i32
      %get3A_435 = arith.index_cast %rem3A_245 : i32 to index
      %get3A_436 = arith.index_cast %get3A_434 : i32 to index
      %get3A_437 = arith.constant 64 : index
      %get3A_438 = tpu.vector_load %arg9[%get3A_435, %get3A_436, %get3A_437] {strides = array<i32>} : memref<10x80x128xbf16, #tpu.memory_space<vmem>>, vector<32xbf16>,
      %mul3A_439 = arith.mulf %get3A_438, %get3A_438 : vector<32xbf16>
      %unpack3A_440 = tpu.unpack_subelements %mul3A_439, 0 {pack_format = #tpu.pack_format<interleaved>} : vector<32xbf16> -> vector<16xf32>
      %unpack3A_441 = tpu.unpack_subelements %mul3A_439, 1 {pack_format = #tpu.pack_format<interleaved>} : vector<32xbf16> -> vector<16xf32>
      %add3A_442 = arith.addf %add3A_433, %unpack3A_440 : vector<16xf32>
      %add3A_443 = arith.addf %add3A_442, %unpack3A_441 : vector<16xf32>
      %get3A_444 = arith.constant 3 : i32
      %get3A_445 = arith.index_cast %rem3A_245 : i32 to index
      %get3A_446 = arith.index_cast %get3A_444 : i32 to index
      %get3A_447 = arith.constant 96 : index
      %get3A_448 = tpu.vector_load %arg9[%get3A_445, %get3A_446, %get3A_447] {strides = array<i32>} : memref<10x80x128xbf16, #tpu.memory_space<vmem>>, vector<32xbf16>,
      %mul3A_449 = arith.mulf %get3A_448, %get3A_448 : vector<32xbf16>
      %unpack3A_450 = tpu.unpack_subelements %mul3A_449, 0 {pack_format = #tpu.pack_format<interleaved>} : vector<32xbf16> -> vector<16xf32>
      %unpack3A_451 = tpu.unpack_subelements %mul3A_449, 1 {pack_format = #tpu.pack_format<interleaved>} : vector<32xbf16> -> vector<16xf32>
      %add3A_452 = arith.addf %add3A_443, %unpack3A_450 : vector<16xf32>
      %add3A_453 = arith.addf %add3A_452, %unpack3A_451 : vector<16xf32>
      %broadcast_in_dim3A_454 = arith.constant true
      %broadcast_in_dim3A_455 = vector.broadcast %broadcast_in_dim3A_454 : i1 to vector<16xi1>
      %masked_cumsum3A_456 = tpu.scan <sum>, %add3A_453 masked %broadcast_in_dim3A_455 : vector<16xf32>, vector<16xi1> -> vector<16xf32>
      %reshape3A_457 = vector.shape_cast %broadcast_in_dim3A_272 : vector<16xi32> to vector<16x1xi32>
      %gather3A_458 = vector.shape_cast %reshape3A_457 : vector<16x1xi32> to vector<16xi32>
      %gather3A_459 = tpu.dynamic_gather %masked_cumsum3A_456[%gather3A_458] in [0] : vector<16xf32>, vector<16xi32> -> vector<16xf32>
      %eq3A_460 = arith.constant 3 : i32
      %eq3A_461 = vector.broadcast %eq3A_460 : i32 to vector<16xi32>
      %eq3A_462 = arith.cmpi eq, %iota3A, %eq3A_461 : vector<16xi32>
      %select_n3A_463 = arith.select %eq3A_462, %gather3A_459, %select_n3A_414 : vector<16xi1>, vector<16xf32>
      %get3A_464 = arith.constant 4 : i32
      %get3A_465 = arith.index_cast %rem3A_245 : i32 to index
      %get3A_466 = arith.index_cast %get3A_464 : i32 to index
      %get3A_467 = arith.constant 0 : index
      %get3A_468 = tpu.vector_load %arg9[%get3A_465, %get3A_466, %get3A_467] {strides = array<i32>} : memref<10x80x128xbf16, #tpu.memory_space<vmem>>, vector<32xbf16>,
      %mul3A_469 = arith.mulf %get3A_468, %get3A_468 : vector<32xbf16>
      %unpack3A_470 = tpu.unpack_subelements %mul3A_469, 0 {pack_format = #tpu.pack_format<interleaved>} : vector<32xbf16> -> vector<16xf32>
      %unpack3A_471 = tpu.unpack_subelements %mul3A_469, 1 {pack_format = #tpu.pack_format<interleaved>} : vector<32xbf16> -> vector<16xf32>
      %add3A_472 = arith.addf %unpack3A_470, %unpack3A_471 : vector<16xf32>
      %get3A_473 = arith.constant 4 : i32
      %get3A_474 = arith.index_cast %rem3A_245 : i32 to index
      %get3A_475 = arith.index_cast %get3A_473 : i32 to index
      %get3A_476 = arith.constant 32 : index
      %get3A_477 = tpu.vector_load %arg9[%get3A_474, %get3A_475, %get3A_476] {strides = array<i32>} : memref<10x80x128xbf16, #tpu.memory_space<vmem>>, vector<32xbf16>,
      %mul3A_478 = arith.mulf %get3A_477, %get3A_477 : vector<32xbf16>
      %unpack3A_479 = tpu.unpack_subelements %mul3A_478, 0 {pack_format = #tpu.pack_format<interleaved>} : vector<32xbf16> -> vector<16xf32>
      %unpack3A_480 = tpu.unpack_subelements %mul3A_478, 1 {pack_format = #tpu.pack_format<interleaved>} : vector<32xbf16> -> vector<16xf32>
      %add3A_481 = arith.addf %add3A_472, %unpack3A_479 : vector<16xf32>
      %add3A_482 = arith.addf %add3A_481, %unpack3A_480 : vector<16xf32>
      %get3A_483 = arith.constant 4 : i32
      %get3A_484 = arith.index_cast %rem3A_245 : i32 to index
      %get3A_485 = arith.index_cast %get3A_483 : i32 to index
      %get3A_486 = arith.constant 64 : index
      %get3A_487 = tpu.vector_load %arg9[%get3A_484, %get3A_485, %get3A_486] {strides = array<i32>} : memref<10x80x128xbf16, #tpu.memory_space<vmem>>, vector<32xbf16>,
      %mul3A_488 = arith.mulf %get3A_487, %get3A_487 : vector<32xbf16>
      %unpack3A_489 = tpu.unpack_subelements %mul3A_488, 0 {pack_format = #tpu.pack_format<interleaved>} : vector<32xbf16> -> vector<16xf32>
      %unpack3A_490 = tpu.unpack_subelements %mul3A_488, 1 {pack_format = #tpu.pack_format<interleaved>} : vector<32xbf16> -> vector<16xf32>
      %add3A_491 = arith.addf %add3A_482, %unpack3A_489 : vector<16xf32>
      %add3A_492 = arith.addf %add3A_491, %unpack3A_490 : vector<16xf32>
      %get3A_493 = arith.constant 4 : i32
      %get3A_494 = arith.index_cast %rem3A_245 : i32 to index
      %get3A_495 = arith.index_cast %get3A_493 : i32 to index
      %get3A_496 = arith.constant 96 : index
      %get3A_497 = tpu.vector_load %arg9[%get3A_494, %get3A_495, %get3A_496] {strides = array<i32>} : memref<10x80x128xbf16, #tpu.memory_space<vmem>>, vector<32xbf16>,
      %mul3A_498 = arith.mulf %get3A_497, %get3A_497 : vector<32xbf16>
      %unpack3A_499 = tpu.unpack_subelements %mul3A_498, 0 {pack_format = #tpu.pack_format<interleaved>} : vector<32xbf16> -> vector<16xf32>
      %unpack3A_500 = tpu.unpack_subelements %mul3A_498, 1 {pack_format = #tpu.pack_format<interleaved>} : vector<32xbf16> -> vector<16xf32>
      %add3A_501 = arith.addf %add3A_492, %unpack3A_499 : vector<16xf32>
      %add3A_502 = arith.addf %add3A_501, %unpack3A_500 : vector<16xf32>
      %broadcast_in_dim3A_503 = arith.constant true
      %broadcast_in_dim3A_504 = vector.broadcast %broadcast_in_dim3A_503 : i1 to vector<16xi1>
      %masked_cumsum3A_505 = tpu.scan <sum>, %add3A_502 masked %broadcast_in_dim3A_504 : vector<16xf32>, vector<16xi1> -> vector<16xf32>
      %reshape3A_506 = vector.shape_cast %broadcast_in_dim3A_272 : vector<16xi32> to vector<16x1xi32>
      %gather3A_507 = vector.shape_cast %reshape3A_506 : vector<16x1xi32> to vector<16xi32>
      %gather3A_508 = tpu.dynamic_gather %masked_cumsum3A_505[%gather3A_507] in [0] : vector<16xf32>, vector<16xi32> -> vector<16xf32>
      %eq3A_509 = arith.constant 4 : i32
      %eq3A_510 = vector.broadcast %eq3A_509 : i32 to vector<16xi32>
      %eq3A_511 = arith.cmpi eq, %iota3A, %eq3A_510 : vector<16xi32>
      %select_n3A_512 = arith.select %eq3A_511, %gather3A_508, %select_n3A_463 : vector<16xi1>, vector<16xf32>
      %get3A_513 = arith.constant 5 : i32
      %get3A_514 = arith.index_cast %rem3A_245 : i32 to index
      %get3A_515 = arith.index_cast %get3A_513 : i32 to index
      %get3A_516 = arith.constant 0 : index
      %get3A_517 = tpu.vector_load %arg9[%get3A_514, %get3A_515, %get3A_516] {strides = array<i32>} : memref<10x80x128xbf16, #tpu.memory_space<vmem>>, vector<32xbf16>,
      %mul3A_518 = arith.mulf %get3A_517, %get3A_517 : vector<32xbf16>
      %unpack3A_519 = tpu.unpack_subelements %mul3A_518, 0 {pack_format = #tpu.pack_format<interleaved>} : vector<32xbf16> -> vector<16xf32>
      %unpack3A_520 = tpu.unpack_subelements %mul3A_518, 1 {pack_format = #tpu.pack_format<interleaved>} : vector<32xbf16> -> vector<16xf32>
      %add3A_521 = arith.addf %unpack3A_519, %unpack3A_520 : vector<16xf32>
      %get3A_522 = arith.constant 5 : i32
      %get3A_523 = arith.index_cast %rem3A_245 : i32 to index
      %get3A_524 = arith.index_cast %get3A_522 : i32 to index
      %get3A_525 = arith.constant 32 : index
      %get3A_526 = tpu.vector_load %arg9[%get3A_523, %get3A_524, %get3A_525] {strides = array<i32>} : memref<10x80x128xbf16, #tpu.memory_space<vmem>>, vector<32xbf16>,
      %mul3A_527 = arith.mulf %get3A_526, %get3A_526 : vector<32xbf16>
      %unpack3A_528 = tpu.unpack_subelements %mul3A_527, 0 {pack_format = #tpu.pack_format<interleaved>} : vector<32xbf16> -> vector<16xf32>
      %unpack3A_529 = tpu.unpack_subelements %mul3A_527, 1 {pack_format = #tpu.pack_format<interleaved>} : vector<32xbf16> -> vector<16xf32>
      %add3A_530 = arith.addf %add3A_521, %unpack3A_528 : vector<16xf32>
      %add3A_531 = arith.addf %add3A_530, %unpack3A_529 : vector<16xf32>
      %get3A_532 = arith.constant 5 : i32
      %get3A_533 = arith.index_cast %rem3A_245 : i32 to index
      %get3A_534 = arith.index_cast %get3A_532 : i32 to index
      %get3A_535 = arith.constant 64 : index
      %get3A_536 = tpu.vector_load %arg9[%get3A_533, %get3A_534, %get3A_535] {strides = array<i32>} : memref<10x80x128xbf16, #tpu.memory_space<vmem>>, vector<32xbf16>,
      %mul3A_537 = arith.mulf %get3A_536, %get3A_536 : vector<32xbf16>
      %unpack3A_538 = tpu.unpack_subelements %mul3A_537, 0 {pack_format = #tpu.pack_format<interleaved>} : vector<32xbf16> -> vector<16xf32>
      %unpack3A_539 = tpu.unpack_subelements %mul3A_537, 1 {pack_format = #tpu.pack_format<interleaved>} : vector<32xbf16> -> vector<16xf32>
      %add3A_540 = arith.addf %add3A_531, %unpack3A_538 : vector<16xf32>
      %add3A_541 = arith.addf %add3A_540, %unpack3A_539 : vector<16xf32>
      %get3A_542 = arith.constant 5 : i32
      %get3A_543 = arith.index_cast %rem3A_245 : i32 to index
      %get3A_544 = arith.index_cast %get3A_542 : i32 to index
      %get3A_545 = arith.constant 96 : index
      %get3A_546 = tpu.vector_load %arg9[%get3A_543, %get3A_544, %get3A_545] {strides = array<i32>} : memref<10x80x128xbf16, #tpu.memory_space<vmem>>, vector<32xbf16>,
      %mul3A_547 = arith.mulf %get3A_546, %get3A_546 : vector<32xbf16>
      %unpack3A_548 = tpu.unpack_subelements %mul3A_547, 0 {pack_format = #tpu.pack_format<interleaved>} : vector<32xbf16> -> vector<16xf32>
      %unpack3A_549 = tpu.unpack_subelements %mul3A_547, 1 {pack_format = #tpu.pack_format<interleaved>} : vector<32xbf16> -> vector<16xf32>
      %add3A_550 = arith.addf %add3A_541, %unpack3A_548 : vector<16xf32>
      %add3A_551 = arith.addf %add3A_550, %unpack3A_549 : vector<16xf32>
      %broadcast_in_dim3A_552 = arith.constant true
      %broadcast_in_dim3A_553 = vector.broadcast %broadcast_in_dim3A_552 : i1 to vector<16xi1>
      %masked_cumsum3A_554 = tpu.scan <sum>, %add3A_551 masked %broadcast_in_dim3A_553 : vector<16xf32>, vector<16xi1> -> vector<16xf32>
      %reshape3A_555 = vector.shape_cast %broadcast_in_dim3A_272 : vector<16xi32> to vector<16x1xi32>
      %gather3A_556 = vector.shape_cast %reshape3A_555 : vector<16x1xi32> to vector<16xi32>
      %gather3A_557 = tpu.dynamic_gather %masked_cumsum3A_554[%gather3A_556] in [0] : vector<16xf32>, vector<16xi32> -> vector<16xf32>
      %eq3A_558 = arith.constant 5 : i32
      %eq3A_559 = vector.broadcast %eq3A_558 : i32 to vector<16xi32>
      %eq3A_560 = arith.cmpi eq, %iota3A, %eq3A_559 : vector<16xi32>
      %select_n3A_561 = arith.select %eq3A_560, %gather3A_557, %select_n3A_512 : vector<16xi1>, vector<16xf32>
      %get3A_562 = arith.constant 6 : i32
      %get3A_563 = arith.index_cast %rem3A_245 : i32 to index
      %get3A_564 = arith.index_cast %get3A_562 : i32 to index
      %get3A_565 = arith.constant 0 : index
      %get3A_566 = tpu.vector_load %arg9[%get3A_563, %get3A_564, %get3A_565] {strides = array<i32>} : memref<10x80x128xbf16, #tpu.memory_space<vmem>>, vector<32xbf16>,
      %mul3A_567 = arith.mulf %get3A_566, %get3A_566 : vector<32xbf16>
      %unpack3A_568 = tpu.unpack_subelements %mul3A_567, 0 {pack_format = #tpu.pack_format<interleaved>} : vector<32xbf16> -> vector<16xf32>
      %unpack3A_569 = tpu.unpack_subelements %mul3A_567, 1 {pack_format = #tpu.pack_format<interleaved>} : vector<32xbf16> -> vector<16xf32>
      %add3A_570 = arith.addf %unpack3A_568, %unpack3A_569 : vector<16xf32>
      %get3A_571 = arith.constant 6 : i32
      %get3A_572 = arith.index_cast %rem3A_245 : i32 to index
      %get3A_573 = arith.index_cast %get3A_571 : i32 to index
      %get3A_574 = arith.constant 32 : index
      %get3A_575 = tpu.vector_load %arg9[%get3A_572, %get3A_573, %get3A_574] {strides = array<i32>} : memref<10x80x128xbf16, #tpu.memory_space<vmem>>, vector<32xbf16>,
      %mul3A_576 = arith.mulf %get3A_575, %get3A_575 : vector<32xbf16>
      %unpack3A_577 = tpu.unpack_subelements %mul3A_576, 0 {pack_format = #tpu.pack_format<interleaved>} : vector<32xbf16> -> vector<16xf32>
      %unpack3A_578 = tpu.unpack_subelements %mul3A_576, 1 {pack_format = #tpu.pack_format<interleaved>} : vector<32xbf16> -> vector<16xf32>
      %add3A_579 = arith.addf %add3A_570, %unpack3A_577 : vector<16xf32>
      %add3A_580 = arith.addf %add3A_579, %unpack3A_578 : vector<16xf32>
      %get3A_581 = arith.constant 6 : i32
      %get3A_582 = arith.index_cast %rem3A_245 : i32 to index
      %get3A_583 = arith.index_cast %get3A_581 : i32 to index
      %get3A_584 = arith.constant 64 : index
      %get3A_585 = tpu.vector_load %arg9[%get3A_582, %get3A_583, %get3A_584] {strides = array<i32>} : memref<10x80x128xbf16, #tpu.memory_space<vmem>>, vector<32xbf16>,
      %mul3A_586 = arith.mulf %get3A_585, %get3A_585 : vector<32xbf16>
      %unpack3A_587 = tpu.unpack_subelements %mul3A_586, 0 {pack_format = #tpu.pack_format<interleaved>} : vector<32xbf16> -> vector<16xf32>
      %unpack3A_588 = tpu.unpack_subelements %mul3A_586, 1 {pack_format = #tpu.pack_format<interleaved>} : vector<32xbf16> -> vector<16xf32>
      %add3A_589 = arith.addf %add3A_580, %unpack3A_587 : vector<16xf32>
      %add3A_590 = arith.addf %add3A_589, %unpack3A_588 : vector<16xf32>
      %get3A_591 = arith.constant 6 : i32
      %get3A_592 = arith.index_cast %rem3A_245 : i32 to index
      %get3A_593 = arith.index_cast %get3A_591 : i32 to index
      %get3A_594 = arith.constant 96 : index
      %get3A_595 = tpu.vector_load %arg9[%get3A_592, %get3A_593, %get3A_594] {strides = array<i32>} : memref<10x80x128xbf16, #tpu.memory_space<vmem>>, vector<32xbf16>,
      %mul3A_596 = arith.mulf %get3A_595, %get3A_595 : vector<32xbf16>
      %unpack3A_597 = tpu.unpack_subelements %mul3A_596, 0 {pack_format = #tpu.pack_format<interleaved>} : vector<32xbf16> -> vector<16xf32>
      %unpack3A_598 = tpu.unpack_subelements %mul3A_596, 1 {pack_format = #tpu.pack_format<interleaved>} : vector<32xbf16> -> vector<16xf32>
      %add3A_599 = arith.addf %add3A_590, %unpack3A_597 : vector<16xf32>
      %add3A_600 = arith.addf %add3A_599, %unpack3A_598 : vector<16xf32>
      %broadcast_in_dim3A_601 = arith.constant true
      %broadcast_in_dim3A_602 = vector.broadcast %broadcast_in_dim3A_601 : i1 to vector<16xi1>
      %masked_cumsum3A_603 = tpu.scan <sum>, %add3A_600 masked %broadcast_in_dim3A_602 : vector<16xf32>, vector<16xi1> -> vector<16xf32>
      %reshape3A_604 = vector.shape_cast %broadcast_in_dim3A_272 : vector<16xi32> to vector<16x1xi32>
      %gather3A_605 = vector.shape_cast %reshape3A_604 : vector<16x1xi32> to vector<16xi32>
      %gather3A_606 = tpu.dynamic_gather %masked_cumsum3A_603[%gather3A_605] in [0] : vector<16xf32>, vector<16xi32> -> vector<16xf32>
      %eq3A_607 = arith.constant 6 : i32
      %eq3A_608 = vector.broadcast %eq3A_607 : i32 to vector<16xi32>
      %eq3A_609 = arith.cmpi eq, %iota3A, %eq3A_608 : vector<16xi32>
      %select_n3A_610 = arith.select %eq3A_609, %gather3A_606, %select_n3A_561 : vector<16xi1>, vector<16xf32>
      %get3A_611 = arith.constant 7 : i32
      %get3A_612 = arith.index_cast %rem3A_245 : i32 to index
      %get3A_613 = arith.index_cast %get3A_611 : i32 to index
      %get3A_614 = arith.constant 0 : index
      %get3A_615 = tpu.vector_load %arg9[%get3A_612, %get3A_613, %get3A_614] {strides = array<i32>} : memref<10x80x128xbf16, #tpu.memory_space<vmem>>, vector<32xbf16>,
      %mul3A_616 = arith.mulf %get3A_615, %get3A_615 : vector<32xbf16>
      %unpack3A_617 = tpu.unpack_subelements %mul3A_616, 0 {pack_format = #tpu.pack_format<interleaved>} : vector<32xbf16> -> vector<16xf32>
      %unpack3A_618 = tpu.unpack_subelements %mul3A_616, 1 {pack_format = #tpu.pack_format<interleaved>} : vector<32xbf16> -> vector<16xf32>
      %add3A_619 = arith.addf %unpack3A_617, %unpack3A_618 : vector<16xf32>
      %get3A_620 = arith.constant 7 : i32
      %get3A_621 = arith.index_cast %rem3A_245 : i32 to index
      %get3A_622 = arith.index_cast %get3A_620 : i32 to index
      %get3A_623 = arith.constant 32 : index
      %get3A_624 = tpu.vector_load %arg9[%get3A_621, %get3A_622, %get3A_623] {strides = array<i32>} : memref<10x80x128xbf16, #tpu.memory_space<vmem>>, vector<32xbf16>,
      %mul3A_625 = arith.mulf %get3A_624, %get3A_624 : vector<32xbf16>
      %unpack3A_626 = tpu.unpack_subelements %mul3A_625, 0 {pack_format = #tpu.pack_format<interleaved>} : vector<32xbf16> -> vector<16xf32>
      %unpack3A_627 = tpu.unpack_subelements %mul3A_625, 1 {pack_format = #tpu.pack_format<interleaved>} : vector<32xbf16> -> vector<16xf32>
      %add3A_628 = arith.addf %add3A_619, %unpack3A_626 : vector<16xf32>
      %add3A_629 = arith.addf %add3A_628, %unpack3A_627 : vector<16xf32>
      %get3A_630 = arith.constant 7 : i32
      %get3A_631 = arith.index_cast %rem3A_245 : i32 to index
      %get3A_632 = arith.index_cast %get3A_630 : i32 to index
      %get3A_633 = arith.constant 64 : index
      %get3A_634 = tpu.vector_load %arg9[%get3A_631, %get3A_632, %get3A_633] {strides = array<i32>} : memref<10x80x128xbf16, #tpu.memory_space<vmem>>, vector<32xbf16>,
      %mul3A_635 = arith.mulf %get3A_634, %get3A_634 : vector<32xbf16>
      %unpack3A_636 = tpu.unpack_subelements %mul3A_635, 0 {pack_format = #tpu.pack_format<interleaved>} : vector<32xbf16> -> vector<16xf32>
      %unpack3A_637 = tpu.unpack_subelements %mul3A_635, 1 {pack_format = #tpu.pack_format<interleaved>} : vector<32xbf16> -> vector<16xf32>
      %add3A_638 = arith.addf %add3A_629, %unpack3A_636 : vector<16xf32>
      %add3A_639 = arith.addf %add3A_638, %unpack3A_637 : vector<16xf32>
      %get3A_640 = arith.constant 7 : i32
      %get3A_641 = arith.index_cast %rem3A_245 : i32 to index
      %get3A_642 = arith.index_cast %get3A_640 : i32 to index
      %get3A_643 = arith.constant 96 : index
      %get3A_644 = tpu.vector_load %arg9[%get3A_641, %get3A_642, %get3A_643] {strides = array<i32>} : memref<10x80x128xbf16, #tpu.memory_space<vmem>>, vector<32xbf16>,
      %mul3A_645 = arith.mulf %get3A_644, %get3A_644 : vector<32xbf16>
      %unpack3A_646 = tpu.unpack_subelements %mul3A_645, 0 {pack_format = #tpu.pack_format<interleaved>} : vector<32xbf16> -> vector<16xf32>
      %unpack3A_647 = tpu.unpack_subelements %mul3A_645, 1 {pack_format = #tpu.pack_format<interleaved>} : vector<32xbf16> -> vector<16xf32>
      %add3A_648 = arith.addf %add3A_639, %unpack3A_646 : vector<16xf32>
      %add3A_649 = arith.addf %add3A_648, %unpack3A_647 : vector<16xf32>
      %broadcast_in_dim3A_650 = arith.constant true
      %broadcast_in_dim3A_651 = vector.broadcast %broadcast_in_dim3A_650 : i1 to vector<16xi1>
      %masked_cumsum3A_652 = tpu.scan <sum>, %add3A_649 masked %broadcast_in_dim3A_651 : vector<16xf32>, vector<16xi1> -> vector<16xf32>
      %reshape3A_653 = vector.shape_cast %broadcast_in_dim3A_272 : vector<16xi32> to vector<16x1xi32>
      %gather3A_654 = vector.shape_cast %reshape3A_653 : vector<16x1xi32> to vector<16xi32>
      %gather3A_655 = tpu.dynamic_gather %masked_cumsum3A_652[%gather3A_654] in [0] : vector<16xf32>, vector<16xi32> -> vector<16xf32>
      %eq3A_656 = arith.constant 7 : i32
      %eq3A_657 = vector.broadcast %eq3A_656 : i32 to vector<16xi32>
      %eq3A_658 = arith.cmpi eq, %iota3A, %eq3A_657 : vector<16xi32>
      %select_n3A_659 = arith.select %eq3A_658, %gather3A_655, %select_n3A_610 : vector<16xi1>, vector<16xf32>
      %get3A_660 = arith.constant 8 : i32
      %get3A_661 = arith.index_cast %rem3A_245 : i32 to index
      %get3A_662 = arith.index_cast %get3A_660 : i32 to index
      %get3A_663 = arith.constant 0 : index
      %get3A_664 = tpu.vector_load %arg9[%get3A_661, %get3A_662, %get3A_663] {strides = array<i32>} : memref<10x80x128xbf16, #tpu.memory_space<vmem>>, vector<32xbf16>,
      %mul3A_665 = arith.mulf %get3A_664, %get3A_664 : vector<32xbf16>
      %unpack3A_666 = tpu.unpack_subelements %mul3A_665, 0 {pack_format = #tpu.pack_format<interleaved>} : vector<32xbf16> -> vector<16xf32>
      %unpack3A_667 = tpu.unpack_subelements %mul3A_665, 1 {pack_format = #tpu.pack_format<interleaved>} : vector<32xbf16> -> vector<16xf32>
      %add3A_668 = arith.addf %unpack3A_666, %unpack3A_667 : vector<16xf32>
      %get3A_669 = arith.constant 8 : i32
      %get3A_670 = arith.index_cast %rem3A_245 : i32 to index
      %get3A_671 = arith.index_cast %get3A_669 : i32 to index
      %get3A_672 = arith.constant 32 : index
      %get3A_673 = tpu.vector_load %arg9[%get3A_670, %get3A_671, %get3A_672] {strides = array<i32>} : memref<10x80x128xbf16, #tpu.memory_space<vmem>>, vector<32xbf16>,
      %mul3A_674 = arith.mulf %get3A_673, %get3A_673 : vector<32xbf16>
      %unpack3A_675 = tpu.unpack_subelements %mul3A_674, 0 {pack_format = #tpu.pack_format<interleaved>} : vector<32xbf16> -> vector<16xf32>
      %unpack3A_676 = tpu.unpack_subelements %mul3A_674, 1 {pack_format = #tpu.pack_format<interleaved>} : vector<32xbf16> -> vector<16xf32>
      %add3A_677 = arith.addf %add3A_668, %unpack3A_675 : vector<16xf32>
      %add3A_678 = arith.addf %add3A_677, %unpack3A_676 : vector<16xf32>
      %get3A_679 = arith.constant 8 : i32
      %get3A_680 = arith.index_cast %rem3A_245 : i32 to index
      %get3A_681 = arith.index_cast %get3A_679 : i32 to index
      %get3A_682 = arith.constant 64 : index
      %get3A_683 = tpu.vector_load %arg9[%get3A_680, %get3A_681, %get3A_682] {strides = array<i32>} : memref<10x80x128xbf16, #tpu.memory_space<vmem>>, vector<32xbf16>,
      %mul3A_684 = arith.mulf %get3A_683, %get3A_683 : vector<32xbf16>
      %unpack3A_685 = tpu.unpack_subelements %mul3A_684, 0 {pack_format = #tpu.pack_format<interleaved>} : vector<32xbf16> -> vector<16xf32>
      %unpack3A_686 = tpu.unpack_subelements %mul3A_684, 1 {pack_format = #tpu.pack_format<interleaved>} : vector<32xbf16> -> vector<16xf32>
      %add3A_687 = arith.addf %add3A_678, %unpack3A_685 : vector<16xf32>
      %add3A_688 = arith.addf %add3A_687, %unpack3A_686 : vector<16xf32>
      %get3A_689 = arith.constant 8 : i32
      %get3A_690 = arith.index_cast %rem3A_245 : i32 to index
      %get3A_691 = arith.index_cast %get3A_689 : i32 to index
      %get3A_692 = arith.constant 96 : index
      %get3A_693 = tpu.vector_load %arg9[%get3A_690, %get3A_691, %get3A_692] {strides = array<i32>} : memref<10x80x128xbf16, #tpu.memory_space<vmem>>, vector<32xbf16>,
      %mul3A_694 = arith.mulf %get3A_693, %get3A_693 : vector<32xbf16>
      %unpack3A_695 = tpu.unpack_subelements %mul3A_694, 0 {pack_format = #tpu.pack_format<interleaved>} : vector<32xbf16> -> vector<16xf32>
      %unpack3A_696 = tpu.unpack_subelements %mul3A_694, 1 {pack_format = #tpu.pack_format<interleaved>} : vector<32xbf16> -> vector<16xf32>
      %add3A_697 = arith.addf %add3A_688, %unpack3A_695 : vector<16xf32>
      %add3A_698 = arith.addf %add3A_697, %unpack3A_696 : vector<16xf32>
      %broadcast_in_dim3A_699 = arith.constant true
      %broadcast_in_dim3A_700 = vector.broadcast %broadcast_in_dim3A_699 : i1 to vector<16xi1>
      %masked_cumsum3A_701 = tpu.scan <sum>, %add3A_698 masked %broadcast_in_dim3A_700 : vector<16xf32>, vector<16xi1> -> vector<16xf32>
      %reshape3A_702 = vector.shape_cast %broadcast_in_dim3A_272 : vector<16xi32> to vector<16x1xi32>
      %gather3A_703 = vector.shape_cast %reshape3A_702 : vector<16x1xi32> to vector<16xi32>
      %gather3A_704 = tpu.dynamic_gather %masked_cumsum3A_701[%gather3A_703] in [0] : vector<16xf32>, vector<16xi32> -> vector<16xf32>
      %eq3A_705 = arith.constant 8 : i32
      %eq3A_706 = vector.broadcast %eq3A_705 : i32 to vector<16xi32>
      %eq3A_707 = arith.cmpi eq, %iota3A, %eq3A_706 : vector<16xi32>
      %select_n3A_708 = arith.select %eq3A_707, %gather3A_704, %select_n3A_659 : vector<16xi1>, vector<16xf32>
      %get3A_709 = arith.constant 9 : i32
      %get3A_710 = arith.index_cast %rem3A_245 : i32 to index
      %get3A_711 = arith.index_cast %get3A_709 : i32 to index
      %get3A_712 = arith.constant 0 : index
      %get3A_713 = tpu.vector_load %arg9[%get3A_710, %get3A_711, %get3A_712] {strides = array<i32>} : memref<10x80x128xbf16, #tpu.memory_space<vmem>>, vector<32xbf16>,
      %mul3A_714 = arith.mulf %get3A_713, %get3A_713 : vector<32xbf16>
      %unpack3A_715 = tpu.unpack_subelements %mul3A_714, 0 {pack_format = #tpu.pack_format<interleaved>} : vector<32xbf16> -> vector<16xf32>
      %unpack3A_716 = tpu.unpack_subelements %mul3A_714, 1 {pack_format = #tpu.pack_format<interleaved>} : vector<32xbf16> -> vector<16xf32>
      %add3A_717 = arith.addf %unpack3A_715, %unpack3A_716 : vector<16xf32>
      %get3A_718 = arith.constant 9 : i32
      %get3A_719 = arith.index_cast %rem3A_245 : i32 to index
      %get3A_720 = arith.index_cast %get3A_718 : i32 to index
      %get3A_721 = arith.constant 32 : index
      %get3A_722 = tpu.vector_load %arg9[%get3A_719, %get3A_720, %get3A_721] {strides = array<i32>} : memref<10x80x128xbf16, #tpu.memory_space<vmem>>, vector<32xbf16>,
      %mul3A_723 = arith.mulf %get3A_722, %get3A_722 : vector<32xbf16>
      %unpack3A_724 = tpu.unpack_subelements %mul3A_723, 0 {pack_format = #tpu.pack_format<interleaved>} : vector<32xbf16> -> vector<16xf32>
      %unpack3A_725 = tpu.unpack_subelements %mul3A_723, 1 {pack_format = #tpu.pack_format<interleaved>} : vector<32xbf16> -> vector<16xf32>
      %add3A_726 = arith.addf %add3A_717, %unpack3A_724 : vector<16xf32>
      %add3A_727 = arith.addf %add3A_726, %unpack3A_725 : vector<16xf32>
      %get3A_728 = arith.constant 9 : i32
      %get3A_729 = arith.index_cast %rem3A_245 : i32 to index
      %get3A_730 = arith.index_cast %get3A_728 : i32 to index
      %get3A_731 = arith.constant 64 : index
      %get3A_732 = tpu.vector_load %arg9[%get3A_729, %get3A_730, %get3A_731] {strides = array<i32>} : memref<10x80x128xbf16, #tpu.memory_space<vmem>>, vector<32xbf16>,
      %mul3A_733 = arith.mulf %get3A_732, %get3A_732 : vector<32xbf16>
      %unpack3A_734 = tpu.unpack_subelements %mul3A_733, 0 {pack_format = #tpu.pack_format<interleaved>} : vector<32xbf16> -> vector<16xf32>
      %unpack3A_735 = tpu.unpack_subelements %mul3A_733, 1 {pack_format = #tpu.pack_format<interleaved>} : vector<32xbf16> -> vector<16xf32>
      %add3A_736 = arith.addf %add3A_727, %unpack3A_734 : vector<16xf32>
      %add3A_737 = arith.addf %add3A_736, %unpack3A_735 : vector<16xf32>
      %get3A_738 = arith.constant 9 : i32
      %get3A_739 = arith.index_cast %rem3A_245 : i32 to index
      %get3A_740 = arith.index_cast %get3A_738 : i32 to index
      %get3A_741 = arith.constant 96 : index
      %get3A_742 = tpu.vector_load %arg9[%get3A_739, %get3A_740, %get3A_741] {strides = array<i32>} : memref<10x80x128xbf16, #tpu.memory_space<vmem>>, vector<32xbf16>,
      %mul3A_743 = arith.mulf %get3A_742, %get3A_742 : vector<32xbf16>
      %unpack3A_744 = tpu.unpack_subelements %mul3A_743, 0 {pack_format = #tpu.pack_format<interleaved>} : vector<32xbf16> -> vector<16xf32>
      %unpack3A_745 = tpu.unpack_subelements %mul3A_743, 1 {pack_format = #tpu.pack_format<interleaved>} : vector<32xbf16> -> vector<16xf32>
      %add3A_746 = arith.addf %add3A_737, %unpack3A_744 : vector<16xf32>
      %add3A_747 = arith.addf %add3A_746, %unpack3A_745 : vector<16xf32>
      %broadcast_in_dim3A_748 = arith.constant true
      %broadcast_in_dim3A_749 = vector.broadcast %broadcast_in_dim3A_748 : i1 to vector<16xi1>
      %masked_cumsum3A_750 = tpu.scan <sum>, %add3A_747 masked %broadcast_in_dim3A_749 : vector<16xf32>, vector<16xi1> -> vector<16xf32>
      %reshape3A_751 = vector.shape_cast %broadcast_in_dim3A_272 : vector<16xi32> to vector<16x1xi32>
      %gather3A_752 = vector.shape_cast %reshape3A_751 : vector<16x1xi32> to vector<16xi32>
      %gather3A_753 = tpu.dynamic_gather %masked_cumsum3A_750[%gather3A_752] in [0] : vector<16xf32>, vector<16xi32> -> vector<16xf32>
      %eq3A_754 = arith.constant 9 : i32
      %eq3A_755 = vector.broadcast %eq3A_754 : i32 to vector<16xi32>
      %eq3A_756 = arith.cmpi eq, %iota3A, %eq3A_755 : vector<16xi32>
      %select_n3A_757 = arith.select %eq3A_756, %gather3A_753, %select_n3A_708 : vector<16xi1>, vector<16xf32>
      %get3A_758 = arith.constant 10 : i32
      %get3A_759 = arith.index_cast %rem3A_245 : i32 to index
      %get3A_760 = arith.index_cast %get3A_758 : i32 to index
      %get3A_761 = arith.constant 0 : index
      %get3A_762 = tpu.vector_load %arg9[%get3A_759, %get3A_760, %get3A_761] {strides = array<i32>} : memref<10x80x128xbf16, #tpu.memory_space<vmem>>, vector<32xbf16>,
      %mul3A_763 = arith.mulf %get3A_762, %get3A_762 : vector<32xbf16>
      %unpack3A_764 = tpu.unpack_subelements %mul3A_763, 0 {pack_format = #tpu.pack_format<interleaved>} : vector<32xbf16> -> vector<16xf32>
      %unpack3A_765 = tpu.unpack_subelements %mul3A_763, 1 {pack_format = #tpu.pack_format<interleaved>} : vector<32xbf16> -> vector<16xf32>
      %add3A_766 = arith.addf %unpack3A_764, %unpack3A_765 : vector<16xf32>
      %get3A_767 = arith.constant 10 : i32
      %get3A_768 = arith.index_cast %rem3A_245 : i32 to index
      %get3A_769 = arith.index_cast %get3A_767 : i32 to index
      %get3A_770 = arith.constant 32 : index
      %get3A_771 = tpu.vector_load %arg9[%get3A_768, %get3A_769, %get3A_770] {strides = array<i32>} : memref<10x80x128xbf16, #tpu.memory_space<vmem>>, vector<32xbf16>,
      %mul3A_772 = arith.mulf %get3A_771, %get3A_771 : vector<32xbf16>
      %unpack3A_773 = tpu.unpack_subelements %mul3A_772, 0 {pack_format = #tpu.pack_format<interleaved>} : vector<32xbf16> -> vector<16xf32>
      %unpack3A_774 = tpu.unpack_subelements %mul3A_772, 1 {pack_format = #tpu.pack_format<interleaved>} : vector<32xbf16> -> vector<16xf32>
      %add3A_775 = arith.addf %add3A_766, %unpack3A_773 : vector<16xf32>
      %add3A_776 = arith.addf %add3A_775, %unpack3A_774 : vector<16xf32>
      %get3A_777 = arith.constant 10 : i32
      %get3A_778 = arith.index_cast %rem3A_245 : i32 to index
      %get3A_779 = arith.index_cast %get3A_777 : i32 to index
      %get3A_780 = arith.constant 64 : index
      %get3A_781 = tpu.vector_load %arg9[%get3A_778, %get3A_779, %get3A_780] {strides = array<i32>} : memref<10x80x128xbf16, #tpu.memory_space<vmem>>, vector<32xbf16>,
      %mul3A_782 = arith.mulf %get3A_781, %get3A_781 : vector<32xbf16>
      %unpack3A_783 = tpu.unpack_subelements %mul3A_782, 0 {pack_format = #tpu.pack_format<interleaved>} : vector<32xbf16> -> vector<16xf32>
      %unpack3A_784 = tpu.unpack_subelements %mul3A_782, 1 {pack_format = #tpu.pack_format<interleaved>} : vector<32xbf16> -> vector<16xf32>
      %add3A_785 = arith.addf %add3A_776, %unpack3A_783 : vector<16xf32>
      %add3A_786 = arith.addf %add3A_785, %unpack3A_784 : vector<16xf32>
      %get3A_787 = arith.constant 10 : i32
      %get3A_788 = arith.index_cast %rem3A_245 : i32 to index
      %get3A_789 = arith.index_cast %get3A_787 : i32 to index
      %get3A_790 = arith.constant 96 : index
      %get3A_791 = tpu.vector_load %arg9[%get3A_788, %get3A_789, %get3A_790] {strides = array<i32>} : memref<10x80x128xbf16, #tpu.memory_space<vmem>>, vector<32xbf16>,
      %mul3A_792 = arith.mulf %get3A_791, %get3A_791 : vector<32xbf16>
      %unpack3A_793 = tpu.unpack_subelements %mul3A_792, 0 {pack_format = #tpu.pack_format<interleaved>} : vector<32xbf16> -> vector<16xf32>
      %unpack3A_794 = tpu.unpack_subelements %mul3A_792, 1 {pack_format = #tpu.pack_format<interleaved>} : vector<32xbf16> -> vector<16xf32>
      %add3A_795 = arith.addf %add3A_786, %unpack3A_793 : vector<16xf32>
      %add3A_796 = arith.addf %add3A_795, %unpack3A_794 : vector<16xf32>
      %broadcast_in_dim3A_797 = arith.constant true
      %broadcast_in_dim3A_798 = vector.broadcast %broadcast_in_dim3A_797 : i1 to vector<16xi1>
      %masked_cumsum3A_799 = tpu.scan <sum>, %add3A_796 masked %broadcast_in_dim3A_798 : vector<16xf32>, vector<16xi1> -> vector<16xf32>
      %reshape3A_800 = vector.shape_cast %broadcast_in_dim3A_272 : vector<16xi32> to vector<16x1xi32>
      %gather3A_801 = vector.shape_cast %reshape3A_800 : vector<16x1xi32> to vector<16xi32>
      %gather3A_802 = tpu.dynamic_gather %masked_cumsum3A_799[%gather3A_801] in [0] : vector<16xf32>, vector<16xi32> -> vector<16xf32>
      %eq3A_803 = arith.constant 10 : i32
      %eq3A_804 = vector.broadcast %eq3A_803 : i32 to vector<16xi32>
      %eq3A_805 = arith.cmpi eq, %iota3A, %eq3A_804 : vector<16xi32>
      %select_n3A_806 = arith.select %eq3A_805, %gather3A_802, %select_n3A_757 : vector<16xi1>, vector<16xf32>
      %get3A_807 = arith.constant 11 : i32
      %get3A_808 = arith.index_cast %rem3A_245 : i32 to index
      %get3A_809 = arith.index_cast %get3A_807 : i32 to index
      %get3A_810 = arith.constant 0 : index
      %get3A_811 = tpu.vector_load %arg9[%get3A_808, %get3A_809, %get3A_810] {strides = array<i32>} : memref<10x80x128xbf16, #tpu.memory_space<vmem>>, vector<32xbf16>,
      %mul3A_812 = arith.mulf %get3A_811, %get3A_811 : vector<32xbf16>
      %unpack3A_813 = tpu.unpack_subelements %mul3A_812, 0 {pack_format = #tpu.pack_format<interleaved>} : vector<32xbf16> -> vector<16xf32>
      %unpack3A_814 = tpu.unpack_subelements %mul3A_812, 1 {pack_format = #tpu.pack_format<interleaved>} : vector<32xbf16> -> vector<16xf32>
      %add3A_815 = arith.addf %unpack3A_813, %unpack3A_814 : vector<16xf32>
      %get3A_816 = arith.constant 11 : i32
      %get3A_817 = arith.index_cast %rem3A_245 : i32 to index
      %get3A_818 = arith.index_cast %get3A_816 : i32 to index
      %get3A_819 = arith.constant 32 : index
      %get3A_820 = tpu.vector_load %arg9[%get3A_817, %get3A_818, %get3A_819] {strides = array<i32>} : memref<10x80x128xbf16, #tpu.memory_space<vmem>>, vector<32xbf16>,
      %mul3A_821 = arith.mulf %get3A_820, %get3A_820 : vector<32xbf16>
      %unpack3A_822 = tpu.unpack_subelements %mul3A_821, 0 {pack_format = #tpu.pack_format<interleaved>} : vector<32xbf16> -> vector<16xf32>
      %unpack3A_823 = tpu.unpack_subelements %mul3A_821, 1 {pack_format = #tpu.pack_format<interleaved>} : vector<32xbf16> -> vector<16xf32>
      %add3A_824 = arith.addf %add3A_815, %unpack3A_822 : vector<16xf32>
      %add3A_825 = arith.addf %add3A_824, %unpack3A_823 : vector<16xf32>
      %get3A_826 = arith.constant 11 : i32
      %get3A_827 = arith.index_cast %rem3A_245 : i32 to index
      %get3A_828 = arith.index_cast %get3A_826 : i32 to index
      %get3A_829 = arith.constant 64 : index
      %get3A_830 = tpu.vector_load %arg9[%get3A_827, %get3A_828, %get3A_829] {strides = array<i32>} : memref<10x80x128xbf16, #tpu.memory_space<vmem>>, vector<32xbf16>,
      %mul3A_831 = arith.mulf %get3A_830, %get3A_830 : vector<32xbf16>
      %unpack3A_832 = tpu.unpack_subelements %mul3A_831, 0 {pack_format = #tpu.pack_format<interleaved>} : vector<32xbf16> -> vector<16xf32>
      %unpack3A_833 = tpu.unpack_subelements %mul3A_831, 1 {pack_format = #tpu.pack_format<interleaved>} : vector<32xbf16> -> vector<16xf32>
      %add3A_834 = arith.addf %add3A_825, %unpack3A_832 : vector<16xf32>
      %add3A_835 = arith.addf %add3A_834, %unpack3A_833 : vector<16xf32>
      %get3A_836 = arith.constant 11 : i32
      %get3A_837 = arith.index_cast %rem3A_245 : i32 to index
      %get3A_838 = arith.index_cast %get3A_836 : i32 to index
      %get3A_839 = arith.constant 96 : index
      %get3A_840 = tpu.vector_load %arg9[%get3A_837, %get3A_838, %get3A_839] {strides = array<i32>} : memref<10x80x128xbf16, #tpu.memory_space<vmem>>, vector<32xbf16>,
      %mul3A_841 = arith.mulf %get3A_840, %get3A_840 : vector<32xbf16>
      %unpack3A_842 = tpu.unpack_subelements %mul3A_841, 0 {pack_format = #tpu.pack_format<interleaved>} : vector<32xbf16> -> vector<16xf32>
      %unpack3A_843 = tpu.unpack_subelements %mul3A_841, 1 {pack_format = #tpu.pack_format<interleaved>} : vector<32xbf16> -> vector<16xf32>
      %add3A_844 = arith.addf %add3A_835, %unpack3A_842 : vector<16xf32>
      %add3A_845 = arith.addf %add3A_844, %unpack3A_843 : vector<16xf32>
      %broadcast_in_dim3A_846 = arith.constant true
      %broadcast_in_dim3A_847 = vector.broadcast %broadcast_in_dim3A_846 : i1 to vector<16xi1>
      %masked_cumsum3A_848 = tpu.scan <sum>, %add3A_845 masked %broadcast_in_dim3A_847 : vector<16xf32>, vector<16xi1> -> vector<16xf32>
      %reshape3A_849 = vector.shape_cast %broadcast_in_dim3A_272 : vector<16xi32> to vector<16x1xi32>
      %gather3A_850 = vector.shape_cast %reshape3A_849 : vector<16x1xi32> to vector<16xi32>
      %gather3A_851 = tpu.dynamic_gather %masked_cumsum3A_848[%gather3A_850] in [0] : vector<16xf32>, vector<16xi32> -> vector<16xf32>
      %eq3A_852 = arith.constant 11 : i32
      %eq3A_853 = vector.broadcast %eq3A_852 : i32 to vector<16xi32>
      %eq3A_854 = arith.cmpi eq, %iota3A, %eq3A_853 : vector<16xi32>
      %select_n3A_855 = arith.select %eq3A_854, %gather3A_851, %select_n3A_806 : vector<16xi1>, vector<16xf32>
      %get3A_856 = arith.constant 12 : i32
      %get3A_857 = arith.index_cast %rem3A_245 : i32 to index
      %get3A_858 = arith.index_cast %get3A_856 : i32 to index
      %get3A_859 = arith.constant 0 : index
      %get3A_860 = tpu.vector_load %arg9[%get3A_857, %get3A_858, %get3A_859] {strides = array<i32>} : memref<10x80x128xbf16, #tpu.memory_space<vmem>>, vector<32xbf16>,
      %mul3A_861 = arith.mulf %get3A_860, %get3A_860 : vector<32xbf16>
      %unpack3A_862 = tpu.unpack_subelements %mul3A_861, 0 {pack_format = #tpu.pack_format<interleaved>} : vector<32xbf16> -> vector<16xf32>
      %unpack3A_863 = tpu.unpack_subelements %mul3A_861, 1 {pack_format = #tpu.pack_format<interleaved>} : vector<32xbf16> -> vector<16xf32>
      %add3A_864 = arith.addf %unpack3A_862, %unpack3A_863 : vector<16xf32>
      %get3A_865 = arith.constant 12 : i32
      %get3A_866 = arith.index_cast %rem3A_245 : i32 to index
      %get3A_867 = arith.index_cast %get3A_865 : i32 to index
      %get3A_868 = arith.constant 32 : index
      %get3A_869 = tpu.vector_load %arg9[%get3A_866, %get3A_867, %get3A_868] {strides = array<i32>} : memref<10x80x128xbf16, #tpu.memory_space<vmem>>, vector<32xbf16>,
      %mul3A_870 = arith.mulf %get3A_869, %get3A_869 : vector<32xbf16>
      %unpack3A_871 = tpu.unpack_subelements %mul3A_870, 0 {pack_format = #tpu.pack_format<interleaved>} : vector<32xbf16> -> vector<16xf32>
      %unpack3A_872 = tpu.unpack_subelements %mul3A_870, 1 {pack_format = #tpu.pack_format<interleaved>} : vector<32xbf16> -> vector<16xf32>
      %add3A_873 = arith.addf %add3A_864, %unpack3A_871 : vector<16xf32>
      %add3A_874 = arith.addf %add3A_873, %unpack3A_872 : vector<16xf32>
      %get3A_875 = arith.constant 12 : i32
      %get3A_876 = arith.index_cast %rem3A_245 : i32 to index
      %get3A_877 = arith.index_cast %get3A_875 : i32 to index
      %get3A_878 = arith.constant 64 : index
      %get3A_879 = tpu.vector_load %arg9[%get3A_876, %get3A_877, %get3A_878] {strides = array<i32>} : memref<10x80x128xbf16, #tpu.memory_space<vmem>>, vector<32xbf16>,
      %mul3A_880 = arith.mulf %get3A_879, %get3A_879 : vector<32xbf16>
      %unpack3A_881 = tpu.unpack_subelements %mul3A_880, 0 {pack_format = #tpu.pack_format<interleaved>} : vector<32xbf16> -> vector<16xf32>
      %unpack3A_882 = tpu.unpack_subelements %mul3A_880, 1 {pack_format = #tpu.pack_format<interleaved>} : vector<32xbf16> -> vector<16xf32>
      %add3A_883 = arith.addf %add3A_874, %unpack3A_881 : vector<16xf32>
      %add3A_884 = arith.addf %add3A_883, %unpack3A_882 : vector<16xf32>
      %get3A_885 = arith.constant 12 : i32
      %get3A_886 = arith.index_cast %rem3A_245 : i32 to index
      %get3A_887 = arith.index_cast %get3A_885 : i32 to index
      %get3A_888 = arith.constant 96 : index
      %get3A_889 = tpu.vector_load %arg9[%get3A_886, %get3A_887, %get3A_888] {strides = array<i32>} : memref<10x80x128xbf16, #tpu.memory_space<vmem>>, vector<32xbf16>,
      %mul3A_890 = arith.mulf %get3A_889, %get3A_889 : vector<32xbf16>
      %unpack3A_891 = tpu.unpack_subelements %mul3A_890, 0 {pack_format = #tpu.pack_format<interleaved>} : vector<32xbf16> -> vector<16xf32>
      %unpack3A_892 = tpu.unpack_subelements %mul3A_890, 1 {pack_format = #tpu.pack_format<interleaved>} : vector<32xbf16> -> vector<16xf32>
      %add3A_893 = arith.addf %add3A_884, %unpack3A_891 : vector<16xf32>
      %add3A_894 = arith.addf %add3A_893, %unpack3A_892 : vector<16xf32>
      %broadcast_in_dim3A_895 = arith.constant true
      %broadcast_in_dim3A_896 = vector.broadcast %broadcast_in_dim3A_895 : i1 to vector<16xi1>
      %masked_cumsum3A_897 = tpu.scan <sum>, %add3A_894 masked %broadcast_in_dim3A_896 : vector<16xf32>, vector<16xi1> -> vector<16xf32>
      %reshape3A_898 = vector.shape_cast %broadcast_in_dim3A_272 : vector<16xi32> to vector<16x1xi32>
      %gather3A_899 = vector.shape_cast %reshape3A_898 : vector<16x1xi32> to vector<16xi32>
      %gather3A_900 = tpu.dynamic_gather %masked_cumsum3A_897[%gather3A_899] in [0] : vector<16xf32>, vector<16xi32> -> vector<16xf32>
      %eq3A_901 = arith.constant 12 : i32
      %eq3A_902 = vector.broadcast %eq3A_901 : i32 to vector<16xi32>
      %eq3A_903 = arith.cmpi eq, %iota3A, %eq3A_902 : vector<16xi32>
      %select_n3A_904 = arith.select %eq3A_903, %gather3A_900, %select_n3A_855 : vector<16xi1>, vector<16xf32>
      %get3A_905 = arith.constant 13 : i32
      %get3A_906 = arith.index_cast %rem3A_245 : i32 to index
      %get3A_907 = arith.index_cast %get3A_905 : i32 to index
      %get3A_908 = arith.constant 0 : index
      %get3A_909 = tpu.vector_load %arg9[%get3A_906, %get3A_907, %get3A_908] {strides = array<i32>} : memref<10x80x128xbf16, #tpu.memory_space<vmem>>, vector<32xbf16>,
      %mul3A_910 = arith.mulf %get3A_909, %get3A_909 : vector<32xbf16>
      %unpack3A_911 = tpu.unpack_subelements %mul3A_910, 0 {pack_format = #tpu.pack_format<interleaved>} : vector<32xbf16> -> vector<16xf32>
      %unpack3A_912 = tpu.unpack_subelements %mul3A_910, 1 {pack_format = #tpu.pack_format<interleaved>} : vector<32xbf16> -> vector<16xf32>
      %add3A_913 = arith.addf %unpack3A_911, %unpack3A_912 : vector<16xf32>
      %get3A_914 = arith.constant 13 : i32
      %get3A_915 = arith.index_cast %rem3A_245 : i32 to index
      %get3A_916 = arith.index_cast %get3A_914 : i32 to index
      %get3A_917 = arith.constant 32 : index
      %get3A_918 = tpu.vector_load %arg9[%get3A_915, %get3A_916, %get3A_917] {strides = array<i32>} : memref<10x80x128xbf16, #tpu.memory_space<vmem>>, vector<32xbf16>,
      %mul3A_919 = arith.mulf %get3A_918, %get3A_918 : vector<32xbf16>
      %unpack3A_920 = tpu.unpack_subelements %mul3A_919, 0 {pack_format = #tpu.pack_format<interleaved>} : vector<32xbf16> -> vector<16xf32>
      %unpack3A_921 = tpu.unpack_subelements %mul3A_919, 1 {pack_format = #tpu.pack_format<interleaved>} : vector<32xbf16> -> vector<16xf32>
      %add3A_922 = arith.addf %add3A_913, %unpack3A_920 : vector<16xf32>
      %add3A_923 = arith.addf %add3A_922, %unpack3A_921 : vector<16xf32>
      %get3A_924 = arith.constant 13 : i32
      %get3A_925 = arith.index_cast %rem3A_245 : i32 to index
      %get3A_926 = arith.index_cast %get3A_924 : i32 to index
      %get3A_927 = arith.constant 64 : index
      %get3A_928 = tpu.vector_load %arg9[%get3A_925, %get3A_926, %get3A_927] {strides = array<i32>} : memref<10x80x128xbf16, #tpu.memory_space<vmem>>, vector<32xbf16>,
      %mul3A_929 = arith.mulf %get3A_928, %get3A_928 : vector<32xbf16>
      %unpack3A_930 = tpu.unpack_subelements %mul3A_929, 0 {pack_format = #tpu.pack_format<interleaved>} : vector<32xbf16> -> vector<16xf32>
      %unpack3A_931 = tpu.unpack_subelements %mul3A_929, 1 {pack_format = #tpu.pack_format<interleaved>} : vector<32xbf16> -> vector<16xf32>
      %add3A_932 = arith.addf %add3A_923, %unpack3A_930 : vector<16xf32>
      %add3A_933 = arith.addf %add3A_932, %unpack3A_931 : vector<16xf32>
      %get3A_934 = arith.constant 13 : i32
      %get3A_935 = arith.index_cast %rem3A_245 : i32 to index
      %get3A_936 = arith.index_cast %get3A_934 : i32 to index
      %get3A_937 = arith.constant 96 : index
      %get3A_938 = tpu.vector_load %arg9[%get3A_935, %get3A_936, %get3A_937] {strides = array<i32>} : memref<10x80x128xbf16, #tpu.memory_space<vmem>>, vector<32xbf16>,
      %mul3A_939 = arith.mulf %get3A_938, %get3A_938 : vector<32xbf16>
      %unpack3A_940 = tpu.unpack_subelements %mul3A_939, 0 {pack_format = #tpu.pack_format<interleaved>} : vector<32xbf16> -> vector<16xf32>
      %unpack3A_941 = tpu.unpack_subelements %mul3A_939, 1 {pack_format = #tpu.pack_format<interleaved>} : vector<32xbf16> -> vector<16xf32>
      %add3A_942 = arith.addf %add3A_933, %unpack3A_940 : vector<16xf32>
      %add3A_943 = arith.addf %add3A_942, %unpack3A_941 : vector<16xf32>
      %broadcast_in_dim3A_944 = arith.constant true
      %broadcast_in_dim3A_945 = vector.broadcast %broadcast_in_dim3A_944 : i1 to vector<16xi1>
      %masked_cumsum3A_946 = tpu.scan <sum>, %add3A_943 masked %broadcast_in_dim3A_945 : vector<16xf32>, vector<16xi1> -> vector<16xf32>
      %reshape3A_947 = vector.shape_cast %broadcast_in_dim3A_272 : vector<16xi32> to vector<16x1xi32>
      %gather3A_948 = vector.shape_cast %reshape3A_947 : vector<16x1xi32> to vector<16xi32>
      %gather3A_949 = tpu.dynamic_gather %masked_cumsum3A_946[%gather3A_948] in [0] : vector<16xf32>, vector<16xi32> -> vector<16xf32>
      %eq3A_950 = arith.constant 13 : i32
      %eq3A_951 = vector.broadcast %eq3A_950 : i32 to vector<16xi32>
      %eq3A_952 = arith.cmpi eq, %iota3A, %eq3A_951 : vector<16xi32>
      %select_n3A_953 = arith.select %eq3A_952, %gather3A_949, %select_n3A_904 : vector<16xi1>, vector<16xf32>
      %get3A_954 = arith.constant 14 : i32
      %get3A_955 = arith.index_cast %rem3A_245 : i32 to index
      %get3A_956 = arith.index_cast %get3A_954 : i32 to index
      %get3A_957 = arith.constant 0 : index
      %get3A_958 = tpu.vector_load %arg9[%get3A_955, %get3A_956, %get3A_957] {strides = array<i32>} : memref<10x80x128xbf16, #tpu.memory_space<vmem>>, vector<32xbf16>,
      %mul3A_959 = arith.mulf %get3A_958, %get3A_958 : vector<32xbf16>
      %unpack3A_960 = tpu.unpack_subelements %mul3A_959, 0 {pack_format = #tpu.pack_format<interleaved>} : vector<32xbf16> -> vector<16xf32>
      %unpack3A_961 = tpu.unpack_subelements %mul3A_959, 1 {pack_format = #tpu.pack_format<interleaved>} : vector<32xbf16> -> vector<16xf32>
      %add3A_962 = arith.addf %unpack3A_960, %unpack3A_961 : vector<16xf32>
      %get3A_963 = arith.constant 14 : i32
      %get3A_964 = arith.index_cast %rem3A_245 : i32 to index
      %get3A_965 = arith.index_cast %get3A_963 : i32 to index
      %get3A_966 = arith.constant 32 : index
      %get3A_967 = tpu.vector_load %arg9[%get3A_964, %get3A_965, %get3A_966] {strides = array<i32>} : memref<10x80x128xbf16, #tpu.memory_space<vmem>>, vector<32xbf16>,
      %mul3A_968 = arith.mulf %get3A_967, %get3A_967 : vector<32xbf16>
      %unpack3A_969 = tpu.unpack_subelements %mul3A_968, 0 {pack_format = #tpu.pack_format<interleaved>} : vector<32xbf16> -> vector<16xf32>
      %unpack3A_970 = tpu.unpack_subelements %mul3A_968, 1 {pack_format = #tpu.pack_format<interleaved>} : vector<32xbf16> -> vector<16xf32>
      %add3A_971 = arith.addf %add3A_962, %unpack3A_969 : vector<16xf32>
      %add3A_972 = arith.addf %add3A_971, %unpack3A_970 : vector<16xf32>
      %get3A_973 = arith.constant 14 : i32
      %get3A_974 = arith.index_cast %rem3A_245 : i32 to index
      %get3A_975 = arith.index_cast %get3A_973 : i32 to index
      %get3A_976 = arith.constant 64 : index
      %get3A_977 = tpu.vector_load %arg9[%get3A_974, %get3A_975, %get3A_976] {strides = array<i32>} : memref<10x80x128xbf16, #tpu.memory_space<vmem>>, vector<32xbf16>,
      %mul3A_978 = arith.mulf %get3A_977, %get3A_977 : vector<32xbf16>
      %unpack3A_979 = tpu.unpack_subelements %mul3A_978, 0 {pack_format = #tpu.pack_format<interleaved>} : vector<32xbf16> -> vector<16xf32>
      %unpack3A_980 = tpu.unpack_subelements %mul3A_978, 1 {pack_format = #tpu.pack_format<interleaved>} : vector<32xbf16> -> vector<16xf32>
      %add3A_981 = arith.addf %add3A_972, %unpack3A_979 : vector<16xf32>
      %add3A_982 = arith.addf %add3A_981, %unpack3A_980 : vector<16xf32>
      %get3A_983 = arith.constant 14 : i32
      %get3A_984 = arith.index_cast %rem3A_245 : i32 to index
      %get3A_985 = arith.index_cast %get3A_983 : i32 to index
      %get3A_986 = arith.constant 96 : index
      %get3A_987 = tpu.vector_load %arg9[%get3A_984, %get3A_985, %get3A_986] {strides = array<i32>} : memref<10x80x128xbf16, #tpu.memory_space<vmem>>, vector<32xbf16>,
      %mul3A_988 = arith.mulf %get3A_987, %get3A_987 : vector<32xbf16>
      %unpack3A_989 = tpu.unpack_subelements %mul3A_988, 0 {pack_format = #tpu.pack_format<interleaved>} : vector<32xbf16> -> vector<16xf32>
      %unpack3A_990 = tpu.unpack_subelements %mul3A_988, 1 {pack_format = #tpu.pack_format<interleaved>} : vector<32xbf16> -> vector<16xf32>
      %add3A_991 = arith.addf %add3A_982, %unpack3A_989 : vector<16xf32>
      %add3A_992 = arith.addf %add3A_991, %unpack3A_990 : vector<16xf32>
      %broadcast_in_dim3A_993 = arith.constant true
      %broadcast_in_dim3A_994 = vector.broadcast %broadcast_in_dim3A_993 : i1 to vector<16xi1>
      %masked_cumsum3A_995 = tpu.scan <sum>, %add3A_992 masked %broadcast_in_dim3A_994 : vector<16xf32>, vector<16xi1> -> vector<16xf32>
      %reshape3A_996 = vector.shape_cast %broadcast_in_dim3A_272 : vector<16xi32> to vector<16x1xi32>
      %gather3A_997 = vector.shape_cast %reshape3A_996 : vector<16x1xi32> to vector<16xi32>
      %gather3A_998 = tpu.dynamic_gather %masked_cumsum3A_995[%gather3A_997] in [0] : vector<16xf32>, vector<16xi32> -> vector<16xf32>
      %eq3A_999 = arith.constant 14 : i32
      %eq3A_1000 = vector.broadcast %eq3A_999 : i32 to vector<16xi32>
      %eq3A_1001 = arith.cmpi eq, %iota3A, %eq3A_1000 : vector<16xi32>
      %select_n3A_1002 = arith.select %eq3A_1001, %gather3A_998, %select_n3A_953 : vector<16xi1>, vector<16xf32>
      %get3A_1003 = arith.constant 15 : i32
      %get3A_1004 = arith.index_cast %rem3A_245 : i32 to index
      %get3A_1005 = arith.index_cast %get3A_1003 : i32 to index
      %get3A_1006 = arith.constant 0 : index
      %get3A_1007 = tpu.vector_load %arg9[%get3A_1004, %get3A_1005, %get3A_1006] {strides = array<i32>} : memref<10x80x128xbf16, #tpu.memory_space<vmem>>, vector<32xbf16>,
      %mul3A_1008 = arith.mulf %get3A_1007, %get3A_1007 : vector<32xbf16>
      %unpack3A_1009 = tpu.unpack_subelements %mul3A_1008, 0 {pack_format = #tpu.pack_format<interleaved>} : vector<32xbf16> -> vector<16xf32>
      %unpack3A_1010 = tpu.unpack_subelements %mul3A_1008, 1 {pack_format = #tpu.pack_format<interleaved>} : vector<32xbf16> -> vector<16xf32>
      %add3A_1011 = arith.addf %unpack3A_1009, %unpack3A_1010 : vector<16xf32>
      %get3A_1012 = arith.constant 15 : i32
      %get3A_1013 = arith.index_cast %rem3A_245 : i32 to index
      %get3A_1014 = arith.index_cast %get3A_1012 : i32 to index
      %get3A_1015 = arith.constant 32 : index
      %get3A_1016 = tpu.vector_load %arg9[%get3A_1013, %get3A_1014, %get3A_1015] {strides = array<i32>} : memref<10x80x128xbf16, #tpu.memory_space<vmem>>, vector<32xbf16>,
      %mul3A_1017 = arith.mulf %get3A_1016, %get3A_1016 : vector<32xbf16>
      %unpack3A_1018 = tpu.unpack_subelements %mul3A_1017, 0 {pack_format = #tpu.pack_format<interleaved>} : vector<32xbf16> -> vector<16xf32>
      %unpack3A_1019 = tpu.unpack_subelements %mul3A_1017, 1 {pack_format = #tpu.pack_format<interleaved>} : vector<32xbf16> -> vector<16xf32>
      %add3A_1020 = arith.addf %add3A_1011, %unpack3A_1018 : vector<16xf32>
      %add3A_1021 = arith.addf %add3A_1020, %unpack3A_1019 : vector<16xf32>
      %get3A_1022 = arith.constant 15 : i32
      %get3A_1023 = arith.index_cast %rem3A_245 : i32 to index
      %get3A_1024 = arith.index_cast %get3A_1022 : i32 to index
      %get3A_1025 = arith.constant 64 : index
      %get3A_1026 = tpu.vector_load %arg9[%get3A_1023, %get3A_1024, %get3A_1025] {strides = array<i32>} : memref<10x80x128xbf16, #tpu.memory_space<vmem>>, vector<32xbf16>,
      %mul3A_1027 = arith.mulf %get3A_1026, %get3A_1026 : vector<32xbf16>
      %unpack3A_1028 = tpu.unpack_subelements %mul3A_1027, 0 {pack_format = #tpu.pack_format<interleaved>} : vector<32xbf16> -> vector<16xf32>
      %unpack3A_1029 = tpu.unpack_subelements %mul3A_1027, 1 {pack_format = #tpu.pack_format<interleaved>} : vector<32xbf16> -> vector<16xf32>
      %add3A_1030 = arith.addf %add3A_1021, %unpack3A_1028 : vector<16xf32>
      %add3A_1031 = arith.addf %add3A_1030, %unpack3A_1029 : vector<16xf32>
      %get3A_1032 = arith.constant 15 : i32
      %get3A_1033 = arith.index_cast %rem3A_245 : i32 to index
      %get3A_1034 = arith.index_cast %get3A_1032 : i32 to index
      %get3A_1035 = arith.constant 96 : index
      %get3A_1036 = tpu.vector_load %arg9[%get3A_1033, %get3A_1034, %get3A_1035] {strides = array<i32>} : memref<10x80x128xbf16, #tpu.memory_space<vmem>>, vector<32xbf16>,
      %mul3A_1037 = arith.mulf %get3A_1036, %get3A_1036 : vector<32xbf16>
      %unpack3A_1038 = tpu.unpack_subelements %mul3A_1037, 0 {pack_format = #tpu.pack_format<interleaved>} : vector<32xbf16> -> vector<16xf32>
      %unpack3A_1039 = tpu.unpack_subelements %mul3A_1037, 1 {pack_format = #tpu.pack_format<interleaved>} : vector<32xbf16> -> vector<16xf32>
      %add3A_1040 = arith.addf %add3A_1031, %unpack3A_1038 : vector<16xf32>
      %add3A_1041 = arith.addf %add3A_1040, %unpack3A_1039 : vector<16xf32>
      %broadcast_in_dim3A_1042 = arith.constant true
      %broadcast_in_dim3A_1043 = vector.broadcast %broadcast_in_dim3A_1042 : i1 to vector<16xi1>
      %masked_cumsum3A_1044 = tpu.scan <sum>, %add3A_1041 masked %broadcast_in_dim3A_1043 : vector<16xf32>, vector<16xi1> -> vector<16xf32>
      %reshape3A_1045 = vector.shape_cast %broadcast_in_dim3A_272 : vector<16xi32> to vector<16x1xi32>
      %gather3A_1046 = vector.shape_cast %reshape3A_1045 : vector<16x1xi32> to vector<16xi32>
      %gather3A_1047 = tpu.dynamic_gather %masked_cumsum3A_1044[%gather3A_1046] in [0] : vector<16xf32>, vector<16xi32> -> vector<16xf32>
      %eq3A_1048 = arith.constant 15 : i32
      %eq3A_1049 = vector.broadcast %eq3A_1048 : i32 to vector<16xi32>
      %eq3A_1050 = arith.cmpi eq, %iota3A, %eq3A_1049 : vector<16xi32>
      %select_n3A_1051 = arith.select %eq3A_1050, %gather3A_1047, %select_n3A_1002 : vector<16xi1>, vector<16xf32>
      %max3A = arith.constant 1.000000e-30 : f32
      %max3A_1052 = vector.broadcast %max3A : f32 to vector<16xf32>
      %max3A_1053 = arith.maximumf %select_n3A_1051, %max3A_1052 : vector<16xf32>
      %bitcast_convert_type3A = tpu.bitcast %max3A_1053 : vector<16xf32> -> vector<16xi32>
      %shift_right_arithmetic3A = arith.constant 1 : i32
      %shift_right_arithmetic3A_1054 = vector.broadcast %shift_right_arithmetic3A : i32 to vector<16xi32>
      %shift_right_arithmetic3A_1055 = arith.shrsi %bitcast_convert_type3A, %shift_right_arithmetic3A_1054 : vector<16xi32>
      %sub3A = arith.constant 1597463007 : i32
      %sub3A_1056 = vector.broadcast %sub3A : i32 to vector<16xi32>
      %sub3A_1057 = arith.subi %sub3A_1056, %shift_right_arithmetic3A_1055 : vector<16xi32>
      %bitcast_convert_type3A_1058 = tpu.bitcast %sub3A_1057 : vector<16xi32> -> vector<16xf32>
      %mul3A_1059 = arith.constant 5.000000e-01 : f32
      %mul3A_1060 = vector.broadcast %mul3A_1059 : f32 to vector<16xf32>
      %mul3A_1061 = arith.mulf %mul3A_1060, %max3A_1053 : vector<16xf32>
      %mul3A_1062 = arith.mulf %mul3A_1061, %bitcast_convert_type3A_1058 : vector<16xf32>
      %mul3A_1063 = arith.mulf %mul3A_1062, %bitcast_convert_type3A_1058 : vector<16xf32>
      %sub3A_1064 = arith.constant 1.500000e+00 : f32
      %sub3A_1065 = vector.broadcast %sub3A_1064 : f32 to vector<16xf32>
      %sub3A_1066 = arith.subf %sub3A_1065, %mul3A_1063 : vector<16xf32>
      %mul3A_1067 = arith.mulf %bitcast_convert_type3A_1058, %sub3A_1066 : vector<16xf32>
      %mul3A_1068 = arith.constant 5.000000e-01 : f32
      %mul3A_1069 = vector.broadcast %mul3A_1068 : f32 to vector<16xf32>
      %mul3A_1070 = arith.mulf %mul3A_1069, %max3A_1053 : vector<16xf32>
      %mul3A_1071 = arith.mulf %mul3A_1070, %mul3A_1067 : vector<16xf32>
      %mul3A_1072 = arith.mulf %mul3A_1071, %mul3A_1067 : vector<16xf32>
      %sub3A_1073 = arith.constant 1.500000e+00 : f32
      %sub3A_1074 = vector.broadcast %sub3A_1073 : f32 to vector<16xf32>
      %sub3A_1075 = arith.subf %sub3A_1074, %mul3A_1072 : vector<16xf32>
      %mul3A_1076 = arith.mulf %mul3A_1067, %sub3A_1075 : vector<16xf32>
      %mul3A_1077 = arith.constant 5.000000e-01 : f32
      %mul3A_1078 = vector.broadcast %mul3A_1077 : f32 to vector<16xf32>
      %mul3A_1079 = arith.mulf %mul3A_1078, %max3A_1053 : vector<16xf32>
      %mul3A_1080 = arith.mulf %mul3A_1079, %mul3A_1076 : vector<16xf32>
      %mul3A_1081 = arith.mulf %mul3A_1080, %mul3A_1076 : vector<16xf32>
      %sub3A_1082 = arith.constant 1.500000e+00 : f32
      %sub3A_1083 = vector.broadcast %sub3A_1082 : f32 to vector<16xf32>
      %sub3A_1084 = arith.subf %sub3A_1083, %mul3A_1081 : vector<16xf32>
      %mul3A_1085 = arith.mulf %mul3A_1076, %sub3A_1084 : vector<16xf32>
      %mul3A_1086 = arith.mulf %max3A_1053, %mul3A_1085 : vector<16xf32>
      %neg3A = arith.constant 0.000000e+00 : f32
      %neg3A_1087 = vector.broadcast %neg3A : f32 to vector<16xf32>
      %neg3A_1088 = arith.subf %neg3A_1087, %mul3A_1086 : vector<16xf32>
      %exp3A = math.exp %neg3A_1088 : vector<16xf32>
      %add3A_1089 = arith.constant 0 : i32
      %add3A_1090 = arith.addi %mul3A_271, %add3A_1089 : i32
      %swap3A = arith.index_cast %add3A_1090 : i32 to index
      %swap3A_1091 = tpu.vector_load %arg10[%swap3A] {strides = array<i32>} : memref<10000xf32, #tpu.memory_space<vmem>>, vector<16xf32>,
      tpu.vector_store %arg10[%swap3A], %exp3A {strides = array<i32>} : memref<10000xf32, #tpu.memory_space<vmem>>, vector<16xf32>,
      %broadcast_in_dim3A_1092 = arith.constant 0.000000e+00 : f32
      %broadcast_in_dim3A_1093 = vector.broadcast %broadcast_in_dim3A_1092 : f32 to vector<16xf32>
      %get3A_1094 = arith.constant 16 : i32
      %get3A_1095 = arith.index_cast %rem3A_245 : i32 to index
      %get3A_1096 = arith.index_cast %get3A_1094 : i32 to index
      %get3A_1097 = arith.constant 0 : index
      %get3A_1098 = tpu.vector_load %arg9[%get3A_1095, %get3A_1096, %get3A_1097] {strides = array<i32>} : memref<10x80x128xbf16, #tpu.memory_space<vmem>>, vector<32xbf16>,
      %mul3A_1099 = arith.mulf %get3A_1098, %get3A_1098 : vector<32xbf16>
      %unpack3A_1100 = tpu.unpack_subelements %mul3A_1099, 0 {pack_format = #tpu.pack_format<interleaved>} : vector<32xbf16> -> vector<16xf32>
      %unpack3A_1101 = tpu.unpack_subelements %mul3A_1099, 1 {pack_format = #tpu.pack_format<interleaved>} : vector<32xbf16> -> vector<16xf32>
      %add3A_1102 = arith.addf %unpack3A_1100, %unpack3A_1101 : vector<16xf32>
      %get3A_1103 = arith.constant 16 : i32
      %get3A_1104 = arith.index_cast %rem3A_245 : i32 to index
      %get3A_1105 = arith.index_cast %get3A_1103 : i32 to index
      %get3A_1106 = arith.constant 32 : index
      %get3A_1107 = tpu.vector_load %arg9[%get3A_1104, %get3A_1105, %get3A_1106] {strides = array<i32>} : memref<10x80x128xbf16, #tpu.memory_space<vmem>>, vector<32xbf16>,
      %mul3A_1108 = arith.mulf %get3A_1107, %get3A_1107 : vector<32xbf16>
      %unpack3A_1109 = tpu.unpack_subelements %mul3A_1108, 0 {pack_format = #tpu.pack_format<interleaved>} : vector<32xbf16> -> vector<16xf32>
      %unpack3A_1110 = tpu.unpack_subelements %mul3A_1108, 1 {pack_format = #tpu.pack_format<interleaved>} : vector<32xbf16> -> vector<16xf32>
      %add3A_1111 = arith.addf %add3A_1102, %unpack3A_1109 : vector<16xf32>
      %add3A_1112 = arith.addf %add3A_1111, %unpack3A_1110 : vector<16xf32>
      %get3A_1113 = arith.constant 16 : i32
      %get3A_1114 = arith.index_cast %rem3A_245 : i32 to index
      %get3A_1115 = arith.index_cast %get3A_1113 : i32 to index
      %get3A_1116 = arith.constant 64 : index
      %get3A_1117 = tpu.vector_load %arg9[%get3A_1114, %get3A_1115, %get3A_1116] {strides = array<i32>} : memref<10x80x128xbf16, #tpu.memory_space<vmem>>, vector<32xbf16>,
      %mul3A_1118 = arith.mulf %get3A_1117, %get3A_1117 : vector<32xbf16>
      %unpack3A_1119 = tpu.unpack_subelements %mul3A_1118, 0 {pack_format = #tpu.pack_format<interleaved>} : vector<32xbf16> -> vector<16xf32>
      %unpack3A_1120 = tpu.unpack_subelements %mul3A_1118, 1 {pack_format = #tpu.pack_format<interleaved>} : vector<32xbf16> -> vector<16xf32>
      %add3A_1121 = arith.addf %add3A_1112, %unpack3A_1119 : vector<16xf32>
      %add3A_1122 = arith.addf %add3A_1121, %unpack3A_1120 : vector<16xf32>
      %get3A_1123 = arith.constant 16 : i32
      %get3A_1124 = arith.index_cast %rem3A_245 : i32 to index
      %get3A_1125 = arith.index_cast %get3A_1123 : i32 to index
      %get3A_1126 = arith.constant 96 : index
      %get3A_1127 = tpu.vector_load %arg9[%get3A_1124, %get3A_1125, %get3A_1126] {strides = array<i32>} : memref<10x80x128xbf16, #tpu.memory_space<vmem>>, vector<32xbf16>,
      %mul3A_1128 = arith.mulf %get3A_1127, %get3A_1127 : vector<32xbf16>
      %unpack3A_1129 = tpu.unpack_subelements %mul3A_1128, 0 {pack_format = #tpu.pack_format<interleaved>} : vector<32xbf16> -> vector<16xf32>
      %unpack3A_1130 = tpu.unpack_subelements %mul3A_1128, 1 {pack_format = #tpu.pack_format<interleaved>} : vector<32xbf16> -> vector<16xf32>
      %add3A_1131 = arith.addf %add3A_1122, %unpack3A_1129 : vector<16xf32>
      %add3A_1132 = arith.addf %add3A_1131, %unpack3A_1130 : vector<16xf32>
      %broadcast_in_dim3A_1133 = arith.constant true
      %broadcast_in_dim3A_1134 = vector.broadcast %broadcast_in_dim3A_1133 : i1 to vector<16xi1>
      %masked_cumsum3A_1135 = tpu.scan <sum>, %add3A_1132 masked %broadcast_in_dim3A_1134 : vector<16xf32>, vector<16xi1> -> vector<16xf32>
      %reshape3A_1136 = vector.shape_cast %broadcast_in_dim3A_272 : vector<16xi32> to vector<16x1xi32>
      %gather3A_1137 = vector.shape_cast %reshape3A_1136 : vector<16x1xi32> to vector<16xi32>
      %gather3A_1138 = tpu.dynamic_gather %masked_cumsum3A_1135[%gather3A_1137] in [0] : vector<16xf32>, vector<16xi32> -> vector<16xf32>
      %eq3A_1139 = arith.constant 0 : i32
      %eq3A_1140 = vector.broadcast %eq3A_1139 : i32 to vector<16xi32>
      %eq3A_1141 = arith.cmpi eq, %iota3A, %eq3A_1140 : vector<16xi32>
      %select_n3A_1142 = arith.select %eq3A_1141, %gather3A_1138, %broadcast_in_dim3A_1093 : vector<16xi1>, vector<16xf32>
      %get3A_1143 = arith.constant 17 : i32
      %get3A_1144 = arith.index_cast %rem3A_245 : i32 to index
      %get3A_1145 = arith.index_cast %get3A_1143 : i32 to index
      %get3A_1146 = arith.constant 0 : index
      %get3A_1147 = tpu.vector_load %arg9[%get3A_1144, %get3A_1145, %get3A_1146] {strides = array<i32>} : memref<10x80x128xbf16, #tpu.memory_space<vmem>>, vector<32xbf16>,
      %mul3A_1148 = arith.mulf %get3A_1147, %get3A_1147 : vector<32xbf16>
      %unpack3A_1149 = tpu.unpack_subelements %mul3A_1148, 0 {pack_format = #tpu.pack_format<interleaved>} : vector<32xbf16> -> vector<16xf32>
      %unpack3A_1150 = tpu.unpack_subelements %mul3A_1148, 1 {pack_format = #tpu.pack_format<interleaved>} : vector<32xbf16> -> vector<16xf32>
      %add3A_1151 = arith.addf %unpack3A_1149, %unpack3A_1150 : vector<16xf32>
      %get3A_1152 = arith.constant 17 : i32
      %get3A_1153 = arith.index_cast %rem3A_245 : i32 to index
      %get3A_1154 = arith.index_cast %get3A_1152 : i32 to index
      %get3A_1155 = arith.constant 32 : index
      %get3A_1156 = tpu.vector_load %arg9[%get3A_1153, %get3A_1154, %get3A_1155] {strides = array<i32>} : memref<10x80x128xbf16, #tpu.memory_space<vmem>>, vector<32xbf16>,
      %mul3A_1157 = arith.mulf %get3A_1156, %get3A_1156 : vector<32xbf16>
      %unpack3A_1158 = tpu.unpack_subelements %mul3A_1157, 0 {pack_format = #tpu.pack_format<interleaved>} : vector<32xbf16> -> vector<16xf32>
      %unpack3A_1159 = tpu.unpack_subelements %mul3A_1157, 1 {pack_format = #tpu.pack_format<interleaved>} : vector<32xbf16> -> vector<16xf32>
      %add3A_1160 = arith.addf %add3A_1151, %unpack3A_1158 : vector<16xf32>
      %add3A_1161 = arith.addf %add3A_1160, %unpack3A_1159 : vector<16xf32>
      %get3A_1162 = arith.constant 17 : i32
      %get3A_1163 = arith.index_cast %rem3A_245 : i32 to index
      %get3A_1164 = arith.index_cast %get3A_1162 : i32 to index
      %get3A_1165 = arith.constant 64 : index
      %get3A_1166 = tpu.vector_load %arg9[%get3A_1163, %get3A_1164, %get3A_1165] {strides = array<i32>} : memref<10x80x128xbf16, #tpu.memory_space<vmem>>, vector<32xbf16>,
      %mul3A_1167 = arith.mulf %get3A_1166, %get3A_1166 : vector<32xbf16>
      %unpack3A_1168 = tpu.unpack_subelements %mul3A_1167, 0 {pack_format = #tpu.pack_format<interleaved>} : vector<32xbf16> -> vector<16xf32>
      %unpack3A_1169 = tpu.unpack_subelements %mul3A_1167, 1 {pack_format = #tpu.pack_format<interleaved>} : vector<32xbf16> -> vector<16xf32>
      %add3A_1170 = arith.addf %add3A_1161, %unpack3A_1168 : vector<16xf32>
      %add3A_1171 = arith.addf %add3A_1170, %unpack3A_1169 : vector<16xf32>
      %get3A_1172 = arith.constant 17 : i32
      %get3A_1173 = arith.index_cast %rem3A_245 : i32 to index
      %get3A_1174 = arith.index_cast %get3A_1172 : i32 to index
      %get3A_1175 = arith.constant 96 : index
      %get3A_1176 = tpu.vector_load %arg9[%get3A_1173, %get3A_1174, %get3A_1175] {strides = array<i32>} : memref<10x80x128xbf16, #tpu.memory_space<vmem>>, vector<32xbf16>,
      %mul3A_1177 = arith.mulf %get3A_1176, %get3A_1176 : vector<32xbf16>
      %unpack3A_1178 = tpu.unpack_subelements %mul3A_1177, 0 {pack_format = #tpu.pack_format<interleaved>} : vector<32xbf16> -> vector<16xf32>
      %unpack3A_1179 = tpu.unpack_subelements %mul3A_1177, 1 {pack_format = #tpu.pack_format<interleaved>} : vector<32xbf16> -> vector<16xf32>
      %add3A_1180 = arith.addf %add3A_1171, %unpack3A_1178 : vector<16xf32>
      %add3A_1181 = arith.addf %add3A_1180, %unpack3A_1179 : vector<16xf32>
      %broadcast_in_dim3A_1182 = arith.constant true
      %broadcast_in_dim3A_1183 = vector.broadcast %broadcast_in_dim3A_1182 : i1 to vector<16xi1>
      %masked_cumsum3A_1184 = tpu.scan <sum>, %add3A_1181 masked %broadcast_in_dim3A_1183 : vector<16xf32>, vector<16xi1> -> vector<16xf32>
      %reshape3A_1185 = vector.shape_cast %broadcast_in_dim3A_272 : vector<16xi32> to vector<16x1xi32>
      %gather3A_1186 = vector.shape_cast %reshape3A_1185 : vector<16x1xi32> to vector<16xi32>
      %gather3A_1187 = tpu.dynamic_gather %masked_cumsum3A_1184[%gather3A_1186] in [0] : vector<16xf32>, vector<16xi32> -> vector<16xf32>
      %eq3A_1188 = arith.constant 1 : i32
      %eq3A_1189 = vector.broadcast %eq3A_1188 : i32 to vector<16xi32>
      %eq3A_1190 = arith.cmpi eq, %iota3A, %eq3A_1189 : vector<16xi32>
      %select_n3A_1191 = arith.select %eq3A_1190, %gather3A_1187, %select_n3A_1142 : vector<16xi1>, vector<16xf32>
      %get3A_1192 = arith.constant 18 : i32
      %get3A_1193 = arith.index_cast %rem3A_245 : i32 to index
      %get3A_1194 = arith.index_cast %get3A_1192 : i32 to index
      %get3A_1195 = arith.constant 0 : index
      %get3A_1196 = tpu.vector_load %arg9[%get3A_1193, %get3A_1194, %get3A_1195] {strides = array<i32>} : memref<10x80x128xbf16, #tpu.memory_space<vmem>>, vector<32xbf16>,
      %mul3A_1197 = arith.mulf %get3A_1196, %get3A_1196 : vector<32xbf16>
      %unpack3A_1198 = tpu.unpack_subelements %mul3A_1197, 0 {pack_format = #tpu.pack_format<interleaved>} : vector<32xbf16> -> vector<16xf32>
      %unpack3A_1199 = tpu.unpack_subelements %mul3A_1197, 1 {pack_format = #tpu.pack_format<interleaved>} : vector<32xbf16> -> vector<16xf32>
      %add3A_1200 = arith.addf %unpack3A_1198, %unpack3A_1199 : vector<16xf32>
      %get3A_1201 = arith.constant 18 : i32
      %get3A_1202 = arith.index_cast %rem3A_245 : i32 to index
      %get3A_1203 = arith.index_cast %get3A_1201 : i32 to index
      %get3A_1204 = arith.constant 32 : index
      %get3A_1205 = tpu.vector_load %arg9[%get3A_1202, %get3A_1203, %get3A_1204] {strides = array<i32>} : memref<10x80x128xbf16, #tpu.memory_space<vmem>>, vector<32xbf16>,
      %mul3A_1206 = arith.mulf %get3A_1205, %get3A_1205 : vector<32xbf16>
      %unpack3A_1207 = tpu.unpack_subelements %mul3A_1206, 0 {pack_format = #tpu.pack_format<interleaved>} : vector<32xbf16> -> vector<16xf32>
      %unpack3A_1208 = tpu.unpack_subelements %mul3A_1206, 1 {pack_format = #tpu.pack_format<interleaved>} : vector<32xbf16> -> vector<16xf32>
      %add3A_1209 = arith.addf %add3A_1200, %unpack3A_1207 : vector<16xf32>
      %add3A_1210 = arith.addf %add3A_1209, %unpack3A_1208 : vector<16xf32>
      %get3A_1211 = arith.constant 18 : i32
      %get3A_1212 = arith.index_cast %rem3A_245 : i32 to index
      %get3A_1213 = arith.index_cast %get3A_1211 : i32 to index
      %get3A_1214 = arith.constant 64 : index
      %get3A_1215 = tpu.vector_load %arg9[%get3A_1212, %get3A_1213, %get3A_1214] {strides = array<i32>} : memref<10x80x128xbf16, #tpu.memory_space<vmem>>, vector<32xbf16>,
      %mul3A_1216 = arith.mulf %get3A_1215, %get3A_1215 : vector<32xbf16>
      %unpack3A_1217 = tpu.unpack_subelements %mul3A_1216, 0 {pack_format = #tpu.pack_format<interleaved>} : vector<32xbf16> -> vector<16xf32>
      %unpack3A_1218 = tpu.unpack_subelements %mul3A_1216, 1 {pack_format = #tpu.pack_format<interleaved>} : vector<32xbf16> -> vector<16xf32>
      %add3A_1219 = arith.addf %add3A_1210, %unpack3A_1217 : vector<16xf32>
      %add3A_1220 = arith.addf %add3A_1219, %unpack3A_1218 : vector<16xf32>
      %get3A_1221 = arith.constant 18 : i32
      %get3A_1222 = arith.index_cast %rem3A_245 : i32 to index
      %get3A_1223 = arith.index_cast %get3A_1221 : i32 to index
      %get3A_1224 = arith.constant 96 : index
      %get3A_1225 = tpu.vector_load %arg9[%get3A_1222, %get3A_1223, %get3A_1224] {strides = array<i32>} : memref<10x80x128xbf16, #tpu.memory_space<vmem>>, vector<32xbf16>,
      %mul3A_1226 = arith.mulf %get3A_1225, %get3A_1225 : vector<32xbf16>
      %unpack3A_1227 = tpu.unpack_subelements %mul3A_1226, 0 {pack_format = #tpu.pack_format<interleaved>} : vector<32xbf16> -> vector<16xf32>
      %unpack3A_1228 = tpu.unpack_subelements %mul3A_1226, 1 {pack_format = #tpu.pack_format<interleaved>} : vector<32xbf16> -> vector<16xf32>
      %add3A_1229 = arith.addf %add3A_1220, %unpack3A_1227 : vector<16xf32>
      %add3A_1230 = arith.addf %add3A_1229, %unpack3A_1228 : vector<16xf32>
      %broadcast_in_dim3A_1231 = arith.constant true
      %broadcast_in_dim3A_1232 = vector.broadcast %broadcast_in_dim3A_1231 : i1 to vector<16xi1>
      %masked_cumsum3A_1233 = tpu.scan <sum>, %add3A_1230 masked %broadcast_in_dim3A_1232 : vector<16xf32>, vector<16xi1> -> vector<16xf32>
      %reshape3A_1234 = vector.shape_cast %broadcast_in_dim3A_272 : vector<16xi32> to vector<16x1xi32>
      %gather3A_1235 = vector.shape_cast %reshape3A_1234 : vector<16x1xi32> to vector<16xi32>
      %gather3A_1236 = tpu.dynamic_gather %masked_cumsum3A_1233[%gather3A_1235] in [0] : vector<16xf32>, vector<16xi32> -> vector<16xf32>
      %eq3A_1237 = arith.constant 2 : i32
      %eq3A_1238 = vector.broadcast %eq3A_1237 : i32 to vector<16xi32>
      %eq3A_1239 = arith.cmpi eq, %iota3A, %eq3A_1238 : vector<16xi32>
      %select_n3A_1240 = arith.select %eq3A_1239, %gather3A_1236, %select_n3A_1191 : vector<16xi1>, vector<16xf32>
      %get3A_1241 = arith.constant 19 : i32
      %get3A_1242 = arith.index_cast %rem3A_245 : i32 to index
      %get3A_1243 = arith.index_cast %get3A_1241 : i32 to index
      %get3A_1244 = arith.constant 0 : index
      %get3A_1245 = tpu.vector_load %arg9[%get3A_1242, %get3A_1243, %get3A_1244] {strides = array<i32>} : memref<10x80x128xbf16, #tpu.memory_space<vmem>>, vector<32xbf16>,
      %mul3A_1246 = arith.mulf %get3A_1245, %get3A_1245 : vector<32xbf16>
      %unpack3A_1247 = tpu.unpack_subelements %mul3A_1246, 0 {pack_format = #tpu.pack_format<interleaved>} : vector<32xbf16> -> vector<16xf32>
      %unpack3A_1248 = tpu.unpack_subelements %mul3A_1246, 1 {pack_format = #tpu.pack_format<interleaved>} : vector<32xbf16> -> vector<16xf32>
      %add3A_1249 = arith.addf %unpack3A_1247, %unpack3A_1248 : vector<16xf32>
      %get3A_1250 = arith.constant 19 : i32
      %get3A_1251 = arith.index_cast %rem3A_245 : i32 to index
      %get3A_1252 = arith.index_cast %get3A_1250 : i32 to index
      %get3A_1253 = arith.constant 32 : index
      %get3A_1254 = tpu.vector_load %arg9[%get3A_1251, %get3A_1252, %get3A_1253] {strides = array<i32>} : memref<10x80x128xbf16, #tpu.memory_space<vmem>>, vector<32xbf16>,
      %mul3A_1255 = arith.mulf %get3A_1254, %get3A_1254 : vector<32xbf16>
      %unpack3A_1256 = tpu.unpack_subelements %mul3A_1255, 0 {pack_format = #tpu.pack_format<interleaved>} : vector<32xbf16> -> vector<16xf32>
      %unpack3A_1257 = tpu.unpack_subelements %mul3A_1255, 1 {pack_format = #tpu.pack_format<interleaved>} : vector<32xbf16> -> vector<16xf32>
      %add3A_1258 = arith.addf %add3A_1249, %unpack3A_1256 : vector<16xf32>
      %add3A_1259 = arith.addf %add3A_1258, %unpack3A_1257 : vector<16xf32>
      %get3A_1260 = arith.constant 19 : i32
      %get3A_1261 = arith.index_cast %rem3A_245 : i32 to index
      %get3A_1262 = arith.index_cast %get3A_1260 : i32 to index
      %get3A_1263 = arith.constant 64 : index
      %get3A_1264 = tpu.vector_load %arg9[%get3A_1261, %get3A_1262, %get3A_1263] {strides = array<i32>} : memref<10x80x128xbf16, #tpu.memory_space<vmem>>, vector<32xbf16>,
      %mul3A_1265 = arith.mulf %get3A_1264, %get3A_1264 : vector<32xbf16>
      %unpack3A_1266 = tpu.unpack_subelements %mul3A_1265, 0 {pack_format = #tpu.pack_format<interleaved>} : vector<32xbf16> -> vector<16xf32>
      %unpack3A_1267 = tpu.unpack_subelements %mul3A_1265, 1 {pack_format = #tpu.pack_format<interleaved>} : vector<32xbf16> -> vector<16xf32>
      %add3A_1268 = arith.addf %add3A_1259, %unpack3A_1266 : vector<16xf32>
      %add3A_1269 = arith.addf %add3A_1268, %unpack3A_1267 : vector<16xf32>
      %get3A_1270 = arith.constant 19 : i32
      %get3A_1271 = arith.index_cast %rem3A_245 : i32 to index
      %get3A_1272 = arith.index_cast %get3A_1270 : i32 to index
      %get3A_1273 = arith.constant 96 : index
      %get3A_1274 = tpu.vector_load %arg9[%get3A_1271, %get3A_1272, %get3A_1273] {strides = array<i32>} : memref<10x80x128xbf16, #tpu.memory_space<vmem>>, vector<32xbf16>,
      %mul3A_1275 = arith.mulf %get3A_1274, %get3A_1274 : vector<32xbf16>
      %unpack3A_1276 = tpu.unpack_subelements %mul3A_1275, 0 {pack_format = #tpu.pack_format<interleaved>} : vector<32xbf16> -> vector<16xf32>
      %unpack3A_1277 = tpu.unpack_subelements %mul3A_1275, 1 {pack_format = #tpu.pack_format<interleaved>} : vector<32xbf16> -> vector<16xf32>
      %add3A_1278 = arith.addf %add3A_1269, %unpack3A_1276 : vector<16xf32>
      %add3A_1279 = arith.addf %add3A_1278, %unpack3A_1277 : vector<16xf32>
      %broadcast_in_dim3A_1280 = arith.constant true
      %broadcast_in_dim3A_1281 = vector.broadcast %broadcast_in_dim3A_1280 : i1 to vector<16xi1>
      %masked_cumsum3A_1282 = tpu.scan <sum>, %add3A_1279 masked %broadcast_in_dim3A_1281 : vector<16xf32>, vector<16xi1> -> vector<16xf32>
      %reshape3A_1283 = vector.shape_cast %broadcast_in_dim3A_272 : vector<16xi32> to vector<16x1xi32>
      %gather3A_1284 = vector.shape_cast %reshape3A_1283 : vector<16x1xi32> to vector<16xi32>
      %gather3A_1285 = tpu.dynamic_gather %masked_cumsum3A_1282[%gather3A_1284] in [0] : vector<16xf32>, vector<16xi32> -> vector<16xf32>
      %eq3A_1286 = arith.constant 3 : i32
      %eq3A_1287 = vector.broadcast %eq3A_1286 : i32 to vector<16xi32>
      %eq3A_1288 = arith.cmpi eq, %iota3A, %eq3A_1287 : vector<16xi32>
      %select_n3A_1289 = arith.select %eq3A_1288, %gather3A_1285, %select_n3A_1240 : vector<16xi1>, vector<16xf32>
      %get3A_1290 = arith.constant 20 : i32
      %get3A_1291 = arith.index_cast %rem3A_245 : i32 to index
      %get3A_1292 = arith.index_cast %get3A_1290 : i32 to index
      %get3A_1293 = arith.constant 0 : index
      %get3A_1294 = tpu.vector_load %arg9[%get3A_1291, %get3A_1292, %get3A_1293] {strides = array<i32>} : memref<10x80x128xbf16, #tpu.memory_space<vmem>>, vector<32xbf16>,
      %mul3A_1295 = arith.mulf %get3A_1294, %get3A_1294 : vector<32xbf16>
      %unpack3A_1296 = tpu.unpack_subelements %mul3A_1295, 0 {pack_format = #tpu.pack_format<interleaved>} : vector<32xbf16> -> vector<16xf32>
      %unpack3A_1297 = tpu.unpack_subelements %mul3A_1295, 1 {pack_format = #tpu.pack_format<interleaved>} : vector<32xbf16> -> vector<16xf32>
      %add3A_1298 = arith.addf %unpack3A_1296, %unpack3A_1297 : vector<16xf32>
      %get3A_1299 = arith.constant 20 : i32
      %get3A_1300 = arith.index_cast %rem3A_245 : i32 to index
      %get3A_1301 = arith.index_cast %get3A_1299 : i32 to index
      %get3A_1302 = arith.constant 32 : index
      %get3A_1303 = tpu.vector_load %arg9[%get3A_1300, %get3A_1301, %get3A_1302] {strides = array<i32>} : memref<10x80x128xbf16, #tpu.memory_space<vmem>>, vector<32xbf16>,
      %mul3A_1304 = arith.mulf %get3A_1303, %get3A_1303 : vector<32xbf16>
      %unpack3A_1305 = tpu.unpack_subelements %mul3A_1304, 0 {pack_format = #tpu.pack_format<interleaved>} : vector<32xbf16> -> vector<16xf32>
      %unpack3A_1306 = tpu.unpack_subelements %mul3A_1304, 1 {pack_format = #tpu.pack_format<interleaved>} : vector<32xbf16> -> vector<16xf32>
      %add3A_1307 = arith.addf %add3A_1298, %unpack3A_1305 : vector<16xf32>
      %add3A_1308 = arith.addf %add3A_1307, %unpack3A_1306 : vector<16xf32>
      %get3A_1309 = arith.constant 20 : i32
      %get3A_1310 = arith.index_cast %rem3A_245 : i32 to index
      %get3A_1311 = arith.index_cast %get3A_1309 : i32 to index
      %get3A_1312 = arith.constant 64 : index
      %get3A_1313 = tpu.vector_load %arg9[%get3A_1310, %get3A_1311, %get3A_1312] {strides = array<i32>} : memref<10x80x128xbf16, #tpu.memory_space<vmem>>, vector<32xbf16>,
      %mul3A_1314 = arith.mulf %get3A_1313, %get3A_1313 : vector<32xbf16>
      %unpack3A_1315 = tpu.unpack_subelements %mul3A_1314, 0 {pack_format = #tpu.pack_format<interleaved>} : vector<32xbf16> -> vector<16xf32>
      %unpack3A_1316 = tpu.unpack_subelements %mul3A_1314, 1 {pack_format = #tpu.pack_format<interleaved>} : vector<32xbf16> -> vector<16xf32>
      %add3A_1317 = arith.addf %add3A_1308, %unpack3A_1315 : vector<16xf32>
      %add3A_1318 = arith.addf %add3A_1317, %unpack3A_1316 : vector<16xf32>
      %get3A_1319 = arith.constant 20 : i32
      %get3A_1320 = arith.index_cast %rem3A_245 : i32 to index
      %get3A_1321 = arith.index_cast %get3A_1319 : i32 to index
      %get3A_1322 = arith.constant 96 : index
      %get3A_1323 = tpu.vector_load %arg9[%get3A_1320, %get3A_1321, %get3A_1322] {strides = array<i32>} : memref<10x80x128xbf16, #tpu.memory_space<vmem>>, vector<32xbf16>,
      %mul3A_1324 = arith.mulf %get3A_1323, %get3A_1323 : vector<32xbf16>
      %unpack3A_1325 = tpu.unpack_subelements %mul3A_1324, 0 {pack_format = #tpu.pack_format<interleaved>} : vector<32xbf16> -> vector<16xf32>
      %unpack3A_1326 = tpu.unpack_subelements %mul3A_1324, 1 {pack_format = #tpu.pack_format<interleaved>} : vector<32xbf16> -> vector<16xf32>
      %add3A_1327 = arith.addf %add3A_1318, %unpack3A_1325 : vector<16xf32>
      %add3A_1328 = arith.addf %add3A_1327, %unpack3A_1326 : vector<16xf32>
      %broadcast_in_dim3A_1329 = arith.constant true
      %broadcast_in_dim3A_1330 = vector.broadcast %broadcast_in_dim3A_1329 : i1 to vector<16xi1>
      %masked_cumsum3A_1331 = tpu.scan <sum>, %add3A_1328 masked %broadcast_in_dim3A_1330 : vector<16xf32>, vector<16xi1> -> vector<16xf32>
      %reshape3A_1332 = vector.shape_cast %broadcast_in_dim3A_272 : vector<16xi32> to vector<16x1xi32>
      %gather3A_1333 = vector.shape_cast %reshape3A_1332 : vector<16x1xi32> to vector<16xi32>
      %gather3A_1334 = tpu.dynamic_gather %masked_cumsum3A_1331[%gather3A_1333] in [0] : vector<16xf32>, vector<16xi32> -> vector<16xf32>
      %eq3A_1335 = arith.constant 4 : i32
      %eq3A_1336 = vector.broadcast %eq3A_1335 : i32 to vector<16xi32>
      %eq3A_1337 = arith.cmpi eq, %iota3A, %eq3A_1336 : vector<16xi32>
      %select_n3A_1338 = arith.select %eq3A_1337, %gather3A_1334, %select_n3A_1289 : vector<16xi1>, vector<16xf32>
      %get3A_1339 = arith.constant 21 : i32
      %get3A_1340 = arith.index_cast %rem3A_245 : i32 to index
      %get3A_1341 = arith.index_cast %get3A_1339 : i32 to index
      %get3A_1342 = arith.constant 0 : index
      %get3A_1343 = tpu.vector_load %arg9[%get3A_1340, %get3A_1341, %get3A_1342] {strides = array<i32>} : memref<10x80x128xbf16, #tpu.memory_space<vmem>>, vector<32xbf16>,
      %mul3A_1344 = arith.mulf %get3A_1343, %get3A_1343 : vector<32xbf16>
      %unpack3A_1345 = tpu.unpack_subelements %mul3A_1344, 0 {pack_format = #tpu.pack_format<interleaved>} : vector<32xbf16> -> vector<16xf32>
      %unpack3A_1346 = tpu.unpack_subelements %mul3A_1344, 1 {pack_format = #tpu.pack_format<interleaved>} : vector<32xbf16> -> vector<16xf32>
      %add3A_1347 = arith.addf %unpack3A_1345, %unpack3A_1346 : vector<16xf32>
      %get3A_1348 = arith.constant 21 : i32
      %get3A_1349 = arith.index_cast %rem3A_245 : i32 to index
      %get3A_1350 = arith.index_cast %get3A_1348 : i32 to index
      %get3A_1351 = arith.constant 32 : index
      %get3A_1352 = tpu.vector_load %arg9[%get3A_1349, %get3A_1350, %get3A_1351] {strides = array<i32>} : memref<10x80x128xbf16, #tpu.memory_space<vmem>>, vector<32xbf16>,
      %mul3A_1353 = arith.mulf %get3A_1352, %get3A_1352 : vector<32xbf16>
      %unpack3A_1354 = tpu.unpack_subelements %mul3A_1353, 0 {pack_format = #tpu.pack_format<interleaved>} : vector<32xbf16> -> vector<16xf32>
      %unpack3A_1355 = tpu.unpack_subelements %mul3A_1353, 1 {pack_format = #tpu.pack_format<interleaved>} : vector<32xbf16> -> vector<16xf32>
      %add3A_1356 = arith.addf %add3A_1347, %unpack3A_1354 : vector<16xf32>
      %add3A_1357 = arith.addf %add3A_1356, %unpack3A_1355 : vector<16xf32>
      %get3A_1358 = arith.constant 21 : i32
      %get3A_1359 = arith.index_cast %rem3A_245 : i32 to index
      %get3A_1360 = arith.index_cast %get3A_1358 : i32 to index
      %get3A_1361 = arith.constant 64 : index
      %get3A_1362 = tpu.vector_load %arg9[%get3A_1359, %get3A_1360, %get3A_1361] {strides = array<i32>} : memref<10x80x128xbf16, #tpu.memory_space<vmem>>, vector<32xbf16>,
      %mul3A_1363 = arith.mulf %get3A_1362, %get3A_1362 : vector<32xbf16>
      %unpack3A_1364 = tpu.unpack_subelements %mul3A_1363, 0 {pack_format = #tpu.pack_format<interleaved>} : vector<32xbf16> -> vector<16xf32>
      %unpack3A_1365 = tpu.unpack_subelements %mul3A_1363, 1 {pack_format = #tpu.pack_format<interleaved>} : vector<32xbf16> -> vector<16xf32>
      %add3A_1366 = arith.addf %add3A_1357, %unpack3A_1364 : vector<16xf32>
      %add3A_1367 = arith.addf %add3A_1366, %unpack3A_1365 : vector<16xf32>
      %get3A_1368 = arith.constant 21 : i32
      %get3A_1369 = arith.index_cast %rem3A_245 : i32 to index
      %get3A_1370 = arith.index_cast %get3A_1368 : i32 to index
      %get3A_1371 = arith.constant 96 : index
      %get3A_1372 = tpu.vector_load %arg9[%get3A_1369, %get3A_1370, %get3A_1371] {strides = array<i32>} : memref<10x80x128xbf16, #tpu.memory_space<vmem>>, vector<32xbf16>,
      %mul3A_1373 = arith.mulf %get3A_1372, %get3A_1372 : vector<32xbf16>
      %unpack3A_1374 = tpu.unpack_subelements %mul3A_1373, 0 {pack_format = #tpu.pack_format<interleaved>} : vector<32xbf16> -> vector<16xf32>
      %unpack3A_1375 = tpu.unpack_subelements %mul3A_1373, 1 {pack_format = #tpu.pack_format<interleaved>} : vector<32xbf16> -> vector<16xf32>
      %add3A_1376 = arith.addf %add3A_1367, %unpack3A_1374 : vector<16xf32>
      %add3A_1377 = arith.addf %add3A_1376, %unpack3A_1375 : vector<16xf32>
      %broadcast_in_dim3A_1378 = arith.constant true
      %broadcast_in_dim3A_1379 = vector.broadcast %broadcast_in_dim3A_1378 : i1 to vector<16xi1>
      %masked_cumsum3A_1380 = tpu.scan <sum>, %add3A_1377 masked %broadcast_in_dim3A_1379 : vector<16xf32>, vector<16xi1> -> vector<16xf32>
      %reshape3A_1381 = vector.shape_cast %broadcast_in_dim3A_272 : vector<16xi32> to vector<16x1xi32>
      %gather3A_1382 = vector.shape_cast %reshape3A_1381 : vector<16x1xi32> to vector<16xi32>
      %gather3A_1383 = tpu.dynamic_gather %masked_cumsum3A_1380[%gather3A_1382] in [0] : vector<16xf32>, vector<16xi32> -> vector<16xf32>
      %eq3A_1384 = arith.constant 5 : i32
      %eq3A_1385 = vector.broadcast %eq3A_1384 : i32 to vector<16xi32>
      %eq3A_1386 = arith.cmpi eq, %iota3A, %eq3A_1385 : vector<16xi32>
      %select_n3A_1387 = arith.select %eq3A_1386, %gather3A_1383, %select_n3A_1338 : vector<16xi1>, vector<16xf32>
      %get3A_1388 = arith.constant 22 : i32
      %get3A_1389 = arith.index_cast %rem3A_245 : i32 to index
      %get3A_1390 = arith.index_cast %get3A_1388 : i32 to index
      %get3A_1391 = arith.constant 0 : index
      %get3A_1392 = tpu.vector_load %arg9[%get3A_1389, %get3A_1390, %get3A_1391] {strides = array<i32>} : memref<10x80x128xbf16, #tpu.memory_space<vmem>>, vector<32xbf16>,
      %mul3A_1393 = arith.mulf %get3A_1392, %get3A_1392 : vector<32xbf16>
      %unpack3A_1394 = tpu.unpack_subelements %mul3A_1393, 0 {pack_format = #tpu.pack_format<interleaved>} : vector<32xbf16> -> vector<16xf32>
      %unpack3A_1395 = tpu.unpack_subelements %mul3A_1393, 1 {pack_format = #tpu.pack_format<interleaved>} : vector<32xbf16> -> vector<16xf32>
      %add3A_1396 = arith.addf %unpack3A_1394, %unpack3A_1395 : vector<16xf32>
      %get3A_1397 = arith.constant 22 : i32
      %get3A_1398 = arith.index_cast %rem3A_245 : i32 to index
      %get3A_1399 = arith.index_cast %get3A_1397 : i32 to index
      %get3A_1400 = arith.constant 32 : index
      %get3A_1401 = tpu.vector_load %arg9[%get3A_1398, %get3A_1399, %get3A_1400] {strides = array<i32>} : memref<10x80x128xbf16, #tpu.memory_space<vmem>>, vector<32xbf16>,
      %mul3A_1402 = arith.mulf %get3A_1401, %get3A_1401 : vector<32xbf16>
      %unpack3A_1403 = tpu.unpack_subelements %mul3A_1402, 0 {pack_format = #tpu.pack_format<interleaved>} : vector<32xbf16> -> vector<16xf32>
      %unpack3A_1404 = tpu.unpack_subelements %mul3A_1402, 1 {pack_format = #tpu.pack_format<interleaved>} : vector<32xbf16> -> vector<16xf32>
      %add3A_1405 = arith.addf %add3A_1396, %unpack3A_1403 : vector<16xf32>
      %add3A_1406 = arith.addf %add3A_1405, %unpack3A_1404 : vector<16xf32>
      %get3A_1407 = arith.constant 22 : i32
      %get3A_1408 = arith.index_cast %rem3A_245 : i32 to index
      %get3A_1409 = arith.index_cast %get3A_1407 : i32 to index
      %get3A_1410 = arith.constant 64 : index
      %get3A_1411 = tpu.vector_load %arg9[%get3A_1408, %get3A_1409, %get3A_1410] {strides = array<i32>} : memref<10x80x128xbf16, #tpu.memory_space<vmem>>, vector<32xbf16>,
      %mul3A_1412 = arith.mulf %get3A_1411, %get3A_1411 : vector<32xbf16>
      %unpack3A_1413 = tpu.unpack_subelements %mul3A_1412, 0 {pack_format = #tpu.pack_format<interleaved>} : vector<32xbf16> -> vector<16xf32>
      %unpack3A_1414 = tpu.unpack_subelements %mul3A_1412, 1 {pack_format = #tpu.pack_format<interleaved>} : vector<32xbf16> -> vector<16xf32>
      %add3A_1415 = arith.addf %add3A_1406, %unpack3A_1413 : vector<16xf32>
      %add3A_1416 = arith.addf %add3A_1415, %unpack3A_1414 : vector<16xf32>
      %get3A_1417 = arith.constant 22 : i32
      %get3A_1418 = arith.index_cast %rem3A_245 : i32 to index
      %get3A_1419 = arith.index_cast %get3A_1417 : i32 to index
      %get3A_1420 = arith.constant 96 : index
      %get3A_1421 = tpu.vector_load %arg9[%get3A_1418, %get3A_1419, %get3A_1420] {strides = array<i32>} : memref<10x80x128xbf16, #tpu.memory_space<vmem>>, vector<32xbf16>,
      %mul3A_1422 = arith.mulf %get3A_1421, %get3A_1421 : vector<32xbf16>
      %unpack3A_1423 = tpu.unpack_subelements %mul3A_1422, 0 {pack_format = #tpu.pack_format<interleaved>} : vector<32xbf16> -> vector<16xf32>
      %unpack3A_1424 = tpu.unpack_subelements %mul3A_1422, 1 {pack_format = #tpu.pack_format<interleaved>} : vector<32xbf16> -> vector<16xf32>
      %add3A_1425 = arith.addf %add3A_1416, %unpack3A_1423 : vector<16xf32>
      %add3A_1426 = arith.addf %add3A_1425, %unpack3A_1424 : vector<16xf32>
      %broadcast_in_dim3A_1427 = arith.constant true
      %broadcast_in_dim3A_1428 = vector.broadcast %broadcast_in_dim3A_1427 : i1 to vector<16xi1>
      %masked_cumsum3A_1429 = tpu.scan <sum>, %add3A_1426 masked %broadcast_in_dim3A_1428 : vector<16xf32>, vector<16xi1> -> vector<16xf32>
      %reshape3A_1430 = vector.shape_cast %broadcast_in_dim3A_272 : vector<16xi32> to vector<16x1xi32>
      %gather3A_1431 = vector.shape_cast %reshape3A_1430 : vector<16x1xi32> to vector<16xi32>
      %gather3A_1432 = tpu.dynamic_gather %masked_cumsum3A_1429[%gather3A_1431] in [0] : vector<16xf32>, vector<16xi32> -> vector<16xf32>
      %eq3A_1433 = arith.constant 6 : i32
      %eq3A_1434 = vector.broadcast %eq3A_1433 : i32 to vector<16xi32>
      %eq3A_1435 = arith.cmpi eq, %iota3A, %eq3A_1434 : vector<16xi32>
      %select_n3A_1436 = arith.select %eq3A_1435, %gather3A_1432, %select_n3A_1387 : vector<16xi1>, vector<16xf32>
      %get3A_1437 = arith.constant 23 : i32
      %get3A_1438 = arith.index_cast %rem3A_245 : i32 to index
      %get3A_1439 = arith.index_cast %get3A_1437 : i32 to index
      %get3A_1440 = arith.constant 0 : index
      %get3A_1441 = tpu.vector_load %arg9[%get3A_1438, %get3A_1439, %get3A_1440] {strides = array<i32>} : memref<10x80x128xbf16, #tpu.memory_space<vmem>>, vector<32xbf16>,
      %mul3A_1442 = arith.mulf %get3A_1441, %get3A_1441 : vector<32xbf16>
      %unpack3A_1443 = tpu.unpack_subelements %mul3A_1442, 0 {pack_format = #tpu.pack_format<interleaved>} : vector<32xbf16> -> vector<16xf32>
      %unpack3A_1444 = tpu.unpack_subelements %mul3A_1442, 1 {pack_format = #tpu.pack_format<interleaved>} : vector<32xbf16> -> vector<16xf32>
      %add3A_1445 = arith.addf %unpack3A_1443, %unpack3A_1444 : vector<16xf32>
      %get3A_1446 = arith.constant 23 : i32
      %get3A_1447 = arith.index_cast %rem3A_245 : i32 to index
      %get3A_1448 = arith.index_cast %get3A_1446 : i32 to index
      %get3A_1449 = arith.constant 32 : index
      %get3A_1450 = tpu.vector_load %arg9[%get3A_1447, %get3A_1448, %get3A_1449] {strides = array<i32>} : memref<10x80x128xbf16, #tpu.memory_space<vmem>>, vector<32xbf16>,
      %mul3A_1451 = arith.mulf %get3A_1450, %get3A_1450 : vector<32xbf16>
      %unpack3A_1452 = tpu.unpack_subelements %mul3A_1451, 0 {pack_format = #tpu.pack_format<interleaved>} : vector<32xbf16> -> vector<16xf32>
      %unpack3A_1453 = tpu.unpack_subelements %mul3A_1451, 1 {pack_format = #tpu.pack_format<interleaved>} : vector<32xbf16> -> vector<16xf32>
      %add3A_1454 = arith.addf %add3A_1445, %unpack3A_1452 : vector<16xf32>
      %add3A_1455 = arith.addf %add3A_1454, %unpack3A_1453 : vector<16xf32>
      %get3A_1456 = arith.constant 23 : i32
      %get3A_1457 = arith.index_cast %rem3A_245 : i32 to index
      %get3A_1458 = arith.index_cast %get3A_1456 : i32 to index
      %get3A_1459 = arith.constant 64 : index
      %get3A_1460 = tpu.vector_load %arg9[%get3A_1457, %get3A_1458, %get3A_1459] {strides = array<i32>} : memref<10x80x128xbf16, #tpu.memory_space<vmem>>, vector<32xbf16>,
      %mul3A_1461 = arith.mulf %get3A_1460, %get3A_1460 : vector<32xbf16>
      %unpack3A_1462 = tpu.unpack_subelements %mul3A_1461, 0 {pack_format = #tpu.pack_format<interleaved>} : vector<32xbf16> -> vector<16xf32>
      %unpack3A_1463 = tpu.unpack_subelements %mul3A_1461, 1 {pack_format = #tpu.pack_format<interleaved>} : vector<32xbf16> -> vector<16xf32>
      %add3A_1464 = arith.addf %add3A_1455, %unpack3A_1462 : vector<16xf32>
      %add3A_1465 = arith.addf %add3A_1464, %unpack3A_1463 : vector<16xf32>
      %get3A_1466 = arith.constant 23 : i32
      %get3A_1467 = arith.index_cast %rem3A_245 : i32 to index
      %get3A_1468 = arith.index_cast %get3A_1466 : i32 to index
      %get3A_1469 = arith.constant 96 : index
      %get3A_1470 = tpu.vector_load %arg9[%get3A_1467, %get3A_1468, %get3A_1469] {strides = array<i32>} : memref<10x80x128xbf16, #tpu.memory_space<vmem>>, vector<32xbf16>,
      %mul3A_1471 = arith.mulf %get3A_1470, %get3A_1470 : vector<32xbf16>
      %unpack3A_1472 = tpu.unpack_subelements %mul3A_1471, 0 {pack_format = #tpu.pack_format<interleaved>} : vector<32xbf16> -> vector<16xf32>
      %unpack3A_1473 = tpu.unpack_subelements %mul3A_1471, 1 {pack_format = #tpu.pack_format<interleaved>} : vector<32xbf16> -> vector<16xf32>
      %add3A_1474 = arith.addf %add3A_1465, %unpack3A_1472 : vector<16xf32>
      %add3A_1475 = arith.addf %add3A_1474, %unpack3A_1473 : vector<16xf32>
      %broadcast_in_dim3A_1476 = arith.constant true
      %broadcast_in_dim3A_1477 = vector.broadcast %broadcast_in_dim3A_1476 : i1 to vector<16xi1>
      %masked_cumsum3A_1478 = tpu.scan <sum>, %add3A_1475 masked %broadcast_in_dim3A_1477 : vector<16xf32>, vector<16xi1> -> vector<16xf32>
      %reshape3A_1479 = vector.shape_cast %broadcast_in_dim3A_272 : vector<16xi32> to vector<16x1xi32>
      %gather3A_1480 = vector.shape_cast %reshape3A_1479 : vector<16x1xi32> to vector<16xi32>
      %gather3A_1481 = tpu.dynamic_gather %masked_cumsum3A_1478[%gather3A_1480] in [0] : vector<16xf32>, vector<16xi32> -> vector<16xf32>
      %eq3A_1482 = arith.constant 7 : i32
      %eq3A_1483 = vector.broadcast %eq3A_1482 : i32 to vector<16xi32>
      %eq3A_1484 = arith.cmpi eq, %iota3A, %eq3A_1483 : vector<16xi32>
      %select_n3A_1485 = arith.select %eq3A_1484, %gather3A_1481, %select_n3A_1436 : vector<16xi1>, vector<16xf32>
      %get3A_1486 = arith.constant 24 : i32
      %get3A_1487 = arith.index_cast %rem3A_245 : i32 to index
      %get3A_1488 = arith.index_cast %get3A_1486 : i32 to index
      %get3A_1489 = arith.constant 0 : index
      %get3A_1490 = tpu.vector_load %arg9[%get3A_1487, %get3A_1488, %get3A_1489] {strides = array<i32>} : memref<10x80x128xbf16, #tpu.memory_space<vmem>>, vector<32xbf16>,
      %mul3A_1491 = arith.mulf %get3A_1490, %get3A_1490 : vector<32xbf16>
      %unpack3A_1492 = tpu.unpack_subelements %mul3A_1491, 0 {pack_format = #tpu.pack_format<interleaved>} : vector<32xbf16> -> vector<16xf32>
      %unpack3A_1493 = tpu.unpack_subelements %mul3A_1491, 1 {pack_format = #tpu.pack_format<interleaved>} : vector<32xbf16> -> vector<16xf32>
      %add3A_1494 = arith.addf %unpack3A_1492, %unpack3A_1493 : vector<16xf32>
      %get3A_1495 = arith.constant 24 : i32
      %get3A_1496 = arith.index_cast %rem3A_245 : i32 to index
      %get3A_1497 = arith.index_cast %get3A_1495 : i32 to index
      %get3A_1498 = arith.constant 32 : index
      %get3A_1499 = tpu.vector_load %arg9[%get3A_1496, %get3A_1497, %get3A_1498] {strides = array<i32>} : memref<10x80x128xbf16, #tpu.memory_space<vmem>>, vector<32xbf16>,
      %mul3A_1500 = arith.mulf %get3A_1499, %get3A_1499 : vector<32xbf16>
      %unpack3A_1501 = tpu.unpack_subelements %mul3A_1500, 0 {pack_format = #tpu.pack_format<interleaved>} : vector<32xbf16> -> vector<16xf32>
      %unpack3A_1502 = tpu.unpack_subelements %mul3A_1500, 1 {pack_format = #tpu.pack_format<interleaved>} : vector<32xbf16> -> vector<16xf32>
      %add3A_1503 = arith.addf %add3A_1494, %unpack3A_1501 : vector<16xf32>
      %add3A_1504 = arith.addf %add3A_1503, %unpack3A_1502 : vector<16xf32>
      %get3A_1505 = arith.constant 24 : i32
      %get3A_1506 = arith.index_cast %rem3A_245 : i32 to index
      %get3A_1507 = arith.index_cast %get3A_1505 : i32 to index
      %get3A_1508 = arith.constant 64 : index
      %get3A_1509 = tpu.vector_load %arg9[%get3A_1506, %get3A_1507, %get3A_1508] {strides = array<i32>} : memref<10x80x128xbf16, #tpu.memory_space<vmem>>, vector<32xbf16>,
      %mul3A_1510 = arith.mulf %get3A_1509, %get3A_1509 : vector<32xbf16>
      %unpack3A_1511 = tpu.unpack_subelements %mul3A_1510, 0 {pack_format = #tpu.pack_format<interleaved>} : vector<32xbf16> -> vector<16xf32>
      %unpack3A_1512 = tpu.unpack_subelements %mul3A_1510, 1 {pack_format = #tpu.pack_format<interleaved>} : vector<32xbf16> -> vector<16xf32>
      %add3A_1513 = arith.addf %add3A_1504, %unpack3A_1511 : vector<16xf32>
      %add3A_1514 = arith.addf %add3A_1513, %unpack3A_1512 : vector<16xf32>
      %get3A_1515 = arith.constant 24 : i32
      %get3A_1516 = arith.index_cast %rem3A_245 : i32 to index
      %get3A_1517 = arith.index_cast %get3A_1515 : i32 to index
      %get3A_1518 = arith.constant 96 : index
      %get3A_1519 = tpu.vector_load %arg9[%get3A_1516, %get3A_1517, %get3A_1518] {strides = array<i32>} : memref<10x80x128xbf16, #tpu.memory_space<vmem>>, vector<32xbf16>,
      %mul3A_1520 = arith.mulf %get3A_1519, %get3A_1519 : vector<32xbf16>
      %unpack3A_1521 = tpu.unpack_subelements %mul3A_1520, 0 {pack_format = #tpu.pack_format<interleaved>} : vector<32xbf16> -> vector<16xf32>
      %unpack3A_1522 = tpu.unpack_subelements %mul3A_1520, 1 {pack_format = #tpu.pack_format<interleaved>} : vector<32xbf16> -> vector<16xf32>
      %add3A_1523 = arith.addf %add3A_1514, %unpack3A_1521 : vector<16xf32>
      %add3A_1524 = arith.addf %add3A_1523, %unpack3A_1522 : vector<16xf32>
      %broadcast_in_dim3A_1525 = arith.constant true
      %broadcast_in_dim3A_1526 = vector.broadcast %broadcast_in_dim3A_1525 : i1 to vector<16xi1>
      %masked_cumsum3A_1527 = tpu.scan <sum>, %add3A_1524 masked %broadcast_in_dim3A_1526 : vector<16xf32>, vector<16xi1> -> vector<16xf32>
      %reshape3A_1528 = vector.shape_cast %broadcast_in_dim3A_272 : vector<16xi32> to vector<16x1xi32>
      %gather3A_1529 = vector.shape_cast %reshape3A_1528 : vector<16x1xi32> to vector<16xi32>
      %gather3A_1530 = tpu.dynamic_gather %masked_cumsum3A_1527[%gather3A_1529] in [0] : vector<16xf32>, vector<16xi32> -> vector<16xf32>
      %eq3A_1531 = arith.constant 8 : i32
      %eq3A_1532 = vector.broadcast %eq3A_1531 : i32 to vector<16xi32>
      %eq3A_1533 = arith.cmpi eq, %iota3A, %eq3A_1532 : vector<16xi32>
      %select_n3A_1534 = arith.select %eq3A_1533, %gather3A_1530, %select_n3A_1485 : vector<16xi1>, vector<16xf32>
      %get3A_1535 = arith.constant 25 : i32
      %get3A_1536 = arith.index_cast %rem3A_245 : i32 to index
      %get3A_1537 = arith.index_cast %get3A_1535 : i32 to index
      %get3A_1538 = arith.constant 0 : index
      %get3A_1539 = tpu.vector_load %arg9[%get3A_1536, %get3A_1537, %get3A_1538] {strides = array<i32>} : memref<10x80x128xbf16, #tpu.memory_space<vmem>>, vector<32xbf16>,
      %mul3A_1540 = arith.mulf %get3A_1539, %get3A_1539 : vector<32xbf16>
      %unpack3A_1541 = tpu.unpack_subelements %mul3A_1540, 0 {pack_format = #tpu.pack_format<interleaved>} : vector<32xbf16> -> vector<16xf32>
      %unpack3A_1542 = tpu.unpack_subelements %mul3A_1540, 1 {pack_format = #tpu.pack_format<interleaved>} : vector<32xbf16> -> vector<16xf32>
      %add3A_1543 = arith.addf %unpack3A_1541, %unpack3A_1542 : vector<16xf32>
      %get3A_1544 = arith.constant 25 : i32
      %get3A_1545 = arith.index_cast %rem3A_245 : i32 to index
      %get3A_1546 = arith.index_cast %get3A_1544 : i32 to index
      %get3A_1547 = arith.constant 32 : index
      %get3A_1548 = tpu.vector_load %arg9[%get3A_1545, %get3A_1546, %get3A_1547] {strides = array<i32>} : memref<10x80x128xbf16, #tpu.memory_space<vmem>>, vector<32xbf16>,
      %mul3A_1549 = arith.mulf %get3A_1548, %get3A_1548 : vector<32xbf16>
      %unpack3A_1550 = tpu.unpack_subelements %mul3A_1549, 0 {pack_format = #tpu.pack_format<interleaved>} : vector<32xbf16> -> vector<16xf32>
      %unpack3A_1551 = tpu.unpack_subelements %mul3A_1549, 1 {pack_format = #tpu.pack_format<interleaved>} : vector<32xbf16> -> vector<16xf32>
      %add3A_1552 = arith.addf %add3A_1543, %unpack3A_1550 : vector<16xf32>
      %add3A_1553 = arith.addf %add3A_1552, %unpack3A_1551 : vector<16xf32>
      %get3A_1554 = arith.constant 25 : i32
      %get3A_1555 = arith.index_cast %rem3A_245 : i32 to index
      %get3A_1556 = arith.index_cast %get3A_1554 : i32 to index
      %get3A_1557 = arith.constant 64 : index
      %get3A_1558 = tpu.vector_load %arg9[%get3A_1555, %get3A_1556, %get3A_1557] {strides = array<i32>} : memref<10x80x128xbf16, #tpu.memory_space<vmem>>, vector<32xbf16>,
      %mul3A_1559 = arith.mulf %get3A_1558, %get3A_1558 : vector<32xbf16>
      %unpack3A_1560 = tpu.unpack_subelements %mul3A_1559, 0 {pack_format = #tpu.pack_format<interleaved>} : vector<32xbf16> -> vector<16xf32>
      %unpack3A_1561 = tpu.unpack_subelements %mul3A_1559, 1 {pack_format = #tpu.pack_format<interleaved>} : vector<32xbf16> -> vector<16xf32>
      %add3A_1562 = arith.addf %add3A_1553, %unpack3A_1560 : vector<16xf32>
      %add3A_1563 = arith.addf %add3A_1562, %unpack3A_1561 : vector<16xf32>
      %get3A_1564 = arith.constant 25 : i32
      %get3A_1565 = arith.index_cast %rem3A_245 : i32 to index
      %get3A_1566 = arith.index_cast %get3A_1564 : i32 to index
      %get3A_1567 = arith.constant 96 : index
      %get3A_1568 = tpu.vector_load %arg9[%get3A_1565, %get3A_1566, %get3A_1567] {strides = array<i32>} : memref<10x80x128xbf16, #tpu.memory_space<vmem>>, vector<32xbf16>,
      %mul3A_1569 = arith.mulf %get3A_1568, %get3A_1568 : vector<32xbf16>
      %unpack3A_1570 = tpu.unpack_subelements %mul3A_1569, 0 {pack_format = #tpu.pack_format<interleaved>} : vector<32xbf16> -> vector<16xf32>
      %unpack3A_1571 = tpu.unpack_subelements %mul3A_1569, 1 {pack_format = #tpu.pack_format<interleaved>} : vector<32xbf16> -> vector<16xf32>
      %add3A_1572 = arith.addf %add3A_1563, %unpack3A_1570 : vector<16xf32>
      %add3A_1573 = arith.addf %add3A_1572, %unpack3A_1571 : vector<16xf32>
      %broadcast_in_dim3A_1574 = arith.constant true
      %broadcast_in_dim3A_1575 = vector.broadcast %broadcast_in_dim3A_1574 : i1 to vector<16xi1>
      %masked_cumsum3A_1576 = tpu.scan <sum>, %add3A_1573 masked %broadcast_in_dim3A_1575 : vector<16xf32>, vector<16xi1> -> vector<16xf32>
      %reshape3A_1577 = vector.shape_cast %broadcast_in_dim3A_272 : vector<16xi32> to vector<16x1xi32>
      %gather3A_1578 = vector.shape_cast %reshape3A_1577 : vector<16x1xi32> to vector<16xi32>
      %gather3A_1579 = tpu.dynamic_gather %masked_cumsum3A_1576[%gather3A_1578] in [0] : vector<16xf32>, vector<16xi32> -> vector<16xf32>
      %eq3A_1580 = arith.constant 9 : i32
      %eq3A_1581 = vector.broadcast %eq3A_1580 : i32 to vector<16xi32>
      %eq3A_1582 = arith.cmpi eq, %iota3A, %eq3A_1581 : vector<16xi32>
      %select_n3A_1583 = arith.select %eq3A_1582, %gather3A_1579, %select_n3A_1534 : vector<16xi1>, vector<16xf32>
      %get3A_1584 = arith.constant 26 : i32
      %get3A_1585 = arith.index_cast %rem3A_245 : i32 to index
      %get3A_1586 = arith.index_cast %get3A_1584 : i32 to index
      %get3A_1587 = arith.constant 0 : index
      %get3A_1588 = tpu.vector_load %arg9[%get3A_1585, %get3A_1586, %get3A_1587] {strides = array<i32>} : memref<10x80x128xbf16, #tpu.memory_space<vmem>>, vector<32xbf16>,
      %mul3A_1589 = arith.mulf %get3A_1588, %get3A_1588 : vector<32xbf16>
      %unpack3A_1590 = tpu.unpack_subelements %mul3A_1589, 0 {pack_format = #tpu.pack_format<interleaved>} : vector<32xbf16> -> vector<16xf32>
      %unpack3A_1591 = tpu.unpack_subelements %mul3A_1589, 1 {pack_format = #tpu.pack_format<interleaved>} : vector<32xbf16> -> vector<16xf32>
      %add3A_1592 = arith.addf %unpack3A_1590, %unpack3A_1591 : vector<16xf32>
      %get3A_1593 = arith.constant 26 : i32
      %get3A_1594 = arith.index_cast %rem3A_245 : i32 to index
      %get3A_1595 = arith.index_cast %get3A_1593 : i32 to index
      %get3A_1596 = arith.constant 32 : index
      %get3A_1597 = tpu.vector_load %arg9[%get3A_1594, %get3A_1595, %get3A_1596] {strides = array<i32>} : memref<10x80x128xbf16, #tpu.memory_space<vmem>>, vector<32xbf16>,
      %mul3A_1598 = arith.mulf %get3A_1597, %get3A_1597 : vector<32xbf16>
      %unpack3A_1599 = tpu.unpack_subelements %mul3A_1598, 0 {pack_format = #tpu.pack_format<interleaved>} : vector<32xbf16> -> vector<16xf32>
      %unpack3A_1600 = tpu.unpack_subelements %mul3A_1598, 1 {pack_format = #tpu.pack_format<interleaved>} : vector<32xbf16> -> vector<16xf32>
      %add3A_1601 = arith.addf %add3A_1592, %unpack3A_1599 : vector<16xf32>
      %add3A_1602 = arith.addf %add3A_1601, %unpack3A_1600 : vector<16xf32>
      %get3A_1603 = arith.constant 26 : i32
      %get3A_1604 = arith.index_cast %rem3A_245 : i32 to index
      %get3A_1605 = arith.index_cast %get3A_1603 : i32 to index
      %get3A_1606 = arith.constant 64 : index
      %get3A_1607 = tpu.vector_load %arg9[%get3A_1604, %get3A_1605, %get3A_1606] {strides = array<i32>} : memref<10x80x128xbf16, #tpu.memory_space<vmem>>, vector<32xbf16>,
      %mul3A_1608 = arith.mulf %get3A_1607, %get3A_1607 : vector<32xbf16>
      %unpack3A_1609 = tpu.unpack_subelements %mul3A_1608, 0 {pack_format = #tpu.pack_format<interleaved>} : vector<32xbf16> -> vector<16xf32>
      %unpack3A_1610 = tpu.unpack_subelements %mul3A_1608, 1 {pack_format = #tpu.pack_format<interleaved>} : vector<32xbf16> -> vector<16xf32>
      %add3A_1611 = arith.addf %add3A_1602, %unpack3A_1609 : vector<16xf32>
      %add3A_1612 = arith.addf %add3A_1611, %unpack3A_1610 : vector<16xf32>
      %get3A_1613 = arith.constant 26 : i32
      %get3A_1614 = arith.index_cast %rem3A_245 : i32 to index
      %get3A_1615 = arith.index_cast %get3A_1613 : i32 to index
      %get3A_1616 = arith.constant 96 : index
      %get3A_1617 = tpu.vector_load %arg9[%get3A_1614, %get3A_1615, %get3A_1616] {strides = array<i32>} : memref<10x80x128xbf16, #tpu.memory_space<vmem>>, vector<32xbf16>,
      %mul3A_1618 = arith.mulf %get3A_1617, %get3A_1617 : vector<32xbf16>
      %unpack3A_1619 = tpu.unpack_subelements %mul3A_1618, 0 {pack_format = #tpu.pack_format<interleaved>} : vector<32xbf16> -> vector<16xf32>
      %unpack3A_1620 = tpu.unpack_subelements %mul3A_1618, 1 {pack_format = #tpu.pack_format<interleaved>} : vector<32xbf16> -> vector<16xf32>
      %add3A_1621 = arith.addf %add3A_1612, %unpack3A_1619 : vector<16xf32>
      %add3A_1622 = arith.addf %add3A_1621, %unpack3A_1620 : vector<16xf32>
      %broadcast_in_dim3A_1623 = arith.constant true
      %broadcast_in_dim3A_1624 = vector.broadcast %broadcast_in_dim3A_1623 : i1 to vector<16xi1>
      %masked_cumsum3A_1625 = tpu.scan <sum>, %add3A_1622 masked %broadcast_in_dim3A_1624 : vector<16xf32>, vector<16xi1> -> vector<16xf32>
      %reshape3A_1626 = vector.shape_cast %broadcast_in_dim3A_272 : vector<16xi32> to vector<16x1xi32>
      %gather3A_1627 = vector.shape_cast %reshape3A_1626 : vector<16x1xi32> to vector<16xi32>
      %gather3A_1628 = tpu.dynamic_gather %masked_cumsum3A_1625[%gather3A_1627] in [0] : vector<16xf32>, vector<16xi32> -> vector<16xf32>
      %eq3A_1629 = arith.constant 10 : i32
      %eq3A_1630 = vector.broadcast %eq3A_1629 : i32 to vector<16xi32>
      %eq3A_1631 = arith.cmpi eq, %iota3A, %eq3A_1630 : vector<16xi32>
      %select_n3A_1632 = arith.select %eq3A_1631, %gather3A_1628, %select_n3A_1583 : vector<16xi1>, vector<16xf32>
      %get3A_1633 = arith.constant 27 : i32
      %get3A_1634 = arith.index_cast %rem3A_245 : i32 to index
      %get3A_1635 = arith.index_cast %get3A_1633 : i32 to index
      %get3A_1636 = arith.constant 0 : index
      %get3A_1637 = tpu.vector_load %arg9[%get3A_1634, %get3A_1635, %get3A_1636] {strides = array<i32>} : memref<10x80x128xbf16, #tpu.memory_space<vmem>>, vector<32xbf16>,
      %mul3A_1638 = arith.mulf %get3A_1637, %get3A_1637 : vector<32xbf16>
      %unpack3A_1639 = tpu.unpack_subelements %mul3A_1638, 0 {pack_format = #tpu.pack_format<interleaved>} : vector<32xbf16> -> vector<16xf32>
      %unpack3A_1640 = tpu.unpack_subelements %mul3A_1638, 1 {pack_format = #tpu.pack_format<interleaved>} : vector<32xbf16> -> vector<16xf32>
      %add3A_1641 = arith.addf %unpack3A_1639, %unpack3A_1640 : vector<16xf32>
      %get3A_1642 = arith.constant 27 : i32
      %get3A_1643 = arith.index_cast %rem3A_245 : i32 to index
      %get3A_1644 = arith.index_cast %get3A_1642 : i32 to index
      %get3A_1645 = arith.constant 32 : index
      %get3A_1646 = tpu.vector_load %arg9[%get3A_1643, %get3A_1644, %get3A_1645] {strides = array<i32>} : memref<10x80x128xbf16, #tpu.memory_space<vmem>>, vector<32xbf16>,
      %mul3A_1647 = arith.mulf %get3A_1646, %get3A_1646 : vector<32xbf16>
      %unpack3A_1648 = tpu.unpack_subelements %mul3A_1647, 0 {pack_format = #tpu.pack_format<interleaved>} : vector<32xbf16> -> vector<16xf32>
      %unpack3A_1649 = tpu.unpack_subelements %mul3A_1647, 1 {pack_format = #tpu.pack_format<interleaved>} : vector<32xbf16> -> vector<16xf32>
      %add3A_1650 = arith.addf %add3A_1641, %unpack3A_1648 : vector<16xf32>
      %add3A_1651 = arith.addf %add3A_1650, %unpack3A_1649 : vector<16xf32>
      %get3A_1652 = arith.constant 27 : i32
      %get3A_1653 = arith.index_cast %rem3A_245 : i32 to index
      %get3A_1654 = arith.index_cast %get3A_1652 : i32 to index
      %get3A_1655 = arith.constant 64 : index
      %get3A_1656 = tpu.vector_load %arg9[%get3A_1653, %get3A_1654, %get3A_1655] {strides = array<i32>} : memref<10x80x128xbf16, #tpu.memory_space<vmem>>, vector<32xbf16>,
      %mul3A_1657 = arith.mulf %get3A_1656, %get3A_1656 : vector<32xbf16>
      %unpack3A_1658 = tpu.unpack_subelements %mul3A_1657, 0 {pack_format = #tpu.pack_format<interleaved>} : vector<32xbf16> -> vector<16xf32>
      %unpack3A_1659 = tpu.unpack_subelements %mul3A_1657, 1 {pack_format = #tpu.pack_format<interleaved>} : vector<32xbf16> -> vector<16xf32>
      %add3A_1660 = arith.addf %add3A_1651, %unpack3A_1658 : vector<16xf32>
      %add3A_1661 = arith.addf %add3A_1660, %unpack3A_1659 : vector<16xf32>
      %get3A_1662 = arith.constant 27 : i32
      %get3A_1663 = arith.index_cast %rem3A_245 : i32 to index
      %get3A_1664 = arith.index_cast %get3A_1662 : i32 to index
      %get3A_1665 = arith.constant 96 : index
      %get3A_1666 = tpu.vector_load %arg9[%get3A_1663, %get3A_1664, %get3A_1665] {strides = array<i32>} : memref<10x80x128xbf16, #tpu.memory_space<vmem>>, vector<32xbf16>,
      %mul3A_1667 = arith.mulf %get3A_1666, %get3A_1666 : vector<32xbf16>
      %unpack3A_1668 = tpu.unpack_subelements %mul3A_1667, 0 {pack_format = #tpu.pack_format<interleaved>} : vector<32xbf16> -> vector<16xf32>
      %unpack3A_1669 = tpu.unpack_subelements %mul3A_1667, 1 {pack_format = #tpu.pack_format<interleaved>} : vector<32xbf16> -> vector<16xf32>
      %add3A_1670 = arith.addf %add3A_1661, %unpack3A_1668 : vector<16xf32>
      %add3A_1671 = arith.addf %add3A_1670, %unpack3A_1669 : vector<16xf32>
      %broadcast_in_dim3A_1672 = arith.constant true
      %broadcast_in_dim3A_1673 = vector.broadcast %broadcast_in_dim3A_1672 : i1 to vector<16xi1>
      %masked_cumsum3A_1674 = tpu.scan <sum>, %add3A_1671 masked %broadcast_in_dim3A_1673 : vector<16xf32>, vector<16xi1> -> vector<16xf32>
      %reshape3A_1675 = vector.shape_cast %broadcast_in_dim3A_272 : vector<16xi32> to vector<16x1xi32>
      %gather3A_1676 = vector.shape_cast %reshape3A_1675 : vector<16x1xi32> to vector<16xi32>
      %gather3A_1677 = tpu.dynamic_gather %masked_cumsum3A_1674[%gather3A_1676] in [0] : vector<16xf32>, vector<16xi32> -> vector<16xf32>
      %eq3A_1678 = arith.constant 11 : i32
      %eq3A_1679 = vector.broadcast %eq3A_1678 : i32 to vector<16xi32>
      %eq3A_1680 = arith.cmpi eq, %iota3A, %eq3A_1679 : vector<16xi32>
      %select_n3A_1681 = arith.select %eq3A_1680, %gather3A_1677, %select_n3A_1632 : vector<16xi1>, vector<16xf32>
      %get3A_1682 = arith.constant 28 : i32
      %get3A_1683 = arith.index_cast %rem3A_245 : i32 to index
      %get3A_1684 = arith.index_cast %get3A_1682 : i32 to index
      %get3A_1685 = arith.constant 0 : index
      %get3A_1686 = tpu.vector_load %arg9[%get3A_1683, %get3A_1684, %get3A_1685] {strides = array<i32>} : memref<10x80x128xbf16, #tpu.memory_space<vmem>>, vector<32xbf16>,
      %mul3A_1687 = arith.mulf %get3A_1686, %get3A_1686 : vector<32xbf16>
      %unpack3A_1688 = tpu.unpack_subelements %mul3A_1687, 0 {pack_format = #tpu.pack_format<interleaved>} : vector<32xbf16> -> vector<16xf32>
      %unpack3A_1689 = tpu.unpack_subelements %mul3A_1687, 1 {pack_format = #tpu.pack_format<interleaved>} : vector<32xbf16> -> vector<16xf32>
      %add3A_1690 = arith.addf %unpack3A_1688, %unpack3A_1689 : vector<16xf32>
      %get3A_1691 = arith.constant 28 : i32
      %get3A_1692 = arith.index_cast %rem3A_245 : i32 to index
      %get3A_1693 = arith.index_cast %get3A_1691 : i32 to index
      %get3A_1694 = arith.constant 32 : index
      %get3A_1695 = tpu.vector_load %arg9[%get3A_1692, %get3A_1693, %get3A_1694] {strides = array<i32>} : memref<10x80x128xbf16, #tpu.memory_space<vmem>>, vector<32xbf16>,
      %mul3A_1696 = arith.mulf %get3A_1695, %get3A_1695 : vector<32xbf16>
      %unpack3A_1697 = tpu.unpack_subelements %mul3A_1696, 0 {pack_format = #tpu.pack_format<interleaved>} : vector<32xbf16> -> vector<16xf32>
      %unpack3A_1698 = tpu.unpack_subelements %mul3A_1696, 1 {pack_format = #tpu.pack_format<interleaved>} : vector<32xbf16> -> vector<16xf32>
      %add3A_1699 = arith.addf %add3A_1690, %unpack3A_1697 : vector<16xf32>
      %add3A_1700 = arith.addf %add3A_1699, %unpack3A_1698 : vector<16xf32>
      %get3A_1701 = arith.constant 28 : i32
      %get3A_1702 = arith.index_cast %rem3A_245 : i32 to index
      %get3A_1703 = arith.index_cast %get3A_1701 : i32 to index
      %get3A_1704 = arith.constant 64 : index
      %get3A_1705 = tpu.vector_load %arg9[%get3A_1702, %get3A_1703, %get3A_1704] {strides = array<i32>} : memref<10x80x128xbf16, #tpu.memory_space<vmem>>, vector<32xbf16>,
      %mul3A_1706 = arith.mulf %get3A_1705, %get3A_1705 : vector<32xbf16>
      %unpack3A_1707 = tpu.unpack_subelements %mul3A_1706, 0 {pack_format = #tpu.pack_format<interleaved>} : vector<32xbf16> -> vector<16xf32>
      %unpack3A_1708 = tpu.unpack_subelements %mul3A_1706, 1 {pack_format = #tpu.pack_format<interleaved>} : vector<32xbf16> -> vector<16xf32>
      %add3A_1709 = arith.addf %add3A_1700, %unpack3A_1707 : vector<16xf32>
      %add3A_1710 = arith.addf %add3A_1709, %unpack3A_1708 : vector<16xf32>
      %get3A_1711 = arith.constant 28 : i32
      %get3A_1712 = arith.index_cast %rem3A_245 : i32 to index
      %get3A_1713 = arith.index_cast %get3A_1711 : i32 to index
      %get3A_1714 = arith.constant 96 : index
      %get3A_1715 = tpu.vector_load %arg9[%get3A_1712, %get3A_1713, %get3A_1714] {strides = array<i32>} : memref<10x80x128xbf16, #tpu.memory_space<vmem>>, vector<32xbf16>,
      %mul3A_1716 = arith.mulf %get3A_1715, %get3A_1715 : vector<32xbf16>
      %unpack3A_1717 = tpu.unpack_subelements %mul3A_1716, 0 {pack_format = #tpu.pack_format<interleaved>} : vector<32xbf16> -> vector<16xf32>
      %unpack3A_1718 = tpu.unpack_subelements %mul3A_1716, 1 {pack_format = #tpu.pack_format<interleaved>} : vector<32xbf16> -> vector<16xf32>
      %add3A_1719 = arith.addf %add3A_1710, %unpack3A_1717 : vector<16xf32>
      %add3A_1720 = arith.addf %add3A_1719, %unpack3A_1718 : vector<16xf32>
      %broadcast_in_dim3A_1721 = arith.constant true
      %broadcast_in_dim3A_1722 = vector.broadcast %broadcast_in_dim3A_1721 : i1 to vector<16xi1>
      %masked_cumsum3A_1723 = tpu.scan <sum>, %add3A_1720 masked %broadcast_in_dim3A_1722 : vector<16xf32>, vector<16xi1> -> vector<16xf32>
      %reshape3A_1724 = vector.shape_cast %broadcast_in_dim3A_272 : vector<16xi32> to vector<16x1xi32>
      %gather3A_1725 = vector.shape_cast %reshape3A_1724 : vector<16x1xi32> to vector<16xi32>
      %gather3A_1726 = tpu.dynamic_gather %masked_cumsum3A_1723[%gather3A_1725] in [0] : vector<16xf32>, vector<16xi32> -> vector<16xf32>
      %eq3A_1727 = arith.constant 12 : i32
      %eq3A_1728 = vector.broadcast %eq3A_1727 : i32 to vector<16xi32>
      %eq3A_1729 = arith.cmpi eq, %iota3A, %eq3A_1728 : vector<16xi32>
      %select_n3A_1730 = arith.select %eq3A_1729, %gather3A_1726, %select_n3A_1681 : vector<16xi1>, vector<16xf32>
      %get3A_1731 = arith.constant 29 : i32
      %get3A_1732 = arith.index_cast %rem3A_245 : i32 to index
      %get3A_1733 = arith.index_cast %get3A_1731 : i32 to index
      %get3A_1734 = arith.constant 0 : index
      %get3A_1735 = tpu.vector_load %arg9[%get3A_1732, %get3A_1733, %get3A_1734] {strides = array<i32>} : memref<10x80x128xbf16, #tpu.memory_space<vmem>>, vector<32xbf16>,
      %mul3A_1736 = arith.mulf %get3A_1735, %get3A_1735 : vector<32xbf16>
      %unpack3A_1737 = tpu.unpack_subelements %mul3A_1736, 0 {pack_format = #tpu.pack_format<interleaved>} : vector<32xbf16> -> vector<16xf32>
      %unpack3A_1738 = tpu.unpack_subelements %mul3A_1736, 1 {pack_format = #tpu.pack_format<interleaved>} : vector<32xbf16> -> vector<16xf32>
      %add3A_1739 = arith.addf %unpack3A_1737, %unpack3A_1738 : vector<16xf32>
      %get3A_1740 = arith.constant 29 : i32
      %get3A_1741 = arith.index_cast %rem3A_245 : i32 to index
      %get3A_1742 = arith.index_cast %get3A_1740 : i32 to index
      %get3A_1743 = arith.constant 32 : index
      %get3A_1744 = tpu.vector_load %arg9[%get3A_1741, %get3A_1742, %get3A_1743] {strides = array<i32>} : memref<10x80x128xbf16, #tpu.memory_space<vmem>>, vector<32xbf16>,
      %mul3A_1745 = arith.mulf %get3A_1744, %get3A_1744 : vector<32xbf16>
      %unpack3A_1746 = tpu.unpack_subelements %mul3A_1745, 0 {pack_format = #tpu.pack_format<interleaved>} : vector<32xbf16> -> vector<16xf32>
      %unpack3A_1747 = tpu.unpack_subelements %mul3A_1745, 1 {pack_format = #tpu.pack_format<interleaved>} : vector<32xbf16> -> vector<16xf32>
      %add3A_1748 = arith.addf %add3A_1739, %unpack3A_1746 : vector<16xf32>
      %add3A_1749 = arith.addf %add3A_1748, %unpack3A_1747 : vector<16xf32>
      %get3A_1750 = arith.constant 29 : i32
      %get3A_1751 = arith.index_cast %rem3A_245 : i32 to index
      %get3A_1752 = arith.index_cast %get3A_1750 : i32 to index
      %get3A_1753 = arith.constant 64 : index
      %get3A_1754 = tpu.vector_load %arg9[%get3A_1751, %get3A_1752, %get3A_1753] {strides = array<i32>} : memref<10x80x128xbf16, #tpu.memory_space<vmem>>, vector<32xbf16>,
      %mul3A_1755 = arith.mulf %get3A_1754, %get3A_1754 : vector<32xbf16>
      %unpack3A_1756 = tpu.unpack_subelements %mul3A_1755, 0 {pack_format = #tpu.pack_format<interleaved>} : vector<32xbf16> -> vector<16xf32>
      %unpack3A_1757 = tpu.unpack_subelements %mul3A_1755, 1 {pack_format = #tpu.pack_format<interleaved>} : vector<32xbf16> -> vector<16xf32>
      %add3A_1758 = arith.addf %add3A_1749, %unpack3A_1756 : vector<16xf32>
      %add3A_1759 = arith.addf %add3A_1758, %unpack3A_1757 : vector<16xf32>
      %get3A_1760 = arith.constant 29 : i32
      %get3A_1761 = arith.index_cast %rem3A_245 : i32 to index
      %get3A_1762 = arith.index_cast %get3A_1760 : i32 to index
      %get3A_1763 = arith.constant 96 : index
      %get3A_1764 = tpu.vector_load %arg9[%get3A_1761, %get3A_1762, %get3A_1763] {strides = array<i32>} : memref<10x80x128xbf16, #tpu.memory_space<vmem>>, vector<32xbf16>,
      %mul3A_1765 = arith.mulf %get3A_1764, %get3A_1764 : vector<32xbf16>
      %unpack3A_1766 = tpu.unpack_subelements %mul3A_1765, 0 {pack_format = #tpu.pack_format<interleaved>} : vector<32xbf16> -> vector<16xf32>
      %unpack3A_1767 = tpu.unpack_subelements %mul3A_1765, 1 {pack_format = #tpu.pack_format<interleaved>} : vector<32xbf16> -> vector<16xf32>
      %add3A_1768 = arith.addf %add3A_1759, %unpack3A_1766 : vector<16xf32>
      %add3A_1769 = arith.addf %add3A_1768, %unpack3A_1767 : vector<16xf32>
      %broadcast_in_dim3A_1770 = arith.constant true
      %broadcast_in_dim3A_1771 = vector.broadcast %broadcast_in_dim3A_1770 : i1 to vector<16xi1>
      %masked_cumsum3A_1772 = tpu.scan <sum>, %add3A_1769 masked %broadcast_in_dim3A_1771 : vector<16xf32>, vector<16xi1> -> vector<16xf32>
      %reshape3A_1773 = vector.shape_cast %broadcast_in_dim3A_272 : vector<16xi32> to vector<16x1xi32>
      %gather3A_1774 = vector.shape_cast %reshape3A_1773 : vector<16x1xi32> to vector<16xi32>
      %gather3A_1775 = tpu.dynamic_gather %masked_cumsum3A_1772[%gather3A_1774] in [0] : vector<16xf32>, vector<16xi32> -> vector<16xf32>
      %eq3A_1776 = arith.constant 13 : i32
      %eq3A_1777 = vector.broadcast %eq3A_1776 : i32 to vector<16xi32>
      %eq3A_1778 = arith.cmpi eq, %iota3A, %eq3A_1777 : vector<16xi32>
      %select_n3A_1779 = arith.select %eq3A_1778, %gather3A_1775, %select_n3A_1730 : vector<16xi1>, vector<16xf32>
      %get3A_1780 = arith.constant 30 : i32
      %get3A_1781 = arith.index_cast %rem3A_245 : i32 to index
      %get3A_1782 = arith.index_cast %get3A_1780 : i32 to index
      %get3A_1783 = arith.constant 0 : index
      %get3A_1784 = tpu.vector_load %arg9[%get3A_1781, %get3A_1782, %get3A_1783] {strides = array<i32>} : memref<10x80x128xbf16, #tpu.memory_space<vmem>>, vector<32xbf16>,
      %mul3A_1785 = arith.mulf %get3A_1784, %get3A_1784 : vector<32xbf16>
      %unpack3A_1786 = tpu.unpack_subelements %mul3A_1785, 0 {pack_format = #tpu.pack_format<interleaved>} : vector<32xbf16> -> vector<16xf32>
      %unpack3A_1787 = tpu.unpack_subelements %mul3A_1785, 1 {pack_format = #tpu.pack_format<interleaved>} : vector<32xbf16> -> vector<16xf32>
      %add3A_1788 = arith.addf %unpack3A_1786, %unpack3A_1787 : vector<16xf32>
      %get3A_1789 = arith.constant 30 : i32
      %get3A_1790 = arith.index_cast %rem3A_245 : i32 to index
      %get3A_1791 = arith.index_cast %get3A_1789 : i32 to index
      %get3A_1792 = arith.constant 32 : index
      %get3A_1793 = tpu.vector_load %arg9[%get3A_1790, %get3A_1791, %get3A_1792] {strides = array<i32>} : memref<10x80x128xbf16, #tpu.memory_space<vmem>>, vector<32xbf16>,
      %mul3A_1794 = arith.mulf %get3A_1793, %get3A_1793 : vector<32xbf16>
      %unpack3A_1795 = tpu.unpack_subelements %mul3A_1794, 0 {pack_format = #tpu.pack_format<interleaved>} : vector<32xbf16> -> vector<16xf32>
      %unpack3A_1796 = tpu.unpack_subelements %mul3A_1794, 1 {pack_format = #tpu.pack_format<interleaved>} : vector<32xbf16> -> vector<16xf32>
      %add3A_1797 = arith.addf %add3A_1788, %unpack3A_1795 : vector<16xf32>
      %add3A_1798 = arith.addf %add3A_1797, %unpack3A_1796 : vector<16xf32>
      %get3A_1799 = arith.constant 30 : i32
      %get3A_1800 = arith.index_cast %rem3A_245 : i32 to index
      %get3A_1801 = arith.index_cast %get3A_1799 : i32 to index
      %get3A_1802 = arith.constant 64 : index
      %get3A_1803 = tpu.vector_load %arg9[%get3A_1800, %get3A_1801, %get3A_1802] {strides = array<i32>} : memref<10x80x128xbf16, #tpu.memory_space<vmem>>, vector<32xbf16>,
      %mul3A_1804 = arith.mulf %get3A_1803, %get3A_1803 : vector<32xbf16>
      %unpack3A_1805 = tpu.unpack_subelements %mul3A_1804, 0 {pack_format = #tpu.pack_format<interleaved>} : vector<32xbf16> -> vector<16xf32>
      %unpack3A_1806 = tpu.unpack_subelements %mul3A_1804, 1 {pack_format = #tpu.pack_format<interleaved>} : vector<32xbf16> -> vector<16xf32>
      %add3A_1807 = arith.addf %add3A_1798, %unpack3A_1805 : vector<16xf32>
      %add3A_1808 = arith.addf %add3A_1807, %unpack3A_1806 : vector<16xf32>
      %get3A_1809 = arith.constant 30 : i32
      %get3A_1810 = arith.index_cast %rem3A_245 : i32 to index
      %get3A_1811 = arith.index_cast %get3A_1809 : i32 to index
      %get3A_1812 = arith.constant 96 : index
      %get3A_1813 = tpu.vector_load %arg9[%get3A_1810, %get3A_1811, %get3A_1812] {strides = array<i32>} : memref<10x80x128xbf16, #tpu.memory_space<vmem>>, vector<32xbf16>,
      %mul3A_1814 = arith.mulf %get3A_1813, %get3A_1813 : vector<32xbf16>
      %unpack3A_1815 = tpu.unpack_subelements %mul3A_1814, 0 {pack_format = #tpu.pack_format<interleaved>} : vector<32xbf16> -> vector<16xf32>
      %unpack3A_1816 = tpu.unpack_subelements %mul3A_1814, 1 {pack_format = #tpu.pack_format<interleaved>} : vector<32xbf16> -> vector<16xf32>
      %add3A_1817 = arith.addf %add3A_1808, %unpack3A_1815 : vector<16xf32>
      %add3A_1818 = arith.addf %add3A_1817, %unpack3A_1816 : vector<16xf32>
      %broadcast_in_dim3A_1819 = arith.constant true
      %broadcast_in_dim3A_1820 = vector.broadcast %broadcast_in_dim3A_1819 : i1 to vector<16xi1>
      %masked_cumsum3A_1821 = tpu.scan <sum>, %add3A_1818 masked %broadcast_in_dim3A_1820 : vector<16xf32>, vector<16xi1> -> vector<16xf32>
      %reshape3A_1822 = vector.shape_cast %broadcast_in_dim3A_272 : vector<16xi32> to vector<16x1xi32>
      %gather3A_1823 = vector.shape_cast %reshape3A_1822 : vector<16x1xi32> to vector<16xi32>
      %gather3A_1824 = tpu.dynamic_gather %masked_cumsum3A_1821[%gather3A_1823] in [0] : vector<16xf32>, vector<16xi32> -> vector<16xf32>
      %eq3A_1825 = arith.constant 14 : i32
      %eq3A_1826 = vector.broadcast %eq3A_1825 : i32 to vector<16xi32>
      %eq3A_1827 = arith.cmpi eq, %iota3A, %eq3A_1826 : vector<16xi32>
      %select_n3A_1828 = arith.select %eq3A_1827, %gather3A_1824, %select_n3A_1779 : vector<16xi1>, vector<16xf32>
      %get3A_1829 = arith.constant 31 : i32
      %get3A_1830 = arith.index_cast %rem3A_245 : i32 to index
      %get3A_1831 = arith.index_cast %get3A_1829 : i32 to index
      %get3A_1832 = arith.constant 0 : index
      %get3A_1833 = tpu.vector_load %arg9[%get3A_1830, %get3A_1831, %get3A_1832] {strides = array<i32>} : memref<10x80x128xbf16, #tpu.memory_space<vmem>>, vector<32xbf16>,
      %mul3A_1834 = arith.mulf %get3A_1833, %get3A_1833 : vector<32xbf16>
      %unpack3A_1835 = tpu.unpack_subelements %mul3A_1834, 0 {pack_format = #tpu.pack_format<interleaved>} : vector<32xbf16> -> vector<16xf32>
      %unpack3A_1836 = tpu.unpack_subelements %mul3A_1834, 1 {pack_format = #tpu.pack_format<interleaved>} : vector<32xbf16> -> vector<16xf32>
      %add3A_1837 = arith.addf %unpack3A_1835, %unpack3A_1836 : vector<16xf32>
      %get3A_1838 = arith.constant 31 : i32
      %get3A_1839 = arith.index_cast %rem3A_245 : i32 to index
      %get3A_1840 = arith.index_cast %get3A_1838 : i32 to index
      %get3A_1841 = arith.constant 32 : index
      %get3A_1842 = tpu.vector_load %arg9[%get3A_1839, %get3A_1840, %get3A_1841] {strides = array<i32>} : memref<10x80x128xbf16, #tpu.memory_space<vmem>>, vector<32xbf16>,
      %mul3A_1843 = arith.mulf %get3A_1842, %get3A_1842 : vector<32xbf16>
      %unpack3A_1844 = tpu.unpack_subelements %mul3A_1843, 0 {pack_format = #tpu.pack_format<interleaved>} : vector<32xbf16> -> vector<16xf32>
      %unpack3A_1845 = tpu.unpack_subelements %mul3A_1843, 1 {pack_format = #tpu.pack_format<interleaved>} : vector<32xbf16> -> vector<16xf32>
      %add3A_1846 = arith.addf %add3A_1837, %unpack3A_1844 : vector<16xf32>
      %add3A_1847 = arith.addf %add3A_1846, %unpack3A_1845 : vector<16xf32>
      %get3A_1848 = arith.constant 31 : i32
      %get3A_1849 = arith.index_cast %rem3A_245 : i32 to index
      %get3A_1850 = arith.index_cast %get3A_1848 : i32 to index
      %get3A_1851 = arith.constant 64 : index
      %get3A_1852 = tpu.vector_load %arg9[%get3A_1849, %get3A_1850, %get3A_1851] {strides = array<i32>} : memref<10x80x128xbf16, #tpu.memory_space<vmem>>, vector<32xbf16>,
      %mul3A_1853 = arith.mulf %get3A_1852, %get3A_1852 : vector<32xbf16>
      %unpack3A_1854 = tpu.unpack_subelements %mul3A_1853, 0 {pack_format = #tpu.pack_format<interleaved>} : vector<32xbf16> -> vector<16xf32>
      %unpack3A_1855 = tpu.unpack_subelements %mul3A_1853, 1 {pack_format = #tpu.pack_format<interleaved>} : vector<32xbf16> -> vector<16xf32>
      %add3A_1856 = arith.addf %add3A_1847, %unpack3A_1854 : vector<16xf32>
      %add3A_1857 = arith.addf %add3A_1856, %unpack3A_1855 : vector<16xf32>
      %get3A_1858 = arith.constant 31 : i32
      %get3A_1859 = arith.index_cast %rem3A_245 : i32 to index
      %get3A_1860 = arith.index_cast %get3A_1858 : i32 to index
      %get3A_1861 = arith.constant 96 : index
      %get3A_1862 = tpu.vector_load %arg9[%get3A_1859, %get3A_1860, %get3A_1861] {strides = array<i32>} : memref<10x80x128xbf16, #tpu.memory_space<vmem>>, vector<32xbf16>,
      %mul3A_1863 = arith.mulf %get3A_1862, %get3A_1862 : vector<32xbf16>
      %unpack3A_1864 = tpu.unpack_subelements %mul3A_1863, 0 {pack_format = #tpu.pack_format<interleaved>} : vector<32xbf16> -> vector<16xf32>
      %unpack3A_1865 = tpu.unpack_subelements %mul3A_1863, 1 {pack_format = #tpu.pack_format<interleaved>} : vector<32xbf16> -> vector<16xf32>
      %add3A_1866 = arith.addf %add3A_1857, %unpack3A_1864 : vector<16xf32>
      %add3A_1867 = arith.addf %add3A_1866, %unpack3A_1865 : vector<16xf32>
      %broadcast_in_dim3A_1868 = arith.constant true
      %broadcast_in_dim3A_1869 = vector.broadcast %broadcast_in_dim3A_1868 : i1 to vector<16xi1>
      %masked_cumsum3A_1870 = tpu.scan <sum>, %add3A_1867 masked %broadcast_in_dim3A_1869 : vector<16xf32>, vector<16xi1> -> vector<16xf32>
      %reshape3A_1871 = vector.shape_cast %broadcast_in_dim3A_272 : vector<16xi32> to vector<16x1xi32>
      %gather3A_1872 = vector.shape_cast %reshape3A_1871 : vector<16x1xi32> to vector<16xi32>
      %gather3A_1873 = tpu.dynamic_gather %masked_cumsum3A_1870[%gather3A_1872] in [0] : vector<16xf32>, vector<16xi32> -> vector<16xf32>
      %eq3A_1874 = arith.constant 15 : i32
      %eq3A_1875 = vector.broadcast %eq3A_1874 : i32 to vector<16xi32>
      %eq3A_1876 = arith.cmpi eq, %iota3A, %eq3A_1875 : vector<16xi32>
      %select_n3A_1877 = arith.select %eq3A_1876, %gather3A_1873, %select_n3A_1828 : vector<16xi1>, vector<16xf32>
      %max3A_1878 = arith.constant 1.000000e-30 : f32
      %max3A_1879 = vector.broadcast %max3A_1878 : f32 to vector<16xf32>
      %max3A_1880 = arith.maximumf %select_n3A_1877, %max3A_1879 : vector<16xf32>
      %bitcast_convert_type3A_1881 = tpu.bitcast %max3A_1880 : vector<16xf32> -> vector<16xi32>
      %shift_right_arithmetic3A_1882 = arith.constant 1 : i32
      %shift_right_arithmetic3A_1883 = vector.broadcast %shift_right_arithmetic3A_1882 : i32 to vector<16xi32>
      %shift_right_arithmetic3A_1884 = arith.shrsi %bitcast_convert_type3A_1881, %shift_right_arithmetic3A_1883 : vector<16xi32>
      %sub3A_1885 = arith.constant 1597463007 : i32
      %sub3A_1886 = vector.broadcast %sub3A_1885 : i32 to vector<16xi32>
      %sub3A_1887 = arith.subi %sub3A_1886, %shift_right_arithmetic3A_1884 : vector<16xi32>
      %bitcast_convert_type3A_1888 = tpu.bitcast %sub3A_1887 : vector<16xi32> -> vector<16xf32>
      %mul3A_1889 = arith.constant 5.000000e-01 : f32
      %mul3A_1890 = vector.broadcast %mul3A_1889 : f32 to vector<16xf32>
      %mul3A_1891 = arith.mulf %mul3A_1890, %max3A_1880 : vector<16xf32>
      %mul3A_1892 = arith.mulf %mul3A_1891, %bitcast_convert_type3A_1888 : vector<16xf32>
      %mul3A_1893 = arith.mulf %mul3A_1892, %bitcast_convert_type3A_1888 : vector<16xf32>
      %sub3A_1894 = arith.constant 1.500000e+00 : f32
      %sub3A_1895 = vector.broadcast %sub3A_1894 : f32 to vector<16xf32>
      %sub3A_1896 = arith.subf %sub3A_1895, %mul3A_1893 : vector<16xf32>
      %mul3A_1897 = arith.mulf %bitcast_convert_type3A_1888, %sub3A_1896 : vector<16xf32>
      %mul3A_1898 = arith.constant 5.000000e-01 : f32
      %mul3A_1899 = vector.broadcast %mul3A_1898 : f32 to vector<16xf32>
      %mul3A_1900 = arith.mulf %mul3A_1899, %max3A_1880 : vector<16xf32>
      %mul3A_1901 = arith.mulf %mul3A_1900, %mul3A_1897 : vector<16xf32>
      %mul3A_1902 = arith.mulf %mul3A_1901, %mul3A_1897 : vector<16xf32>
      %sub3A_1903 = arith.constant 1.500000e+00 : f32
      %sub3A_1904 = vector.broadcast %sub3A_1903 : f32 to vector<16xf32>
      %sub3A_1905 = arith.subf %sub3A_1904, %mul3A_1902 : vector<16xf32>
      %mul3A_1906 = arith.mulf %mul3A_1897, %sub3A_1905 : vector<16xf32>
      %mul3A_1907 = arith.constant 5.000000e-01 : f32
      %mul3A_1908 = vector.broadcast %mul3A_1907 : f32 to vector<16xf32>
      %mul3A_1909 = arith.mulf %mul3A_1908, %max3A_1880 : vector<16xf32>
      %mul3A_1910 = arith.mulf %mul3A_1909, %mul3A_1906 : vector<16xf32>
      %mul3A_1911 = arith.mulf %mul3A_1910, %mul3A_1906 : vector<16xf32>
      %sub3A_1912 = arith.constant 1.500000e+00 : f32
      %sub3A_1913 = vector.broadcast %sub3A_1912 : f32 to vector<16xf32>
      %sub3A_1914 = arith.subf %sub3A_1913, %mul3A_1911 : vector<16xf32>
      %mul3A_1915 = arith.mulf %mul3A_1906, %sub3A_1914 : vector<16xf32>
      %mul3A_1916 = arith.mulf %max3A_1880, %mul3A_1915 : vector<16xf32>
      %neg3A_1917 = arith.constant 0.000000e+00 : f32
      %neg3A_1918 = vector.broadcast %neg3A_1917 : f32 to vector<16xf32>
      %neg3A_1919 = arith.subf %neg3A_1918, %mul3A_1916 : vector<16xf32>
      %exp3A_1920 = math.exp %neg3A_1919 : vector<16xf32>
      %add3A_1921 = arith.constant 16 : i32
      %add3A_1922 = arith.addi %mul3A_271, %add3A_1921 : i32
      %swap3A_1923 = arith.index_cast %add3A_1922 : i32 to index
      %swap3A_1924 = tpu.vector_load %arg10[%swap3A_1923] {strides = array<i32>} : memref<10000xf32, #tpu.memory_space<vmem>>, vector<16xf32>,
      tpu.vector_store %arg10[%swap3A_1923], %exp3A_1920 {strides = array<i32>} : memref<10000xf32, #tpu.memory_space<vmem>>, vector<16xf32>,
      %broadcast_in_dim3A_1925 = arith.constant 0.000000e+00 : f32
      %broadcast_in_dim3A_1926 = vector.broadcast %broadcast_in_dim3A_1925 : f32 to vector<16xf32>
      %get3A_1927 = arith.constant 32 : i32
      %get3A_1928 = arith.index_cast %rem3A_245 : i32 to index
      %get3A_1929 = arith.index_cast %get3A_1927 : i32 to index
      %get3A_1930 = arith.constant 0 : index
      %get3A_1931 = tpu.vector_load %arg9[%get3A_1928, %get3A_1929, %get3A_1930] {strides = array<i32>} : memref<10x80x128xbf16, #tpu.memory_space<vmem>>, vector<32xbf16>,
      %mul3A_1932 = arith.mulf %get3A_1931, %get3A_1931 : vector<32xbf16>
      %unpack3A_1933 = tpu.unpack_subelements %mul3A_1932, 0 {pack_format = #tpu.pack_format<interleaved>} : vector<32xbf16> -> vector<16xf32>
      %unpack3A_1934 = tpu.unpack_subelements %mul3A_1932, 1 {pack_format = #tpu.pack_format<interleaved>} : vector<32xbf16> -> vector<16xf32>
      %add3A_1935 = arith.addf %unpack3A_1933, %unpack3A_1934 : vector<16xf32>
      %get3A_1936 = arith.constant 32 : i32
      %get3A_1937 = arith.index_cast %rem3A_245 : i32 to index
      %get3A_1938 = arith.index_cast %get3A_1936 : i32 to index
      %get3A_1939 = arith.constant 32 : index
      %get3A_1940 = tpu.vector_load %arg9[%get3A_1937, %get3A_1938, %get3A_1939] {strides = array<i32>} : memref<10x80x128xbf16, #tpu.memory_space<vmem>>, vector<32xbf16>,
      %mul3A_1941 = arith.mulf %get3A_1940, %get3A_1940 : vector<32xbf16>
      %unpack3A_1942 = tpu.unpack_subelements %mul3A_1941, 0 {pack_format = #tpu.pack_format<interleaved>} : vector<32xbf16> -> vector<16xf32>
      %unpack3A_1943 = tpu.unpack_subelements %mul3A_1941, 1 {pack_format = #tpu.pack_format<interleaved>} : vector<32xbf16> -> vector<16xf32>
      %add3A_1944 = arith.addf %add3A_1935, %unpack3A_1942 : vector<16xf32>
      %add3A_1945 = arith.addf %add3A_1944, %unpack3A_1943 : vector<16xf32>
      %get3A_1946 = arith.constant 32 : i32
      %get3A_1947 = arith.index_cast %rem3A_245 : i32 to index
      %get3A_1948 = arith.index_cast %get3A_1946 : i32 to index
      %get3A_1949 = arith.constant 64 : index
      %get3A_1950 = tpu.vector_load %arg9[%get3A_1947, %get3A_1948, %get3A_1949] {strides = array<i32>} : memref<10x80x128xbf16, #tpu.memory_space<vmem>>, vector<32xbf16>,
      %mul3A_1951 = arith.mulf %get3A_1950, %get3A_1950 : vector<32xbf16>
      %unpack3A_1952 = tpu.unpack_subelements %mul3A_1951, 0 {pack_format = #tpu.pack_format<interleaved>} : vector<32xbf16> -> vector<16xf32>
      %unpack3A_1953 = tpu.unpack_subelements %mul3A_1951, 1 {pack_format = #tpu.pack_format<interleaved>} : vector<32xbf16> -> vector<16xf32>
      %add3A_1954 = arith.addf %add3A_1945, %unpack3A_1952 : vector<16xf32>
      %add3A_1955 = arith.addf %add3A_1954, %unpack3A_1953 : vector<16xf32>
      %get3A_1956 = arith.constant 32 : i32
      %get3A_1957 = arith.index_cast %rem3A_245 : i32 to index
      %get3A_1958 = arith.index_cast %get3A_1956 : i32 to index
      %get3A_1959 = arith.constant 96 : index
      %get3A_1960 = tpu.vector_load %arg9[%get3A_1957, %get3A_1958, %get3A_1959] {strides = array<i32>} : memref<10x80x128xbf16, #tpu.memory_space<vmem>>, vector<32xbf16>,
      %mul3A_1961 = arith.mulf %get3A_1960, %get3A_1960 : vector<32xbf16>
      %unpack3A_1962 = tpu.unpack_subelements %mul3A_1961, 0 {pack_format = #tpu.pack_format<interleaved>} : vector<32xbf16> -> vector<16xf32>
      %unpack3A_1963 = tpu.unpack_subelements %mul3A_1961, 1 {pack_format = #tpu.pack_format<interleaved>} : vector<32xbf16> -> vector<16xf32>
      %add3A_1964 = arith.addf %add3A_1955, %unpack3A_1962 : vector<16xf32>
      %add3A_1965 = arith.addf %add3A_1964, %unpack3A_1963 : vector<16xf32>
      %broadcast_in_dim3A_1966 = arith.constant true
      %broadcast_in_dim3A_1967 = vector.broadcast %broadcast_in_dim3A_1966 : i1 to vector<16xi1>
      %masked_cumsum3A_1968 = tpu.scan <sum>, %add3A_1965 masked %broadcast_in_dim3A_1967 : vector<16xf32>, vector<16xi1> -> vector<16xf32>
      %reshape3A_1969 = vector.shape_cast %broadcast_in_dim3A_272 : vector<16xi32> to vector<16x1xi32>
      %gather3A_1970 = vector.shape_cast %reshape3A_1969 : vector<16x1xi32> to vector<16xi32>
      %gather3A_1971 = tpu.dynamic_gather %masked_cumsum3A_1968[%gather3A_1970] in [0] : vector<16xf32>, vector<16xi32> -> vector<16xf32>
      %eq3A_1972 = arith.constant 0 : i32
      %eq3A_1973 = vector.broadcast %eq3A_1972 : i32 to vector<16xi32>
      %eq3A_1974 = arith.cmpi eq, %iota3A, %eq3A_1973 : vector<16xi32>
      %select_n3A_1975 = arith.select %eq3A_1974, %gather3A_1971, %broadcast_in_dim3A_1926 : vector<16xi1>, vector<16xf32>
      %get3A_1976 = arith.constant 33 : i32
      %get3A_1977 = arith.index_cast %rem3A_245 : i32 to index
      %get3A_1978 = arith.index_cast %get3A_1976 : i32 to index
      %get3A_1979 = arith.constant 0 : index
      %get3A_1980 = tpu.vector_load %arg9[%get3A_1977, %get3A_1978, %get3A_1979] {strides = array<i32>} : memref<10x80x128xbf16, #tpu.memory_space<vmem>>, vector<32xbf16>,
      %mul3A_1981 = arith.mulf %get3A_1980, %get3A_1980 : vector<32xbf16>
      %unpack3A_1982 = tpu.unpack_subelements %mul3A_1981, 0 {pack_format = #tpu.pack_format<interleaved>} : vector<32xbf16> -> vector<16xf32>
      %unpack3A_1983 = tpu.unpack_subelements %mul3A_1981, 1 {pack_format = #tpu.pack_format<interleaved>} : vector<32xbf16> -> vector<16xf32>
      %add3A_1984 = arith.addf %unpack3A_1982, %unpack3A_1983 : vector<16xf32>
      %get3A_1985 = arith.constant 33 : i32
      %get3A_1986 = arith.index_cast %rem3A_245 : i32 to index
      %get3A_1987 = arith.index_cast %get3A_1985 : i32 to index
      %get3A_1988 = arith.constant 32 : index
      %get3A_1989 = tpu.vector_load %arg9[%get3A_1986, %get3A_1987, %get3A_1988] {strides = array<i32>} : memref<10x80x128xbf16, #tpu.memory_space<vmem>>, vector<32xbf16>,
      %mul3A_1990 = arith.mulf %get3A_1989, %get3A_1989 : vector<32xbf16>
      %unpack3A_1991 = tpu.unpack_subelements %mul3A_1990, 0 {pack_format = #tpu.pack_format<interleaved>} : vector<32xbf16> -> vector<16xf32>
      %unpack3A_1992 = tpu.unpack_subelements %mul3A_1990, 1 {pack_format = #tpu.pack_format<interleaved>} : vector<32xbf16> -> vector<16xf32>
      %add3A_1993 = arith.addf %add3A_1984, %unpack3A_1991 : vector<16xf32>
      %add3A_1994 = arith.addf %add3A_1993, %unpack3A_1992 : vector<16xf32>
      %get3A_1995 = arith.constant 33 : i32
      %get3A_1996 = arith.index_cast %rem3A_245 : i32 to index
      %get3A_1997 = arith.index_cast %get3A_1995 : i32 to index
      %get3A_1998 = arith.constant 64 : index
      %get3A_1999 = tpu.vector_load %arg9[%get3A_1996, %get3A_1997, %get3A_1998] {strides = array<i32>} : memref<10x80x128xbf16, #tpu.memory_space<vmem>>, vector<32xbf16>,
      %mul3A_2000 = arith.mulf %get3A_1999, %get3A_1999 : vector<32xbf16>
      %unpack3A_2001 = tpu.unpack_subelements %mul3A_2000, 0 {pack_format = #tpu.pack_format<interleaved>} : vector<32xbf16> -> vector<16xf32>
      %unpack3A_2002 = tpu.unpack_subelements %mul3A_2000, 1 {pack_format = #tpu.pack_format<interleaved>} : vector<32xbf16> -> vector<16xf32>
      %add3A_2003 = arith.addf %add3A_1994, %unpack3A_2001 : vector<16xf32>
      %add3A_2004 = arith.addf %add3A_2003, %unpack3A_2002 : vector<16xf32>
      %get3A_2005 = arith.constant 33 : i32
      %get3A_2006 = arith.index_cast %rem3A_245 : i32 to index
      %get3A_2007 = arith.index_cast %get3A_2005 : i32 to index
      %get3A_2008 = arith.constant 96 : index
      %get3A_2009 = tpu.vector_load %arg9[%get3A_2006, %get3A_2007, %get3A_2008] {strides = array<i32>} : memref<10x80x128xbf16, #tpu.memory_space<vmem>>, vector<32xbf16>,
      %mul3A_2010 = arith.mulf %get3A_2009, %get3A_2009 : vector<32xbf16>
      %unpack3A_2011 = tpu.unpack_subelements %mul3A_2010, 0 {pack_format = #tpu.pack_format<interleaved>} : vector<32xbf16> -> vector<16xf32>
      %unpack3A_2012 = tpu.unpack_subelements %mul3A_2010, 1 {pack_format = #tpu.pack_format<interleaved>} : vector<32xbf16> -> vector<16xf32>
      %add3A_2013 = arith.addf %add3A_2004, %unpack3A_2011 : vector<16xf32>
      %add3A_2014 = arith.addf %add3A_2013, %unpack3A_2012 : vector<16xf32>
      %broadcast_in_dim3A_2015 = arith.constant true
      %broadcast_in_dim3A_2016 = vector.broadcast %broadcast_in_dim3A_2015 : i1 to vector<16xi1>
      %masked_cumsum3A_2017 = tpu.scan <sum>, %add3A_2014 masked %broadcast_in_dim3A_2016 : vector<16xf32>, vector<16xi1> -> vector<16xf32>
      %reshape3A_2018 = vector.shape_cast %broadcast_in_dim3A_272 : vector<16xi32> to vector<16x1xi32>
      %gather3A_2019 = vector.shape_cast %reshape3A_2018 : vector<16x1xi32> to vector<16xi32>
      %gather3A_2020 = tpu.dynamic_gather %masked_cumsum3A_2017[%gather3A_2019] in [0] : vector<16xf32>, vector<16xi32> -> vector<16xf32>
      %eq3A_2021 = arith.constant 1 : i32
      %eq3A_2022 = vector.broadcast %eq3A_2021 : i32 to vector<16xi32>
      %eq3A_2023 = arith.cmpi eq, %iota3A, %eq3A_2022 : vector<16xi32>
      %select_n3A_2024 = arith.select %eq3A_2023, %gather3A_2020, %select_n3A_1975 : vector<16xi1>, vector<16xf32>
      %get3A_2025 = arith.constant 34 : i32
      %get3A_2026 = arith.index_cast %rem3A_245 : i32 to index
      %get3A_2027 = arith.index_cast %get3A_2025 : i32 to index
      %get3A_2028 = arith.constant 0 : index
      %get3A_2029 = tpu.vector_load %arg9[%get3A_2026, %get3A_2027, %get3A_2028] {strides = array<i32>} : memref<10x80x128xbf16, #tpu.memory_space<vmem>>, vector<32xbf16>,
      %mul3A_2030 = arith.mulf %get3A_2029, %get3A_2029 : vector<32xbf16>
      %unpack3A_2031 = tpu.unpack_subelements %mul3A_2030, 0 {pack_format = #tpu.pack_format<interleaved>} : vector<32xbf16> -> vector<16xf32>
      %unpack3A_2032 = tpu.unpack_subelements %mul3A_2030, 1 {pack_format = #tpu.pack_format<interleaved>} : vector<32xbf16> -> vector<16xf32>
      %add3A_2033 = arith.addf %unpack3A_2031, %unpack3A_2032 : vector<16xf32>
      %get3A_2034 = arith.constant 34 : i32
      %get3A_2035 = arith.index_cast %rem3A_245 : i32 to index
      %get3A_2036 = arith.index_cast %get3A_2034 : i32 to index
      %get3A_2037 = arith.constant 32 : index
      %get3A_2038 = tpu.vector_load %arg9[%get3A_2035, %get3A_2036, %get3A_2037] {strides = array<i32>} : memref<10x80x128xbf16, #tpu.memory_space<vmem>>, vector<32xbf16>,
      %mul3A_2039 = arith.mulf %get3A_2038, %get3A_2038 : vector<32xbf16>
      %unpack3A_2040 = tpu.unpack_subelements %mul3A_2039, 0 {pack_format = #tpu.pack_format<interleaved>} : vector<32xbf16> -> vector<16xf32>
      %unpack3A_2041 = tpu.unpack_subelements %mul3A_2039, 1 {pack_format = #tpu.pack_format<interleaved>} : vector<32xbf16> -> vector<16xf32>
      %add3A_2042 = arith.addf %add3A_2033, %unpack3A_2040 : vector<16xf32>
      %add3A_2043 = arith.addf %add3A_2042, %unpack3A_2041 : vector<16xf32>
      %get3A_2044 = arith.constant 34 : i32
      %get3A_2045 = arith.index_cast %rem3A_245 : i32 to index
      %get3A_2046 = arith.index_cast %get3A_2044 : i32 to index
      %get3A_2047 = arith.constant 64 : index
      %get3A_2048 = tpu.vector_load %arg9[%get3A_2045, %get3A_2046, %get3A_2047] {strides = array<i32>} : memref<10x80x128xbf16, #tpu.memory_space<vmem>>, vector<32xbf16>,
      %mul3A_2049 = arith.mulf %get3A_2048, %get3A_2048 : vector<32xbf16>
      %unpack3A_2050 = tpu.unpack_subelements %mul3A_2049, 0 {pack_format = #tpu.pack_format<interleaved>} : vector<32xbf16> -> vector<16xf32>
      %unpack3A_2051 = tpu.unpack_subelements %mul3A_2049, 1 {pack_format = #tpu.pack_format<interleaved>} : vector<32xbf16> -> vector<16xf32>
      %add3A_2052 = arith.addf %add3A_2043, %unpack3A_2050 : vector<16xf32>
      %add3A_2053 = arith.addf %add3A_2052, %unpack3A_2051 : vector<16xf32>
      %get3A_2054 = arith.constant 34 : i32
      %get3A_2055 = arith.index_cast %rem3A_245 : i32 to index
      %get3A_2056 = arith.index_cast %get3A_2054 : i32 to index
      %get3A_2057 = arith.constant 96 : index
      %get3A_2058 = tpu.vector_load %arg9[%get3A_2055, %get3A_2056, %get3A_2057] {strides = array<i32>} : memref<10x80x128xbf16, #tpu.memory_space<vmem>>, vector<32xbf16>,
      %mul3A_2059 = arith.mulf %get3A_2058, %get3A_2058 : vector<32xbf16>
      %unpack3A_2060 = tpu.unpack_subelements %mul3A_2059, 0 {pack_format = #tpu.pack_format<interleaved>} : vector<32xbf16> -> vector<16xf32>
      %unpack3A_2061 = tpu.unpack_subelements %mul3A_2059, 1 {pack_format = #tpu.pack_format<interleaved>} : vector<32xbf16> -> vector<16xf32>
      %add3A_2062 = arith.addf %add3A_2053, %unpack3A_2060 : vector<16xf32>
      %add3A_2063 = arith.addf %add3A_2062, %unpack3A_2061 : vector<16xf32>
      %broadcast_in_dim3A_2064 = arith.constant true
      %broadcast_in_dim3A_2065 = vector.broadcast %broadcast_in_dim3A_2064 : i1 to vector<16xi1>
      %masked_cumsum3A_2066 = tpu.scan <sum>, %add3A_2063 masked %broadcast_in_dim3A_2065 : vector<16xf32>, vector<16xi1> -> vector<16xf32>
      %reshape3A_2067 = vector.shape_cast %broadcast_in_dim3A_272 : vector<16xi32> to vector<16x1xi32>
      %gather3A_2068 = vector.shape_cast %reshape3A_2067 : vector<16x1xi32> to vector<16xi32>
      %gather3A_2069 = tpu.dynamic_gather %masked_cumsum3A_2066[%gather3A_2068] in [0] : vector<16xf32>, vector<16xi32> -> vector<16xf32>
      %eq3A_2070 = arith.constant 2 : i32
      %eq3A_2071 = vector.broadcast %eq3A_2070 : i32 to vector<16xi32>
      %eq3A_2072 = arith.cmpi eq, %iota3A, %eq3A_2071 : vector<16xi32>
      %select_n3A_2073 = arith.select %eq3A_2072, %gather3A_2069, %select_n3A_2024 : vector<16xi1>, vector<16xf32>
      %get3A_2074 = arith.constant 35 : i32
      %get3A_2075 = arith.index_cast %rem3A_245 : i32 to index
      %get3A_2076 = arith.index_cast %get3A_2074 : i32 to index
      %get3A_2077 = arith.constant 0 : index
      %get3A_2078 = tpu.vector_load %arg9[%get3A_2075, %get3A_2076, %get3A_2077] {strides = array<i32>} : memref<10x80x128xbf16, #tpu.memory_space<vmem>>, vector<32xbf16>,
      %mul3A_2079 = arith.mulf %get3A_2078, %get3A_2078 : vector<32xbf16>
      %unpack3A_2080 = tpu.unpack_subelements %mul3A_2079, 0 {pack_format = #tpu.pack_format<interleaved>} : vector<32xbf16> -> vector<16xf32>
      %unpack3A_2081 = tpu.unpack_subelements %mul3A_2079, 1 {pack_format = #tpu.pack_format<interleaved>} : vector<32xbf16> -> vector<16xf32>
      %add3A_2082 = arith.addf %unpack3A_2080, %unpack3A_2081 : vector<16xf32>
      %get3A_2083 = arith.constant 35 : i32
      %get3A_2084 = arith.index_cast %rem3A_245 : i32 to index
      %get3A_2085 = arith.index_cast %get3A_2083 : i32 to index
      %get3A_2086 = arith.constant 32 : index
      %get3A_2087 = tpu.vector_load %arg9[%get3A_2084, %get3A_2085, %get3A_2086] {strides = array<i32>} : memref<10x80x128xbf16, #tpu.memory_space<vmem>>, vector<32xbf16>,
      %mul3A_2088 = arith.mulf %get3A_2087, %get3A_2087 : vector<32xbf16>
      %unpack3A_2089 = tpu.unpack_subelements %mul3A_2088, 0 {pack_format = #tpu.pack_format<interleaved>} : vector<32xbf16> -> vector<16xf32>
      %unpack3A_2090 = tpu.unpack_subelements %mul3A_2088, 1 {pack_format = #tpu.pack_format<interleaved>} : vector<32xbf16> -> vector<16xf32>
      %add3A_2091 = arith.addf %add3A_2082, %unpack3A_2089 : vector<16xf32>
      %add3A_2092 = arith.addf %add3A_2091, %unpack3A_2090 : vector<16xf32>
      %get3A_2093 = arith.constant 35 : i32
      %get3A_2094 = arith.index_cast %rem3A_245 : i32 to index
      %get3A_2095 = arith.index_cast %get3A_2093 : i32 to index
      %get3A_2096 = arith.constant 64 : index
      %get3A_2097 = tpu.vector_load %arg9[%get3A_2094, %get3A_2095, %get3A_2096] {strides = array<i32>} : memref<10x80x128xbf16, #tpu.memory_space<vmem>>, vector<32xbf16>,
      %mul3A_2098 = arith.mulf %get3A_2097, %get3A_2097 : vector<32xbf16>
      %unpack3A_2099 = tpu.unpack_subelements %mul3A_2098, 0 {pack_format = #tpu.pack_format<interleaved>} : vector<32xbf16> -> vector<16xf32>
      %unpack3A_2100 = tpu.unpack_subelements %mul3A_2098, 1 {pack_format = #tpu.pack_format<interleaved>} : vector<32xbf16> -> vector<16xf32>
      %add3A_2101 = arith.addf %add3A_2092, %unpack3A_2099 : vector<16xf32>
      %add3A_2102 = arith.addf %add3A_2101, %unpack3A_2100 : vector<16xf32>
      %get3A_2103 = arith.constant 35 : i32
      %get3A_2104 = arith.index_cast %rem3A_245 : i32 to index
      %get3A_2105 = arith.index_cast %get3A_2103 : i32 to index
      %get3A_2106 = arith.constant 96 : index
      %get3A_2107 = tpu.vector_load %arg9[%get3A_2104, %get3A_2105, %get3A_2106] {strides = array<i32>} : memref<10x80x128xbf16, #tpu.memory_space<vmem>>, vector<32xbf16>,
      %mul3A_2108 = arith.mulf %get3A_2107, %get3A_2107 : vector<32xbf16>
      %unpack3A_2109 = tpu.unpack_subelements %mul3A_2108, 0 {pack_format = #tpu.pack_format<interleaved>} : vector<32xbf16> -> vector<16xf32>
      %unpack3A_2110 = tpu.unpack_subelements %mul3A_2108, 1 {pack_format = #tpu.pack_format<interleaved>} : vector<32xbf16> -> vector<16xf32>
      %add3A_2111 = arith.addf %add3A_2102, %unpack3A_2109 : vector<16xf32>
      %add3A_2112 = arith.addf %add3A_2111, %unpack3A_2110 : vector<16xf32>
      %broadcast_in_dim3A_2113 = arith.constant true
      %broadcast_in_dim3A_2114 = vector.broadcast %broadcast_in_dim3A_2113 : i1 to vector<16xi1>
      %masked_cumsum3A_2115 = tpu.scan <sum>, %add3A_2112 masked %broadcast_in_dim3A_2114 : vector<16xf32>, vector<16xi1> -> vector<16xf32>
      %reshape3A_2116 = vector.shape_cast %broadcast_in_dim3A_272 : vector<16xi32> to vector<16x1xi32>
      %gather3A_2117 = vector.shape_cast %reshape3A_2116 : vector<16x1xi32> to vector<16xi32>
      %gather3A_2118 = tpu.dynamic_gather %masked_cumsum3A_2115[%gather3A_2117] in [0] : vector<16xf32>, vector<16xi32> -> vector<16xf32>
      %eq3A_2119 = arith.constant 3 : i32
      %eq3A_2120 = vector.broadcast %eq3A_2119 : i32 to vector<16xi32>
      %eq3A_2121 = arith.cmpi eq, %iota3A, %eq3A_2120 : vector<16xi32>
      %select_n3A_2122 = arith.select %eq3A_2121, %gather3A_2118, %select_n3A_2073 : vector<16xi1>, vector<16xf32>
      %get3A_2123 = arith.constant 36 : i32
      %get3A_2124 = arith.index_cast %rem3A_245 : i32 to index
      %get3A_2125 = arith.index_cast %get3A_2123 : i32 to index
      %get3A_2126 = arith.constant 0 : index
      %get3A_2127 = tpu.vector_load %arg9[%get3A_2124, %get3A_2125, %get3A_2126] {strides = array<i32>} : memref<10x80x128xbf16, #tpu.memory_space<vmem>>, vector<32xbf16>,
      %mul3A_2128 = arith.mulf %get3A_2127, %get3A_2127 : vector<32xbf16>
      %unpack3A_2129 = tpu.unpack_subelements %mul3A_2128, 0 {pack_format = #tpu.pack_format<interleaved>} : vector<32xbf16> -> vector<16xf32>
      %unpack3A_2130 = tpu.unpack_subelements %mul3A_2128, 1 {pack_format = #tpu.pack_format<interleaved>} : vector<32xbf16> -> vector<16xf32>
      %add3A_2131 = arith.addf %unpack3A_2129, %unpack3A_2130 : vector<16xf32>
      %get3A_2132 = arith.constant 36 : i32
      %get3A_2133 = arith.index_cast %rem3A_245 : i32 to index
      %get3A_2134 = arith.index_cast %get3A_2132 : i32 to index
      %get3A_2135 = arith.constant 32 : index
      %get3A_2136 = tpu.vector_load %arg9[%get3A_2133, %get3A_2134, %get3A_2135] {strides = array<i32>} : memref<10x80x128xbf16, #tpu.memory_space<vmem>>, vector<32xbf16>,
      %mul3A_2137 = arith.mulf %get3A_2136, %get3A_2136 : vector<32xbf16>
      %unpack3A_2138 = tpu.unpack_subelements %mul3A_2137, 0 {pack_format = #tpu.pack_format<interleaved>} : vector<32xbf16> -> vector<16xf32>
      %unpack3A_2139 = tpu.unpack_subelements %mul3A_2137, 1 {pack_format = #tpu.pack_format<interleaved>} : vector<32xbf16> -> vector<16xf32>
      %add3A_2140 = arith.addf %add3A_2131, %unpack3A_2138 : vector<16xf32>
      %add3A_2141 = arith.addf %add3A_2140, %unpack3A_2139 : vector<16xf32>
      %get3A_2142 = arith.constant 36 : i32
      %get3A_2143 = arith.index_cast %rem3A_245 : i32 to index
      %get3A_2144 = arith.index_cast %get3A_2142 : i32 to index
      %get3A_2145 = arith.constant 64 : index
      %get3A_2146 = tpu.vector_load %arg9[%get3A_2143, %get3A_2144, %get3A_2145] {strides = array<i32>} : memref<10x80x128xbf16, #tpu.memory_space<vmem>>, vector<32xbf16>,
      %mul3A_2147 = arith.mulf %get3A_2146, %get3A_2146 : vector<32xbf16>
      %unpack3A_2148 = tpu.unpack_subelements %mul3A_2147, 0 {pack_format = #tpu.pack_format<interleaved>} : vector<32xbf16> -> vector<16xf32>
      %unpack3A_2149 = tpu.unpack_subelements %mul3A_2147, 1 {pack_format = #tpu.pack_format<interleaved>} : vector<32xbf16> -> vector<16xf32>
      %add3A_2150 = arith.addf %add3A_2141, %unpack3A_2148 : vector<16xf32>
      %add3A_2151 = arith.addf %add3A_2150, %unpack3A_2149 : vector<16xf32>
      %get3A_2152 = arith.constant 36 : i32
      %get3A_2153 = arith.index_cast %rem3A_245 : i32 to index
      %get3A_2154 = arith.index_cast %get3A_2152 : i32 to index
      %get3A_2155 = arith.constant 96 : index
      %get3A_2156 = tpu.vector_load %arg9[%get3A_2153, %get3A_2154, %get3A_2155] {strides = array<i32>} : memref<10x80x128xbf16, #tpu.memory_space<vmem>>, vector<32xbf16>,
      %mul3A_2157 = arith.mulf %get3A_2156, %get3A_2156 : vector<32xbf16>
      %unpack3A_2158 = tpu.unpack_subelements %mul3A_2157, 0 {pack_format = #tpu.pack_format<interleaved>} : vector<32xbf16> -> vector<16xf32>
      %unpack3A_2159 = tpu.unpack_subelements %mul3A_2157, 1 {pack_format = #tpu.pack_format<interleaved>} : vector<32xbf16> -> vector<16xf32>
      %add3A_2160 = arith.addf %add3A_2151, %unpack3A_2158 : vector<16xf32>
      %add3A_2161 = arith.addf %add3A_2160, %unpack3A_2159 : vector<16xf32>
      %broadcast_in_dim3A_2162 = arith.constant true
      %broadcast_in_dim3A_2163 = vector.broadcast %broadcast_in_dim3A_2162 : i1 to vector<16xi1>
      %masked_cumsum3A_2164 = tpu.scan <sum>, %add3A_2161 masked %broadcast_in_dim3A_2163 : vector<16xf32>, vector<16xi1> -> vector<16xf32>
      %reshape3A_2165 = vector.shape_cast %broadcast_in_dim3A_272 : vector<16xi32> to vector<16x1xi32>
      %gather3A_2166 = vector.shape_cast %reshape3A_2165 : vector<16x1xi32> to vector<16xi32>
      %gather3A_2167 = tpu.dynamic_gather %masked_cumsum3A_2164[%gather3A_2166] in [0] : vector<16xf32>, vector<16xi32> -> vector<16xf32>
      %eq3A_2168 = arith.constant 4 : i32
      %eq3A_2169 = vector.broadcast %eq3A_2168 : i32 to vector<16xi32>
      %eq3A_2170 = arith.cmpi eq, %iota3A, %eq3A_2169 : vector<16xi32>
      %select_n3A_2171 = arith.select %eq3A_2170, %gather3A_2167, %select_n3A_2122 : vector<16xi1>, vector<16xf32>
      %get3A_2172 = arith.constant 37 : i32
      %get3A_2173 = arith.index_cast %rem3A_245 : i32 to index
      %get3A_2174 = arith.index_cast %get3A_2172 : i32 to index
      %get3A_2175 = arith.constant 0 : index
      %get3A_2176 = tpu.vector_load %arg9[%get3A_2173, %get3A_2174, %get3A_2175] {strides = array<i32>} : memref<10x80x128xbf16, #tpu.memory_space<vmem>>, vector<32xbf16>,
      %mul3A_2177 = arith.mulf %get3A_2176, %get3A_2176 : vector<32xbf16>
      %unpack3A_2178 = tpu.unpack_subelements %mul3A_2177, 0 {pack_format = #tpu.pack_format<interleaved>} : vector<32xbf16> -> vector<16xf32>
      %unpack3A_2179 = tpu.unpack_subelements %mul3A_2177, 1 {pack_format = #tpu.pack_format<interleaved>} : vector<32xbf16> -> vector<16xf32>
      %add3A_2180 = arith.addf %unpack3A_2178, %unpack3A_2179 : vector<16xf32>
      %get3A_2181 = arith.constant 37 : i32
      %get3A_2182 = arith.index_cast %rem3A_245 : i32 to index
      %get3A_2183 = arith.index_cast %get3A_2181 : i32 to index
      %get3A_2184 = arith.constant 32 : index
      %get3A_2185 = tpu.vector_load %arg9[%get3A_2182, %get3A_2183, %get3A_2184] {strides = array<i32>} : memref<10x80x128xbf16, #tpu.memory_space<vmem>>, vector<32xbf16>,
      %mul3A_2186 = arith.mulf %get3A_2185, %get3A_2185 : vector<32xbf16>
      %unpack3A_2187 = tpu.unpack_subelements %mul3A_2186, 0 {pack_format = #tpu.pack_format<interleaved>} : vector<32xbf16> -> vector<16xf32>
      %unpack3A_2188 = tpu.unpack_subelements %mul3A_2186, 1 {pack_format = #tpu.pack_format<interleaved>} : vector<32xbf16> -> vector<16xf32>
      %add3A_2189 = arith.addf %add3A_2180, %unpack3A_2187 : vector<16xf32>
      %add3A_2190 = arith.addf %add3A_2189, %unpack3A_2188 : vector<16xf32>
      %get3A_2191 = arith.constant 37 : i32
      %get3A_2192 = arith.index_cast %rem3A_245 : i32 to index
      %get3A_2193 = arith.index_cast %get3A_2191 : i32 to index
      %get3A_2194 = arith.constant 64 : index
      %get3A_2195 = tpu.vector_load %arg9[%get3A_2192, %get3A_2193, %get3A_2194] {strides = array<i32>} : memref<10x80x128xbf16, #tpu.memory_space<vmem>>, vector<32xbf16>,
      %mul3A_2196 = arith.mulf %get3A_2195, %get3A_2195 : vector<32xbf16>
      %unpack3A_2197 = tpu.unpack_subelements %mul3A_2196, 0 {pack_format = #tpu.pack_format<interleaved>} : vector<32xbf16> -> vector<16xf32>
      %unpack3A_2198 = tpu.unpack_subelements %mul3A_2196, 1 {pack_format = #tpu.pack_format<interleaved>} : vector<32xbf16> -> vector<16xf32>
      %add3A_2199 = arith.addf %add3A_2190, %unpack3A_2197 : vector<16xf32>
      %add3A_2200 = arith.addf %add3A_2199, %unpack3A_2198 : vector<16xf32>
      %get3A_2201 = arith.constant 37 : i32
      %get3A_2202 = arith.index_cast %rem3A_245 : i32 to index
      %get3A_2203 = arith.index_cast %get3A_2201 : i32 to index
      %get3A_2204 = arith.constant 96 : index
      %get3A_2205 = tpu.vector_load %arg9[%get3A_2202, %get3A_2203, %get3A_2204] {strides = array<i32>} : memref<10x80x128xbf16, #tpu.memory_space<vmem>>, vector<32xbf16>,
      %mul3A_2206 = arith.mulf %get3A_2205, %get3A_2205 : vector<32xbf16>
      %unpack3A_2207 = tpu.unpack_subelements %mul3A_2206, 0 {pack_format = #tpu.pack_format<interleaved>} : vector<32xbf16> -> vector<16xf32>
      %unpack3A_2208 = tpu.unpack_subelements %mul3A_2206, 1 {pack_format = #tpu.pack_format<interleaved>} : vector<32xbf16> -> vector<16xf32>
      %add3A_2209 = arith.addf %add3A_2200, %unpack3A_2207 : vector<16xf32>
      %add3A_2210 = arith.addf %add3A_2209, %unpack3A_2208 : vector<16xf32>
      %broadcast_in_dim3A_2211 = arith.constant true
      %broadcast_in_dim3A_2212 = vector.broadcast %broadcast_in_dim3A_2211 : i1 to vector<16xi1>
      %masked_cumsum3A_2213 = tpu.scan <sum>, %add3A_2210 masked %broadcast_in_dim3A_2212 : vector<16xf32>, vector<16xi1> -> vector<16xf32>
      %reshape3A_2214 = vector.shape_cast %broadcast_in_dim3A_272 : vector<16xi32> to vector<16x1xi32>
      %gather3A_2215 = vector.shape_cast %reshape3A_2214 : vector<16x1xi32> to vector<16xi32>
      %gather3A_2216 = tpu.dynamic_gather %masked_cumsum3A_2213[%gather3A_2215] in [0] : vector<16xf32>, vector<16xi32> -> vector<16xf32>
      %eq3A_2217 = arith.constant 5 : i32
      %eq3A_2218 = vector.broadcast %eq3A_2217 : i32 to vector<16xi32>
      %eq3A_2219 = arith.cmpi eq, %iota3A, %eq3A_2218 : vector<16xi32>
      %select_n3A_2220 = arith.select %eq3A_2219, %gather3A_2216, %select_n3A_2171 : vector<16xi1>, vector<16xf32>
      %get3A_2221 = arith.constant 38 : i32
      %get3A_2222 = arith.index_cast %rem3A_245 : i32 to index
      %get3A_2223 = arith.index_cast %get3A_2221 : i32 to index
      %get3A_2224 = arith.constant 0 : index
      %get3A_2225 = tpu.vector_load %arg9[%get3A_2222, %get3A_2223, %get3A_2224] {strides = array<i32>} : memref<10x80x128xbf16, #tpu.memory_space<vmem>>, vector<32xbf16>,
      %mul3A_2226 = arith.mulf %get3A_2225, %get3A_2225 : vector<32xbf16>
      %unpack3A_2227 = tpu.unpack_subelements %mul3A_2226, 0 {pack_format = #tpu.pack_format<interleaved>} : vector<32xbf16> -> vector<16xf32>
      %unpack3A_2228 = tpu.unpack_subelements %mul3A_2226, 1 {pack_format = #tpu.pack_format<interleaved>} : vector<32xbf16> -> vector<16xf32>
      %add3A_2229 = arith.addf %unpack3A_2227, %unpack3A_2228 : vector<16xf32>
      %get3A_2230 = arith.constant 38 : i32
      %get3A_2231 = arith.index_cast %rem3A_245 : i32 to index
      %get3A_2232 = arith.index_cast %get3A_2230 : i32 to index
      %get3A_2233 = arith.constant 32 : index
      %get3A_2234 = tpu.vector_load %arg9[%get3A_2231, %get3A_2232, %get3A_2233] {strides = array<i32>} : memref<10x80x128xbf16, #tpu.memory_space<vmem>>, vector<32xbf16>,
      %mul3A_2235 = arith.mulf %get3A_2234, %get3A_2234 : vector<32xbf16>
      %unpack3A_2236 = tpu.unpack_subelements %mul3A_2235, 0 {pack_format = #tpu.pack_format<interleaved>} : vector<32xbf16> -> vector<16xf32>
      %unpack3A_2237 = tpu.unpack_subelements %mul3A_2235, 1 {pack_format = #tpu.pack_format<interleaved>} : vector<32xbf16> -> vector<16xf32>
      %add3A_2238 = arith.addf %add3A_2229, %unpack3A_2236 : vector<16xf32>
      %add3A_2239 = arith.addf %add3A_2238, %unpack3A_2237 : vector<16xf32>
      %get3A_2240 = arith.constant 38 : i32
      %get3A_2241 = arith.index_cast %rem3A_245 : i32 to index
      %get3A_2242 = arith.index_cast %get3A_2240 : i32 to index
      %get3A_2243 = arith.constant 64 : index
      %get3A_2244 = tpu.vector_load %arg9[%get3A_2241, %get3A_2242, %get3A_2243] {strides = array<i32>} : memref<10x80x128xbf16, #tpu.memory_space<vmem>>, vector<32xbf16>,
      %mul3A_2245 = arith.mulf %get3A_2244, %get3A_2244 : vector<32xbf16>
      %unpack3A_2246 = tpu.unpack_subelements %mul3A_2245, 0 {pack_format = #tpu.pack_format<interleaved>} : vector<32xbf16> -> vector<16xf32>
      %unpack3A_2247 = tpu.unpack_subelements %mul3A_2245, 1 {pack_format = #tpu.pack_format<interleaved>} : vector<32xbf16> -> vector<16xf32>
      %add3A_2248 = arith.addf %add3A_2239, %unpack3A_2246 : vector<16xf32>
      %add3A_2249 = arith.addf %add3A_2248, %unpack3A_2247 : vector<16xf32>
      %get3A_2250 = arith.constant 38 : i32
      %get3A_2251 = arith.index_cast %rem3A_245 : i32 to index
      %get3A_2252 = arith.index_cast %get3A_2250 : i32 to index
      %get3A_2253 = arith.constant 96 : index
      %get3A_2254 = tpu.vector_load %arg9[%get3A_2251, %get3A_2252, %get3A_2253] {strides = array<i32>} : memref<10x80x128xbf16, #tpu.memory_space<vmem>>, vector<32xbf16>,
      %mul3A_2255 = arith.mulf %get3A_2254, %get3A_2254 : vector<32xbf16>
      %unpack3A_2256 = tpu.unpack_subelements %mul3A_2255, 0 {pack_format = #tpu.pack_format<interleaved>} : vector<32xbf16> -> vector<16xf32>
      %unpack3A_2257 = tpu.unpack_subelements %mul3A_2255, 1 {pack_format = #tpu.pack_format<interleaved>} : vector<32xbf16> -> vector<16xf32>
      %add3A_2258 = arith.addf %add3A_2249, %unpack3A_2256 : vector<16xf32>
      %add3A_2259 = arith.addf %add3A_2258, %unpack3A_2257 : vector<16xf32>
      %broadcast_in_dim3A_2260 = arith.constant true
      %broadcast_in_dim3A_2261 = vector.broadcast %broadcast_in_dim3A_2260 : i1 to vector<16xi1>
      %masked_cumsum3A_2262 = tpu.scan <sum>, %add3A_2259 masked %broadcast_in_dim3A_2261 : vector<16xf32>, vector<16xi1> -> vector<16xf32>
      %reshape3A_2263 = vector.shape_cast %broadcast_in_dim3A_272 : vector<16xi32> to vector<16x1xi32>
      %gather3A_2264 = vector.shape_cast %reshape3A_2263 : vector<16x1xi32> to vector<16xi32>
      %gather3A_2265 = tpu.dynamic_gather %masked_cumsum3A_2262[%gather3A_2264] in [0] : vector<16xf32>, vector<16xi32> -> vector<16xf32>
      %eq3A_2266 = arith.constant 6 : i32
      %eq3A_2267 = vector.broadcast %eq3A_2266 : i32 to vector<16xi32>
      %eq3A_2268 = arith.cmpi eq, %iota3A, %eq3A_2267 : vector<16xi32>
      %select_n3A_2269 = arith.select %eq3A_2268, %gather3A_2265, %select_n3A_2220 : vector<16xi1>, vector<16xf32>
      %get3A_2270 = arith.constant 39 : i32
      %get3A_2271 = arith.index_cast %rem3A_245 : i32 to index
      %get3A_2272 = arith.index_cast %get3A_2270 : i32 to index
      %get3A_2273 = arith.constant 0 : index
      %get3A_2274 = tpu.vector_load %arg9[%get3A_2271, %get3A_2272, %get3A_2273] {strides = array<i32>} : memref<10x80x128xbf16, #tpu.memory_space<vmem>>, vector<32xbf16>,
      %mul3A_2275 = arith.mulf %get3A_2274, %get3A_2274 : vector<32xbf16>
      %unpack3A_2276 = tpu.unpack_subelements %mul3A_2275, 0 {pack_format = #tpu.pack_format<interleaved>} : vector<32xbf16> -> vector<16xf32>
      %unpack3A_2277 = tpu.unpack_subelements %mul3A_2275, 1 {pack_format = #tpu.pack_format<interleaved>} : vector<32xbf16> -> vector<16xf32>
      %add3A_2278 = arith.addf %unpack3A_2276, %unpack3A_2277 : vector<16xf32>
      %get3A_2279 = arith.constant 39 : i32
      %get3A_2280 = arith.index_cast %rem3A_245 : i32 to index
      %get3A_2281 = arith.index_cast %get3A_2279 : i32 to index
      %get3A_2282 = arith.constant 32 : index
      %get3A_2283 = tpu.vector_load %arg9[%get3A_2280, %get3A_2281, %get3A_2282] {strides = array<i32>} : memref<10x80x128xbf16, #tpu.memory_space<vmem>>, vector<32xbf16>,
      %mul3A_2284 = arith.mulf %get3A_2283, %get3A_2283 : vector<32xbf16>
      %unpack3A_2285 = tpu.unpack_subelements %mul3A_2284, 0 {pack_format = #tpu.pack_format<interleaved>} : vector<32xbf16> -> vector<16xf32>
      %unpack3A_2286 = tpu.unpack_subelements %mul3A_2284, 1 {pack_format = #tpu.pack_format<interleaved>} : vector<32xbf16> -> vector<16xf32>
      %add3A_2287 = arith.addf %add3A_2278, %unpack3A_2285 : vector<16xf32>
      %add3A_2288 = arith.addf %add3A_2287, %unpack3A_2286 : vector<16xf32>
      %get3A_2289 = arith.constant 39 : i32
      %get3A_2290 = arith.index_cast %rem3A_245 : i32 to index
      %get3A_2291 = arith.index_cast %get3A_2289 : i32 to index
      %get3A_2292 = arith.constant 64 : index
      %get3A_2293 = tpu.vector_load %arg9[%get3A_2290, %get3A_2291, %get3A_2292] {strides = array<i32>} : memref<10x80x128xbf16, #tpu.memory_space<vmem>>, vector<32xbf16>,
      %mul3A_2294 = arith.mulf %get3A_2293, %get3A_2293 : vector<32xbf16>
      %unpack3A_2295 = tpu.unpack_subelements %mul3A_2294, 0 {pack_format = #tpu.pack_format<interleaved>} : vector<32xbf16> -> vector<16xf32>
      %unpack3A_2296 = tpu.unpack_subelements %mul3A_2294, 1 {pack_format = #tpu.pack_format<interleaved>} : vector<32xbf16> -> vector<16xf32>
      %add3A_2297 = arith.addf %add3A_2288, %unpack3A_2295 : vector<16xf32>
      %add3A_2298 = arith.addf %add3A_2297, %unpack3A_2296 : vector<16xf32>
      %get3A_2299 = arith.constant 39 : i32
      %get3A_2300 = arith.index_cast %rem3A_245 : i32 to index
      %get3A_2301 = arith.index_cast %get3A_2299 : i32 to index
      %get3A_2302 = arith.constant 96 : index
      %get3A_2303 = tpu.vector_load %arg9[%get3A_2300, %get3A_2301, %get3A_2302] {strides = array<i32>} : memref<10x80x128xbf16, #tpu.memory_space<vmem>>, vector<32xbf16>,
      %mul3A_2304 = arith.mulf %get3A_2303, %get3A_2303 : vector<32xbf16>
      %unpack3A_2305 = tpu.unpack_subelements %mul3A_2304, 0 {pack_format = #tpu.pack_format<interleaved>} : vector<32xbf16> -> vector<16xf32>
      %unpack3A_2306 = tpu.unpack_subelements %mul3A_2304, 1 {pack_format = #tpu.pack_format<interleaved>} : vector<32xbf16> -> vector<16xf32>
      %add3A_2307 = arith.addf %add3A_2298, %unpack3A_2305 : vector<16xf32>
      %add3A_2308 = arith.addf %add3A_2307, %unpack3A_2306 : vector<16xf32>
      %broadcast_in_dim3A_2309 = arith.constant true
      %broadcast_in_dim3A_2310 = vector.broadcast %broadcast_in_dim3A_2309 : i1 to vector<16xi1>
      %masked_cumsum3A_2311 = tpu.scan <sum>, %add3A_2308 masked %broadcast_in_dim3A_2310 : vector<16xf32>, vector<16xi1> -> vector<16xf32>
      %reshape3A_2312 = vector.shape_cast %broadcast_in_dim3A_272 : vector<16xi32> to vector<16x1xi32>
      %gather3A_2313 = vector.shape_cast %reshape3A_2312 : vector<16x1xi32> to vector<16xi32>
      %gather3A_2314 = tpu.dynamic_gather %masked_cumsum3A_2311[%gather3A_2313] in [0] : vector<16xf32>, vector<16xi32> -> vector<16xf32>
      %eq3A_2315 = arith.constant 7 : i32
      %eq3A_2316 = vector.broadcast %eq3A_2315 : i32 to vector<16xi32>
      %eq3A_2317 = arith.cmpi eq, %iota3A, %eq3A_2316 : vector<16xi32>
      %select_n3A_2318 = arith.select %eq3A_2317, %gather3A_2314, %select_n3A_2269 : vector<16xi1>, vector<16xf32>
      %get3A_2319 = arith.constant 40 : i32
      %get3A_2320 = arith.index_cast %rem3A_245 : i32 to index
      %get3A_2321 = arith.index_cast %get3A_2319 : i32 to index
      %get3A_2322 = arith.constant 0 : index
      %get3A_2323 = tpu.vector_load %arg9[%get3A_2320, %get3A_2321, %get3A_2322] {strides = array<i32>} : memref<10x80x128xbf16, #tpu.memory_space<vmem>>, vector<32xbf16>,
      %mul3A_2324 = arith.mulf %get3A_2323, %get3A_2323 : vector<32xbf16>
      %unpack3A_2325 = tpu.unpack_subelements %mul3A_2324, 0 {pack_format = #tpu.pack_format<interleaved>} : vector<32xbf16> -> vector<16xf32>
      %unpack3A_2326 = tpu.unpack_subelements %mul3A_2324, 1 {pack_format = #tpu.pack_format<interleaved>} : vector<32xbf16> -> vector<16xf32>
      %add3A_2327 = arith.addf %unpack3A_2325, %unpack3A_2326 : vector<16xf32>
      %get3A_2328 = arith.constant 40 : i32
      %get3A_2329 = arith.index_cast %rem3A_245 : i32 to index
      %get3A_2330 = arith.index_cast %get3A_2328 : i32 to index
      %get3A_2331 = arith.constant 32 : index
      %get3A_2332 = tpu.vector_load %arg9[%get3A_2329, %get3A_2330, %get3A_2331] {strides = array<i32>} : memref<10x80x128xbf16, #tpu.memory_space<vmem>>, vector<32xbf16>,
      %mul3A_2333 = arith.mulf %get3A_2332, %get3A_2332 : vector<32xbf16>
      %unpack3A_2334 = tpu.unpack_subelements %mul3A_2333, 0 {pack_format = #tpu.pack_format<interleaved>} : vector<32xbf16> -> vector<16xf32>
      %unpack3A_2335 = tpu.unpack_subelements %mul3A_2333, 1 {pack_format = #tpu.pack_format<interleaved>} : vector<32xbf16> -> vector<16xf32>
      %add3A_2336 = arith.addf %add3A_2327, %unpack3A_2334 : vector<16xf32>
      %add3A_2337 = arith.addf %add3A_2336, %unpack3A_2335 : vector<16xf32>
      %get3A_2338 = arith.constant 40 : i32
      %get3A_2339 = arith.index_cast %rem3A_245 : i32 to index
      %get3A_2340 = arith.index_cast %get3A_2338 : i32 to index
      %get3A_2341 = arith.constant 64 : index
      %get3A_2342 = tpu.vector_load %arg9[%get3A_2339, %get3A_2340, %get3A_2341] {strides = array<i32>} : memref<10x80x128xbf16, #tpu.memory_space<vmem>>, vector<32xbf16>,
      %mul3A_2343 = arith.mulf %get3A_2342, %get3A_2342 : vector<32xbf16>
      %unpack3A_2344 = tpu.unpack_subelements %mul3A_2343, 0 {pack_format = #tpu.pack_format<interleaved>} : vector<32xbf16> -> vector<16xf32>
      %unpack3A_2345 = tpu.unpack_subelements %mul3A_2343, 1 {pack_format = #tpu.pack_format<interleaved>} : vector<32xbf16> -> vector<16xf32>
      %add3A_2346 = arith.addf %add3A_2337, %unpack3A_2344 : vector<16xf32>
      %add3A_2347 = arith.addf %add3A_2346, %unpack3A_2345 : vector<16xf32>
      %get3A_2348 = arith.constant 40 : i32
      %get3A_2349 = arith.index_cast %rem3A_245 : i32 to index
      %get3A_2350 = arith.index_cast %get3A_2348 : i32 to index
      %get3A_2351 = arith.constant 96 : index
      %get3A_2352 = tpu.vector_load %arg9[%get3A_2349, %get3A_2350, %get3A_2351] {strides = array<i32>} : memref<10x80x128xbf16, #tpu.memory_space<vmem>>, vector<32xbf16>,
      %mul3A_2353 = arith.mulf %get3A_2352, %get3A_2352 : vector<32xbf16>
      %unpack3A_2354 = tpu.unpack_subelements %mul3A_2353, 0 {pack_format = #tpu.pack_format<interleaved>} : vector<32xbf16> -> vector<16xf32>
      %unpack3A_2355 = tpu.unpack_subelements %mul3A_2353, 1 {pack_format = #tpu.pack_format<interleaved>} : vector<32xbf16> -> vector<16xf32>
      %add3A_2356 = arith.addf %add3A_2347, %unpack3A_2354 : vector<16xf32>
      %add3A_2357 = arith.addf %add3A_2356, %unpack3A_2355 : vector<16xf32>
      %broadcast_in_dim3A_2358 = arith.constant true
      %broadcast_in_dim3A_2359 = vector.broadcast %broadcast_in_dim3A_2358 : i1 to vector<16xi1>
      %masked_cumsum3A_2360 = tpu.scan <sum>, %add3A_2357 masked %broadcast_in_dim3A_2359 : vector<16xf32>, vector<16xi1> -> vector<16xf32>
      %reshape3A_2361 = vector.shape_cast %broadcast_in_dim3A_272 : vector<16xi32> to vector<16x1xi32>
      %gather3A_2362 = vector.shape_cast %reshape3A_2361 : vector<16x1xi32> to vector<16xi32>
      %gather3A_2363 = tpu.dynamic_gather %masked_cumsum3A_2360[%gather3A_2362] in [0] : vector<16xf32>, vector<16xi32> -> vector<16xf32>
      %eq3A_2364 = arith.constant 8 : i32
      %eq3A_2365 = vector.broadcast %eq3A_2364 : i32 to vector<16xi32>
      %eq3A_2366 = arith.cmpi eq, %iota3A, %eq3A_2365 : vector<16xi32>
      %select_n3A_2367 = arith.select %eq3A_2366, %gather3A_2363, %select_n3A_2318 : vector<16xi1>, vector<16xf32>
      %get3A_2368 = arith.constant 41 : i32
      %get3A_2369 = arith.index_cast %rem3A_245 : i32 to index
      %get3A_2370 = arith.index_cast %get3A_2368 : i32 to index
      %get3A_2371 = arith.constant 0 : index
      %get3A_2372 = tpu.vector_load %arg9[%get3A_2369, %get3A_2370, %get3A_2371] {strides = array<i32>} : memref<10x80x128xbf16, #tpu.memory_space<vmem>>, vector<32xbf16>,
      %mul3A_2373 = arith.mulf %get3A_2372, %get3A_2372 : vector<32xbf16>
      %unpack3A_2374 = tpu.unpack_subelements %mul3A_2373, 0 {pack_format = #tpu.pack_format<interleaved>} : vector<32xbf16> -> vector<16xf32>
      %unpack3A_2375 = tpu.unpack_subelements %mul3A_2373, 1 {pack_format = #tpu.pack_format<interleaved>} : vector<32xbf16> -> vector<16xf32>
      %add3A_2376 = arith.addf %unpack3A_2374, %unpack3A_2375 : vector<16xf32>
      %get3A_2377 = arith.constant 41 : i32
      %get3A_2378 = arith.index_cast %rem3A_245 : i32 to index
      %get3A_2379 = arith.index_cast %get3A_2377 : i32 to index
      %get3A_2380 = arith.constant 32 : index
      %get3A_2381 = tpu.vector_load %arg9[%get3A_2378, %get3A_2379, %get3A_2380] {strides = array<i32>} : memref<10x80x128xbf16, #tpu.memory_space<vmem>>, vector<32xbf16>,
      %mul3A_2382 = arith.mulf %get3A_2381, %get3A_2381 : vector<32xbf16>
      %unpack3A_2383 = tpu.unpack_subelements %mul3A_2382, 0 {pack_format = #tpu.pack_format<interleaved>} : vector<32xbf16> -> vector<16xf32>
      %unpack3A_2384 = tpu.unpack_subelements %mul3A_2382, 1 {pack_format = #tpu.pack_format<interleaved>} : vector<32xbf16> -> vector<16xf32>
      %add3A_2385 = arith.addf %add3A_2376, %unpack3A_2383 : vector<16xf32>
      %add3A_2386 = arith.addf %add3A_2385, %unpack3A_2384 : vector<16xf32>
      %get3A_2387 = arith.constant 41 : i32
      %get3A_2388 = arith.index_cast %rem3A_245 : i32 to index
      %get3A_2389 = arith.index_cast %get3A_2387 : i32 to index
      %get3A_2390 = arith.constant 64 : index
      %get3A_2391 = tpu.vector_load %arg9[%get3A_2388, %get3A_2389, %get3A_2390] {strides = array<i32>} : memref<10x80x128xbf16, #tpu.memory_space<vmem>>, vector<32xbf16>,
      %mul3A_2392 = arith.mulf %get3A_2391, %get3A_2391 : vector<32xbf16>
      %unpack3A_2393 = tpu.unpack_subelements %mul3A_2392, 0 {pack_format = #tpu.pack_format<interleaved>} : vector<32xbf16> -> vector<16xf32>
      %unpack3A_2394 = tpu.unpack_subelements %mul3A_2392, 1 {pack_format = #tpu.pack_format<interleaved>} : vector<32xbf16> -> vector<16xf32>
      %add3A_2395 = arith.addf %add3A_2386, %unpack3A_2393 : vector<16xf32>
      %add3A_2396 = arith.addf %add3A_2395, %unpack3A_2394 : vector<16xf32>
      %get3A_2397 = arith.constant 41 : i32
      %get3A_2398 = arith.index_cast %rem3A_245 : i32 to index
      %get3A_2399 = arith.index_cast %get3A_2397 : i32 to index
      %get3A_2400 = arith.constant 96 : index
      %get3A_2401 = tpu.vector_load %arg9[%get3A_2398, %get3A_2399, %get3A_2400] {strides = array<i32>} : memref<10x80x128xbf16, #tpu.memory_space<vmem>>, vector<32xbf16>,
      %mul3A_2402 = arith.mulf %get3A_2401, %get3A_2401 : vector<32xbf16>
      %unpack3A_2403 = tpu.unpack_subelements %mul3A_2402, 0 {pack_format = #tpu.pack_format<interleaved>} : vector<32xbf16> -> vector<16xf32>
      %unpack3A_2404 = tpu.unpack_subelements %mul3A_2402, 1 {pack_format = #tpu.pack_format<interleaved>} : vector<32xbf16> -> vector<16xf32>
      %add3A_2405 = arith.addf %add3A_2396, %unpack3A_2403 : vector<16xf32>
      %add3A_2406 = arith.addf %add3A_2405, %unpack3A_2404 : vector<16xf32>
      %broadcast_in_dim3A_2407 = arith.constant true
      %broadcast_in_dim3A_2408 = vector.broadcast %broadcast_in_dim3A_2407 : i1 to vector<16xi1>
      %masked_cumsum3A_2409 = tpu.scan <sum>, %add3A_2406 masked %broadcast_in_dim3A_2408 : vector<16xf32>, vector<16xi1> -> vector<16xf32>
      %reshape3A_2410 = vector.shape_cast %broadcast_in_dim3A_272 : vector<16xi32> to vector<16x1xi32>
      %gather3A_2411 = vector.shape_cast %reshape3A_2410 : vector<16x1xi32> to vector<16xi32>
      %gather3A_2412 = tpu.dynamic_gather %masked_cumsum3A_2409[%gather3A_2411] in [0] : vector<16xf32>, vector<16xi32> -> vector<16xf32>
      %eq3A_2413 = arith.constant 9 : i32
      %eq3A_2414 = vector.broadcast %eq3A_2413 : i32 to vector<16xi32>
      %eq3A_2415 = arith.cmpi eq, %iota3A, %eq3A_2414 : vector<16xi32>
      %select_n3A_2416 = arith.select %eq3A_2415, %gather3A_2412, %select_n3A_2367 : vector<16xi1>, vector<16xf32>
      %get3A_2417 = arith.constant 42 : i32
      %get3A_2418 = arith.index_cast %rem3A_245 : i32 to index
      %get3A_2419 = arith.index_cast %get3A_2417 : i32 to index
      %get3A_2420 = arith.constant 0 : index
      %get3A_2421 = tpu.vector_load %arg9[%get3A_2418, %get3A_2419, %get3A_2420] {strides = array<i32>} : memref<10x80x128xbf16, #tpu.memory_space<vmem>>, vector<32xbf16>,
      %mul3A_2422 = arith.mulf %get3A_2421, %get3A_2421 : vector<32xbf16>
      %unpack3A_2423 = tpu.unpack_subelements %mul3A_2422, 0 {pack_format = #tpu.pack_format<interleaved>} : vector<32xbf16> -> vector<16xf32>
      %unpack3A_2424 = tpu.unpack_subelements %mul3A_2422, 1 {pack_format = #tpu.pack_format<interleaved>} : vector<32xbf16> -> vector<16xf32>
      %add3A_2425 = arith.addf %unpack3A_2423, %unpack3A_2424 : vector<16xf32>
      %get3A_2426 = arith.constant 42 : i32
      %get3A_2427 = arith.index_cast %rem3A_245 : i32 to index
      %get3A_2428 = arith.index_cast %get3A_2426 : i32 to index
      %get3A_2429 = arith.constant 32 : index
      %get3A_2430 = tpu.vector_load %arg9[%get3A_2427, %get3A_2428, %get3A_2429] {strides = array<i32>} : memref<10x80x128xbf16, #tpu.memory_space<vmem>>, vector<32xbf16>,
      %mul3A_2431 = arith.mulf %get3A_2430, %get3A_2430 : vector<32xbf16>
      %unpack3A_2432 = tpu.unpack_subelements %mul3A_2431, 0 {pack_format = #tpu.pack_format<interleaved>} : vector<32xbf16> -> vector<16xf32>
      %unpack3A_2433 = tpu.unpack_subelements %mul3A_2431, 1 {pack_format = #tpu.pack_format<interleaved>} : vector<32xbf16> -> vector<16xf32>
      %add3A_2434 = arith.addf %add3A_2425, %unpack3A_2432 : vector<16xf32>
      %add3A_2435 = arith.addf %add3A_2434, %unpack3A_2433 : vector<16xf32>
      %get3A_2436 = arith.constant 42 : i32
      %get3A_2437 = arith.index_cast %rem3A_245 : i32 to index
      %get3A_2438 = arith.index_cast %get3A_2436 : i32 to index
      %get3A_2439 = arith.constant 64 : index
      %get3A_2440 = tpu.vector_load %arg9[%get3A_2437, %get3A_2438, %get3A_2439] {strides = array<i32>} : memref<10x80x128xbf16, #tpu.memory_space<vmem>>, vector<32xbf16>,
      %mul3A_2441 = arith.mulf %get3A_2440, %get3A_2440 : vector<32xbf16>
      %unpack3A_2442 = tpu.unpack_subelements %mul3A_2441, 0 {pack_format = #tpu.pack_format<interleaved>} : vector<32xbf16> -> vector<16xf32>
      %unpack3A_2443 = tpu.unpack_subelements %mul3A_2441, 1 {pack_format = #tpu.pack_format<interleaved>} : vector<32xbf16> -> vector<16xf32>
      %add3A_2444 = arith.addf %add3A_2435, %unpack3A_2442 : vector<16xf32>
      %add3A_2445 = arith.addf %add3A_2444, %unpack3A_2443 : vector<16xf32>
      %get3A_2446 = arith.constant 42 : i32
      %get3A_2447 = arith.index_cast %rem3A_245 : i32 to index
      %get3A_2448 = arith.index_cast %get3A_2446 : i32 to index
      %get3A_2449 = arith.constant 96 : index
      %get3A_2450 = tpu.vector_load %arg9[%get3A_2447, %get3A_2448, %get3A_2449] {strides = array<i32>} : memref<10x80x128xbf16, #tpu.memory_space<vmem>>, vector<32xbf16>,
      %mul3A_2451 = arith.mulf %get3A_2450, %get3A_2450 : vector<32xbf16>
      %unpack3A_2452 = tpu.unpack_subelements %mul3A_2451, 0 {pack_format = #tpu.pack_format<interleaved>} : vector<32xbf16> -> vector<16xf32>
      %unpack3A_2453 = tpu.unpack_subelements %mul3A_2451, 1 {pack_format = #tpu.pack_format<interleaved>} : vector<32xbf16> -> vector<16xf32>
      %add3A_2454 = arith.addf %add3A_2445, %unpack3A_2452 : vector<16xf32>
      %add3A_2455 = arith.addf %add3A_2454, %unpack3A_2453 : vector<16xf32>
      %broadcast_in_dim3A_2456 = arith.constant true
      %broadcast_in_dim3A_2457 = vector.broadcast %broadcast_in_dim3A_2456 : i1 to vector<16xi1>
      %masked_cumsum3A_2458 = tpu.scan <sum>, %add3A_2455 masked %broadcast_in_dim3A_2457 : vector<16xf32>, vector<16xi1> -> vector<16xf32>
      %reshape3A_2459 = vector.shape_cast %broadcast_in_dim3A_272 : vector<16xi32> to vector<16x1xi32>
      %gather3A_2460 = vector.shape_cast %reshape3A_2459 : vector<16x1xi32> to vector<16xi32>
      %gather3A_2461 = tpu.dynamic_gather %masked_cumsum3A_2458[%gather3A_2460] in [0] : vector<16xf32>, vector<16xi32> -> vector<16xf32>
      %eq3A_2462 = arith.constant 10 : i32
      %eq3A_2463 = vector.broadcast %eq3A_2462 : i32 to vector<16xi32>
      %eq3A_2464 = arith.cmpi eq, %iota3A, %eq3A_2463 : vector<16xi32>
      %select_n3A_2465 = arith.select %eq3A_2464, %gather3A_2461, %select_n3A_2416 : vector<16xi1>, vector<16xf32>
      %get3A_2466 = arith.constant 43 : i32
      %get3A_2467 = arith.index_cast %rem3A_245 : i32 to index
      %get3A_2468 = arith.index_cast %get3A_2466 : i32 to index
      %get3A_2469 = arith.constant 0 : index
      %get3A_2470 = tpu.vector_load %arg9[%get3A_2467, %get3A_2468, %get3A_2469] {strides = array<i32>} : memref<10x80x128xbf16, #tpu.memory_space<vmem>>, vector<32xbf16>,
      %mul3A_2471 = arith.mulf %get3A_2470, %get3A_2470 : vector<32xbf16>
      %unpack3A_2472 = tpu.unpack_subelements %mul3A_2471, 0 {pack_format = #tpu.pack_format<interleaved>} : vector<32xbf16> -> vector<16xf32>
      %unpack3A_2473 = tpu.unpack_subelements %mul3A_2471, 1 {pack_format = #tpu.pack_format<interleaved>} : vector<32xbf16> -> vector<16xf32>
      %add3A_2474 = arith.addf %unpack3A_2472, %unpack3A_2473 : vector<16xf32>
      %get3A_2475 = arith.constant 43 : i32
      %get3A_2476 = arith.index_cast %rem3A_245 : i32 to index
      %get3A_2477 = arith.index_cast %get3A_2475 : i32 to index
      %get3A_2478 = arith.constant 32 : index
      %get3A_2479 = tpu.vector_load %arg9[%get3A_2476, %get3A_2477, %get3A_2478] {strides = array<i32>} : memref<10x80x128xbf16, #tpu.memory_space<vmem>>, vector<32xbf16>,
      %mul3A_2480 = arith.mulf %get3A_2479, %get3A_2479 : vector<32xbf16>
      %unpack3A_2481 = tpu.unpack_subelements %mul3A_2480, 0 {pack_format = #tpu.pack_format<interleaved>} : vector<32xbf16> -> vector<16xf32>
      %unpack3A_2482 = tpu.unpack_subelements %mul3A_2480, 1 {pack_format = #tpu.pack_format<interleaved>} : vector<32xbf16> -> vector<16xf32>
      %add3A_2483 = arith.addf %add3A_2474, %unpack3A_2481 : vector<16xf32>
      %add3A_2484 = arith.addf %add3A_2483, %unpack3A_2482 : vector<16xf32>
      %get3A_2485 = arith.constant 43 : i32
      %get3A_2486 = arith.index_cast %rem3A_245 : i32 to index
      %get3A_2487 = arith.index_cast %get3A_2485 : i32 to index
      %get3A_2488 = arith.constant 64 : index
      %get3A_2489 = tpu.vector_load %arg9[%get3A_2486, %get3A_2487, %get3A_2488] {strides = array<i32>} : memref<10x80x128xbf16, #tpu.memory_space<vmem>>, vector<32xbf16>,
      %mul3A_2490 = arith.mulf %get3A_2489, %get3A_2489 : vector<32xbf16>
      %unpack3A_2491 = tpu.unpack_subelements %mul3A_2490, 0 {pack_format = #tpu.pack_format<interleaved>} : vector<32xbf16> -> vector<16xf32>
      %unpack3A_2492 = tpu.unpack_subelements %mul3A_2490, 1 {pack_format = #tpu.pack_format<interleaved>} : vector<32xbf16> -> vector<16xf32>
      %add3A_2493 = arith.addf %add3A_2484, %unpack3A_2491 : vector<16xf32>
      %add3A_2494 = arith.addf %add3A_2493, %unpack3A_2492 : vector<16xf32>
      %get3A_2495 = arith.constant 43 : i32
      %get3A_2496 = arith.index_cast %rem3A_245 : i32 to index
      %get3A_2497 = arith.index_cast %get3A_2495 : i32 to index
      %get3A_2498 = arith.constant 96 : index
      %get3A_2499 = tpu.vector_load %arg9[%get3A_2496, %get3A_2497, %get3A_2498] {strides = array<i32>} : memref<10x80x128xbf16, #tpu.memory_space<vmem>>, vector<32xbf16>,
      %mul3A_2500 = arith.mulf %get3A_2499, %get3A_2499 : vector<32xbf16>
      %unpack3A_2501 = tpu.unpack_subelements %mul3A_2500, 0 {pack_format = #tpu.pack_format<interleaved>} : vector<32xbf16> -> vector<16xf32>
      %unpack3A_2502 = tpu.unpack_subelements %mul3A_2500, 1 {pack_format = #tpu.pack_format<interleaved>} : vector<32xbf16> -> vector<16xf32>
      %add3A_2503 = arith.addf %add3A_2494, %unpack3A_2501 : vector<16xf32>
      %add3A_2504 = arith.addf %add3A_2503, %unpack3A_2502 : vector<16xf32>
      %broadcast_in_dim3A_2505 = arith.constant true
      %broadcast_in_dim3A_2506 = vector.broadcast %broadcast_in_dim3A_2505 : i1 to vector<16xi1>
      %masked_cumsum3A_2507 = tpu.scan <sum>, %add3A_2504 masked %broadcast_in_dim3A_2506 : vector<16xf32>, vector<16xi1> -> vector<16xf32>
      %reshape3A_2508 = vector.shape_cast %broadcast_in_dim3A_272 : vector<16xi32> to vector<16x1xi32>
      %gather3A_2509 = vector.shape_cast %reshape3A_2508 : vector<16x1xi32> to vector<16xi32>
      %gather3A_2510 = tpu.dynamic_gather %masked_cumsum3A_2507[%gather3A_2509] in [0] : vector<16xf32>, vector<16xi32> -> vector<16xf32>
      %eq3A_2511 = arith.constant 11 : i32
      %eq3A_2512 = vector.broadcast %eq3A_2511 : i32 to vector<16xi32>
      %eq3A_2513 = arith.cmpi eq, %iota3A, %eq3A_2512 : vector<16xi32>
      %select_n3A_2514 = arith.select %eq3A_2513, %gather3A_2510, %select_n3A_2465 : vector<16xi1>, vector<16xf32>
      %get3A_2515 = arith.constant 44 : i32
      %get3A_2516 = arith.index_cast %rem3A_245 : i32 to index
      %get3A_2517 = arith.index_cast %get3A_2515 : i32 to index
      %get3A_2518 = arith.constant 0 : index
      %get3A_2519 = tpu.vector_load %arg9[%get3A_2516, %get3A_2517, %get3A_2518] {strides = array<i32>} : memref<10x80x128xbf16, #tpu.memory_space<vmem>>, vector<32xbf16>,
      %mul3A_2520 = arith.mulf %get3A_2519, %get3A_2519 : vector<32xbf16>
      %unpack3A_2521 = tpu.unpack_subelements %mul3A_2520, 0 {pack_format = #tpu.pack_format<interleaved>} : vector<32xbf16> -> vector<16xf32>
      %unpack3A_2522 = tpu.unpack_subelements %mul3A_2520, 1 {pack_format = #tpu.pack_format<interleaved>} : vector<32xbf16> -> vector<16xf32>
      %add3A_2523 = arith.addf %unpack3A_2521, %unpack3A_2522 : vector<16xf32>
      %get3A_2524 = arith.constant 44 : i32
      %get3A_2525 = arith.index_cast %rem3A_245 : i32 to index
      %get3A_2526 = arith.index_cast %get3A_2524 : i32 to index
      %get3A_2527 = arith.constant 32 : index
      %get3A_2528 = tpu.vector_load %arg9[%get3A_2525, %get3A_2526, %get3A_2527] {strides = array<i32>} : memref<10x80x128xbf16, #tpu.memory_space<vmem>>, vector<32xbf16>,
      %mul3A_2529 = arith.mulf %get3A_2528, %get3A_2528 : vector<32xbf16>
      %unpack3A_2530 = tpu.unpack_subelements %mul3A_2529, 0 {pack_format = #tpu.pack_format<interleaved>} : vector<32xbf16> -> vector<16xf32>
      %unpack3A_2531 = tpu.unpack_subelements %mul3A_2529, 1 {pack_format = #tpu.pack_format<interleaved>} : vector<32xbf16> -> vector<16xf32>
      %add3A_2532 = arith.addf %add3A_2523, %unpack3A_2530 : vector<16xf32>
      %add3A_2533 = arith.addf %add3A_2532, %unpack3A_2531 : vector<16xf32>
      %get3A_2534 = arith.constant 44 : i32
      %get3A_2535 = arith.index_cast %rem3A_245 : i32 to index
      %get3A_2536 = arith.index_cast %get3A_2534 : i32 to index
      %get3A_2537 = arith.constant 64 : index
      %get3A_2538 = tpu.vector_load %arg9[%get3A_2535, %get3A_2536, %get3A_2537] {strides = array<i32>} : memref<10x80x128xbf16, #tpu.memory_space<vmem>>, vector<32xbf16>,
      %mul3A_2539 = arith.mulf %get3A_2538, %get3A_2538 : vector<32xbf16>
      %unpack3A_2540 = tpu.unpack_subelements %mul3A_2539, 0 {pack_format = #tpu.pack_format<interleaved>} : vector<32xbf16> -> vector<16xf32>
      %unpack3A_2541 = tpu.unpack_subelements %mul3A_2539, 1 {pack_format = #tpu.pack_format<interleaved>} : vector<32xbf16> -> vector<16xf32>
      %add3A_2542 = arith.addf %add3A_2533, %unpack3A_2540 : vector<16xf32>
      %add3A_2543 = arith.addf %add3A_2542, %unpack3A_2541 : vector<16xf32>
      %get3A_2544 = arith.constant 44 : i32
      %get3A_2545 = arith.index_cast %rem3A_245 : i32 to index
      %get3A_2546 = arith.index_cast %get3A_2544 : i32 to index
      %get3A_2547 = arith.constant 96 : index
      %get3A_2548 = tpu.vector_load %arg9[%get3A_2545, %get3A_2546, %get3A_2547] {strides = array<i32>} : memref<10x80x128xbf16, #tpu.memory_space<vmem>>, vector<32xbf16>,
      %mul3A_2549 = arith.mulf %get3A_2548, %get3A_2548 : vector<32xbf16>
      %unpack3A_2550 = tpu.unpack_subelements %mul3A_2549, 0 {pack_format = #tpu.pack_format<interleaved>} : vector<32xbf16> -> vector<16xf32>
      %unpack3A_2551 = tpu.unpack_subelements %mul3A_2549, 1 {pack_format = #tpu.pack_format<interleaved>} : vector<32xbf16> -> vector<16xf32>
      %add3A_2552 = arith.addf %add3A_2543, %unpack3A_2550 : vector<16xf32>
      %add3A_2553 = arith.addf %add3A_2552, %unpack3A_2551 : vector<16xf32>
      %broadcast_in_dim3A_2554 = arith.constant true
      %broadcast_in_dim3A_2555 = vector.broadcast %broadcast_in_dim3A_2554 : i1 to vector<16xi1>
      %masked_cumsum3A_2556 = tpu.scan <sum>, %add3A_2553 masked %broadcast_in_dim3A_2555 : vector<16xf32>, vector<16xi1> -> vector<16xf32>
      %reshape3A_2557 = vector.shape_cast %broadcast_in_dim3A_272 : vector<16xi32> to vector<16x1xi32>
      %gather3A_2558 = vector.shape_cast %reshape3A_2557 : vector<16x1xi32> to vector<16xi32>
      %gather3A_2559 = tpu.dynamic_gather %masked_cumsum3A_2556[%gather3A_2558] in [0] : vector<16xf32>, vector<16xi32> -> vector<16xf32>
      %eq3A_2560 = arith.constant 12 : i32
      %eq3A_2561 = vector.broadcast %eq3A_2560 : i32 to vector<16xi32>
      %eq3A_2562 = arith.cmpi eq, %iota3A, %eq3A_2561 : vector<16xi32>
      %select_n3A_2563 = arith.select %eq3A_2562, %gather3A_2559, %select_n3A_2514 : vector<16xi1>, vector<16xf32>
      %get3A_2564 = arith.constant 45 : i32
      %get3A_2565 = arith.index_cast %rem3A_245 : i32 to index
      %get3A_2566 = arith.index_cast %get3A_2564 : i32 to index
      %get3A_2567 = arith.constant 0 : index
      %get3A_2568 = tpu.vector_load %arg9[%get3A_2565, %get3A_2566, %get3A_2567] {strides = array<i32>} : memref<10x80x128xbf16, #tpu.memory_space<vmem>>, vector<32xbf16>,
      %mul3A_2569 = arith.mulf %get3A_2568, %get3A_2568 : vector<32xbf16>
      %unpack3A_2570 = tpu.unpack_subelements %mul3A_2569, 0 {pack_format = #tpu.pack_format<interleaved>} : vector<32xbf16> -> vector<16xf32>
      %unpack3A_2571 = tpu.unpack_subelements %mul3A_2569, 1 {pack_format = #tpu.pack_format<interleaved>} : vector<32xbf16> -> vector<16xf32>
      %add3A_2572 = arith.addf %unpack3A_2570, %unpack3A_2571 : vector<16xf32>
      %get3A_2573 = arith.constant 45 : i32
      %get3A_2574 = arith.index_cast %rem3A_245 : i32 to index
      %get3A_2575 = arith.index_cast %get3A_2573 : i32 to index
      %get3A_2576 = arith.constant 32 : index
      %get3A_2577 = tpu.vector_load %arg9[%get3A_2574, %get3A_2575, %get3A_2576] {strides = array<i32>} : memref<10x80x128xbf16, #tpu.memory_space<vmem>>, vector<32xbf16>,
      %mul3A_2578 = arith.mulf %get3A_2577, %get3A_2577 : vector<32xbf16>
      %unpack3A_2579 = tpu.unpack_subelements %mul3A_2578, 0 {pack_format = #tpu.pack_format<interleaved>} : vector<32xbf16> -> vector<16xf32>
      %unpack3A_2580 = tpu.unpack_subelements %mul3A_2578, 1 {pack_format = #tpu.pack_format<interleaved>} : vector<32xbf16> -> vector<16xf32>
      %add3A_2581 = arith.addf %add3A_2572, %unpack3A_2579 : vector<16xf32>
      %add3A_2582 = arith.addf %add3A_2581, %unpack3A_2580 : vector<16xf32>
      %get3A_2583 = arith.constant 45 : i32
      %get3A_2584 = arith.index_cast %rem3A_245 : i32 to index
      %get3A_2585 = arith.index_cast %get3A_2583 : i32 to index
      %get3A_2586 = arith.constant 64 : index
      %get3A_2587 = tpu.vector_load %arg9[%get3A_2584, %get3A_2585, %get3A_2586] {strides = array<i32>} : memref<10x80x128xbf16, #tpu.memory_space<vmem>>, vector<32xbf16>,
      %mul3A_2588 = arith.mulf %get3A_2587, %get3A_2587 : vector<32xbf16>
      %unpack3A_2589 = tpu.unpack_subelements %mul3A_2588, 0 {pack_format = #tpu.pack_format<interleaved>} : vector<32xbf16> -> vector<16xf32>
      %unpack3A_2590 = tpu.unpack_subelements %mul3A_2588, 1 {pack_format = #tpu.pack_format<interleaved>} : vector<32xbf16> -> vector<16xf32>
      %add3A_2591 = arith.addf %add3A_2582, %unpack3A_2589 : vector<16xf32>
      %add3A_2592 = arith.addf %add3A_2591, %unpack3A_2590 : vector<16xf32>
      %get3A_2593 = arith.constant 45 : i32
      %get3A_2594 = arith.index_cast %rem3A_245 : i32 to index
      %get3A_2595 = arith.index_cast %get3A_2593 : i32 to index
      %get3A_2596 = arith.constant 96 : index
      %get3A_2597 = tpu.vector_load %arg9[%get3A_2594, %get3A_2595, %get3A_2596] {strides = array<i32>} : memref<10x80x128xbf16, #tpu.memory_space<vmem>>, vector<32xbf16>,
      %mul3A_2598 = arith.mulf %get3A_2597, %get3A_2597 : vector<32xbf16>
      %unpack3A_2599 = tpu.unpack_subelements %mul3A_2598, 0 {pack_format = #tpu.pack_format<interleaved>} : vector<32xbf16> -> vector<16xf32>
      %unpack3A_2600 = tpu.unpack_subelements %mul3A_2598, 1 {pack_format = #tpu.pack_format<interleaved>} : vector<32xbf16> -> vector<16xf32>
      %add3A_2601 = arith.addf %add3A_2592, %unpack3A_2599 : vector<16xf32>
      %add3A_2602 = arith.addf %add3A_2601, %unpack3A_2600 : vector<16xf32>
      %broadcast_in_dim3A_2603 = arith.constant true
      %broadcast_in_dim3A_2604 = vector.broadcast %broadcast_in_dim3A_2603 : i1 to vector<16xi1>
      %masked_cumsum3A_2605 = tpu.scan <sum>, %add3A_2602 masked %broadcast_in_dim3A_2604 : vector<16xf32>, vector<16xi1> -> vector<16xf32>
      %reshape3A_2606 = vector.shape_cast %broadcast_in_dim3A_272 : vector<16xi32> to vector<16x1xi32>
      %gather3A_2607 = vector.shape_cast %reshape3A_2606 : vector<16x1xi32> to vector<16xi32>
      %gather3A_2608 = tpu.dynamic_gather %masked_cumsum3A_2605[%gather3A_2607] in [0] : vector<16xf32>, vector<16xi32> -> vector<16xf32>
      %eq3A_2609 = arith.constant 13 : i32
      %eq3A_2610 = vector.broadcast %eq3A_2609 : i32 to vector<16xi32>
      %eq3A_2611 = arith.cmpi eq, %iota3A, %eq3A_2610 : vector<16xi32>
      %select_n3A_2612 = arith.select %eq3A_2611, %gather3A_2608, %select_n3A_2563 : vector<16xi1>, vector<16xf32>
      %get3A_2613 = arith.constant 46 : i32
      %get3A_2614 = arith.index_cast %rem3A_245 : i32 to index
      %get3A_2615 = arith.index_cast %get3A_2613 : i32 to index
      %get3A_2616 = arith.constant 0 : index
      %get3A_2617 = tpu.vector_load %arg9[%get3A_2614, %get3A_2615, %get3A_2616] {strides = array<i32>} : memref<10x80x128xbf16, #tpu.memory_space<vmem>>, vector<32xbf16>,
      %mul3A_2618 = arith.mulf %get3A_2617, %get3A_2617 : vector<32xbf16>
      %unpack3A_2619 = tpu.unpack_subelements %mul3A_2618, 0 {pack_format = #tpu.pack_format<interleaved>} : vector<32xbf16> -> vector<16xf32>
      %unpack3A_2620 = tpu.unpack_subelements %mul3A_2618, 1 {pack_format = #tpu.pack_format<interleaved>} : vector<32xbf16> -> vector<16xf32>
      %add3A_2621 = arith.addf %unpack3A_2619, %unpack3A_2620 : vector<16xf32>
      %get3A_2622 = arith.constant 46 : i32
      %get3A_2623 = arith.index_cast %rem3A_245 : i32 to index
      %get3A_2624 = arith.index_cast %get3A_2622 : i32 to index
      %get3A_2625 = arith.constant 32 : index
      %get3A_2626 = tpu.vector_load %arg9[%get3A_2623, %get3A_2624, %get3A_2625] {strides = array<i32>} : memref<10x80x128xbf16, #tpu.memory_space<vmem>>, vector<32xbf16>,
      %mul3A_2627 = arith.mulf %get3A_2626, %get3A_2626 : vector<32xbf16>
      %unpack3A_2628 = tpu.unpack_subelements %mul3A_2627, 0 {pack_format = #tpu.pack_format<interleaved>} : vector<32xbf16> -> vector<16xf32>
      %unpack3A_2629 = tpu.unpack_subelements %mul3A_2627, 1 {pack_format = #tpu.pack_format<interleaved>} : vector<32xbf16> -> vector<16xf32>
      %add3A_2630 = arith.addf %add3A_2621, %unpack3A_2628 : vector<16xf32>
      %add3A_2631 = arith.addf %add3A_2630, %unpack3A_2629 : vector<16xf32>
      %get3A_2632 = arith.constant 46 : i32
      %get3A_2633 = arith.index_cast %rem3A_245 : i32 to index
      %get3A_2634 = arith.index_cast %get3A_2632 : i32 to index
      %get3A_2635 = arith.constant 64 : index
      %get3A_2636 = tpu.vector_load %arg9[%get3A_2633, %get3A_2634, %get3A_2635] {strides = array<i32>} : memref<10x80x128xbf16, #tpu.memory_space<vmem>>, vector<32xbf16>,
      %mul3A_2637 = arith.mulf %get3A_2636, %get3A_2636 : vector<32xbf16>
      %unpack3A_2638 = tpu.unpack_subelements %mul3A_2637, 0 {pack_format = #tpu.pack_format<interleaved>} : vector<32xbf16> -> vector<16xf32>
      %unpack3A_2639 = tpu.unpack_subelements %mul3A_2637, 1 {pack_format = #tpu.pack_format<interleaved>} : vector<32xbf16> -> vector<16xf32>
      %add3A_2640 = arith.addf %add3A_2631, %unpack3A_2638 : vector<16xf32>
      %add3A_2641 = arith.addf %add3A_2640, %unpack3A_2639 : vector<16xf32>
      %get3A_2642 = arith.constant 46 : i32
      %get3A_2643 = arith.index_cast %rem3A_245 : i32 to index
      %get3A_2644 = arith.index_cast %get3A_2642 : i32 to index
      %get3A_2645 = arith.constant 96 : index
      %get3A_2646 = tpu.vector_load %arg9[%get3A_2643, %get3A_2644, %get3A_2645] {strides = array<i32>} : memref<10x80x128xbf16, #tpu.memory_space<vmem>>, vector<32xbf16>,
      %mul3A_2647 = arith.mulf %get3A_2646, %get3A_2646 : vector<32xbf16>
      %unpack3A_2648 = tpu.unpack_subelements %mul3A_2647, 0 {pack_format = #tpu.pack_format<interleaved>} : vector<32xbf16> -> vector<16xf32>
      %unpack3A_2649 = tpu.unpack_subelements %mul3A_2647, 1 {pack_format = #tpu.pack_format<interleaved>} : vector<32xbf16> -> vector<16xf32>
      %add3A_2650 = arith.addf %add3A_2641, %unpack3A_2648 : vector<16xf32>
      %add3A_2651 = arith.addf %add3A_2650, %unpack3A_2649 : vector<16xf32>
      %broadcast_in_dim3A_2652 = arith.constant true
      %broadcast_in_dim3A_2653 = vector.broadcast %broadcast_in_dim3A_2652 : i1 to vector<16xi1>
      %masked_cumsum3A_2654 = tpu.scan <sum>, %add3A_2651 masked %broadcast_in_dim3A_2653 : vector<16xf32>, vector<16xi1> -> vector<16xf32>
      %reshape3A_2655 = vector.shape_cast %broadcast_in_dim3A_272 : vector<16xi32> to vector<16x1xi32>
      %gather3A_2656 = vector.shape_cast %reshape3A_2655 : vector<16x1xi32> to vector<16xi32>
      %gather3A_2657 = tpu.dynamic_gather %masked_cumsum3A_2654[%gather3A_2656] in [0] : vector<16xf32>, vector<16xi32> -> vector<16xf32>
      %eq3A_2658 = arith.constant 14 : i32
      %eq3A_2659 = vector.broadcast %eq3A_2658 : i32 to vector<16xi32>
      %eq3A_2660 = arith.cmpi eq, %iota3A, %eq3A_2659 : vector<16xi32>
      %select_n3A_2661 = arith.select %eq3A_2660, %gather3A_2657, %select_n3A_2612 : vector<16xi1>, vector<16xf32>
      %get3A_2662 = arith.constant 47 : i32
      %get3A_2663 = arith.index_cast %rem3A_245 : i32 to index
      %get3A_2664 = arith.index_cast %get3A_2662 : i32 to index
      %get3A_2665 = arith.constant 0 : index
      %get3A_2666 = tpu.vector_load %arg9[%get3A_2663, %get3A_2664, %get3A_2665] {strides = array<i32>} : memref<10x80x128xbf16, #tpu.memory_space<vmem>>, vector<32xbf16>,
      %mul3A_2667 = arith.mulf %get3A_2666, %get3A_2666 : vector<32xbf16>
      %unpack3A_2668 = tpu.unpack_subelements %mul3A_2667, 0 {pack_format = #tpu.pack_format<interleaved>} : vector<32xbf16> -> vector<16xf32>
      %unpack3A_2669 = tpu.unpack_subelements %mul3A_2667, 1 {pack_format = #tpu.pack_format<interleaved>} : vector<32xbf16> -> vector<16xf32>
      %add3A_2670 = arith.addf %unpack3A_2668, %unpack3A_2669 : vector<16xf32>
      %get3A_2671 = arith.constant 47 : i32
      %get3A_2672 = arith.index_cast %rem3A_245 : i32 to index
      %get3A_2673 = arith.index_cast %get3A_2671 : i32 to index
      %get3A_2674 = arith.constant 32 : index
      %get3A_2675 = tpu.vector_load %arg9[%get3A_2672, %get3A_2673, %get3A_2674] {strides = array<i32>} : memref<10x80x128xbf16, #tpu.memory_space<vmem>>, vector<32xbf16>,
      %mul3A_2676 = arith.mulf %get3A_2675, %get3A_2675 : vector<32xbf16>
      %unpack3A_2677 = tpu.unpack_subelements %mul3A_2676, 0 {pack_format = #tpu.pack_format<interleaved>} : vector<32xbf16> -> vector<16xf32>
      %unpack3A_2678 = tpu.unpack_subelements %mul3A_2676, 1 {pack_format = #tpu.pack_format<interleaved>} : vector<32xbf16> -> vector<16xf32>
      %add3A_2679 = arith.addf %add3A_2670, %unpack3A_2677 : vector<16xf32>
      %add3A_2680 = arith.addf %add3A_2679, %unpack3A_2678 : vector<16xf32>
      %get3A_2681 = arith.constant 47 : i32
      %get3A_2682 = arith.index_cast %rem3A_245 : i32 to index
      %get3A_2683 = arith.index_cast %get3A_2681 : i32 to index
      %get3A_2684 = arith.constant 64 : index
      %get3A_2685 = tpu.vector_load %arg9[%get3A_2682, %get3A_2683, %get3A_2684] {strides = array<i32>} : memref<10x80x128xbf16, #tpu.memory_space<vmem>>, vector<32xbf16>,
      %mul3A_2686 = arith.mulf %get3A_2685, %get3A_2685 : vector<32xbf16>
      %unpack3A_2687 = tpu.unpack_subelements %mul3A_2686, 0 {pack_format = #tpu.pack_format<interleaved>} : vector<32xbf16> -> vector<16xf32>
      %unpack3A_2688 = tpu.unpack_subelements %mul3A_2686, 1 {pack_format = #tpu.pack_format<interleaved>} : vector<32xbf16> -> vector<16xf32>
      %add3A_2689 = arith.addf %add3A_2680, %unpack3A_2687 : vector<16xf32>
      %add3A_2690 = arith.addf %add3A_2689, %unpack3A_2688 : vector<16xf32>
      %get3A_2691 = arith.constant 47 : i32
      %get3A_2692 = arith.index_cast %rem3A_245 : i32 to index
      %get3A_2693 = arith.index_cast %get3A_2691 : i32 to index
      %get3A_2694 = arith.constant 96 : index
      %get3A_2695 = tpu.vector_load %arg9[%get3A_2692, %get3A_2693, %get3A_2694] {strides = array<i32>} : memref<10x80x128xbf16, #tpu.memory_space<vmem>>, vector<32xbf16>,
      %mul3A_2696 = arith.mulf %get3A_2695, %get3A_2695 : vector<32xbf16>
      %unpack3A_2697 = tpu.unpack_subelements %mul3A_2696, 0 {pack_format = #tpu.pack_format<interleaved>} : vector<32xbf16> -> vector<16xf32>
      %unpack3A_2698 = tpu.unpack_subelements %mul3A_2696, 1 {pack_format = #tpu.pack_format<interleaved>} : vector<32xbf16> -> vector<16xf32>
      %add3A_2699 = arith.addf %add3A_2690, %unpack3A_2697 : vector<16xf32>
      %add3A_2700 = arith.addf %add3A_2699, %unpack3A_2698 : vector<16xf32>
      %broadcast_in_dim3A_2701 = arith.constant true
      %broadcast_in_dim3A_2702 = vector.broadcast %broadcast_in_dim3A_2701 : i1 to vector<16xi1>
      %masked_cumsum3A_2703 = tpu.scan <sum>, %add3A_2700 masked %broadcast_in_dim3A_2702 : vector<16xf32>, vector<16xi1> -> vector<16xf32>
      %reshape3A_2704 = vector.shape_cast %broadcast_in_dim3A_272 : vector<16xi32> to vector<16x1xi32>
      %gather3A_2705 = vector.shape_cast %reshape3A_2704 : vector<16x1xi32> to vector<16xi32>
      %gather3A_2706 = tpu.dynamic_gather %masked_cumsum3A_2703[%gather3A_2705] in [0] : vector<16xf32>, vector<16xi32> -> vector<16xf32>
      %eq3A_2707 = arith.constant 15 : i32
      %eq3A_2708 = vector.broadcast %eq3A_2707 : i32 to vector<16xi32>
      %eq3A_2709 = arith.cmpi eq, %iota3A, %eq3A_2708 : vector<16xi32>
      %select_n3A_2710 = arith.select %eq3A_2709, %gather3A_2706, %select_n3A_2661 : vector<16xi1>, vector<16xf32>
      %max3A_2711 = arith.constant 1.000000e-30 : f32
      %max3A_2712 = vector.broadcast %max3A_2711 : f32 to vector<16xf32>
      %max3A_2713 = arith.maximumf %select_n3A_2710, %max3A_2712 : vector<16xf32>
      %bitcast_convert_type3A_2714 = tpu.bitcast %max3A_2713 : vector<16xf32> -> vector<16xi32>
      %shift_right_arithmetic3A_2715 = arith.constant 1 : i32
      %shift_right_arithmetic3A_2716 = vector.broadcast %shift_right_arithmetic3A_2715 : i32 to vector<16xi32>
      %shift_right_arithmetic3A_2717 = arith.shrsi %bitcast_convert_type3A_2714, %shift_right_arithmetic3A_2716 : vector<16xi32>
      %sub3A_2718 = arith.constant 1597463007 : i32
      %sub3A_2719 = vector.broadcast %sub3A_2718 : i32 to vector<16xi32>
      %sub3A_2720 = arith.subi %sub3A_2719, %shift_right_arithmetic3A_2717 : vector<16xi32>
      %bitcast_convert_type3A_2721 = tpu.bitcast %sub3A_2720 : vector<16xi32> -> vector<16xf32>
      %mul3A_2722 = arith.constant 5.000000e-01 : f32
      %mul3A_2723 = vector.broadcast %mul3A_2722 : f32 to vector<16xf32>
      %mul3A_2724 = arith.mulf %mul3A_2723, %max3A_2713 : vector<16xf32>
      %mul3A_2725 = arith.mulf %mul3A_2724, %bitcast_convert_type3A_2721 : vector<16xf32>
      %mul3A_2726 = arith.mulf %mul3A_2725, %bitcast_convert_type3A_2721 : vector<16xf32>
      %sub3A_2727 = arith.constant 1.500000e+00 : f32
      %sub3A_2728 = vector.broadcast %sub3A_2727 : f32 to vector<16xf32>
      %sub3A_2729 = arith.subf %sub3A_2728, %mul3A_2726 : vector<16xf32>
      %mul3A_2730 = arith.mulf %bitcast_convert_type3A_2721, %sub3A_2729 : vector<16xf32>
      %mul3A_2731 = arith.constant 5.000000e-01 : f32
      %mul3A_2732 = vector.broadcast %mul3A_2731 : f32 to vector<16xf32>
      %mul3A_2733 = arith.mulf %mul3A_2732, %max3A_2713 : vector<16xf32>
      %mul3A_2734 = arith.mulf %mul3A_2733, %mul3A_2730 : vector<16xf32>
      %mul3A_2735 = arith.mulf %mul3A_2734, %mul3A_2730 : vector<16xf32>
      %sub3A_2736 = arith.constant 1.500000e+00 : f32
      %sub3A_2737 = vector.broadcast %sub3A_2736 : f32 to vector<16xf32>
      %sub3A_2738 = arith.subf %sub3A_2737, %mul3A_2735 : vector<16xf32>
      %mul3A_2739 = arith.mulf %mul3A_2730, %sub3A_2738 : vector<16xf32>
      %mul3A_2740 = arith.constant 5.000000e-01 : f32
      %mul3A_2741 = vector.broadcast %mul3A_2740 : f32 to vector<16xf32>
      %mul3A_2742 = arith.mulf %mul3A_2741, %max3A_2713 : vector<16xf32>
      %mul3A_2743 = arith.mulf %mul3A_2742, %mul3A_2739 : vector<16xf32>
      %mul3A_2744 = arith.mulf %mul3A_2743, %mul3A_2739 : vector<16xf32>
      %sub3A_2745 = arith.constant 1.500000e+00 : f32
      %sub3A_2746 = vector.broadcast %sub3A_2745 : f32 to vector<16xf32>
      %sub3A_2747 = arith.subf %sub3A_2746, %mul3A_2744 : vector<16xf32>
      %mul3A_2748 = arith.mulf %mul3A_2739, %sub3A_2747 : vector<16xf32>
      %mul3A_2749 = arith.mulf %max3A_2713, %mul3A_2748 : vector<16xf32>
      %neg3A_2750 = arith.constant 0.000000e+00 : f32
      %neg3A_2751 = vector.broadcast %neg3A_2750 : f32 to vector<16xf32>
      %neg3A_2752 = arith.subf %neg3A_2751, %mul3A_2749 : vector<16xf32>
      %exp3A_2753 = math.exp %neg3A_2752 : vector<16xf32>
      %add3A_2754 = arith.constant 32 : i32
      %add3A_2755 = arith.addi %mul3A_271, %add3A_2754 : i32
      %swap3A_2756 = arith.index_cast %add3A_2755 : i32 to index
      %swap3A_2757 = tpu.vector_load %arg10[%swap3A_2756] {strides = array<i32>} : memref<10000xf32, #tpu.memory_space<vmem>>, vector<16xf32>,
      tpu.vector_store %arg10[%swap3A_2756], %exp3A_2753 {strides = array<i32>} : memref<10000xf32, #tpu.memory_space<vmem>>, vector<16xf32>,
      %broadcast_in_dim3A_2758 = arith.constant 0.000000e+00 : f32
      %broadcast_in_dim3A_2759 = vector.broadcast %broadcast_in_dim3A_2758 : f32 to vector<16xf32>
      %get3A_2760 = arith.constant 48 : i32
      %get3A_2761 = arith.index_cast %rem3A_245 : i32 to index
      %get3A_2762 = arith.index_cast %get3A_2760 : i32 to index
      %get3A_2763 = arith.constant 0 : index
      %get3A_2764 = tpu.vector_load %arg9[%get3A_2761, %get3A_2762, %get3A_2763] {strides = array<i32>} : memref<10x80x128xbf16, #tpu.memory_space<vmem>>, vector<32xbf16>,
      %mul3A_2765 = arith.mulf %get3A_2764, %get3A_2764 : vector<32xbf16>
      %unpack3A_2766 = tpu.unpack_subelements %mul3A_2765, 0 {pack_format = #tpu.pack_format<interleaved>} : vector<32xbf16> -> vector<16xf32>
      %unpack3A_2767 = tpu.unpack_subelements %mul3A_2765, 1 {pack_format = #tpu.pack_format<interleaved>} : vector<32xbf16> -> vector<16xf32>
      %add3A_2768 = arith.addf %unpack3A_2766, %unpack3A_2767 : vector<16xf32>
      %get3A_2769 = arith.constant 48 : i32
      %get3A_2770 = arith.index_cast %rem3A_245 : i32 to index
      %get3A_2771 = arith.index_cast %get3A_2769 : i32 to index
      %get3A_2772 = arith.constant 32 : index
      %get3A_2773 = tpu.vector_load %arg9[%get3A_2770, %get3A_2771, %get3A_2772] {strides = array<i32>} : memref<10x80x128xbf16, #tpu.memory_space<vmem>>, vector<32xbf16>,
      %mul3A_2774 = arith.mulf %get3A_2773, %get3A_2773 : vector<32xbf16>
      %unpack3A_2775 = tpu.unpack_subelements %mul3A_2774, 0 {pack_format = #tpu.pack_format<interleaved>} : vector<32xbf16> -> vector<16xf32>
      %unpack3A_2776 = tpu.unpack_subelements %mul3A_2774, 1 {pack_format = #tpu.pack_format<interleaved>} : vector<32xbf16> -> vector<16xf32>
      %add3A_2777 = arith.addf %add3A_2768, %unpack3A_2775 : vector<16xf32>
      %add3A_2778 = arith.addf %add3A_2777, %unpack3A_2776 : vector<16xf32>
      %get3A_2779 = arith.constant 48 : i32
      %get3A_2780 = arith.index_cast %rem3A_245 : i32 to index
      %get3A_2781 = arith.index_cast %get3A_2779 : i32 to index
      %get3A_2782 = arith.constant 64 : index
      %get3A_2783 = tpu.vector_load %arg9[%get3A_2780, %get3A_2781, %get3A_2782] {strides = array<i32>} : memref<10x80x128xbf16, #tpu.memory_space<vmem>>, vector<32xbf16>,
      %mul3A_2784 = arith.mulf %get3A_2783, %get3A_2783 : vector<32xbf16>
      %unpack3A_2785 = tpu.unpack_subelements %mul3A_2784, 0 {pack_format = #tpu.pack_format<interleaved>} : vector<32xbf16> -> vector<16xf32>
      %unpack3A_2786 = tpu.unpack_subelements %mul3A_2784, 1 {pack_format = #tpu.pack_format<interleaved>} : vector<32xbf16> -> vector<16xf32>
      %add3A_2787 = arith.addf %add3A_2778, %unpack3A_2785 : vector<16xf32>
      %add3A_2788 = arith.addf %add3A_2787, %unpack3A_2786 : vector<16xf32>
      %get3A_2789 = arith.constant 48 : i32
      %get3A_2790 = arith.index_cast %rem3A_245 : i32 to index
      %get3A_2791 = arith.index_cast %get3A_2789 : i32 to index
      %get3A_2792 = arith.constant 96 : index
      %get3A_2793 = tpu.vector_load %arg9[%get3A_2790, %get3A_2791, %get3A_2792] {strides = array<i32>} : memref<10x80x128xbf16, #tpu.memory_space<vmem>>, vector<32xbf16>,
      %mul3A_2794 = arith.mulf %get3A_2793, %get3A_2793 : vector<32xbf16>
      %unpack3A_2795 = tpu.unpack_subelements %mul3A_2794, 0 {pack_format = #tpu.pack_format<interleaved>} : vector<32xbf16> -> vector<16xf32>
      %unpack3A_2796 = tpu.unpack_subelements %mul3A_2794, 1 {pack_format = #tpu.pack_format<interleaved>} : vector<32xbf16> -> vector<16xf32>
      %add3A_2797 = arith.addf %add3A_2788, %unpack3A_2795 : vector<16xf32>
      %add3A_2798 = arith.addf %add3A_2797, %unpack3A_2796 : vector<16xf32>
      %broadcast_in_dim3A_2799 = arith.constant true
      %broadcast_in_dim3A_2800 = vector.broadcast %broadcast_in_dim3A_2799 : i1 to vector<16xi1>
      %masked_cumsum3A_2801 = tpu.scan <sum>, %add3A_2798 masked %broadcast_in_dim3A_2800 : vector<16xf32>, vector<16xi1> -> vector<16xf32>
      %reshape3A_2802 = vector.shape_cast %broadcast_in_dim3A_272 : vector<16xi32> to vector<16x1xi32>
      %gather3A_2803 = vector.shape_cast %reshape3A_2802 : vector<16x1xi32> to vector<16xi32>
      %gather3A_2804 = tpu.dynamic_gather %masked_cumsum3A_2801[%gather3A_2803] in [0] : vector<16xf32>, vector<16xi32> -> vector<16xf32>
      %eq3A_2805 = arith.constant 0 : i32
      %eq3A_2806 = vector.broadcast %eq3A_2805 : i32 to vector<16xi32>
      %eq3A_2807 = arith.cmpi eq, %iota3A, %eq3A_2806 : vector<16xi32>
      %select_n3A_2808 = arith.select %eq3A_2807, %gather3A_2804, %broadcast_in_dim3A_2759 : vector<16xi1>, vector<16xf32>
      %get3A_2809 = arith.constant 49 : i32
      %get3A_2810 = arith.index_cast %rem3A_245 : i32 to index
      %get3A_2811 = arith.index_cast %get3A_2809 : i32 to index
      %get3A_2812 = arith.constant 0 : index
      %get3A_2813 = tpu.vector_load %arg9[%get3A_2810, %get3A_2811, %get3A_2812] {strides = array<i32>} : memref<10x80x128xbf16, #tpu.memory_space<vmem>>, vector<32xbf16>,
      %mul3A_2814 = arith.mulf %get3A_2813, %get3A_2813 : vector<32xbf16>
      %unpack3A_2815 = tpu.unpack_subelements %mul3A_2814, 0 {pack_format = #tpu.pack_format<interleaved>} : vector<32xbf16> -> vector<16xf32>
      %unpack3A_2816 = tpu.unpack_subelements %mul3A_2814, 1 {pack_format = #tpu.pack_format<interleaved>} : vector<32xbf16> -> vector<16xf32>
      %add3A_2817 = arith.addf %unpack3A_2815, %unpack3A_2816 : vector<16xf32>
      %get3A_2818 = arith.constant 49 : i32
      %get3A_2819 = arith.index_cast %rem3A_245 : i32 to index
      %get3A_2820 = arith.index_cast %get3A_2818 : i32 to index
      %get3A_2821 = arith.constant 32 : index
      %get3A_2822 = tpu.vector_load %arg9[%get3A_2819, %get3A_2820, %get3A_2821] {strides = array<i32>} : memref<10x80x128xbf16, #tpu.memory_space<vmem>>, vector<32xbf16>,
      %mul3A_2823 = arith.mulf %get3A_2822, %get3A_2822 : vector<32xbf16>
      %unpack3A_2824 = tpu.unpack_subelements %mul3A_2823, 0 {pack_format = #tpu.pack_format<interleaved>} : vector<32xbf16> -> vector<16xf32>
      %unpack3A_2825 = tpu.unpack_subelements %mul3A_2823, 1 {pack_format = #tpu.pack_format<interleaved>} : vector<32xbf16> -> vector<16xf32>
      %add3A_2826 = arith.addf %add3A_2817, %unpack3A_2824 : vector<16xf32>
      %add3A_2827 = arith.addf %add3A_2826, %unpack3A_2825 : vector<16xf32>
      %get3A_2828 = arith.constant 49 : i32
      %get3A_2829 = arith.index_cast %rem3A_245 : i32 to index
      %get3A_2830 = arith.index_cast %get3A_2828 : i32 to index
      %get3A_2831 = arith.constant 64 : index
      %get3A_2832 = tpu.vector_load %arg9[%get3A_2829, %get3A_2830, %get3A_2831] {strides = array<i32>} : memref<10x80x128xbf16, #tpu.memory_space<vmem>>, vector<32xbf16>,
      %mul3A_2833 = arith.mulf %get3A_2832, %get3A_2832 : vector<32xbf16>
      %unpack3A_2834 = tpu.unpack_subelements %mul3A_2833, 0 {pack_format = #tpu.pack_format<interleaved>} : vector<32xbf16> -> vector<16xf32>
      %unpack3A_2835 = tpu.unpack_subelements %mul3A_2833, 1 {pack_format = #tpu.pack_format<interleaved>} : vector<32xbf16> -> vector<16xf32>
      %add3A_2836 = arith.addf %add3A_2827, %unpack3A_2834 : vector<16xf32>
      %add3A_2837 = arith.addf %add3A_2836, %unpack3A_2835 : vector<16xf32>
      %get3A_2838 = arith.constant 49 : i32
      %get3A_2839 = arith.index_cast %rem3A_245 : i32 to index
      %get3A_2840 = arith.index_cast %get3A_2838 : i32 to index
      %get3A_2841 = arith.constant 96 : index
      %get3A_2842 = tpu.vector_load %arg9[%get3A_2839, %get3A_2840, %get3A_2841] {strides = array<i32>} : memref<10x80x128xbf16, #tpu.memory_space<vmem>>, vector<32xbf16>,
      %mul3A_2843 = arith.mulf %get3A_2842, %get3A_2842 : vector<32xbf16>
      %unpack3A_2844 = tpu.unpack_subelements %mul3A_2843, 0 {pack_format = #tpu.pack_format<interleaved>} : vector<32xbf16> -> vector<16xf32>
      %unpack3A_2845 = tpu.unpack_subelements %mul3A_2843, 1 {pack_format = #tpu.pack_format<interleaved>} : vector<32xbf16> -> vector<16xf32>
      %add3A_2846 = arith.addf %add3A_2837, %unpack3A_2844 : vector<16xf32>
      %add3A_2847 = arith.addf %add3A_2846, %unpack3A_2845 : vector<16xf32>
      %broadcast_in_dim3A_2848 = arith.constant true
      %broadcast_in_dim3A_2849 = vector.broadcast %broadcast_in_dim3A_2848 : i1 to vector<16xi1>
      %masked_cumsum3A_2850 = tpu.scan <sum>, %add3A_2847 masked %broadcast_in_dim3A_2849 : vector<16xf32>, vector<16xi1> -> vector<16xf32>
      %reshape3A_2851 = vector.shape_cast %broadcast_in_dim3A_272 : vector<16xi32> to vector<16x1xi32>
      %gather3A_2852 = vector.shape_cast %reshape3A_2851 : vector<16x1xi32> to vector<16xi32>
      %gather3A_2853 = tpu.dynamic_gather %masked_cumsum3A_2850[%gather3A_2852] in [0] : vector<16xf32>, vector<16xi32> -> vector<16xf32>
      %eq3A_2854 = arith.constant 1 : i32
      %eq3A_2855 = vector.broadcast %eq3A_2854 : i32 to vector<16xi32>
      %eq3A_2856 = arith.cmpi eq, %iota3A, %eq3A_2855 : vector<16xi32>
      %select_n3A_2857 = arith.select %eq3A_2856, %gather3A_2853, %select_n3A_2808 : vector<16xi1>, vector<16xf32>
      %get3A_2858 = arith.constant 50 : i32
      %get3A_2859 = arith.index_cast %rem3A_245 : i32 to index
      %get3A_2860 = arith.index_cast %get3A_2858 : i32 to index
      %get3A_2861 = arith.constant 0 : index
      %get3A_2862 = tpu.vector_load %arg9[%get3A_2859, %get3A_2860, %get3A_2861] {strides = array<i32>} : memref<10x80x128xbf16, #tpu.memory_space<vmem>>, vector<32xbf16>,
      %mul3A_2863 = arith.mulf %get3A_2862, %get3A_2862 : vector<32xbf16>
      %unpack3A_2864 = tpu.unpack_subelements %mul3A_2863, 0 {pack_format = #tpu.pack_format<interleaved>} : vector<32xbf16> -> vector<16xf32>
      %unpack3A_2865 = tpu.unpack_subelements %mul3A_2863, 1 {pack_format = #tpu.pack_format<interleaved>} : vector<32xbf16> -> vector<16xf32>
      %add3A_2866 = arith.addf %unpack3A_2864, %unpack3A_2865 : vector<16xf32>
      %get3A_2867 = arith.constant 50 : i32
      %get3A_2868 = arith.index_cast %rem3A_245 : i32 to index
      %get3A_2869 = arith.index_cast %get3A_2867 : i32 to index
      %get3A_2870 = arith.constant 32 : index
      %get3A_2871 = tpu.vector_load %arg9[%get3A_2868, %get3A_2869, %get3A_2870] {strides = array<i32>} : memref<10x80x128xbf16, #tpu.memory_space<vmem>>, vector<32xbf16>,
      %mul3A_2872 = arith.mulf %get3A_2871, %get3A_2871 : vector<32xbf16>
      %unpack3A_2873 = tpu.unpack_subelements %mul3A_2872, 0 {pack_format = #tpu.pack_format<interleaved>} : vector<32xbf16> -> vector<16xf32>
      %unpack3A_2874 = tpu.unpack_subelements %mul3A_2872, 1 {pack_format = #tpu.pack_format<interleaved>} : vector<32xbf16> -> vector<16xf32>
      %add3A_2875 = arith.addf %add3A_2866, %unpack3A_2873 : vector<16xf32>
      %add3A_2876 = arith.addf %add3A_2875, %unpack3A_2874 : vector<16xf32>
      %get3A_2877 = arith.constant 50 : i32
      %get3A_2878 = arith.index_cast %rem3A_245 : i32 to index
      %get3A_2879 = arith.index_cast %get3A_2877 : i32 to index
      %get3A_2880 = arith.constant 64 : index
      %get3A_2881 = tpu.vector_load %arg9[%get3A_2878, %get3A_2879, %get3A_2880] {strides = array<i32>} : memref<10x80x128xbf16, #tpu.memory_space<vmem>>, vector<32xbf16>,
      %mul3A_2882 = arith.mulf %get3A_2881, %get3A_2881 : vector<32xbf16>
      %unpack3A_2883 = tpu.unpack_subelements %mul3A_2882, 0 {pack_format = #tpu.pack_format<interleaved>} : vector<32xbf16> -> vector<16xf32>
      %unpack3A_2884 = tpu.unpack_subelements %mul3A_2882, 1 {pack_format = #tpu.pack_format<interleaved>} : vector<32xbf16> -> vector<16xf32>
      %add3A_2885 = arith.addf %add3A_2876, %unpack3A_2883 : vector<16xf32>
      %add3A_2886 = arith.addf %add3A_2885, %unpack3A_2884 : vector<16xf32>
      %get3A_2887 = arith.constant 50 : i32
      %get3A_2888 = arith.index_cast %rem3A_245 : i32 to index
      %get3A_2889 = arith.index_cast %get3A_2887 : i32 to index
      %get3A_2890 = arith.constant 96 : index
      %get3A_2891 = tpu.vector_load %arg9[%get3A_2888, %get3A_2889, %get3A_2890] {strides = array<i32>} : memref<10x80x128xbf16, #tpu.memory_space<vmem>>, vector<32xbf16>,
      %mul3A_2892 = arith.mulf %get3A_2891, %get3A_2891 : vector<32xbf16>
      %unpack3A_2893 = tpu.unpack_subelements %mul3A_2892, 0 {pack_format = #tpu.pack_format<interleaved>} : vector<32xbf16> -> vector<16xf32>
      %unpack3A_2894 = tpu.unpack_subelements %mul3A_2892, 1 {pack_format = #tpu.pack_format<interleaved>} : vector<32xbf16> -> vector<16xf32>
      %add3A_2895 = arith.addf %add3A_2886, %unpack3A_2893 : vector<16xf32>
      %add3A_2896 = arith.addf %add3A_2895, %unpack3A_2894 : vector<16xf32>
      %broadcast_in_dim3A_2897 = arith.constant true
      %broadcast_in_dim3A_2898 = vector.broadcast %broadcast_in_dim3A_2897 : i1 to vector<16xi1>
      %masked_cumsum3A_2899 = tpu.scan <sum>, %add3A_2896 masked %broadcast_in_dim3A_2898 : vector<16xf32>, vector<16xi1> -> vector<16xf32>
      %reshape3A_2900 = vector.shape_cast %broadcast_in_dim3A_272 : vector<16xi32> to vector<16x1xi32>
      %gather3A_2901 = vector.shape_cast %reshape3A_2900 : vector<16x1xi32> to vector<16xi32>
      %gather3A_2902 = tpu.dynamic_gather %masked_cumsum3A_2899[%gather3A_2901] in [0] : vector<16xf32>, vector<16xi32> -> vector<16xf32>
      %eq3A_2903 = arith.constant 2 : i32
      %eq3A_2904 = vector.broadcast %eq3A_2903 : i32 to vector<16xi32>
      %eq3A_2905 = arith.cmpi eq, %iota3A, %eq3A_2904 : vector<16xi32>
      %select_n3A_2906 = arith.select %eq3A_2905, %gather3A_2902, %select_n3A_2857 : vector<16xi1>, vector<16xf32>
      %get3A_2907 = arith.constant 51 : i32
      %get3A_2908 = arith.index_cast %rem3A_245 : i32 to index
      %get3A_2909 = arith.index_cast %get3A_2907 : i32 to index
      %get3A_2910 = arith.constant 0 : index
      %get3A_2911 = tpu.vector_load %arg9[%get3A_2908, %get3A_2909, %get3A_2910] {strides = array<i32>} : memref<10x80x128xbf16, #tpu.memory_space<vmem>>, vector<32xbf16>,
      %mul3A_2912 = arith.mulf %get3A_2911, %get3A_2911 : vector<32xbf16>
      %unpack3A_2913 = tpu.unpack_subelements %mul3A_2912, 0 {pack_format = #tpu.pack_format<interleaved>} : vector<32xbf16> -> vector<16xf32>
      %unpack3A_2914 = tpu.unpack_subelements %mul3A_2912, 1 {pack_format = #tpu.pack_format<interleaved>} : vector<32xbf16> -> vector<16xf32>
      %add3A_2915 = arith.addf %unpack3A_2913, %unpack3A_2914 : vector<16xf32>
      %get3A_2916 = arith.constant 51 : i32
      %get3A_2917 = arith.index_cast %rem3A_245 : i32 to index
      %get3A_2918 = arith.index_cast %get3A_2916 : i32 to index
      %get3A_2919 = arith.constant 32 : index
      %get3A_2920 = tpu.vector_load %arg9[%get3A_2917, %get3A_2918, %get3A_2919] {strides = array<i32>} : memref<10x80x128xbf16, #tpu.memory_space<vmem>>, vector<32xbf16>,
      %mul3A_2921 = arith.mulf %get3A_2920, %get3A_2920 : vector<32xbf16>
      %unpack3A_2922 = tpu.unpack_subelements %mul3A_2921, 0 {pack_format = #tpu.pack_format<interleaved>} : vector<32xbf16> -> vector<16xf32>
      %unpack3A_2923 = tpu.unpack_subelements %mul3A_2921, 1 {pack_format = #tpu.pack_format<interleaved>} : vector<32xbf16> -> vector<16xf32>
      %add3A_2924 = arith.addf %add3A_2915, %unpack3A_2922 : vector<16xf32>
      %add3A_2925 = arith.addf %add3A_2924, %unpack3A_2923 : vector<16xf32>
      %get3A_2926 = arith.constant 51 : i32
      %get3A_2927 = arith.index_cast %rem3A_245 : i32 to index
      %get3A_2928 = arith.index_cast %get3A_2926 : i32 to index
      %get3A_2929 = arith.constant 64 : index
      %get3A_2930 = tpu.vector_load %arg9[%get3A_2927, %get3A_2928, %get3A_2929] {strides = array<i32>} : memref<10x80x128xbf16, #tpu.memory_space<vmem>>, vector<32xbf16>,
      %mul3A_2931 = arith.mulf %get3A_2930, %get3A_2930 : vector<32xbf16>
      %unpack3A_2932 = tpu.unpack_subelements %mul3A_2931, 0 {pack_format = #tpu.pack_format<interleaved>} : vector<32xbf16> -> vector<16xf32>
      %unpack3A_2933 = tpu.unpack_subelements %mul3A_2931, 1 {pack_format = #tpu.pack_format<interleaved>} : vector<32xbf16> -> vector<16xf32>
      %add3A_2934 = arith.addf %add3A_2925, %unpack3A_2932 : vector<16xf32>
      %add3A_2935 = arith.addf %add3A_2934, %unpack3A_2933 : vector<16xf32>
      %get3A_2936 = arith.constant 51 : i32
      %get3A_2937 = arith.index_cast %rem3A_245 : i32 to index
      %get3A_2938 = arith.index_cast %get3A_2936 : i32 to index
      %get3A_2939 = arith.constant 96 : index
      %get3A_2940 = tpu.vector_load %arg9[%get3A_2937, %get3A_2938, %get3A_2939] {strides = array<i32>} : memref<10x80x128xbf16, #tpu.memory_space<vmem>>, vector<32xbf16>,
      %mul3A_2941 = arith.mulf %get3A_2940, %get3A_2940 : vector<32xbf16>
      %unpack3A_2942 = tpu.unpack_subelements %mul3A_2941, 0 {pack_format = #tpu.pack_format<interleaved>} : vector<32xbf16> -> vector<16xf32>
      %unpack3A_2943 = tpu.unpack_subelements %mul3A_2941, 1 {pack_format = #tpu.pack_format<interleaved>} : vector<32xbf16> -> vector<16xf32>
      %add3A_2944 = arith.addf %add3A_2935, %unpack3A_2942 : vector<16xf32>
      %add3A_2945 = arith.addf %add3A_2944, %unpack3A_2943 : vector<16xf32>
      %broadcast_in_dim3A_2946 = arith.constant true
      %broadcast_in_dim3A_2947 = vector.broadcast %broadcast_in_dim3A_2946 : i1 to vector<16xi1>
      %masked_cumsum3A_2948 = tpu.scan <sum>, %add3A_2945 masked %broadcast_in_dim3A_2947 : vector<16xf32>, vector<16xi1> -> vector<16xf32>
      %reshape3A_2949 = vector.shape_cast %broadcast_in_dim3A_272 : vector<16xi32> to vector<16x1xi32>
      %gather3A_2950 = vector.shape_cast %reshape3A_2949 : vector<16x1xi32> to vector<16xi32>
      %gather3A_2951 = tpu.dynamic_gather %masked_cumsum3A_2948[%gather3A_2950] in [0] : vector<16xf32>, vector<16xi32> -> vector<16xf32>
      %eq3A_2952 = arith.constant 3 : i32
      %eq3A_2953 = vector.broadcast %eq3A_2952 : i32 to vector<16xi32>
      %eq3A_2954 = arith.cmpi eq, %iota3A, %eq3A_2953 : vector<16xi32>
      %select_n3A_2955 = arith.select %eq3A_2954, %gather3A_2951, %select_n3A_2906 : vector<16xi1>, vector<16xf32>
      %get3A_2956 = arith.constant 52 : i32
      %get3A_2957 = arith.index_cast %rem3A_245 : i32 to index
      %get3A_2958 = arith.index_cast %get3A_2956 : i32 to index
      %get3A_2959 = arith.constant 0 : index
      %get3A_2960 = tpu.vector_load %arg9[%get3A_2957, %get3A_2958, %get3A_2959] {strides = array<i32>} : memref<10x80x128xbf16, #tpu.memory_space<vmem>>, vector<32xbf16>,
      %mul3A_2961 = arith.mulf %get3A_2960, %get3A_2960 : vector<32xbf16>
      %unpack3A_2962 = tpu.unpack_subelements %mul3A_2961, 0 {pack_format = #tpu.pack_format<interleaved>} : vector<32xbf16> -> vector<16xf32>
      %unpack3A_2963 = tpu.unpack_subelements %mul3A_2961, 1 {pack_format = #tpu.pack_format<interleaved>} : vector<32xbf16> -> vector<16xf32>
      %add3A_2964 = arith.addf %unpack3A_2962, %unpack3A_2963 : vector<16xf32>
      %get3A_2965 = arith.constant 52 : i32
      %get3A_2966 = arith.index_cast %rem3A_245 : i32 to index
      %get3A_2967 = arith.index_cast %get3A_2965 : i32 to index
      %get3A_2968 = arith.constant 32 : index
      %get3A_2969 = tpu.vector_load %arg9[%get3A_2966, %get3A_2967, %get3A_2968] {strides = array<i32>} : memref<10x80x128xbf16, #tpu.memory_space<vmem>>, vector<32xbf16>,
      %mul3A_2970 = arith.mulf %get3A_2969, %get3A_2969 : vector<32xbf16>
      %unpack3A_2971 = tpu.unpack_subelements %mul3A_2970, 0 {pack_format = #tpu.pack_format<interleaved>} : vector<32xbf16> -> vector<16xf32>
      %unpack3A_2972 = tpu.unpack_subelements %mul3A_2970, 1 {pack_format = #tpu.pack_format<interleaved>} : vector<32xbf16> -> vector<16xf32>
      %add3A_2973 = arith.addf %add3A_2964, %unpack3A_2971 : vector<16xf32>
      %add3A_2974 = arith.addf %add3A_2973, %unpack3A_2972 : vector<16xf32>
      %get3A_2975 = arith.constant 52 : i32
      %get3A_2976 = arith.index_cast %rem3A_245 : i32 to index
      %get3A_2977 = arith.index_cast %get3A_2975 : i32 to index
      %get3A_2978 = arith.constant 64 : index
      %get3A_2979 = tpu.vector_load %arg9[%get3A_2976, %get3A_2977, %get3A_2978] {strides = array<i32>} : memref<10x80x128xbf16, #tpu.memory_space<vmem>>, vector<32xbf16>,
      %mul3A_2980 = arith.mulf %get3A_2979, %get3A_2979 : vector<32xbf16>
      %unpack3A_2981 = tpu.unpack_subelements %mul3A_2980, 0 {pack_format = #tpu.pack_format<interleaved>} : vector<32xbf16> -> vector<16xf32>
      %unpack3A_2982 = tpu.unpack_subelements %mul3A_2980, 1 {pack_format = #tpu.pack_format<interleaved>} : vector<32xbf16> -> vector<16xf32>
      %add3A_2983 = arith.addf %add3A_2974, %unpack3A_2981 : vector<16xf32>
      %add3A_2984 = arith.addf %add3A_2983, %unpack3A_2982 : vector<16xf32>
      %get3A_2985 = arith.constant 52 : i32
      %get3A_2986 = arith.index_cast %rem3A_245 : i32 to index
      %get3A_2987 = arith.index_cast %get3A_2985 : i32 to index
      %get3A_2988 = arith.constant 96 : index
      %get3A_2989 = tpu.vector_load %arg9[%get3A_2986, %get3A_2987, %get3A_2988] {strides = array<i32>} : memref<10x80x128xbf16, #tpu.memory_space<vmem>>, vector<32xbf16>,
      %mul3A_2990 = arith.mulf %get3A_2989, %get3A_2989 : vector<32xbf16>
      %unpack3A_2991 = tpu.unpack_subelements %mul3A_2990, 0 {pack_format = #tpu.pack_format<interleaved>} : vector<32xbf16> -> vector<16xf32>
      %unpack3A_2992 = tpu.unpack_subelements %mul3A_2990, 1 {pack_format = #tpu.pack_format<interleaved>} : vector<32xbf16> -> vector<16xf32>
      %add3A_2993 = arith.addf %add3A_2984, %unpack3A_2991 : vector<16xf32>
      %add3A_2994 = arith.addf %add3A_2993, %unpack3A_2992 : vector<16xf32>
      %broadcast_in_dim3A_2995 = arith.constant true
      %broadcast_in_dim3A_2996 = vector.broadcast %broadcast_in_dim3A_2995 : i1 to vector<16xi1>
      %masked_cumsum3A_2997 = tpu.scan <sum>, %add3A_2994 masked %broadcast_in_dim3A_2996 : vector<16xf32>, vector<16xi1> -> vector<16xf32>
      %reshape3A_2998 = vector.shape_cast %broadcast_in_dim3A_272 : vector<16xi32> to vector<16x1xi32>
      %gather3A_2999 = vector.shape_cast %reshape3A_2998 : vector<16x1xi32> to vector<16xi32>
      %gather3A_3000 = tpu.dynamic_gather %masked_cumsum3A_2997[%gather3A_2999] in [0] : vector<16xf32>, vector<16xi32> -> vector<16xf32>
      %eq3A_3001 = arith.constant 4 : i32
      %eq3A_3002 = vector.broadcast %eq3A_3001 : i32 to vector<16xi32>
      %eq3A_3003 = arith.cmpi eq, %iota3A, %eq3A_3002 : vector<16xi32>
      %select_n3A_3004 = arith.select %eq3A_3003, %gather3A_3000, %select_n3A_2955 : vector<16xi1>, vector<16xf32>
      %get3A_3005 = arith.constant 53 : i32
      %get3A_3006 = arith.index_cast %rem3A_245 : i32 to index
      %get3A_3007 = arith.index_cast %get3A_3005 : i32 to index
      %get3A_3008 = arith.constant 0 : index
      %get3A_3009 = tpu.vector_load %arg9[%get3A_3006, %get3A_3007, %get3A_3008] {strides = array<i32>} : memref<10x80x128xbf16, #tpu.memory_space<vmem>>, vector<32xbf16>,
      %mul3A_3010 = arith.mulf %get3A_3009, %get3A_3009 : vector<32xbf16>
      %unpack3A_3011 = tpu.unpack_subelements %mul3A_3010, 0 {pack_format = #tpu.pack_format<interleaved>} : vector<32xbf16> -> vector<16xf32>
      %unpack3A_3012 = tpu.unpack_subelements %mul3A_3010, 1 {pack_format = #tpu.pack_format<interleaved>} : vector<32xbf16> -> vector<16xf32>
      %add3A_3013 = arith.addf %unpack3A_3011, %unpack3A_3012 : vector<16xf32>
      %get3A_3014 = arith.constant 53 : i32
      %get3A_3015 = arith.index_cast %rem3A_245 : i32 to index
      %get3A_3016 = arith.index_cast %get3A_3014 : i32 to index
      %get3A_3017 = arith.constant 32 : index
      %get3A_3018 = tpu.vector_load %arg9[%get3A_3015, %get3A_3016, %get3A_3017] {strides = array<i32>} : memref<10x80x128xbf16, #tpu.memory_space<vmem>>, vector<32xbf16>,
      %mul3A_3019 = arith.mulf %get3A_3018, %get3A_3018 : vector<32xbf16>
      %unpack3A_3020 = tpu.unpack_subelements %mul3A_3019, 0 {pack_format = #tpu.pack_format<interleaved>} : vector<32xbf16> -> vector<16xf32>
      %unpack3A_3021 = tpu.unpack_subelements %mul3A_3019, 1 {pack_format = #tpu.pack_format<interleaved>} : vector<32xbf16> -> vector<16xf32>
      %add3A_3022 = arith.addf %add3A_3013, %unpack3A_3020 : vector<16xf32>
      %add3A_3023 = arith.addf %add3A_3022, %unpack3A_3021 : vector<16xf32>
      %get3A_3024 = arith.constant 53 : i32
      %get3A_3025 = arith.index_cast %rem3A_245 : i32 to index
      %get3A_3026 = arith.index_cast %get3A_3024 : i32 to index
      %get3A_3027 = arith.constant 64 : index
      %get3A_3028 = tpu.vector_load %arg9[%get3A_3025, %get3A_3026, %get3A_3027] {strides = array<i32>} : memref<10x80x128xbf16, #tpu.memory_space<vmem>>, vector<32xbf16>,
      %mul3A_3029 = arith.mulf %get3A_3028, %get3A_3028 : vector<32xbf16>
      %unpack3A_3030 = tpu.unpack_subelements %mul3A_3029, 0 {pack_format = #tpu.pack_format<interleaved>} : vector<32xbf16> -> vector<16xf32>
      %unpack3A_3031 = tpu.unpack_subelements %mul3A_3029, 1 {pack_format = #tpu.pack_format<interleaved>} : vector<32xbf16> -> vector<16xf32>
      %add3A_3032 = arith.addf %add3A_3023, %unpack3A_3030 : vector<16xf32>
      %add3A_3033 = arith.addf %add3A_3032, %unpack3A_3031 : vector<16xf32>
      %get3A_3034 = arith.constant 53 : i32
      %get3A_3035 = arith.index_cast %rem3A_245 : i32 to index
      %get3A_3036 = arith.index_cast %get3A_3034 : i32 to index
      %get3A_3037 = arith.constant 96 : index
      %get3A_3038 = tpu.vector_load %arg9[%get3A_3035, %get3A_3036, %get3A_3037] {strides = array<i32>} : memref<10x80x128xbf16, #tpu.memory_space<vmem>>, vector<32xbf16>,
      %mul3A_3039 = arith.mulf %get3A_3038, %get3A_3038 : vector<32xbf16>
      %unpack3A_3040 = tpu.unpack_subelements %mul3A_3039, 0 {pack_format = #tpu.pack_format<interleaved>} : vector<32xbf16> -> vector<16xf32>
      %unpack3A_3041 = tpu.unpack_subelements %mul3A_3039, 1 {pack_format = #tpu.pack_format<interleaved>} : vector<32xbf16> -> vector<16xf32>
      %add3A_3042 = arith.addf %add3A_3033, %unpack3A_3040 : vector<16xf32>
      %add3A_3043 = arith.addf %add3A_3042, %unpack3A_3041 : vector<16xf32>
      %broadcast_in_dim3A_3044 = arith.constant true
      %broadcast_in_dim3A_3045 = vector.broadcast %broadcast_in_dim3A_3044 : i1 to vector<16xi1>
      %masked_cumsum3A_3046 = tpu.scan <sum>, %add3A_3043 masked %broadcast_in_dim3A_3045 : vector<16xf32>, vector<16xi1> -> vector<16xf32>
      %reshape3A_3047 = vector.shape_cast %broadcast_in_dim3A_272 : vector<16xi32> to vector<16x1xi32>
      %gather3A_3048 = vector.shape_cast %reshape3A_3047 : vector<16x1xi32> to vector<16xi32>
      %gather3A_3049 = tpu.dynamic_gather %masked_cumsum3A_3046[%gather3A_3048] in [0] : vector<16xf32>, vector<16xi32> -> vector<16xf32>
      %eq3A_3050 = arith.constant 5 : i32
      %eq3A_3051 = vector.broadcast %eq3A_3050 : i32 to vector<16xi32>
      %eq3A_3052 = arith.cmpi eq, %iota3A, %eq3A_3051 : vector<16xi32>
      %select_n3A_3053 = arith.select %eq3A_3052, %gather3A_3049, %select_n3A_3004 : vector<16xi1>, vector<16xf32>
      %get3A_3054 = arith.constant 54 : i32
      %get3A_3055 = arith.index_cast %rem3A_245 : i32 to index
      %get3A_3056 = arith.index_cast %get3A_3054 : i32 to index
      %get3A_3057 = arith.constant 0 : index
      %get3A_3058 = tpu.vector_load %arg9[%get3A_3055, %get3A_3056, %get3A_3057] {strides = array<i32>} : memref<10x80x128xbf16, #tpu.memory_space<vmem>>, vector<32xbf16>,
      %mul3A_3059 = arith.mulf %get3A_3058, %get3A_3058 : vector<32xbf16>
      %unpack3A_3060 = tpu.unpack_subelements %mul3A_3059, 0 {pack_format = #tpu.pack_format<interleaved>} : vector<32xbf16> -> vector<16xf32>
      %unpack3A_3061 = tpu.unpack_subelements %mul3A_3059, 1 {pack_format = #tpu.pack_format<interleaved>} : vector<32xbf16> -> vector<16xf32>
      %add3A_3062 = arith.addf %unpack3A_3060, %unpack3A_3061 : vector<16xf32>
      %get3A_3063 = arith.constant 54 : i32
      %get3A_3064 = arith.index_cast %rem3A_245 : i32 to index
      %get3A_3065 = arith.index_cast %get3A_3063 : i32 to index
      %get3A_3066 = arith.constant 32 : index
      %get3A_3067 = tpu.vector_load %arg9[%get3A_3064, %get3A_3065, %get3A_3066] {strides = array<i32>} : memref<10x80x128xbf16, #tpu.memory_space<vmem>>, vector<32xbf16>,
      %mul3A_3068 = arith.mulf %get3A_3067, %get3A_3067 : vector<32xbf16>
      %unpack3A_3069 = tpu.unpack_subelements %mul3A_3068, 0 {pack_format = #tpu.pack_format<interleaved>} : vector<32xbf16> -> vector<16xf32>
      %unpack3A_3070 = tpu.unpack_subelements %mul3A_3068, 1 {pack_format = #tpu.pack_format<interleaved>} : vector<32xbf16> -> vector<16xf32>
      %add3A_3071 = arith.addf %add3A_3062, %unpack3A_3069 : vector<16xf32>
      %add3A_3072 = arith.addf %add3A_3071, %unpack3A_3070 : vector<16xf32>
      %get3A_3073 = arith.constant 54 : i32
      %get3A_3074 = arith.index_cast %rem3A_245 : i32 to index
      %get3A_3075 = arith.index_cast %get3A_3073 : i32 to index
      %get3A_3076 = arith.constant 64 : index
      %get3A_3077 = tpu.vector_load %arg9[%get3A_3074, %get3A_3075, %get3A_3076] {strides = array<i32>} : memref<10x80x128xbf16, #tpu.memory_space<vmem>>, vector<32xbf16>,
      %mul3A_3078 = arith.mulf %get3A_3077, %get3A_3077 : vector<32xbf16>
      %unpack3A_3079 = tpu.unpack_subelements %mul3A_3078, 0 {pack_format = #tpu.pack_format<interleaved>} : vector<32xbf16> -> vector<16xf32>
      %unpack3A_3080 = tpu.unpack_subelements %mul3A_3078, 1 {pack_format = #tpu.pack_format<interleaved>} : vector<32xbf16> -> vector<16xf32>
      %add3A_3081 = arith.addf %add3A_3072, %unpack3A_3079 : vector<16xf32>
      %add3A_3082 = arith.addf %add3A_3081, %unpack3A_3080 : vector<16xf32>
      %get3A_3083 = arith.constant 54 : i32
      %get3A_3084 = arith.index_cast %rem3A_245 : i32 to index
      %get3A_3085 = arith.index_cast %get3A_3083 : i32 to index
      %get3A_3086 = arith.constant 96 : index
      %get3A_3087 = tpu.vector_load %arg9[%get3A_3084, %get3A_3085, %get3A_3086] {strides = array<i32>} : memref<10x80x128xbf16, #tpu.memory_space<vmem>>, vector<32xbf16>,
      %mul3A_3088 = arith.mulf %get3A_3087, %get3A_3087 : vector<32xbf16>
      %unpack3A_3089 = tpu.unpack_subelements %mul3A_3088, 0 {pack_format = #tpu.pack_format<interleaved>} : vector<32xbf16> -> vector<16xf32>
      %unpack3A_3090 = tpu.unpack_subelements %mul3A_3088, 1 {pack_format = #tpu.pack_format<interleaved>} : vector<32xbf16> -> vector<16xf32>
      %add3A_3091 = arith.addf %add3A_3082, %unpack3A_3089 : vector<16xf32>
      %add3A_3092 = arith.addf %add3A_3091, %unpack3A_3090 : vector<16xf32>
      %broadcast_in_dim3A_3093 = arith.constant true
      %broadcast_in_dim3A_3094 = vector.broadcast %broadcast_in_dim3A_3093 : i1 to vector<16xi1>
      %masked_cumsum3A_3095 = tpu.scan <sum>, %add3A_3092 masked %broadcast_in_dim3A_3094 : vector<16xf32>, vector<16xi1> -> vector<16xf32>
      %reshape3A_3096 = vector.shape_cast %broadcast_in_dim3A_272 : vector<16xi32> to vector<16x1xi32>
      %gather3A_3097 = vector.shape_cast %reshape3A_3096 : vector<16x1xi32> to vector<16xi32>
      %gather3A_3098 = tpu.dynamic_gather %masked_cumsum3A_3095[%gather3A_3097] in [0] : vector<16xf32>, vector<16xi32> -> vector<16xf32>
      %eq3A_3099 = arith.constant 6 : i32
      %eq3A_3100 = vector.broadcast %eq3A_3099 : i32 to vector<16xi32>
      %eq3A_3101 = arith.cmpi eq, %iota3A, %eq3A_3100 : vector<16xi32>
      %select_n3A_3102 = arith.select %eq3A_3101, %gather3A_3098, %select_n3A_3053 : vector<16xi1>, vector<16xf32>
      %get3A_3103 = arith.constant 55 : i32
      %get3A_3104 = arith.index_cast %rem3A_245 : i32 to index
      %get3A_3105 = arith.index_cast %get3A_3103 : i32 to index
      %get3A_3106 = arith.constant 0 : index
      %get3A_3107 = tpu.vector_load %arg9[%get3A_3104, %get3A_3105, %get3A_3106] {strides = array<i32>} : memref<10x80x128xbf16, #tpu.memory_space<vmem>>, vector<32xbf16>,
      %mul3A_3108 = arith.mulf %get3A_3107, %get3A_3107 : vector<32xbf16>
      %unpack3A_3109 = tpu.unpack_subelements %mul3A_3108, 0 {pack_format = #tpu.pack_format<interleaved>} : vector<32xbf16> -> vector<16xf32>
      %unpack3A_3110 = tpu.unpack_subelements %mul3A_3108, 1 {pack_format = #tpu.pack_format<interleaved>} : vector<32xbf16> -> vector<16xf32>
      %add3A_3111 = arith.addf %unpack3A_3109, %unpack3A_3110 : vector<16xf32>
      %get3A_3112 = arith.constant 55 : i32
      %get3A_3113 = arith.index_cast %rem3A_245 : i32 to index
      %get3A_3114 = arith.index_cast %get3A_3112 : i32 to index
      %get3A_3115 = arith.constant 32 : index
      %get3A_3116 = tpu.vector_load %arg9[%get3A_3113, %get3A_3114, %get3A_3115] {strides = array<i32>} : memref<10x80x128xbf16, #tpu.memory_space<vmem>>, vector<32xbf16>,
      %mul3A_3117 = arith.mulf %get3A_3116, %get3A_3116 : vector<32xbf16>
      %unpack3A_3118 = tpu.unpack_subelements %mul3A_3117, 0 {pack_format = #tpu.pack_format<interleaved>} : vector<32xbf16> -> vector<16xf32>
      %unpack3A_3119 = tpu.unpack_subelements %mul3A_3117, 1 {pack_format = #tpu.pack_format<interleaved>} : vector<32xbf16> -> vector<16xf32>
      %add3A_3120 = arith.addf %add3A_3111, %unpack3A_3118 : vector<16xf32>
      %add3A_3121 = arith.addf %add3A_3120, %unpack3A_3119 : vector<16xf32>
      %get3A_3122 = arith.constant 55 : i32
      %get3A_3123 = arith.index_cast %rem3A_245 : i32 to index
      %get3A_3124 = arith.index_cast %get3A_3122 : i32 to index
      %get3A_3125 = arith.constant 64 : index
      %get3A_3126 = tpu.vector_load %arg9[%get3A_3123, %get3A_3124, %get3A_3125] {strides = array<i32>} : memref<10x80x128xbf16, #tpu.memory_space<vmem>>, vector<32xbf16>,
      %mul3A_3127 = arith.mulf %get3A_3126, %get3A_3126 : vector<32xbf16>
      %unpack3A_3128 = tpu.unpack_subelements %mul3A_3127, 0 {pack_format = #tpu.pack_format<interleaved>} : vector<32xbf16> -> vector<16xf32>
      %unpack3A_3129 = tpu.unpack_subelements %mul3A_3127, 1 {pack_format = #tpu.pack_format<interleaved>} : vector<32xbf16> -> vector<16xf32>
      %add3A_3130 = arith.addf %add3A_3121, %unpack3A_3128 : vector<16xf32>
      %add3A_3131 = arith.addf %add3A_3130, %unpack3A_3129 : vector<16xf32>
      %get3A_3132 = arith.constant 55 : i32
      %get3A_3133 = arith.index_cast %rem3A_245 : i32 to index
      %get3A_3134 = arith.index_cast %get3A_3132 : i32 to index
      %get3A_3135 = arith.constant 96 : index
      %get3A_3136 = tpu.vector_load %arg9[%get3A_3133, %get3A_3134, %get3A_3135] {strides = array<i32>} : memref<10x80x128xbf16, #tpu.memory_space<vmem>>, vector<32xbf16>,
      %mul3A_3137 = arith.mulf %get3A_3136, %get3A_3136 : vector<32xbf16>
      %unpack3A_3138 = tpu.unpack_subelements %mul3A_3137, 0 {pack_format = #tpu.pack_format<interleaved>} : vector<32xbf16> -> vector<16xf32>
      %unpack3A_3139 = tpu.unpack_subelements %mul3A_3137, 1 {pack_format = #tpu.pack_format<interleaved>} : vector<32xbf16> -> vector<16xf32>
      %add3A_3140 = arith.addf %add3A_3131, %unpack3A_3138 : vector<16xf32>
      %add3A_3141 = arith.addf %add3A_3140, %unpack3A_3139 : vector<16xf32>
      %broadcast_in_dim3A_3142 = arith.constant true
      %broadcast_in_dim3A_3143 = vector.broadcast %broadcast_in_dim3A_3142 : i1 to vector<16xi1>
      %masked_cumsum3A_3144 = tpu.scan <sum>, %add3A_3141 masked %broadcast_in_dim3A_3143 : vector<16xf32>, vector<16xi1> -> vector<16xf32>
      %reshape3A_3145 = vector.shape_cast %broadcast_in_dim3A_272 : vector<16xi32> to vector<16x1xi32>
      %gather3A_3146 = vector.shape_cast %reshape3A_3145 : vector<16x1xi32> to vector<16xi32>
      %gather3A_3147 = tpu.dynamic_gather %masked_cumsum3A_3144[%gather3A_3146] in [0] : vector<16xf32>, vector<16xi32> -> vector<16xf32>
      %eq3A_3148 = arith.constant 7 : i32
      %eq3A_3149 = vector.broadcast %eq3A_3148 : i32 to vector<16xi32>
      %eq3A_3150 = arith.cmpi eq, %iota3A, %eq3A_3149 : vector<16xi32>
      %select_n3A_3151 = arith.select %eq3A_3150, %gather3A_3147, %select_n3A_3102 : vector<16xi1>, vector<16xf32>
      %get3A_3152 = arith.constant 56 : i32
      %get3A_3153 = arith.index_cast %rem3A_245 : i32 to index
      %get3A_3154 = arith.index_cast %get3A_3152 : i32 to index
      %get3A_3155 = arith.constant 0 : index
      %get3A_3156 = tpu.vector_load %arg9[%get3A_3153, %get3A_3154, %get3A_3155] {strides = array<i32>} : memref<10x80x128xbf16, #tpu.memory_space<vmem>>, vector<32xbf16>,
      %mul3A_3157 = arith.mulf %get3A_3156, %get3A_3156 : vector<32xbf16>
      %unpack3A_3158 = tpu.unpack_subelements %mul3A_3157, 0 {pack_format = #tpu.pack_format<interleaved>} : vector<32xbf16> -> vector<16xf32>
      %unpack3A_3159 = tpu.unpack_subelements %mul3A_3157, 1 {pack_format = #tpu.pack_format<interleaved>} : vector<32xbf16> -> vector<16xf32>
      %add3A_3160 = arith.addf %unpack3A_3158, %unpack3A_3159 : vector<16xf32>
      %get3A_3161 = arith.constant 56 : i32
      %get3A_3162 = arith.index_cast %rem3A_245 : i32 to index
      %get3A_3163 = arith.index_cast %get3A_3161 : i32 to index
      %get3A_3164 = arith.constant 32 : index
      %get3A_3165 = tpu.vector_load %arg9[%get3A_3162, %get3A_3163, %get3A_3164] {strides = array<i32>} : memref<10x80x128xbf16, #tpu.memory_space<vmem>>, vector<32xbf16>,
      %mul3A_3166 = arith.mulf %get3A_3165, %get3A_3165 : vector<32xbf16>
      %unpack3A_3167 = tpu.unpack_subelements %mul3A_3166, 0 {pack_format = #tpu.pack_format<interleaved>} : vector<32xbf16> -> vector<16xf32>
      %unpack3A_3168 = tpu.unpack_subelements %mul3A_3166, 1 {pack_format = #tpu.pack_format<interleaved>} : vector<32xbf16> -> vector<16xf32>
      %add3A_3169 = arith.addf %add3A_3160, %unpack3A_3167 : vector<16xf32>
      %add3A_3170 = arith.addf %add3A_3169, %unpack3A_3168 : vector<16xf32>
      %get3A_3171 = arith.constant 56 : i32
      %get3A_3172 = arith.index_cast %rem3A_245 : i32 to index
      %get3A_3173 = arith.index_cast %get3A_3171 : i32 to index
      %get3A_3174 = arith.constant 64 : index
      %get3A_3175 = tpu.vector_load %arg9[%get3A_3172, %get3A_3173, %get3A_3174] {strides = array<i32>} : memref<10x80x128xbf16, #tpu.memory_space<vmem>>, vector<32xbf16>,
      %mul3A_3176 = arith.mulf %get3A_3175, %get3A_3175 : vector<32xbf16>
      %unpack3A_3177 = tpu.unpack_subelements %mul3A_3176, 0 {pack_format = #tpu.pack_format<interleaved>} : vector<32xbf16> -> vector<16xf32>
      %unpack3A_3178 = tpu.unpack_subelements %mul3A_3176, 1 {pack_format = #tpu.pack_format<interleaved>} : vector<32xbf16> -> vector<16xf32>
      %add3A_3179 = arith.addf %add3A_3170, %unpack3A_3177 : vector<16xf32>
      %add3A_3180 = arith.addf %add3A_3179, %unpack3A_3178 : vector<16xf32>
      %get3A_3181 = arith.constant 56 : i32
      %get3A_3182 = arith.index_cast %rem3A_245 : i32 to index
      %get3A_3183 = arith.index_cast %get3A_3181 : i32 to index
      %get3A_3184 = arith.constant 96 : index
      %get3A_3185 = tpu.vector_load %arg9[%get3A_3182, %get3A_3183, %get3A_3184] {strides = array<i32>} : memref<10x80x128xbf16, #tpu.memory_space<vmem>>, vector<32xbf16>,
      %mul3A_3186 = arith.mulf %get3A_3185, %get3A_3185 : vector<32xbf16>
      %unpack3A_3187 = tpu.unpack_subelements %mul3A_3186, 0 {pack_format = #tpu.pack_format<interleaved>} : vector<32xbf16> -> vector<16xf32>
      %unpack3A_3188 = tpu.unpack_subelements %mul3A_3186, 1 {pack_format = #tpu.pack_format<interleaved>} : vector<32xbf16> -> vector<16xf32>
      %add3A_3189 = arith.addf %add3A_3180, %unpack3A_3187 : vector<16xf32>
      %add3A_3190 = arith.addf %add3A_3189, %unpack3A_3188 : vector<16xf32>
      %broadcast_in_dim3A_3191 = arith.constant true
      %broadcast_in_dim3A_3192 = vector.broadcast %broadcast_in_dim3A_3191 : i1 to vector<16xi1>
      %masked_cumsum3A_3193 = tpu.scan <sum>, %add3A_3190 masked %broadcast_in_dim3A_3192 : vector<16xf32>, vector<16xi1> -> vector<16xf32>
      %reshape3A_3194 = vector.shape_cast %broadcast_in_dim3A_272 : vector<16xi32> to vector<16x1xi32>
      %gather3A_3195 = vector.shape_cast %reshape3A_3194 : vector<16x1xi32> to vector<16xi32>
      %gather3A_3196 = tpu.dynamic_gather %masked_cumsum3A_3193[%gather3A_3195] in [0] : vector<16xf32>, vector<16xi32> -> vector<16xf32>
      %eq3A_3197 = arith.constant 8 : i32
      %eq3A_3198 = vector.broadcast %eq3A_3197 : i32 to vector<16xi32>
      %eq3A_3199 = arith.cmpi eq, %iota3A, %eq3A_3198 : vector<16xi32>
      %select_n3A_3200 = arith.select %eq3A_3199, %gather3A_3196, %select_n3A_3151 : vector<16xi1>, vector<16xf32>
      %get3A_3201 = arith.constant 57 : i32
      %get3A_3202 = arith.index_cast %rem3A_245 : i32 to index
      %get3A_3203 = arith.index_cast %get3A_3201 : i32 to index
      %get3A_3204 = arith.constant 0 : index
      %get3A_3205 = tpu.vector_load %arg9[%get3A_3202, %get3A_3203, %get3A_3204] {strides = array<i32>} : memref<10x80x128xbf16, #tpu.memory_space<vmem>>, vector<32xbf16>,
      %mul3A_3206 = arith.mulf %get3A_3205, %get3A_3205 : vector<32xbf16>
      %unpack3A_3207 = tpu.unpack_subelements %mul3A_3206, 0 {pack_format = #tpu.pack_format<interleaved>} : vector<32xbf16> -> vector<16xf32>
      %unpack3A_3208 = tpu.unpack_subelements %mul3A_3206, 1 {pack_format = #tpu.pack_format<interleaved>} : vector<32xbf16> -> vector<16xf32>
      %add3A_3209 = arith.addf %unpack3A_3207, %unpack3A_3208 : vector<16xf32>
      %get3A_3210 = arith.constant 57 : i32
      %get3A_3211 = arith.index_cast %rem3A_245 : i32 to index
      %get3A_3212 = arith.index_cast %get3A_3210 : i32 to index
      %get3A_3213 = arith.constant 32 : index
      %get3A_3214 = tpu.vector_load %arg9[%get3A_3211, %get3A_3212, %get3A_3213] {strides = array<i32>} : memref<10x80x128xbf16, #tpu.memory_space<vmem>>, vector<32xbf16>,
      %mul3A_3215 = arith.mulf %get3A_3214, %get3A_3214 : vector<32xbf16>
      %unpack3A_3216 = tpu.unpack_subelements %mul3A_3215, 0 {pack_format = #tpu.pack_format<interleaved>} : vector<32xbf16> -> vector<16xf32>
      %unpack3A_3217 = tpu.unpack_subelements %mul3A_3215, 1 {pack_format = #tpu.pack_format<interleaved>} : vector<32xbf16> -> vector<16xf32>
      %add3A_3218 = arith.addf %add3A_3209, %unpack3A_3216 : vector<16xf32>
      %add3A_3219 = arith.addf %add3A_3218, %unpack3A_3217 : vector<16xf32>
      %get3A_3220 = arith.constant 57 : i32
      %get3A_3221 = arith.index_cast %rem3A_245 : i32 to index
      %get3A_3222 = arith.index_cast %get3A_3220 : i32 to index
      %get3A_3223 = arith.constant 64 : index
      %get3A_3224 = tpu.vector_load %arg9[%get3A_3221, %get3A_3222, %get3A_3223] {strides = array<i32>} : memref<10x80x128xbf16, #tpu.memory_space<vmem>>, vector<32xbf16>,
      %mul3A_3225 = arith.mulf %get3A_3224, %get3A_3224 : vector<32xbf16>
      %unpack3A_3226 = tpu.unpack_subelements %mul3A_3225, 0 {pack_format = #tpu.pack_format<interleaved>} : vector<32xbf16> -> vector<16xf32>
      %unpack3A_3227 = tpu.unpack_subelements %mul3A_3225, 1 {pack_format = #tpu.pack_format<interleaved>} : vector<32xbf16> -> vector<16xf32>
      %add3A_3228 = arith.addf %add3A_3219, %unpack3A_3226 : vector<16xf32>
      %add3A_3229 = arith.addf %add3A_3228, %unpack3A_3227 : vector<16xf32>
      %get3A_3230 = arith.constant 57 : i32
      %get3A_3231 = arith.index_cast %rem3A_245 : i32 to index
      %get3A_3232 = arith.index_cast %get3A_3230 : i32 to index
      %get3A_3233 = arith.constant 96 : index
      %get3A_3234 = tpu.vector_load %arg9[%get3A_3231, %get3A_3232, %get3A_3233] {strides = array<i32>} : memref<10x80x128xbf16, #tpu.memory_space<vmem>>, vector<32xbf16>,
      %mul3A_3235 = arith.mulf %get3A_3234, %get3A_3234 : vector<32xbf16>
      %unpack3A_3236 = tpu.unpack_subelements %mul3A_3235, 0 {pack_format = #tpu.pack_format<interleaved>} : vector<32xbf16> -> vector<16xf32>
      %unpack3A_3237 = tpu.unpack_subelements %mul3A_3235, 1 {pack_format = #tpu.pack_format<interleaved>} : vector<32xbf16> -> vector<16xf32>
      %add3A_3238 = arith.addf %add3A_3229, %unpack3A_3236 : vector<16xf32>
      %add3A_3239 = arith.addf %add3A_3238, %unpack3A_3237 : vector<16xf32>
      %broadcast_in_dim3A_3240 = arith.constant true
      %broadcast_in_dim3A_3241 = vector.broadcast %broadcast_in_dim3A_3240 : i1 to vector<16xi1>
      %masked_cumsum3A_3242 = tpu.scan <sum>, %add3A_3239 masked %broadcast_in_dim3A_3241 : vector<16xf32>, vector<16xi1> -> vector<16xf32>
      %reshape3A_3243 = vector.shape_cast %broadcast_in_dim3A_272 : vector<16xi32> to vector<16x1xi32>
      %gather3A_3244 = vector.shape_cast %reshape3A_3243 : vector<16x1xi32> to vector<16xi32>
      %gather3A_3245 = tpu.dynamic_gather %masked_cumsum3A_3242[%gather3A_3244] in [0] : vector<16xf32>, vector<16xi32> -> vector<16xf32>
      %eq3A_3246 = arith.constant 9 : i32
      %eq3A_3247 = vector.broadcast %eq3A_3246 : i32 to vector<16xi32>
      %eq3A_3248 = arith.cmpi eq, %iota3A, %eq3A_3247 : vector<16xi32>
      %select_n3A_3249 = arith.select %eq3A_3248, %gather3A_3245, %select_n3A_3200 : vector<16xi1>, vector<16xf32>
      %get3A_3250 = arith.constant 58 : i32
      %get3A_3251 = arith.index_cast %rem3A_245 : i32 to index
      %get3A_3252 = arith.index_cast %get3A_3250 : i32 to index
      %get3A_3253 = arith.constant 0 : index
      %get3A_3254 = tpu.vector_load %arg9[%get3A_3251, %get3A_3252, %get3A_3253] {strides = array<i32>} : memref<10x80x128xbf16, #tpu.memory_space<vmem>>, vector<32xbf16>,
      %mul3A_3255 = arith.mulf %get3A_3254, %get3A_3254 : vector<32xbf16>
      %unpack3A_3256 = tpu.unpack_subelements %mul3A_3255, 0 {pack_format = #tpu.pack_format<interleaved>} : vector<32xbf16> -> vector<16xf32>
      %unpack3A_3257 = tpu.unpack_subelements %mul3A_3255, 1 {pack_format = #tpu.pack_format<interleaved>} : vector<32xbf16> -> vector<16xf32>
      %add3A_3258 = arith.addf %unpack3A_3256, %unpack3A_3257 : vector<16xf32>
      %get3A_3259 = arith.constant 58 : i32
      %get3A_3260 = arith.index_cast %rem3A_245 : i32 to index
      %get3A_3261 = arith.index_cast %get3A_3259 : i32 to index
      %get3A_3262 = arith.constant 32 : index
      %get3A_3263 = tpu.vector_load %arg9[%get3A_3260, %get3A_3261, %get3A_3262] {strides = array<i32>} : memref<10x80x128xbf16, #tpu.memory_space<vmem>>, vector<32xbf16>,
      %mul3A_3264 = arith.mulf %get3A_3263, %get3A_3263 : vector<32xbf16>
      %unpack3A_3265 = tpu.unpack_subelements %mul3A_3264, 0 {pack_format = #tpu.pack_format<interleaved>} : vector<32xbf16> -> vector<16xf32>
      %unpack3A_3266 = tpu.unpack_subelements %mul3A_3264, 1 {pack_format = #tpu.pack_format<interleaved>} : vector<32xbf16> -> vector<16xf32>
      %add3A_3267 = arith.addf %add3A_3258, %unpack3A_3265 : vector<16xf32>
      %add3A_3268 = arith.addf %add3A_3267, %unpack3A_3266 : vector<16xf32>
      %get3A_3269 = arith.constant 58 : i32
      %get3A_3270 = arith.index_cast %rem3A_245 : i32 to index
      %get3A_3271 = arith.index_cast %get3A_3269 : i32 to index
      %get3A_3272 = arith.constant 64 : index
      %get3A_3273 = tpu.vector_load %arg9[%get3A_3270, %get3A_3271, %get3A_3272] {strides = array<i32>} : memref<10x80x128xbf16, #tpu.memory_space<vmem>>, vector<32xbf16>,
      %mul3A_3274 = arith.mulf %get3A_3273, %get3A_3273 : vector<32xbf16>
      %unpack3A_3275 = tpu.unpack_subelements %mul3A_3274, 0 {pack_format = #tpu.pack_format<interleaved>} : vector<32xbf16> -> vector<16xf32>
      %unpack3A_3276 = tpu.unpack_subelements %mul3A_3274, 1 {pack_format = #tpu.pack_format<interleaved>} : vector<32xbf16> -> vector<16xf32>
      %add3A_3277 = arith.addf %add3A_3268, %unpack3A_3275 : vector<16xf32>
      %add3A_3278 = arith.addf %add3A_3277, %unpack3A_3276 : vector<16xf32>
      %get3A_3279 = arith.constant 58 : i32
      %get3A_3280 = arith.index_cast %rem3A_245 : i32 to index
      %get3A_3281 = arith.index_cast %get3A_3279 : i32 to index
      %get3A_3282 = arith.constant 96 : index
      %get3A_3283 = tpu.vector_load %arg9[%get3A_3280, %get3A_3281, %get3A_3282] {strides = array<i32>} : memref<10x80x128xbf16, #tpu.memory_space<vmem>>, vector<32xbf16>,
      %mul3A_3284 = arith.mulf %get3A_3283, %get3A_3283 : vector<32xbf16>
      %unpack3A_3285 = tpu.unpack_subelements %mul3A_3284, 0 {pack_format = #tpu.pack_format<interleaved>} : vector<32xbf16> -> vector<16xf32>
      %unpack3A_3286 = tpu.unpack_subelements %mul3A_3284, 1 {pack_format = #tpu.pack_format<interleaved>} : vector<32xbf16> -> vector<16xf32>
      %add3A_3287 = arith.addf %add3A_3278, %unpack3A_3285 : vector<16xf32>
      %add3A_3288 = arith.addf %add3A_3287, %unpack3A_3286 : vector<16xf32>
      %broadcast_in_dim3A_3289 = arith.constant true
      %broadcast_in_dim3A_3290 = vector.broadcast %broadcast_in_dim3A_3289 : i1 to vector<16xi1>
      %masked_cumsum3A_3291 = tpu.scan <sum>, %add3A_3288 masked %broadcast_in_dim3A_3290 : vector<16xf32>, vector<16xi1> -> vector<16xf32>
      %reshape3A_3292 = vector.shape_cast %broadcast_in_dim3A_272 : vector<16xi32> to vector<16x1xi32>
      %gather3A_3293 = vector.shape_cast %reshape3A_3292 : vector<16x1xi32> to vector<16xi32>
      %gather3A_3294 = tpu.dynamic_gather %masked_cumsum3A_3291[%gather3A_3293] in [0] : vector<16xf32>, vector<16xi32> -> vector<16xf32>
      %eq3A_3295 = arith.constant 10 : i32
      %eq3A_3296 = vector.broadcast %eq3A_3295 : i32 to vector<16xi32>
      %eq3A_3297 = arith.cmpi eq, %iota3A, %eq3A_3296 : vector<16xi32>
      %select_n3A_3298 = arith.select %eq3A_3297, %gather3A_3294, %select_n3A_3249 : vector<16xi1>, vector<16xf32>
      %get3A_3299 = arith.constant 59 : i32
      %get3A_3300 = arith.index_cast %rem3A_245 : i32 to index
      %get3A_3301 = arith.index_cast %get3A_3299 : i32 to index
      %get3A_3302 = arith.constant 0 : index
      %get3A_3303 = tpu.vector_load %arg9[%get3A_3300, %get3A_3301, %get3A_3302] {strides = array<i32>} : memref<10x80x128xbf16, #tpu.memory_space<vmem>>, vector<32xbf16>,
      %mul3A_3304 = arith.mulf %get3A_3303, %get3A_3303 : vector<32xbf16>
      %unpack3A_3305 = tpu.unpack_subelements %mul3A_3304, 0 {pack_format = #tpu.pack_format<interleaved>} : vector<32xbf16> -> vector<16xf32>
      %unpack3A_3306 = tpu.unpack_subelements %mul3A_3304, 1 {pack_format = #tpu.pack_format<interleaved>} : vector<32xbf16> -> vector<16xf32>
      %add3A_3307 = arith.addf %unpack3A_3305, %unpack3A_3306 : vector<16xf32>
      %get3A_3308 = arith.constant 59 : i32
      %get3A_3309 = arith.index_cast %rem3A_245 : i32 to index
      %get3A_3310 = arith.index_cast %get3A_3308 : i32 to index
      %get3A_3311 = arith.constant 32 : index
      %get3A_3312 = tpu.vector_load %arg9[%get3A_3309, %get3A_3310, %get3A_3311] {strides = array<i32>} : memref<10x80x128xbf16, #tpu.memory_space<vmem>>, vector<32xbf16>,
      %mul3A_3313 = arith.mulf %get3A_3312, %get3A_3312 : vector<32xbf16>
      %unpack3A_3314 = tpu.unpack_subelements %mul3A_3313, 0 {pack_format = #tpu.pack_format<interleaved>} : vector<32xbf16> -> vector<16xf32>
      %unpack3A_3315 = tpu.unpack_subelements %mul3A_3313, 1 {pack_format = #tpu.pack_format<interleaved>} : vector<32xbf16> -> vector<16xf32>
      %add3A_3316 = arith.addf %add3A_3307, %unpack3A_3314 : vector<16xf32>
      %add3A_3317 = arith.addf %add3A_3316, %unpack3A_3315 : vector<16xf32>
      %get3A_3318 = arith.constant 59 : i32
      %get3A_3319 = arith.index_cast %rem3A_245 : i32 to index
      %get3A_3320 = arith.index_cast %get3A_3318 : i32 to index
      %get3A_3321 = arith.constant 64 : index
      %get3A_3322 = tpu.vector_load %arg9[%get3A_3319, %get3A_3320, %get3A_3321] {strides = array<i32>} : memref<10x80x128xbf16, #tpu.memory_space<vmem>>, vector<32xbf16>,
      %mul3A_3323 = arith.mulf %get3A_3322, %get3A_3322 : vector<32xbf16>
      %unpack3A_3324 = tpu.unpack_subelements %mul3A_3323, 0 {pack_format = #tpu.pack_format<interleaved>} : vector<32xbf16> -> vector<16xf32>
      %unpack3A_3325 = tpu.unpack_subelements %mul3A_3323, 1 {pack_format = #tpu.pack_format<interleaved>} : vector<32xbf16> -> vector<16xf32>
      %add3A_3326 = arith.addf %add3A_3317, %unpack3A_3324 : vector<16xf32>
      %add3A_3327 = arith.addf %add3A_3326, %unpack3A_3325 : vector<16xf32>
      %get3A_3328 = arith.constant 59 : i32
      %get3A_3329 = arith.index_cast %rem3A_245 : i32 to index
      %get3A_3330 = arith.index_cast %get3A_3328 : i32 to index
      %get3A_3331 = arith.constant 96 : index
      %get3A_3332 = tpu.vector_load %arg9[%get3A_3329, %get3A_3330, %get3A_3331] {strides = array<i32>} : memref<10x80x128xbf16, #tpu.memory_space<vmem>>, vector<32xbf16>,
      %mul3A_3333 = arith.mulf %get3A_3332, %get3A_3332 : vector<32xbf16>
      %unpack3A_3334 = tpu.unpack_subelements %mul3A_3333, 0 {pack_format = #tpu.pack_format<interleaved>} : vector<32xbf16> -> vector<16xf32>
      %unpack3A_3335 = tpu.unpack_subelements %mul3A_3333, 1 {pack_format = #tpu.pack_format<interleaved>} : vector<32xbf16> -> vector<16xf32>
      %add3A_3336 = arith.addf %add3A_3327, %unpack3A_3334 : vector<16xf32>
      %add3A_3337 = arith.addf %add3A_3336, %unpack3A_3335 : vector<16xf32>
      %broadcast_in_dim3A_3338 = arith.constant true
      %broadcast_in_dim3A_3339 = vector.broadcast %broadcast_in_dim3A_3338 : i1 to vector<16xi1>
      %masked_cumsum3A_3340 = tpu.scan <sum>, %add3A_3337 masked %broadcast_in_dim3A_3339 : vector<16xf32>, vector<16xi1> -> vector<16xf32>
      %reshape3A_3341 = vector.shape_cast %broadcast_in_dim3A_272 : vector<16xi32> to vector<16x1xi32>
      %gather3A_3342 = vector.shape_cast %reshape3A_3341 : vector<16x1xi32> to vector<16xi32>
      %gather3A_3343 = tpu.dynamic_gather %masked_cumsum3A_3340[%gather3A_3342] in [0] : vector<16xf32>, vector<16xi32> -> vector<16xf32>
      %eq3A_3344 = arith.constant 11 : i32
      %eq3A_3345 = vector.broadcast %eq3A_3344 : i32 to vector<16xi32>
      %eq3A_3346 = arith.cmpi eq, %iota3A, %eq3A_3345 : vector<16xi32>
      %select_n3A_3347 = arith.select %eq3A_3346, %gather3A_3343, %select_n3A_3298 : vector<16xi1>, vector<16xf32>
      %get3A_3348 = arith.constant 60 : i32
      %get3A_3349 = arith.index_cast %rem3A_245 : i32 to index
      %get3A_3350 = arith.index_cast %get3A_3348 : i32 to index
      %get3A_3351 = arith.constant 0 : index
      %get3A_3352 = tpu.vector_load %arg9[%get3A_3349, %get3A_3350, %get3A_3351] {strides = array<i32>} : memref<10x80x128xbf16, #tpu.memory_space<vmem>>, vector<32xbf16>,
      %mul3A_3353 = arith.mulf %get3A_3352, %get3A_3352 : vector<32xbf16>
      %unpack3A_3354 = tpu.unpack_subelements %mul3A_3353, 0 {pack_format = #tpu.pack_format<interleaved>} : vector<32xbf16> -> vector<16xf32>
      %unpack3A_3355 = tpu.unpack_subelements %mul3A_3353, 1 {pack_format = #tpu.pack_format<interleaved>} : vector<32xbf16> -> vector<16xf32>
      %add3A_3356 = arith.addf %unpack3A_3354, %unpack3A_3355 : vector<16xf32>
      %get3A_3357 = arith.constant 60 : i32
      %get3A_3358 = arith.index_cast %rem3A_245 : i32 to index
      %get3A_3359 = arith.index_cast %get3A_3357 : i32 to index
      %get3A_3360 = arith.constant 32 : index
      %get3A_3361 = tpu.vector_load %arg9[%get3A_3358, %get3A_3359, %get3A_3360] {strides = array<i32>} : memref<10x80x128xbf16, #tpu.memory_space<vmem>>, vector<32xbf16>,
      %mul3A_3362 = arith.mulf %get3A_3361, %get3A_3361 : vector<32xbf16>
      %unpack3A_3363 = tpu.unpack_subelements %mul3A_3362, 0 {pack_format = #tpu.pack_format<interleaved>} : vector<32xbf16> -> vector<16xf32>
      %unpack3A_3364 = tpu.unpack_subelements %mul3A_3362, 1 {pack_format = #tpu.pack_format<interleaved>} : vector<32xbf16> -> vector<16xf32>
      %add3A_3365 = arith.addf %add3A_3356, %unpack3A_3363 : vector<16xf32>
      %add3A_3366 = arith.addf %add3A_3365, %unpack3A_3364 : vector<16xf32>
      %get3A_3367 = arith.constant 60 : i32
      %get3A_3368 = arith.index_cast %rem3A_245 : i32 to index
      %get3A_3369 = arith.index_cast %get3A_3367 : i32 to index
      %get3A_3370 = arith.constant 64 : index
      %get3A_3371 = tpu.vector_load %arg9[%get3A_3368, %get3A_3369, %get3A_3370] {strides = array<i32>} : memref<10x80x128xbf16, #tpu.memory_space<vmem>>, vector<32xbf16>,
      %mul3A_3372 = arith.mulf %get3A_3371, %get3A_3371 : vector<32xbf16>
      %unpack3A_3373 = tpu.unpack_subelements %mul3A_3372, 0 {pack_format = #tpu.pack_format<interleaved>} : vector<32xbf16> -> vector<16xf32>
      %unpack3A_3374 = tpu.unpack_subelements %mul3A_3372, 1 {pack_format = #tpu.pack_format<interleaved>} : vector<32xbf16> -> vector<16xf32>
      %add3A_3375 = arith.addf %add3A_3366, %unpack3A_3373 : vector<16xf32>
      %add3A_3376 = arith.addf %add3A_3375, %unpack3A_3374 : vector<16xf32>
      %get3A_3377 = arith.constant 60 : i32
      %get3A_3378 = arith.index_cast %rem3A_245 : i32 to index
      %get3A_3379 = arith.index_cast %get3A_3377 : i32 to index
      %get3A_3380 = arith.constant 96 : index
      %get3A_3381 = tpu.vector_load %arg9[%get3A_3378, %get3A_3379, %get3A_3380] {strides = array<i32>} : memref<10x80x128xbf16, #tpu.memory_space<vmem>>, vector<32xbf16>,
      %mul3A_3382 = arith.mulf %get3A_3381, %get3A_3381 : vector<32xbf16>
      %unpack3A_3383 = tpu.unpack_subelements %mul3A_3382, 0 {pack_format = #tpu.pack_format<interleaved>} : vector<32xbf16> -> vector<16xf32>
      %unpack3A_3384 = tpu.unpack_subelements %mul3A_3382, 1 {pack_format = #tpu.pack_format<interleaved>} : vector<32xbf16> -> vector<16xf32>
      %add3A_3385 = arith.addf %add3A_3376, %unpack3A_3383 : vector<16xf32>
      %add3A_3386 = arith.addf %add3A_3385, %unpack3A_3384 : vector<16xf32>
      %broadcast_in_dim3A_3387 = arith.constant true
      %broadcast_in_dim3A_3388 = vector.broadcast %broadcast_in_dim3A_3387 : i1 to vector<16xi1>
      %masked_cumsum3A_3389 = tpu.scan <sum>, %add3A_3386 masked %broadcast_in_dim3A_3388 : vector<16xf32>, vector<16xi1> -> vector<16xf32>
      %reshape3A_3390 = vector.shape_cast %broadcast_in_dim3A_272 : vector<16xi32> to vector<16x1xi32>
      %gather3A_3391 = vector.shape_cast %reshape3A_3390 : vector<16x1xi32> to vector<16xi32>
      %gather3A_3392 = tpu.dynamic_gather %masked_cumsum3A_3389[%gather3A_3391] in [0] : vector<16xf32>, vector<16xi32> -> vector<16xf32>
      %eq3A_3393 = arith.constant 12 : i32
      %eq3A_3394 = vector.broadcast %eq3A_3393 : i32 to vector<16xi32>
      %eq3A_3395 = arith.cmpi eq, %iota3A, %eq3A_3394 : vector<16xi32>
      %select_n3A_3396 = arith.select %eq3A_3395, %gather3A_3392, %select_n3A_3347 : vector<16xi1>, vector<16xf32>
      %get3A_3397 = arith.constant 61 : i32
      %get3A_3398 = arith.index_cast %rem3A_245 : i32 to index
      %get3A_3399 = arith.index_cast %get3A_3397 : i32 to index
      %get3A_3400 = arith.constant 0 : index
      %get3A_3401 = tpu.vector_load %arg9[%get3A_3398, %get3A_3399, %get3A_3400] {strides = array<i32>} : memref<10x80x128xbf16, #tpu.memory_space<vmem>>, vector<32xbf16>,
      %mul3A_3402 = arith.mulf %get3A_3401, %get3A_3401 : vector<32xbf16>
      %unpack3A_3403 = tpu.unpack_subelements %mul3A_3402, 0 {pack_format = #tpu.pack_format<interleaved>} : vector<32xbf16> -> vector<16xf32>
      %unpack3A_3404 = tpu.unpack_subelements %mul3A_3402, 1 {pack_format = #tpu.pack_format<interleaved>} : vector<32xbf16> -> vector<16xf32>
      %add3A_3405 = arith.addf %unpack3A_3403, %unpack3A_3404 : vector<16xf32>
      %get3A_3406 = arith.constant 61 : i32
      %get3A_3407 = arith.index_cast %rem3A_245 : i32 to index
      %get3A_3408 = arith.index_cast %get3A_3406 : i32 to index
      %get3A_3409 = arith.constant 32 : index
      %get3A_3410 = tpu.vector_load %arg9[%get3A_3407, %get3A_3408, %get3A_3409] {strides = array<i32>} : memref<10x80x128xbf16, #tpu.memory_space<vmem>>, vector<32xbf16>,
      %mul3A_3411 = arith.mulf %get3A_3410, %get3A_3410 : vector<32xbf16>
      %unpack3A_3412 = tpu.unpack_subelements %mul3A_3411, 0 {pack_format = #tpu.pack_format<interleaved>} : vector<32xbf16> -> vector<16xf32>
      %unpack3A_3413 = tpu.unpack_subelements %mul3A_3411, 1 {pack_format = #tpu.pack_format<interleaved>} : vector<32xbf16> -> vector<16xf32>
      %add3A_3414 = arith.addf %add3A_3405, %unpack3A_3412 : vector<16xf32>
      %add3A_3415 = arith.addf %add3A_3414, %unpack3A_3413 : vector<16xf32>
      %get3A_3416 = arith.constant 61 : i32
      %get3A_3417 = arith.index_cast %rem3A_245 : i32 to index
      %get3A_3418 = arith.index_cast %get3A_3416 : i32 to index
      %get3A_3419 = arith.constant 64 : index
      %get3A_3420 = tpu.vector_load %arg9[%get3A_3417, %get3A_3418, %get3A_3419] {strides = array<i32>} : memref<10x80x128xbf16, #tpu.memory_space<vmem>>, vector<32xbf16>,
      %mul3A_3421 = arith.mulf %get3A_3420, %get3A_3420 : vector<32xbf16>
      %unpack3A_3422 = tpu.unpack_subelements %mul3A_3421, 0 {pack_format = #tpu.pack_format<interleaved>} : vector<32xbf16> -> vector<16xf32>
      %unpack3A_3423 = tpu.unpack_subelements %mul3A_3421, 1 {pack_format = #tpu.pack_format<interleaved>} : vector<32xbf16> -> vector<16xf32>
      %add3A_3424 = arith.addf %add3A_3415, %unpack3A_3422 : vector<16xf32>
      %add3A_3425 = arith.addf %add3A_3424, %unpack3A_3423 : vector<16xf32>
      %get3A_3426 = arith.constant 61 : i32
      %get3A_3427 = arith.index_cast %rem3A_245 : i32 to index
      %get3A_3428 = arith.index_cast %get3A_3426 : i32 to index
      %get3A_3429 = arith.constant 96 : index
      %get3A_3430 = tpu.vector_load %arg9[%get3A_3427, %get3A_3428, %get3A_3429] {strides = array<i32>} : memref<10x80x128xbf16, #tpu.memory_space<vmem>>, vector<32xbf16>,
      %mul3A_3431 = arith.mulf %get3A_3430, %get3A_3430 : vector<32xbf16>
      %unpack3A_3432 = tpu.unpack_subelements %mul3A_3431, 0 {pack_format = #tpu.pack_format<interleaved>} : vector<32xbf16> -> vector<16xf32>
      %unpack3A_3433 = tpu.unpack_subelements %mul3A_3431, 1 {pack_format = #tpu.pack_format<interleaved>} : vector<32xbf16> -> vector<16xf32>
      %add3A_3434 = arith.addf %add3A_3425, %unpack3A_3432 : vector<16xf32>
      %add3A_3435 = arith.addf %add3A_3434, %unpack3A_3433 : vector<16xf32>
      %broadcast_in_dim3A_3436 = arith.constant true
      %broadcast_in_dim3A_3437 = vector.broadcast %broadcast_in_dim3A_3436 : i1 to vector<16xi1>
      %masked_cumsum3A_3438 = tpu.scan <sum>, %add3A_3435 masked %broadcast_in_dim3A_3437 : vector<16xf32>, vector<16xi1> -> vector<16xf32>
      %reshape3A_3439 = vector.shape_cast %broadcast_in_dim3A_272 : vector<16xi32> to vector<16x1xi32>
      %gather3A_3440 = vector.shape_cast %reshape3A_3439 : vector<16x1xi32> to vector<16xi32>
      %gather3A_3441 = tpu.dynamic_gather %masked_cumsum3A_3438[%gather3A_3440] in [0] : vector<16xf32>, vector<16xi32> -> vector<16xf32>
      %eq3A_3442 = arith.constant 13 : i32
      %eq3A_3443 = vector.broadcast %eq3A_3442 : i32 to vector<16xi32>
      %eq3A_3444 = arith.cmpi eq, %iota3A, %eq3A_3443 : vector<16xi32>
      %select_n3A_3445 = arith.select %eq3A_3444, %gather3A_3441, %select_n3A_3396 : vector<16xi1>, vector<16xf32>
      %get3A_3446 = arith.constant 62 : i32
      %get3A_3447 = arith.index_cast %rem3A_245 : i32 to index
      %get3A_3448 = arith.index_cast %get3A_3446 : i32 to index
      %get3A_3449 = arith.constant 0 : index
      %get3A_3450 = tpu.vector_load %arg9[%get3A_3447, %get3A_3448, %get3A_3449] {strides = array<i32>} : memref<10x80x128xbf16, #tpu.memory_space<vmem>>, vector<32xbf16>,
      %mul3A_3451 = arith.mulf %get3A_3450, %get3A_3450 : vector<32xbf16>
      %unpack3A_3452 = tpu.unpack_subelements %mul3A_3451, 0 {pack_format = #tpu.pack_format<interleaved>} : vector<32xbf16> -> vector<16xf32>
      %unpack3A_3453 = tpu.unpack_subelements %mul3A_3451, 1 {pack_format = #tpu.pack_format<interleaved>} : vector<32xbf16> -> vector<16xf32>
      %add3A_3454 = arith.addf %unpack3A_3452, %unpack3A_3453 : vector<16xf32>
      %get3A_3455 = arith.constant 62 : i32
      %get3A_3456 = arith.index_cast %rem3A_245 : i32 to index
      %get3A_3457 = arith.index_cast %get3A_3455 : i32 to index
      %get3A_3458 = arith.constant 32 : index
      %get3A_3459 = tpu.vector_load %arg9[%get3A_3456, %get3A_3457, %get3A_3458] {strides = array<i32>} : memref<10x80x128xbf16, #tpu.memory_space<vmem>>, vector<32xbf16>,
      %mul3A_3460 = arith.mulf %get3A_3459, %get3A_3459 : vector<32xbf16>
      %unpack3A_3461 = tpu.unpack_subelements %mul3A_3460, 0 {pack_format = #tpu.pack_format<interleaved>} : vector<32xbf16> -> vector<16xf32>
      %unpack3A_3462 = tpu.unpack_subelements %mul3A_3460, 1 {pack_format = #tpu.pack_format<interleaved>} : vector<32xbf16> -> vector<16xf32>
      %add3A_3463 = arith.addf %add3A_3454, %unpack3A_3461 : vector<16xf32>
      %add3A_3464 = arith.addf %add3A_3463, %unpack3A_3462 : vector<16xf32>
      %get3A_3465 = arith.constant 62 : i32
      %get3A_3466 = arith.index_cast %rem3A_245 : i32 to index
      %get3A_3467 = arith.index_cast %get3A_3465 : i32 to index
      %get3A_3468 = arith.constant 64 : index
      %get3A_3469 = tpu.vector_load %arg9[%get3A_3466, %get3A_3467, %get3A_3468] {strides = array<i32>} : memref<10x80x128xbf16, #tpu.memory_space<vmem>>, vector<32xbf16>,
      %mul3A_3470 = arith.mulf %get3A_3469, %get3A_3469 : vector<32xbf16>
      %unpack3A_3471 = tpu.unpack_subelements %mul3A_3470, 0 {pack_format = #tpu.pack_format<interleaved>} : vector<32xbf16> -> vector<16xf32>
      %unpack3A_3472 = tpu.unpack_subelements %mul3A_3470, 1 {pack_format = #tpu.pack_format<interleaved>} : vector<32xbf16> -> vector<16xf32>
      %add3A_3473 = arith.addf %add3A_3464, %unpack3A_3471 : vector<16xf32>
      %add3A_3474 = arith.addf %add3A_3473, %unpack3A_3472 : vector<16xf32>
      %get3A_3475 = arith.constant 62 : i32
      %get3A_3476 = arith.index_cast %rem3A_245 : i32 to index
      %get3A_3477 = arith.index_cast %get3A_3475 : i32 to index
      %get3A_3478 = arith.constant 96 : index
      %get3A_3479 = tpu.vector_load %arg9[%get3A_3476, %get3A_3477, %get3A_3478] {strides = array<i32>} : memref<10x80x128xbf16, #tpu.memory_space<vmem>>, vector<32xbf16>,
      %mul3A_3480 = arith.mulf %get3A_3479, %get3A_3479 : vector<32xbf16>
      %unpack3A_3481 = tpu.unpack_subelements %mul3A_3480, 0 {pack_format = #tpu.pack_format<interleaved>} : vector<32xbf16> -> vector<16xf32>
      %unpack3A_3482 = tpu.unpack_subelements %mul3A_3480, 1 {pack_format = #tpu.pack_format<interleaved>} : vector<32xbf16> -> vector<16xf32>
      %add3A_3483 = arith.addf %add3A_3474, %unpack3A_3481 : vector<16xf32>
      %add3A_3484 = arith.addf %add3A_3483, %unpack3A_3482 : vector<16xf32>
      %broadcast_in_dim3A_3485 = arith.constant true
      %broadcast_in_dim3A_3486 = vector.broadcast %broadcast_in_dim3A_3485 : i1 to vector<16xi1>
      %masked_cumsum3A_3487 = tpu.scan <sum>, %add3A_3484 masked %broadcast_in_dim3A_3486 : vector<16xf32>, vector<16xi1> -> vector<16xf32>
      %reshape3A_3488 = vector.shape_cast %broadcast_in_dim3A_272 : vector<16xi32> to vector<16x1xi32>
      %gather3A_3489 = vector.shape_cast %reshape3A_3488 : vector<16x1xi32> to vector<16xi32>
      %gather3A_3490 = tpu.dynamic_gather %masked_cumsum3A_3487[%gather3A_3489] in [0] : vector<16xf32>, vector<16xi32> -> vector<16xf32>
      %eq3A_3491 = arith.constant 14 : i32
      %eq3A_3492 = vector.broadcast %eq3A_3491 : i32 to vector<16xi32>
      %eq3A_3493 = arith.cmpi eq, %iota3A, %eq3A_3492 : vector<16xi32>
      %select_n3A_3494 = arith.select %eq3A_3493, %gather3A_3490, %select_n3A_3445 : vector<16xi1>, vector<16xf32>
      %get3A_3495 = arith.constant 63 : i32
      %get3A_3496 = arith.index_cast %rem3A_245 : i32 to index
      %get3A_3497 = arith.index_cast %get3A_3495 : i32 to index
      %get3A_3498 = arith.constant 0 : index
      %get3A_3499 = tpu.vector_load %arg9[%get3A_3496, %get3A_3497, %get3A_3498] {strides = array<i32>} : memref<10x80x128xbf16, #tpu.memory_space<vmem>>, vector<32xbf16>,
      %mul3A_3500 = arith.mulf %get3A_3499, %get3A_3499 : vector<32xbf16>
      %unpack3A_3501 = tpu.unpack_subelements %mul3A_3500, 0 {pack_format = #tpu.pack_format<interleaved>} : vector<32xbf16> -> vector<16xf32>
      %unpack3A_3502 = tpu.unpack_subelements %mul3A_3500, 1 {pack_format = #tpu.pack_format<interleaved>} : vector<32xbf16> -> vector<16xf32>
      %add3A_3503 = arith.addf %unpack3A_3501, %unpack3A_3502 : vector<16xf32>
      %get3A_3504 = arith.constant 63 : i32
      %get3A_3505 = arith.index_cast %rem3A_245 : i32 to index
      %get3A_3506 = arith.index_cast %get3A_3504 : i32 to index
      %get3A_3507 = arith.constant 32 : index
      %get3A_3508 = tpu.vector_load %arg9[%get3A_3505, %get3A_3506, %get3A_3507] {strides = array<i32>} : memref<10x80x128xbf16, #tpu.memory_space<vmem>>, vector<32xbf16>,
      %mul3A_3509 = arith.mulf %get3A_3508, %get3A_3508 : vector<32xbf16>
      %unpack3A_3510 = tpu.unpack_subelements %mul3A_3509, 0 {pack_format = #tpu.pack_format<interleaved>} : vector<32xbf16> -> vector<16xf32>
      %unpack3A_3511 = tpu.unpack_subelements %mul3A_3509, 1 {pack_format = #tpu.pack_format<interleaved>} : vector<32xbf16> -> vector<16xf32>
      %add3A_3512 = arith.addf %add3A_3503, %unpack3A_3510 : vector<16xf32>
      %add3A_3513 = arith.addf %add3A_3512, %unpack3A_3511 : vector<16xf32>
      %get3A_3514 = arith.constant 63 : i32
      %get3A_3515 = arith.index_cast %rem3A_245 : i32 to index
      %get3A_3516 = arith.index_cast %get3A_3514 : i32 to index
      %get3A_3517 = arith.constant 64 : index
      %get3A_3518 = tpu.vector_load %arg9[%get3A_3515, %get3A_3516, %get3A_3517] {strides = array<i32>} : memref<10x80x128xbf16, #tpu.memory_space<vmem>>, vector<32xbf16>,
      %mul3A_3519 = arith.mulf %get3A_3518, %get3A_3518 : vector<32xbf16>
      %unpack3A_3520 = tpu.unpack_subelements %mul3A_3519, 0 {pack_format = #tpu.pack_format<interleaved>} : vector<32xbf16> -> vector<16xf32>
      %unpack3A_3521 = tpu.unpack_subelements %mul3A_3519, 1 {pack_format = #tpu.pack_format<interleaved>} : vector<32xbf16> -> vector<16xf32>
      %add3A_3522 = arith.addf %add3A_3513, %unpack3A_3520 : vector<16xf32>
      %add3A_3523 = arith.addf %add3A_3522, %unpack3A_3521 : vector<16xf32>
      %get3A_3524 = arith.constant 63 : i32
      %get3A_3525 = arith.index_cast %rem3A_245 : i32 to index
      %get3A_3526 = arith.index_cast %get3A_3524 : i32 to index
      %get3A_3527 = arith.constant 96 : index
      %get3A_3528 = tpu.vector_load %arg9[%get3A_3525, %get3A_3526, %get3A_3527] {strides = array<i32>} : memref<10x80x128xbf16, #tpu.memory_space<vmem>>, vector<32xbf16>,
      %mul3A_3529 = arith.mulf %get3A_3528, %get3A_3528 : vector<32xbf16>
      %unpack3A_3530 = tpu.unpack_subelements %mul3A_3529, 0 {pack_format = #tpu.pack_format<interleaved>} : vector<32xbf16> -> vector<16xf32>
      %unpack3A_3531 = tpu.unpack_subelements %mul3A_3529, 1 {pack_format = #tpu.pack_format<interleaved>} : vector<32xbf16> -> vector<16xf32>
      %add3A_3532 = arith.addf %add3A_3523, %unpack3A_3530 : vector<16xf32>
      %add3A_3533 = arith.addf %add3A_3532, %unpack3A_3531 : vector<16xf32>
      %broadcast_in_dim3A_3534 = arith.constant true
      %broadcast_in_dim3A_3535 = vector.broadcast %broadcast_in_dim3A_3534 : i1 to vector<16xi1>
      %masked_cumsum3A_3536 = tpu.scan <sum>, %add3A_3533 masked %broadcast_in_dim3A_3535 : vector<16xf32>, vector<16xi1> -> vector<16xf32>
      %reshape3A_3537 = vector.shape_cast %broadcast_in_dim3A_272 : vector<16xi32> to vector<16x1xi32>
      %gather3A_3538 = vector.shape_cast %reshape3A_3537 : vector<16x1xi32> to vector<16xi32>
      %gather3A_3539 = tpu.dynamic_gather %masked_cumsum3A_3536[%gather3A_3538] in [0] : vector<16xf32>, vector<16xi32> -> vector<16xf32>
      %eq3A_3540 = arith.constant 15 : i32
      %eq3A_3541 = vector.broadcast %eq3A_3540 : i32 to vector<16xi32>
      %eq3A_3542 = arith.cmpi eq, %iota3A, %eq3A_3541 : vector<16xi32>
      %select_n3A_3543 = arith.select %eq3A_3542, %gather3A_3539, %select_n3A_3494 : vector<16xi1>, vector<16xf32>
      %max3A_3544 = arith.constant 1.000000e-30 : f32
      %max3A_3545 = vector.broadcast %max3A_3544 : f32 to vector<16xf32>
      %max3A_3546 = arith.maximumf %select_n3A_3543, %max3A_3545 : vector<16xf32>
      %bitcast_convert_type3A_3547 = tpu.bitcast %max3A_3546 : vector<16xf32> -> vector<16xi32>
      %shift_right_arithmetic3A_3548 = arith.constant 1 : i32
      %shift_right_arithmetic3A_3549 = vector.broadcast %shift_right_arithmetic3A_3548 : i32 to vector<16xi32>
      %shift_right_arithmetic3A_3550 = arith.shrsi %bitcast_convert_type3A_3547, %shift_right_arithmetic3A_3549 : vector<16xi32>
      %sub3A_3551 = arith.constant 1597463007 : i32
      %sub3A_3552 = vector.broadcast %sub3A_3551 : i32 to vector<16xi32>
      %sub3A_3553 = arith.subi %sub3A_3552, %shift_right_arithmetic3A_3550 : vector<16xi32>
      %bitcast_convert_type3A_3554 = tpu.bitcast %sub3A_3553 : vector<16xi32> -> vector<16xf32>
      %mul3A_3555 = arith.constant 5.000000e-01 : f32
      %mul3A_3556 = vector.broadcast %mul3A_3555 : f32 to vector<16xf32>
      %mul3A_3557 = arith.mulf %mul3A_3556, %max3A_3546 : vector<16xf32>
      %mul3A_3558 = arith.mulf %mul3A_3557, %bitcast_convert_type3A_3554 : vector<16xf32>
      %mul3A_3559 = arith.mulf %mul3A_3558, %bitcast_convert_type3A_3554 : vector<16xf32>
      %sub3A_3560 = arith.constant 1.500000e+00 : f32
      %sub3A_3561 = vector.broadcast %sub3A_3560 : f32 to vector<16xf32>
      %sub3A_3562 = arith.subf %sub3A_3561, %mul3A_3559 : vector<16xf32>
      %mul3A_3563 = arith.mulf %bitcast_convert_type3A_3554, %sub3A_3562 : vector<16xf32>
      %mul3A_3564 = arith.constant 5.000000e-01 : f32
      %mul3A_3565 = vector.broadcast %mul3A_3564 : f32 to vector<16xf32>
      %mul3A_3566 = arith.mulf %mul3A_3565, %max3A_3546 : vector<16xf32>
      %mul3A_3567 = arith.mulf %mul3A_3566, %mul3A_3563 : vector<16xf32>
      %mul3A_3568 = arith.mulf %mul3A_3567, %mul3A_3563 : vector<16xf32>
      %sub3A_3569 = arith.constant 1.500000e+00 : f32
      %sub3A_3570 = vector.broadcast %sub3A_3569 : f32 to vector<16xf32>
      %sub3A_3571 = arith.subf %sub3A_3570, %mul3A_3568 : vector<16xf32>
      %mul3A_3572 = arith.mulf %mul3A_3563, %sub3A_3571 : vector<16xf32>
      %mul3A_3573 = arith.constant 5.000000e-01 : f32
      %mul3A_3574 = vector.broadcast %mul3A_3573 : f32 to vector<16xf32>
      %mul3A_3575 = arith.mulf %mul3A_3574, %max3A_3546 : vector<16xf32>
      %mul3A_3576 = arith.mulf %mul3A_3575, %mul3A_3572 : vector<16xf32>
      %mul3A_3577 = arith.mulf %mul3A_3576, %mul3A_3572 : vector<16xf32>
      %sub3A_3578 = arith.constant 1.500000e+00 : f32
      %sub3A_3579 = vector.broadcast %sub3A_3578 : f32 to vector<16xf32>
      %sub3A_3580 = arith.subf %sub3A_3579, %mul3A_3577 : vector<16xf32>
      %mul3A_3581 = arith.mulf %mul3A_3572, %sub3A_3580 : vector<16xf32>
      %mul3A_3582 = arith.mulf %max3A_3546, %mul3A_3581 : vector<16xf32>
      %neg3A_3583 = arith.constant 0.000000e+00 : f32
      %neg3A_3584 = vector.broadcast %neg3A_3583 : f32 to vector<16xf32>
      %neg3A_3585 = arith.subf %neg3A_3584, %mul3A_3582 : vector<16xf32>
      %exp3A_3586 = math.exp %neg3A_3585 : vector<16xf32>
      %add3A_3587 = arith.constant 48 : i32
      %add3A_3588 = arith.addi %mul3A_271, %add3A_3587 : i32
      %swap3A_3589 = arith.index_cast %add3A_3588 : i32 to index
      %swap3A_3590 = tpu.vector_load %arg10[%swap3A_3589] {strides = array<i32>} : memref<10000xf32, #tpu.memory_space<vmem>>, vector<16xf32>,
      tpu.vector_store %arg10[%swap3A_3589], %exp3A_3586 {strides = array<i32>} : memref<10000xf32, #tpu.memory_space<vmem>>, vector<16xf32>,
      %broadcast_in_dim3A_3591 = arith.constant 0.000000e+00 : f32
      %broadcast_in_dim3A_3592 = vector.broadcast %broadcast_in_dim3A_3591 : f32 to vector<16xf32>
      %get3A_3593 = arith.constant 64 : i32
      %get3A_3594 = arith.index_cast %rem3A_245 : i32 to index
      %get3A_3595 = arith.index_cast %get3A_3593 : i32 to index
      %get3A_3596 = arith.constant 0 : index
      %get3A_3597 = tpu.vector_load %arg9[%get3A_3594, %get3A_3595, %get3A_3596] {strides = array<i32>} : memref<10x80x128xbf16, #tpu.memory_space<vmem>>, vector<32xbf16>,
      %mul3A_3598 = arith.mulf %get3A_3597, %get3A_3597 : vector<32xbf16>
      %unpack3A_3599 = tpu.unpack_subelements %mul3A_3598, 0 {pack_format = #tpu.pack_format<interleaved>} : vector<32xbf16> -> vector<16xf32>
      %unpack3A_3600 = tpu.unpack_subelements %mul3A_3598, 1 {pack_format = #tpu.pack_format<interleaved>} : vector<32xbf16> -> vector<16xf32>
      %add3A_3601 = arith.addf %unpack3A_3599, %unpack3A_3600 : vector<16xf32>
      %get3A_3602 = arith.constant 64 : i32
      %get3A_3603 = arith.index_cast %rem3A_245 : i32 to index
      %get3A_3604 = arith.index_cast %get3A_3602 : i32 to index
      %get3A_3605 = arith.constant 32 : index
      %get3A_3606 = tpu.vector_load %arg9[%get3A_3603, %get3A_3604, %get3A_3605] {strides = array<i32>} : memref<10x80x128xbf16, #tpu.memory_space<vmem>>, vector<32xbf16>,
      %mul3A_3607 = arith.mulf %get3A_3606, %get3A_3606 : vector<32xbf16>
      %unpack3A_3608 = tpu.unpack_subelements %mul3A_3607, 0 {pack_format = #tpu.pack_format<interleaved>} : vector<32xbf16> -> vector<16xf32>
      %unpack3A_3609 = tpu.unpack_subelements %mul3A_3607, 1 {pack_format = #tpu.pack_format<interleaved>} : vector<32xbf16> -> vector<16xf32>
      %add3A_3610 = arith.addf %add3A_3601, %unpack3A_3608 : vector<16xf32>
      %add3A_3611 = arith.addf %add3A_3610, %unpack3A_3609 : vector<16xf32>
      %get3A_3612 = arith.constant 64 : i32
      %get3A_3613 = arith.index_cast %rem3A_245 : i32 to index
      %get3A_3614 = arith.index_cast %get3A_3612 : i32 to index
      %get3A_3615 = arith.constant 64 : index
      %get3A_3616 = tpu.vector_load %arg9[%get3A_3613, %get3A_3614, %get3A_3615] {strides = array<i32>} : memref<10x80x128xbf16, #tpu.memory_space<vmem>>, vector<32xbf16>,
      %mul3A_3617 = arith.mulf %get3A_3616, %get3A_3616 : vector<32xbf16>
      %unpack3A_3618 = tpu.unpack_subelements %mul3A_3617, 0 {pack_format = #tpu.pack_format<interleaved>} : vector<32xbf16> -> vector<16xf32>
      %unpack3A_3619 = tpu.unpack_subelements %mul3A_3617, 1 {pack_format = #tpu.pack_format<interleaved>} : vector<32xbf16> -> vector<16xf32>
      %add3A_3620 = arith.addf %add3A_3611, %unpack3A_3618 : vector<16xf32>
      %add3A_3621 = arith.addf %add3A_3620, %unpack3A_3619 : vector<16xf32>
      %get3A_3622 = arith.constant 64 : i32
      %get3A_3623 = arith.index_cast %rem3A_245 : i32 to index
      %get3A_3624 = arith.index_cast %get3A_3622 : i32 to index
      %get3A_3625 = arith.constant 96 : index
      %get3A_3626 = tpu.vector_load %arg9[%get3A_3623, %get3A_3624, %get3A_3625] {strides = array<i32>} : memref<10x80x128xbf16, #tpu.memory_space<vmem>>, vector<32xbf16>,
      %mul3A_3627 = arith.mulf %get3A_3626, %get3A_3626 : vector<32xbf16>
      %unpack3A_3628 = tpu.unpack_subelements %mul3A_3627, 0 {pack_format = #tpu.pack_format<interleaved>} : vector<32xbf16> -> vector<16xf32>
      %unpack3A_3629 = tpu.unpack_subelements %mul3A_3627, 1 {pack_format = #tpu.pack_format<interleaved>} : vector<32xbf16> -> vector<16xf32>
      %add3A_3630 = arith.addf %add3A_3621, %unpack3A_3628 : vector<16xf32>
      %add3A_3631 = arith.addf %add3A_3630, %unpack3A_3629 : vector<16xf32>
      %broadcast_in_dim3A_3632 = arith.constant true
      %broadcast_in_dim3A_3633 = vector.broadcast %broadcast_in_dim3A_3632 : i1 to vector<16xi1>
      %masked_cumsum3A_3634 = tpu.scan <sum>, %add3A_3631 masked %broadcast_in_dim3A_3633 : vector<16xf32>, vector<16xi1> -> vector<16xf32>
      %reshape3A_3635 = vector.shape_cast %broadcast_in_dim3A_272 : vector<16xi32> to vector<16x1xi32>
      %gather3A_3636 = vector.shape_cast %reshape3A_3635 : vector<16x1xi32> to vector<16xi32>
      %gather3A_3637 = tpu.dynamic_gather %masked_cumsum3A_3634[%gather3A_3636] in [0] : vector<16xf32>, vector<16xi32> -> vector<16xf32>
      %eq3A_3638 = arith.constant 0 : i32
      %eq3A_3639 = vector.broadcast %eq3A_3638 : i32 to vector<16xi32>
      %eq3A_3640 = arith.cmpi eq, %iota3A, %eq3A_3639 : vector<16xi32>
      %select_n3A_3641 = arith.select %eq3A_3640, %gather3A_3637, %broadcast_in_dim3A_3592 : vector<16xi1>, vector<16xf32>
      %get3A_3642 = arith.constant 65 : i32
      %get3A_3643 = arith.index_cast %rem3A_245 : i32 to index
      %get3A_3644 = arith.index_cast %get3A_3642 : i32 to index
      %get3A_3645 = arith.constant 0 : index
      %get3A_3646 = tpu.vector_load %arg9[%get3A_3643, %get3A_3644, %get3A_3645] {strides = array<i32>} : memref<10x80x128xbf16, #tpu.memory_space<vmem>>, vector<32xbf16>,
      %mul3A_3647 = arith.mulf %get3A_3646, %get3A_3646 : vector<32xbf16>
      %unpack3A_3648 = tpu.unpack_subelements %mul3A_3647, 0 {pack_format = #tpu.pack_format<interleaved>} : vector<32xbf16> -> vector<16xf32>
      %unpack3A_3649 = tpu.unpack_subelements %mul3A_3647, 1 {pack_format = #tpu.pack_format<interleaved>} : vector<32xbf16> -> vector<16xf32>
      %add3A_3650 = arith.addf %unpack3A_3648, %unpack3A_3649 : vector<16xf32>
      %get3A_3651 = arith.constant 65 : i32
      %get3A_3652 = arith.index_cast %rem3A_245 : i32 to index
      %get3A_3653 = arith.index_cast %get3A_3651 : i32 to index
      %get3A_3654 = arith.constant 32 : index
      %get3A_3655 = tpu.vector_load %arg9[%get3A_3652, %get3A_3653, %get3A_3654] {strides = array<i32>} : memref<10x80x128xbf16, #tpu.memory_space<vmem>>, vector<32xbf16>,
      %mul3A_3656 = arith.mulf %get3A_3655, %get3A_3655 : vector<32xbf16>
      %unpack3A_3657 = tpu.unpack_subelements %mul3A_3656, 0 {pack_format = #tpu.pack_format<interleaved>} : vector<32xbf16> -> vector<16xf32>
      %unpack3A_3658 = tpu.unpack_subelements %mul3A_3656, 1 {pack_format = #tpu.pack_format<interleaved>} : vector<32xbf16> -> vector<16xf32>
      %add3A_3659 = arith.addf %add3A_3650, %unpack3A_3657 : vector<16xf32>
      %add3A_3660 = arith.addf %add3A_3659, %unpack3A_3658 : vector<16xf32>
      %get3A_3661 = arith.constant 65 : i32
      %get3A_3662 = arith.index_cast %rem3A_245 : i32 to index
      %get3A_3663 = arith.index_cast %get3A_3661 : i32 to index
      %get3A_3664 = arith.constant 64 : index
      %get3A_3665 = tpu.vector_load %arg9[%get3A_3662, %get3A_3663, %get3A_3664] {strides = array<i32>} : memref<10x80x128xbf16, #tpu.memory_space<vmem>>, vector<32xbf16>,
      %mul3A_3666 = arith.mulf %get3A_3665, %get3A_3665 : vector<32xbf16>
      %unpack3A_3667 = tpu.unpack_subelements %mul3A_3666, 0 {pack_format = #tpu.pack_format<interleaved>} : vector<32xbf16> -> vector<16xf32>
      %unpack3A_3668 = tpu.unpack_subelements %mul3A_3666, 1 {pack_format = #tpu.pack_format<interleaved>} : vector<32xbf16> -> vector<16xf32>
      %add3A_3669 = arith.addf %add3A_3660, %unpack3A_3667 : vector<16xf32>
      %add3A_3670 = arith.addf %add3A_3669, %unpack3A_3668 : vector<16xf32>
      %get3A_3671 = arith.constant 65 : i32
      %get3A_3672 = arith.index_cast %rem3A_245 : i32 to index
      %get3A_3673 = arith.index_cast %get3A_3671 : i32 to index
      %get3A_3674 = arith.constant 96 : index
      %get3A_3675 = tpu.vector_load %arg9[%get3A_3672, %get3A_3673, %get3A_3674] {strides = array<i32>} : memref<10x80x128xbf16, #tpu.memory_space<vmem>>, vector<32xbf16>,
      %mul3A_3676 = arith.mulf %get3A_3675, %get3A_3675 : vector<32xbf16>
      %unpack3A_3677 = tpu.unpack_subelements %mul3A_3676, 0 {pack_format = #tpu.pack_format<interleaved>} : vector<32xbf16> -> vector<16xf32>
      %unpack3A_3678 = tpu.unpack_subelements %mul3A_3676, 1 {pack_format = #tpu.pack_format<interleaved>} : vector<32xbf16> -> vector<16xf32>
      %add3A_3679 = arith.addf %add3A_3670, %unpack3A_3677 : vector<16xf32>
      %add3A_3680 = arith.addf %add3A_3679, %unpack3A_3678 : vector<16xf32>
      %broadcast_in_dim3A_3681 = arith.constant true
      %broadcast_in_dim3A_3682 = vector.broadcast %broadcast_in_dim3A_3681 : i1 to vector<16xi1>
      %masked_cumsum3A_3683 = tpu.scan <sum>, %add3A_3680 masked %broadcast_in_dim3A_3682 : vector<16xf32>, vector<16xi1> -> vector<16xf32>
      %reshape3A_3684 = vector.shape_cast %broadcast_in_dim3A_272 : vector<16xi32> to vector<16x1xi32>
      %gather3A_3685 = vector.shape_cast %reshape3A_3684 : vector<16x1xi32> to vector<16xi32>
      %gather3A_3686 = tpu.dynamic_gather %masked_cumsum3A_3683[%gather3A_3685] in [0] : vector<16xf32>, vector<16xi32> -> vector<16xf32>
      %eq3A_3687 = arith.constant 1 : i32
      %eq3A_3688 = vector.broadcast %eq3A_3687 : i32 to vector<16xi32>
      %eq3A_3689 = arith.cmpi eq, %iota3A, %eq3A_3688 : vector<16xi32>
      %select_n3A_3690 = arith.select %eq3A_3689, %gather3A_3686, %select_n3A_3641 : vector<16xi1>, vector<16xf32>
      %get3A_3691 = arith.constant 66 : i32
      %get3A_3692 = arith.index_cast %rem3A_245 : i32 to index
      %get3A_3693 = arith.index_cast %get3A_3691 : i32 to index
      %get3A_3694 = arith.constant 0 : index
      %get3A_3695 = tpu.vector_load %arg9[%get3A_3692, %get3A_3693, %get3A_3694] {strides = array<i32>} : memref<10x80x128xbf16, #tpu.memory_space<vmem>>, vector<32xbf16>,
      %mul3A_3696 = arith.mulf %get3A_3695, %get3A_3695 : vector<32xbf16>
      %unpack3A_3697 = tpu.unpack_subelements %mul3A_3696, 0 {pack_format = #tpu.pack_format<interleaved>} : vector<32xbf16> -> vector<16xf32>
      %unpack3A_3698 = tpu.unpack_subelements %mul3A_3696, 1 {pack_format = #tpu.pack_format<interleaved>} : vector<32xbf16> -> vector<16xf32>
      %add3A_3699 = arith.addf %unpack3A_3697, %unpack3A_3698 : vector<16xf32>
      %get3A_3700 = arith.constant 66 : i32
      %get3A_3701 = arith.index_cast %rem3A_245 : i32 to index
      %get3A_3702 = arith.index_cast %get3A_3700 : i32 to index
      %get3A_3703 = arith.constant 32 : index
      %get3A_3704 = tpu.vector_load %arg9[%get3A_3701, %get3A_3702, %get3A_3703] {strides = array<i32>} : memref<10x80x128xbf16, #tpu.memory_space<vmem>>, vector<32xbf16>,
      %mul3A_3705 = arith.mulf %get3A_3704, %get3A_3704 : vector<32xbf16>
      %unpack3A_3706 = tpu.unpack_subelements %mul3A_3705, 0 {pack_format = #tpu.pack_format<interleaved>} : vector<32xbf16> -> vector<16xf32>
      %unpack3A_3707 = tpu.unpack_subelements %mul3A_3705, 1 {pack_format = #tpu.pack_format<interleaved>} : vector<32xbf16> -> vector<16xf32>
      %add3A_3708 = arith.addf %add3A_3699, %unpack3A_3706 : vector<16xf32>
      %add3A_3709 = arith.addf %add3A_3708, %unpack3A_3707 : vector<16xf32>
      %get3A_3710 = arith.constant 66 : i32
      %get3A_3711 = arith.index_cast %rem3A_245 : i32 to index
      %get3A_3712 = arith.index_cast %get3A_3710 : i32 to index
      %get3A_3713 = arith.constant 64 : index
      %get3A_3714 = tpu.vector_load %arg9[%get3A_3711, %get3A_3712, %get3A_3713] {strides = array<i32>} : memref<10x80x128xbf16, #tpu.memory_space<vmem>>, vector<32xbf16>,
      %mul3A_3715 = arith.mulf %get3A_3714, %get3A_3714 : vector<32xbf16>
      %unpack3A_3716 = tpu.unpack_subelements %mul3A_3715, 0 {pack_format = #tpu.pack_format<interleaved>} : vector<32xbf16> -> vector<16xf32>
      %unpack3A_3717 = tpu.unpack_subelements %mul3A_3715, 1 {pack_format = #tpu.pack_format<interleaved>} : vector<32xbf16> -> vector<16xf32>
      %add3A_3718 = arith.addf %add3A_3709, %unpack3A_3716 : vector<16xf32>
      %add3A_3719 = arith.addf %add3A_3718, %unpack3A_3717 : vector<16xf32>
      %get3A_3720 = arith.constant 66 : i32
      %get3A_3721 = arith.index_cast %rem3A_245 : i32 to index
      %get3A_3722 = arith.index_cast %get3A_3720 : i32 to index
      %get3A_3723 = arith.constant 96 : index
      %get3A_3724 = tpu.vector_load %arg9[%get3A_3721, %get3A_3722, %get3A_3723] {strides = array<i32>} : memref<10x80x128xbf16, #tpu.memory_space<vmem>>, vector<32xbf16>,
      %mul3A_3725 = arith.mulf %get3A_3724, %get3A_3724 : vector<32xbf16>
      %unpack3A_3726 = tpu.unpack_subelements %mul3A_3725, 0 {pack_format = #tpu.pack_format<interleaved>} : vector<32xbf16> -> vector<16xf32>
      %unpack3A_3727 = tpu.unpack_subelements %mul3A_3725, 1 {pack_format = #tpu.pack_format<interleaved>} : vector<32xbf16> -> vector<16xf32>
      %add3A_3728 = arith.addf %add3A_3719, %unpack3A_3726 : vector<16xf32>
      %add3A_3729 = arith.addf %add3A_3728, %unpack3A_3727 : vector<16xf32>
      %broadcast_in_dim3A_3730 = arith.constant true
      %broadcast_in_dim3A_3731 = vector.broadcast %broadcast_in_dim3A_3730 : i1 to vector<16xi1>
      %masked_cumsum3A_3732 = tpu.scan <sum>, %add3A_3729 masked %broadcast_in_dim3A_3731 : vector<16xf32>, vector<16xi1> -> vector<16xf32>
      %reshape3A_3733 = vector.shape_cast %broadcast_in_dim3A_272 : vector<16xi32> to vector<16x1xi32>
      %gather3A_3734 = vector.shape_cast %reshape3A_3733 : vector<16x1xi32> to vector<16xi32>
      %gather3A_3735 = tpu.dynamic_gather %masked_cumsum3A_3732[%gather3A_3734] in [0] : vector<16xf32>, vector<16xi32> -> vector<16xf32>
      %eq3A_3736 = arith.constant 2 : i32
      %eq3A_3737 = vector.broadcast %eq3A_3736 : i32 to vector<16xi32>
      %eq3A_3738 = arith.cmpi eq, %iota3A, %eq3A_3737 : vector<16xi32>
      %select_n3A_3739 = arith.select %eq3A_3738, %gather3A_3735, %select_n3A_3690 : vector<16xi1>, vector<16xf32>
      %get3A_3740 = arith.constant 67 : i32
      %get3A_3741 = arith.index_cast %rem3A_245 : i32 to index
      %get3A_3742 = arith.index_cast %get3A_3740 : i32 to index
      %get3A_3743 = arith.constant 0 : index
      %get3A_3744 = tpu.vector_load %arg9[%get3A_3741, %get3A_3742, %get3A_3743] {strides = array<i32>} : memref<10x80x128xbf16, #tpu.memory_space<vmem>>, vector<32xbf16>,
      %mul3A_3745 = arith.mulf %get3A_3744, %get3A_3744 : vector<32xbf16>
      %unpack3A_3746 = tpu.unpack_subelements %mul3A_3745, 0 {pack_format = #tpu.pack_format<interleaved>} : vector<32xbf16> -> vector<16xf32>
      %unpack3A_3747 = tpu.unpack_subelements %mul3A_3745, 1 {pack_format = #tpu.pack_format<interleaved>} : vector<32xbf16> -> vector<16xf32>
      %add3A_3748 = arith.addf %unpack3A_3746, %unpack3A_3747 : vector<16xf32>
      %get3A_3749 = arith.constant 67 : i32
      %get3A_3750 = arith.index_cast %rem3A_245 : i32 to index
      %get3A_3751 = arith.index_cast %get3A_3749 : i32 to index
      %get3A_3752 = arith.constant 32 : index
      %get3A_3753 = tpu.vector_load %arg9[%get3A_3750, %get3A_3751, %get3A_3752] {strides = array<i32>} : memref<10x80x128xbf16, #tpu.memory_space<vmem>>, vector<32xbf16>,
      %mul3A_3754 = arith.mulf %get3A_3753, %get3A_3753 : vector<32xbf16>
      %unpack3A_3755 = tpu.unpack_subelements %mul3A_3754, 0 {pack_format = #tpu.pack_format<interleaved>} : vector<32xbf16> -> vector<16xf32>
      %unpack3A_3756 = tpu.unpack_subelements %mul3A_3754, 1 {pack_format = #tpu.pack_format<interleaved>} : vector<32xbf16> -> vector<16xf32>
      %add3A_3757 = arith.addf %add3A_3748, %unpack3A_3755 : vector<16xf32>
      %add3A_3758 = arith.addf %add3A_3757, %unpack3A_3756 : vector<16xf32>
      %get3A_3759 = arith.constant 67 : i32
      %get3A_3760 = arith.index_cast %rem3A_245 : i32 to index
      %get3A_3761 = arith.index_cast %get3A_3759 : i32 to index
      %get3A_3762 = arith.constant 64 : index
      %get3A_3763 = tpu.vector_load %arg9[%get3A_3760, %get3A_3761, %get3A_3762] {strides = array<i32>} : memref<10x80x128xbf16, #tpu.memory_space<vmem>>, vector<32xbf16>,
      %mul3A_3764 = arith.mulf %get3A_3763, %get3A_3763 : vector<32xbf16>
      %unpack3A_3765 = tpu.unpack_subelements %mul3A_3764, 0 {pack_format = #tpu.pack_format<interleaved>} : vector<32xbf16> -> vector<16xf32>
      %unpack3A_3766 = tpu.unpack_subelements %mul3A_3764, 1 {pack_format = #tpu.pack_format<interleaved>} : vector<32xbf16> -> vector<16xf32>
      %add3A_3767 = arith.addf %add3A_3758, %unpack3A_3765 : vector<16xf32>
      %add3A_3768 = arith.addf %add3A_3767, %unpack3A_3766 : vector<16xf32>
      %get3A_3769 = arith.constant 67 : i32
      %get3A_3770 = arith.index_cast %rem3A_245 : i32 to index
      %get3A_3771 = arith.index_cast %get3A_3769 : i32 to index
      %get3A_3772 = arith.constant 96 : index
      %get3A_3773 = tpu.vector_load %arg9[%get3A_3770, %get3A_3771, %get3A_3772] {strides = array<i32>} : memref<10x80x128xbf16, #tpu.memory_space<vmem>>, vector<32xbf16>,
      %mul3A_3774 = arith.mulf %get3A_3773, %get3A_3773 : vector<32xbf16>
      %unpack3A_3775 = tpu.unpack_subelements %mul3A_3774, 0 {pack_format = #tpu.pack_format<interleaved>} : vector<32xbf16> -> vector<16xf32>
      %unpack3A_3776 = tpu.unpack_subelements %mul3A_3774, 1 {pack_format = #tpu.pack_format<interleaved>} : vector<32xbf16> -> vector<16xf32>
      %add3A_3777 = arith.addf %add3A_3768, %unpack3A_3775 : vector<16xf32>
      %add3A_3778 = arith.addf %add3A_3777, %unpack3A_3776 : vector<16xf32>
      %broadcast_in_dim3A_3779 = arith.constant true
      %broadcast_in_dim3A_3780 = vector.broadcast %broadcast_in_dim3A_3779 : i1 to vector<16xi1>
      %masked_cumsum3A_3781 = tpu.scan <sum>, %add3A_3778 masked %broadcast_in_dim3A_3780 : vector<16xf32>, vector<16xi1> -> vector<16xf32>
      %reshape3A_3782 = vector.shape_cast %broadcast_in_dim3A_272 : vector<16xi32> to vector<16x1xi32>
      %gather3A_3783 = vector.shape_cast %reshape3A_3782 : vector<16x1xi32> to vector<16xi32>
      %gather3A_3784 = tpu.dynamic_gather %masked_cumsum3A_3781[%gather3A_3783] in [0] : vector<16xf32>, vector<16xi32> -> vector<16xf32>
      %eq3A_3785 = arith.constant 3 : i32
      %eq3A_3786 = vector.broadcast %eq3A_3785 : i32 to vector<16xi32>
      %eq3A_3787 = arith.cmpi eq, %iota3A, %eq3A_3786 : vector<16xi32>
      %select_n3A_3788 = arith.select %eq3A_3787, %gather3A_3784, %select_n3A_3739 : vector<16xi1>, vector<16xf32>
      %get3A_3789 = arith.constant 68 : i32
      %get3A_3790 = arith.index_cast %rem3A_245 : i32 to index
      %get3A_3791 = arith.index_cast %get3A_3789 : i32 to index
      %get3A_3792 = arith.constant 0 : index
      %get3A_3793 = tpu.vector_load %arg9[%get3A_3790, %get3A_3791, %get3A_3792] {strides = array<i32>} : memref<10x80x128xbf16, #tpu.memory_space<vmem>>, vector<32xbf16>,
      %mul3A_3794 = arith.mulf %get3A_3793, %get3A_3793 : vector<32xbf16>
      %unpack3A_3795 = tpu.unpack_subelements %mul3A_3794, 0 {pack_format = #tpu.pack_format<interleaved>} : vector<32xbf16> -> vector<16xf32>
      %unpack3A_3796 = tpu.unpack_subelements %mul3A_3794, 1 {pack_format = #tpu.pack_format<interleaved>} : vector<32xbf16> -> vector<16xf32>
      %add3A_3797 = arith.addf %unpack3A_3795, %unpack3A_3796 : vector<16xf32>
      %get3A_3798 = arith.constant 68 : i32
      %get3A_3799 = arith.index_cast %rem3A_245 : i32 to index
      %get3A_3800 = arith.index_cast %get3A_3798 : i32 to index
      %get3A_3801 = arith.constant 32 : index
      %get3A_3802 = tpu.vector_load %arg9[%get3A_3799, %get3A_3800, %get3A_3801] {strides = array<i32>} : memref<10x80x128xbf16, #tpu.memory_space<vmem>>, vector<32xbf16>,
      %mul3A_3803 = arith.mulf %get3A_3802, %get3A_3802 : vector<32xbf16>
      %unpack3A_3804 = tpu.unpack_subelements %mul3A_3803, 0 {pack_format = #tpu.pack_format<interleaved>} : vector<32xbf16> -> vector<16xf32>
      %unpack3A_3805 = tpu.unpack_subelements %mul3A_3803, 1 {pack_format = #tpu.pack_format<interleaved>} : vector<32xbf16> -> vector<16xf32>
      %add3A_3806 = arith.addf %add3A_3797, %unpack3A_3804 : vector<16xf32>
      %add3A_3807 = arith.addf %add3A_3806, %unpack3A_3805 : vector<16xf32>
      %get3A_3808 = arith.constant 68 : i32
      %get3A_3809 = arith.index_cast %rem3A_245 : i32 to index
      %get3A_3810 = arith.index_cast %get3A_3808 : i32 to index
      %get3A_3811 = arith.constant 64 : index
      %get3A_3812 = tpu.vector_load %arg9[%get3A_3809, %get3A_3810, %get3A_3811] {strides = array<i32>} : memref<10x80x128xbf16, #tpu.memory_space<vmem>>, vector<32xbf16>,
      %mul3A_3813 = arith.mulf %get3A_3812, %get3A_3812 : vector<32xbf16>
      %unpack3A_3814 = tpu.unpack_subelements %mul3A_3813, 0 {pack_format = #tpu.pack_format<interleaved>} : vector<32xbf16> -> vector<16xf32>
      %unpack3A_3815 = tpu.unpack_subelements %mul3A_3813, 1 {pack_format = #tpu.pack_format<interleaved>} : vector<32xbf16> -> vector<16xf32>
      %add3A_3816 = arith.addf %add3A_3807, %unpack3A_3814 : vector<16xf32>
      %add3A_3817 = arith.addf %add3A_3816, %unpack3A_3815 : vector<16xf32>
      %get3A_3818 = arith.constant 68 : i32
      %get3A_3819 = arith.index_cast %rem3A_245 : i32 to index
      %get3A_3820 = arith.index_cast %get3A_3818 : i32 to index
      %get3A_3821 = arith.constant 96 : index
      %get3A_3822 = tpu.vector_load %arg9[%get3A_3819, %get3A_3820, %get3A_3821] {strides = array<i32>} : memref<10x80x128xbf16, #tpu.memory_space<vmem>>, vector<32xbf16>,
      %mul3A_3823 = arith.mulf %get3A_3822, %get3A_3822 : vector<32xbf16>
      %unpack3A_3824 = tpu.unpack_subelements %mul3A_3823, 0 {pack_format = #tpu.pack_format<interleaved>} : vector<32xbf16> -> vector<16xf32>
      %unpack3A_3825 = tpu.unpack_subelements %mul3A_3823, 1 {pack_format = #tpu.pack_format<interleaved>} : vector<32xbf16> -> vector<16xf32>
      %add3A_3826 = arith.addf %add3A_3817, %unpack3A_3824 : vector<16xf32>
      %add3A_3827 = arith.addf %add3A_3826, %unpack3A_3825 : vector<16xf32>
      %broadcast_in_dim3A_3828 = arith.constant true
      %broadcast_in_dim3A_3829 = vector.broadcast %broadcast_in_dim3A_3828 : i1 to vector<16xi1>
      %masked_cumsum3A_3830 = tpu.scan <sum>, %add3A_3827 masked %broadcast_in_dim3A_3829 : vector<16xf32>, vector<16xi1> -> vector<16xf32>
      %reshape3A_3831 = vector.shape_cast %broadcast_in_dim3A_272 : vector<16xi32> to vector<16x1xi32>
      %gather3A_3832 = vector.shape_cast %reshape3A_3831 : vector<16x1xi32> to vector<16xi32>
      %gather3A_3833 = tpu.dynamic_gather %masked_cumsum3A_3830[%gather3A_3832] in [0] : vector<16xf32>, vector<16xi32> -> vector<16xf32>
      %eq3A_3834 = arith.constant 4 : i32
      %eq3A_3835 = vector.broadcast %eq3A_3834 : i32 to vector<16xi32>
      %eq3A_3836 = arith.cmpi eq, %iota3A, %eq3A_3835 : vector<16xi32>
      %select_n3A_3837 = arith.select %eq3A_3836, %gather3A_3833, %select_n3A_3788 : vector<16xi1>, vector<16xf32>
      %get3A_3838 = arith.constant 69 : i32
      %get3A_3839 = arith.index_cast %rem3A_245 : i32 to index
      %get3A_3840 = arith.index_cast %get3A_3838 : i32 to index
      %get3A_3841 = arith.constant 0 : index
      %get3A_3842 = tpu.vector_load %arg9[%get3A_3839, %get3A_3840, %get3A_3841] {strides = array<i32>} : memref<10x80x128xbf16, #tpu.memory_space<vmem>>, vector<32xbf16>,
      %mul3A_3843 = arith.mulf %get3A_3842, %get3A_3842 : vector<32xbf16>
      %unpack3A_3844 = tpu.unpack_subelements %mul3A_3843, 0 {pack_format = #tpu.pack_format<interleaved>} : vector<32xbf16> -> vector<16xf32>
      %unpack3A_3845 = tpu.unpack_subelements %mul3A_3843, 1 {pack_format = #tpu.pack_format<interleaved>} : vector<32xbf16> -> vector<16xf32>
      %add3A_3846 = arith.addf %unpack3A_3844, %unpack3A_3845 : vector<16xf32>
      %get3A_3847 = arith.constant 69 : i32
      %get3A_3848 = arith.index_cast %rem3A_245 : i32 to index
      %get3A_3849 = arith.index_cast %get3A_3847 : i32 to index
      %get3A_3850 = arith.constant 32 : index
      %get3A_3851 = tpu.vector_load %arg9[%get3A_3848, %get3A_3849, %get3A_3850] {strides = array<i32>} : memref<10x80x128xbf16, #tpu.memory_space<vmem>>, vector<32xbf16>,
      %mul3A_3852 = arith.mulf %get3A_3851, %get3A_3851 : vector<32xbf16>
      %unpack3A_3853 = tpu.unpack_subelements %mul3A_3852, 0 {pack_format = #tpu.pack_format<interleaved>} : vector<32xbf16> -> vector<16xf32>
      %unpack3A_3854 = tpu.unpack_subelements %mul3A_3852, 1 {pack_format = #tpu.pack_format<interleaved>} : vector<32xbf16> -> vector<16xf32>
      %add3A_3855 = arith.addf %add3A_3846, %unpack3A_3853 : vector<16xf32>
      %add3A_3856 = arith.addf %add3A_3855, %unpack3A_3854 : vector<16xf32>
      %get3A_3857 = arith.constant 69 : i32
      %get3A_3858 = arith.index_cast %rem3A_245 : i32 to index
      %get3A_3859 = arith.index_cast %get3A_3857 : i32 to index
      %get3A_3860 = arith.constant 64 : index
      %get3A_3861 = tpu.vector_load %arg9[%get3A_3858, %get3A_3859, %get3A_3860] {strides = array<i32>} : memref<10x80x128xbf16, #tpu.memory_space<vmem>>, vector<32xbf16>,
      %mul3A_3862 = arith.mulf %get3A_3861, %get3A_3861 : vector<32xbf16>
      %unpack3A_3863 = tpu.unpack_subelements %mul3A_3862, 0 {pack_format = #tpu.pack_format<interleaved>} : vector<32xbf16> -> vector<16xf32>
      %unpack3A_3864 = tpu.unpack_subelements %mul3A_3862, 1 {pack_format = #tpu.pack_format<interleaved>} : vector<32xbf16> -> vector<16xf32>
      %add3A_3865 = arith.addf %add3A_3856, %unpack3A_3863 : vector<16xf32>
      %add3A_3866 = arith.addf %add3A_3865, %unpack3A_3864 : vector<16xf32>
      %get3A_3867 = arith.constant 69 : i32
      %get3A_3868 = arith.index_cast %rem3A_245 : i32 to index
      %get3A_3869 = arith.index_cast %get3A_3867 : i32 to index
      %get3A_3870 = arith.constant 96 : index
      %get3A_3871 = tpu.vector_load %arg9[%get3A_3868, %get3A_3869, %get3A_3870] {strides = array<i32>} : memref<10x80x128xbf16, #tpu.memory_space<vmem>>, vector<32xbf16>,
      %mul3A_3872 = arith.mulf %get3A_3871, %get3A_3871 : vector<32xbf16>
      %unpack3A_3873 = tpu.unpack_subelements %mul3A_3872, 0 {pack_format = #tpu.pack_format<interleaved>} : vector<32xbf16> -> vector<16xf32>
      %unpack3A_3874 = tpu.unpack_subelements %mul3A_3872, 1 {pack_format = #tpu.pack_format<interleaved>} : vector<32xbf16> -> vector<16xf32>
      %add3A_3875 = arith.addf %add3A_3866, %unpack3A_3873 : vector<16xf32>
      %add3A_3876 = arith.addf %add3A_3875, %unpack3A_3874 : vector<16xf32>
      %broadcast_in_dim3A_3877 = arith.constant true
      %broadcast_in_dim3A_3878 = vector.broadcast %broadcast_in_dim3A_3877 : i1 to vector<16xi1>
      %masked_cumsum3A_3879 = tpu.scan <sum>, %add3A_3876 masked %broadcast_in_dim3A_3878 : vector<16xf32>, vector<16xi1> -> vector<16xf32>
      %reshape3A_3880 = vector.shape_cast %broadcast_in_dim3A_272 : vector<16xi32> to vector<16x1xi32>
      %gather3A_3881 = vector.shape_cast %reshape3A_3880 : vector<16x1xi32> to vector<16xi32>
      %gather3A_3882 = tpu.dynamic_gather %masked_cumsum3A_3879[%gather3A_3881] in [0] : vector<16xf32>, vector<16xi32> -> vector<16xf32>
      %eq3A_3883 = arith.constant 5 : i32
      %eq3A_3884 = vector.broadcast %eq3A_3883 : i32 to vector<16xi32>
      %eq3A_3885 = arith.cmpi eq, %iota3A, %eq3A_3884 : vector<16xi32>
      %select_n3A_3886 = arith.select %eq3A_3885, %gather3A_3882, %select_n3A_3837 : vector<16xi1>, vector<16xf32>
      %get3A_3887 = arith.constant 70 : i32
      %get3A_3888 = arith.index_cast %rem3A_245 : i32 to index
      %get3A_3889 = arith.index_cast %get3A_3887 : i32 to index
      %get3A_3890 = arith.constant 0 : index
      %get3A_3891 = tpu.vector_load %arg9[%get3A_3888, %get3A_3889, %get3A_3890] {strides = array<i32>} : memref<10x80x128xbf16, #tpu.memory_space<vmem>>, vector<32xbf16>,
      %mul3A_3892 = arith.mulf %get3A_3891, %get3A_3891 : vector<32xbf16>
      %unpack3A_3893 = tpu.unpack_subelements %mul3A_3892, 0 {pack_format = #tpu.pack_format<interleaved>} : vector<32xbf16> -> vector<16xf32>
      %unpack3A_3894 = tpu.unpack_subelements %mul3A_3892, 1 {pack_format = #tpu.pack_format<interleaved>} : vector<32xbf16> -> vector<16xf32>
      %add3A_3895 = arith.addf %unpack3A_3893, %unpack3A_3894 : vector<16xf32>
      %get3A_3896 = arith.constant 70 : i32
      %get3A_3897 = arith.index_cast %rem3A_245 : i32 to index
      %get3A_3898 = arith.index_cast %get3A_3896 : i32 to index
      %get3A_3899 = arith.constant 32 : index
      %get3A_3900 = tpu.vector_load %arg9[%get3A_3897, %get3A_3898, %get3A_3899] {strides = array<i32>} : memref<10x80x128xbf16, #tpu.memory_space<vmem>>, vector<32xbf16>,
      %mul3A_3901 = arith.mulf %get3A_3900, %get3A_3900 : vector<32xbf16>
      %unpack3A_3902 = tpu.unpack_subelements %mul3A_3901, 0 {pack_format = #tpu.pack_format<interleaved>} : vector<32xbf16> -> vector<16xf32>
      %unpack3A_3903 = tpu.unpack_subelements %mul3A_3901, 1 {pack_format = #tpu.pack_format<interleaved>} : vector<32xbf16> -> vector<16xf32>
      %add3A_3904 = arith.addf %add3A_3895, %unpack3A_3902 : vector<16xf32>
      %add3A_3905 = arith.addf %add3A_3904, %unpack3A_3903 : vector<16xf32>
      %get3A_3906 = arith.constant 70 : i32
      %get3A_3907 = arith.index_cast %rem3A_245 : i32 to index
      %get3A_3908 = arith.index_cast %get3A_3906 : i32 to index
      %get3A_3909 = arith.constant 64 : index
      %get3A_3910 = tpu.vector_load %arg9[%get3A_3907, %get3A_3908, %get3A_3909] {strides = array<i32>} : memref<10x80x128xbf16, #tpu.memory_space<vmem>>, vector<32xbf16>,
      %mul3A_3911 = arith.mulf %get3A_3910, %get3A_3910 : vector<32xbf16>
      %unpack3A_3912 = tpu.unpack_subelements %mul3A_3911, 0 {pack_format = #tpu.pack_format<interleaved>} : vector<32xbf16> -> vector<16xf32>
      %unpack3A_3913 = tpu.unpack_subelements %mul3A_3911, 1 {pack_format = #tpu.pack_format<interleaved>} : vector<32xbf16> -> vector<16xf32>
      %add3A_3914 = arith.addf %add3A_3905, %unpack3A_3912 : vector<16xf32>
      %add3A_3915 = arith.addf %add3A_3914, %unpack3A_3913 : vector<16xf32>
      %get3A_3916 = arith.constant 70 : i32
      %get3A_3917 = arith.index_cast %rem3A_245 : i32 to index
      %get3A_3918 = arith.index_cast %get3A_3916 : i32 to index
      %get3A_3919 = arith.constant 96 : index
      %get3A_3920 = tpu.vector_load %arg9[%get3A_3917, %get3A_3918, %get3A_3919] {strides = array<i32>} : memref<10x80x128xbf16, #tpu.memory_space<vmem>>, vector<32xbf16>,
      %mul3A_3921 = arith.mulf %get3A_3920, %get3A_3920 : vector<32xbf16>
      %unpack3A_3922 = tpu.unpack_subelements %mul3A_3921, 0 {pack_format = #tpu.pack_format<interleaved>} : vector<32xbf16> -> vector<16xf32>
      %unpack3A_3923 = tpu.unpack_subelements %mul3A_3921, 1 {pack_format = #tpu.pack_format<interleaved>} : vector<32xbf16> -> vector<16xf32>
      %add3A_3924 = arith.addf %add3A_3915, %unpack3A_3922 : vector<16xf32>
      %add3A_3925 = arith.addf %add3A_3924, %unpack3A_3923 : vector<16xf32>
      %broadcast_in_dim3A_3926 = arith.constant true
      %broadcast_in_dim3A_3927 = vector.broadcast %broadcast_in_dim3A_3926 : i1 to vector<16xi1>
      %masked_cumsum3A_3928 = tpu.scan <sum>, %add3A_3925 masked %broadcast_in_dim3A_3927 : vector<16xf32>, vector<16xi1> -> vector<16xf32>
      %reshape3A_3929 = vector.shape_cast %broadcast_in_dim3A_272 : vector<16xi32> to vector<16x1xi32>
      %gather3A_3930 = vector.shape_cast %reshape3A_3929 : vector<16x1xi32> to vector<16xi32>
      %gather3A_3931 = tpu.dynamic_gather %masked_cumsum3A_3928[%gather3A_3930] in [0] : vector<16xf32>, vector<16xi32> -> vector<16xf32>
      %eq3A_3932 = arith.constant 6 : i32
      %eq3A_3933 = vector.broadcast %eq3A_3932 : i32 to vector<16xi32>
      %eq3A_3934 = arith.cmpi eq, %iota3A, %eq3A_3933 : vector<16xi32>
      %select_n3A_3935 = arith.select %eq3A_3934, %gather3A_3931, %select_n3A_3886 : vector<16xi1>, vector<16xf32>
      %get3A_3936 = arith.constant 71 : i32
      %get3A_3937 = arith.index_cast %rem3A_245 : i32 to index
      %get3A_3938 = arith.index_cast %get3A_3936 : i32 to index
      %get3A_3939 = arith.constant 0 : index
      %get3A_3940 = tpu.vector_load %arg9[%get3A_3937, %get3A_3938, %get3A_3939] {strides = array<i32>} : memref<10x80x128xbf16, #tpu.memory_space<vmem>>, vector<32xbf16>,
      %mul3A_3941 = arith.mulf %get3A_3940, %get3A_3940 : vector<32xbf16>
      %unpack3A_3942 = tpu.unpack_subelements %mul3A_3941, 0 {pack_format = #tpu.pack_format<interleaved>} : vector<32xbf16> -> vector<16xf32>
      %unpack3A_3943 = tpu.unpack_subelements %mul3A_3941, 1 {pack_format = #tpu.pack_format<interleaved>} : vector<32xbf16> -> vector<16xf32>
      %add3A_3944 = arith.addf %unpack3A_3942, %unpack3A_3943 : vector<16xf32>
      %get3A_3945 = arith.constant 71 : i32
      %get3A_3946 = arith.index_cast %rem3A_245 : i32 to index
      %get3A_3947 = arith.index_cast %get3A_3945 : i32 to index
      %get3A_3948 = arith.constant 32 : index
      %get3A_3949 = tpu.vector_load %arg9[%get3A_3946, %get3A_3947, %get3A_3948] {strides = array<i32>} : memref<10x80x128xbf16, #tpu.memory_space<vmem>>, vector<32xbf16>,
      %mul3A_3950 = arith.mulf %get3A_3949, %get3A_3949 : vector<32xbf16>
      %unpack3A_3951 = tpu.unpack_subelements %mul3A_3950, 0 {pack_format = #tpu.pack_format<interleaved>} : vector<32xbf16> -> vector<16xf32>
      %unpack3A_3952 = tpu.unpack_subelements %mul3A_3950, 1 {pack_format = #tpu.pack_format<interleaved>} : vector<32xbf16> -> vector<16xf32>
      %add3A_3953 = arith.addf %add3A_3944, %unpack3A_3951 : vector<16xf32>
      %add3A_3954 = arith.addf %add3A_3953, %unpack3A_3952 : vector<16xf32>
      %get3A_3955 = arith.constant 71 : i32
      %get3A_3956 = arith.index_cast %rem3A_245 : i32 to index
      %get3A_3957 = arith.index_cast %get3A_3955 : i32 to index
      %get3A_3958 = arith.constant 64 : index
      %get3A_3959 = tpu.vector_load %arg9[%get3A_3956, %get3A_3957, %get3A_3958] {strides = array<i32>} : memref<10x80x128xbf16, #tpu.memory_space<vmem>>, vector<32xbf16>,
      %mul3A_3960 = arith.mulf %get3A_3959, %get3A_3959 : vector<32xbf16>
      %unpack3A_3961 = tpu.unpack_subelements %mul3A_3960, 0 {pack_format = #tpu.pack_format<interleaved>} : vector<32xbf16> -> vector<16xf32>
      %unpack3A_3962 = tpu.unpack_subelements %mul3A_3960, 1 {pack_format = #tpu.pack_format<interleaved>} : vector<32xbf16> -> vector<16xf32>
      %add3A_3963 = arith.addf %add3A_3954, %unpack3A_3961 : vector<16xf32>
      %add3A_3964 = arith.addf %add3A_3963, %unpack3A_3962 : vector<16xf32>
      %get3A_3965 = arith.constant 71 : i32
      %get3A_3966 = arith.index_cast %rem3A_245 : i32 to index
      %get3A_3967 = arith.index_cast %get3A_3965 : i32 to index
      %get3A_3968 = arith.constant 96 : index
      %get3A_3969 = tpu.vector_load %arg9[%get3A_3966, %get3A_3967, %get3A_3968] {strides = array<i32>} : memref<10x80x128xbf16, #tpu.memory_space<vmem>>, vector<32xbf16>,
      %mul3A_3970 = arith.mulf %get3A_3969, %get3A_3969 : vector<32xbf16>
      %unpack3A_3971 = tpu.unpack_subelements %mul3A_3970, 0 {pack_format = #tpu.pack_format<interleaved>} : vector<32xbf16> -> vector<16xf32>
      %unpack3A_3972 = tpu.unpack_subelements %mul3A_3970, 1 {pack_format = #tpu.pack_format<interleaved>} : vector<32xbf16> -> vector<16xf32>
      %add3A_3973 = arith.addf %add3A_3964, %unpack3A_3971 : vector<16xf32>
      %add3A_3974 = arith.addf %add3A_3973, %unpack3A_3972 : vector<16xf32>
      %broadcast_in_dim3A_3975 = arith.constant true
      %broadcast_in_dim3A_3976 = vector.broadcast %broadcast_in_dim3A_3975 : i1 to vector<16xi1>
      %masked_cumsum3A_3977 = tpu.scan <sum>, %add3A_3974 masked %broadcast_in_dim3A_3976 : vector<16xf32>, vector<16xi1> -> vector<16xf32>
      %reshape3A_3978 = vector.shape_cast %broadcast_in_dim3A_272 : vector<16xi32> to vector<16x1xi32>
      %gather3A_3979 = vector.shape_cast %reshape3A_3978 : vector<16x1xi32> to vector<16xi32>
      %gather3A_3980 = tpu.dynamic_gather %masked_cumsum3A_3977[%gather3A_3979] in [0] : vector<16xf32>, vector<16xi32> -> vector<16xf32>
      %eq3A_3981 = arith.constant 7 : i32
      %eq3A_3982 = vector.broadcast %eq3A_3981 : i32 to vector<16xi32>
      %eq3A_3983 = arith.cmpi eq, %iota3A, %eq3A_3982 : vector<16xi32>
      %select_n3A_3984 = arith.select %eq3A_3983, %gather3A_3980, %select_n3A_3935 : vector<16xi1>, vector<16xf32>
      %get3A_3985 = arith.constant 72 : i32
      %get3A_3986 = arith.index_cast %rem3A_245 : i32 to index
      %get3A_3987 = arith.index_cast %get3A_3985 : i32 to index
      %get3A_3988 = arith.constant 0 : index
      %get3A_3989 = tpu.vector_load %arg9[%get3A_3986, %get3A_3987, %get3A_3988] {strides = array<i32>} : memref<10x80x128xbf16, #tpu.memory_space<vmem>>, vector<32xbf16>,
      %mul3A_3990 = arith.mulf %get3A_3989, %get3A_3989 : vector<32xbf16>
      %unpack3A_3991 = tpu.unpack_subelements %mul3A_3990, 0 {pack_format = #tpu.pack_format<interleaved>} : vector<32xbf16> -> vector<16xf32>
      %unpack3A_3992 = tpu.unpack_subelements %mul3A_3990, 1 {pack_format = #tpu.pack_format<interleaved>} : vector<32xbf16> -> vector<16xf32>
      %add3A_3993 = arith.addf %unpack3A_3991, %unpack3A_3992 : vector<16xf32>
      %get3A_3994 = arith.constant 72 : i32
      %get3A_3995 = arith.index_cast %rem3A_245 : i32 to index
      %get3A_3996 = arith.index_cast %get3A_3994 : i32 to index
      %get3A_3997 = arith.constant 32 : index
      %get3A_3998 = tpu.vector_load %arg9[%get3A_3995, %get3A_3996, %get3A_3997] {strides = array<i32>} : memref<10x80x128xbf16, #tpu.memory_space<vmem>>, vector<32xbf16>,
      %mul3A_3999 = arith.mulf %get3A_3998, %get3A_3998 : vector<32xbf16>
      %unpack3A_4000 = tpu.unpack_subelements %mul3A_3999, 0 {pack_format = #tpu.pack_format<interleaved>} : vector<32xbf16> -> vector<16xf32>
      %unpack3A_4001 = tpu.unpack_subelements %mul3A_3999, 1 {pack_format = #tpu.pack_format<interleaved>} : vector<32xbf16> -> vector<16xf32>
      %add3A_4002 = arith.addf %add3A_3993, %unpack3A_4000 : vector<16xf32>
      %add3A_4003 = arith.addf %add3A_4002, %unpack3A_4001 : vector<16xf32>
      %get3A_4004 = arith.constant 72 : i32
      %get3A_4005 = arith.index_cast %rem3A_245 : i32 to index
      %get3A_4006 = arith.index_cast %get3A_4004 : i32 to index
      %get3A_4007 = arith.constant 64 : index
      %get3A_4008 = tpu.vector_load %arg9[%get3A_4005, %get3A_4006, %get3A_4007] {strides = array<i32>} : memref<10x80x128xbf16, #tpu.memory_space<vmem>>, vector<32xbf16>,
      %mul3A_4009 = arith.mulf %get3A_4008, %get3A_4008 : vector<32xbf16>
      %unpack3A_4010 = tpu.unpack_subelements %mul3A_4009, 0 {pack_format = #tpu.pack_format<interleaved>} : vector<32xbf16> -> vector<16xf32>
      %unpack3A_4011 = tpu.unpack_subelements %mul3A_4009, 1 {pack_format = #tpu.pack_format<interleaved>} : vector<32xbf16> -> vector<16xf32>
      %add3A_4012 = arith.addf %add3A_4003, %unpack3A_4010 : vector<16xf32>
      %add3A_4013 = arith.addf %add3A_4012, %unpack3A_4011 : vector<16xf32>
      %get3A_4014 = arith.constant 72 : i32
      %get3A_4015 = arith.index_cast %rem3A_245 : i32 to index
      %get3A_4016 = arith.index_cast %get3A_4014 : i32 to index
      %get3A_4017 = arith.constant 96 : index
      %get3A_4018 = tpu.vector_load %arg9[%get3A_4015, %get3A_4016, %get3A_4017] {strides = array<i32>} : memref<10x80x128xbf16, #tpu.memory_space<vmem>>, vector<32xbf16>,
      %mul3A_4019 = arith.mulf %get3A_4018, %get3A_4018 : vector<32xbf16>
      %unpack3A_4020 = tpu.unpack_subelements %mul3A_4019, 0 {pack_format = #tpu.pack_format<interleaved>} : vector<32xbf16> -> vector<16xf32>
      %unpack3A_4021 = tpu.unpack_subelements %mul3A_4019, 1 {pack_format = #tpu.pack_format<interleaved>} : vector<32xbf16> -> vector<16xf32>
      %add3A_4022 = arith.addf %add3A_4013, %unpack3A_4020 : vector<16xf32>
      %add3A_4023 = arith.addf %add3A_4022, %unpack3A_4021 : vector<16xf32>
      %broadcast_in_dim3A_4024 = arith.constant true
      %broadcast_in_dim3A_4025 = vector.broadcast %broadcast_in_dim3A_4024 : i1 to vector<16xi1>
      %masked_cumsum3A_4026 = tpu.scan <sum>, %add3A_4023 masked %broadcast_in_dim3A_4025 : vector<16xf32>, vector<16xi1> -> vector<16xf32>
      %reshape3A_4027 = vector.shape_cast %broadcast_in_dim3A_272 : vector<16xi32> to vector<16x1xi32>
      %gather3A_4028 = vector.shape_cast %reshape3A_4027 : vector<16x1xi32> to vector<16xi32>
      %gather3A_4029 = tpu.dynamic_gather %masked_cumsum3A_4026[%gather3A_4028] in [0] : vector<16xf32>, vector<16xi32> -> vector<16xf32>
      %eq3A_4030 = arith.constant 8 : i32
      %eq3A_4031 = vector.broadcast %eq3A_4030 : i32 to vector<16xi32>
      %eq3A_4032 = arith.cmpi eq, %iota3A, %eq3A_4031 : vector<16xi32>
      %select_n3A_4033 = arith.select %eq3A_4032, %gather3A_4029, %select_n3A_3984 : vector<16xi1>, vector<16xf32>
      %get3A_4034 = arith.constant 73 : i32
      %get3A_4035 = arith.index_cast %rem3A_245 : i32 to index
      %get3A_4036 = arith.index_cast %get3A_4034 : i32 to index
      %get3A_4037 = arith.constant 0 : index
      %get3A_4038 = tpu.vector_load %arg9[%get3A_4035, %get3A_4036, %get3A_4037] {strides = array<i32>} : memref<10x80x128xbf16, #tpu.memory_space<vmem>>, vector<32xbf16>,
      %mul3A_4039 = arith.mulf %get3A_4038, %get3A_4038 : vector<32xbf16>
      %unpack3A_4040 = tpu.unpack_subelements %mul3A_4039, 0 {pack_format = #tpu.pack_format<interleaved>} : vector<32xbf16> -> vector<16xf32>
      %unpack3A_4041 = tpu.unpack_subelements %mul3A_4039, 1 {pack_format = #tpu.pack_format<interleaved>} : vector<32xbf16> -> vector<16xf32>
      %add3A_4042 = arith.addf %unpack3A_4040, %unpack3A_4041 : vector<16xf32>
      %get3A_4043 = arith.constant 73 : i32
      %get3A_4044 = arith.index_cast %rem3A_245 : i32 to index
      %get3A_4045 = arith.index_cast %get3A_4043 : i32 to index
      %get3A_4046 = arith.constant 32 : index
      %get3A_4047 = tpu.vector_load %arg9[%get3A_4044, %get3A_4045, %get3A_4046] {strides = array<i32>} : memref<10x80x128xbf16, #tpu.memory_space<vmem>>, vector<32xbf16>,
      %mul3A_4048 = arith.mulf %get3A_4047, %get3A_4047 : vector<32xbf16>
      %unpack3A_4049 = tpu.unpack_subelements %mul3A_4048, 0 {pack_format = #tpu.pack_format<interleaved>} : vector<32xbf16> -> vector<16xf32>
      %unpack3A_4050 = tpu.unpack_subelements %mul3A_4048, 1 {pack_format = #tpu.pack_format<interleaved>} : vector<32xbf16> -> vector<16xf32>
      %add3A_4051 = arith.addf %add3A_4042, %unpack3A_4049 : vector<16xf32>
      %add3A_4052 = arith.addf %add3A_4051, %unpack3A_4050 : vector<16xf32>
      %get3A_4053 = arith.constant 73 : i32
      %get3A_4054 = arith.index_cast %rem3A_245 : i32 to index
      %get3A_4055 = arith.index_cast %get3A_4053 : i32 to index
      %get3A_4056 = arith.constant 64 : index
      %get3A_4057 = tpu.vector_load %arg9[%get3A_4054, %get3A_4055, %get3A_4056] {strides = array<i32>} : memref<10x80x128xbf16, #tpu.memory_space<vmem>>, vector<32xbf16>,
      %mul3A_4058 = arith.mulf %get3A_4057, %get3A_4057 : vector<32xbf16>
      %unpack3A_4059 = tpu.unpack_subelements %mul3A_4058, 0 {pack_format = #tpu.pack_format<interleaved>} : vector<32xbf16> -> vector<16xf32>
      %unpack3A_4060 = tpu.unpack_subelements %mul3A_4058, 1 {pack_format = #tpu.pack_format<interleaved>} : vector<32xbf16> -> vector<16xf32>
      %add3A_4061 = arith.addf %add3A_4052, %unpack3A_4059 : vector<16xf32>
      %add3A_4062 = arith.addf %add3A_4061, %unpack3A_4060 : vector<16xf32>
      %get3A_4063 = arith.constant 73 : i32
      %get3A_4064 = arith.index_cast %rem3A_245 : i32 to index
      %get3A_4065 = arith.index_cast %get3A_4063 : i32 to index
      %get3A_4066 = arith.constant 96 : index
      %get3A_4067 = tpu.vector_load %arg9[%get3A_4064, %get3A_4065, %get3A_4066] {strides = array<i32>} : memref<10x80x128xbf16, #tpu.memory_space<vmem>>, vector<32xbf16>,
      %mul3A_4068 = arith.mulf %get3A_4067, %get3A_4067 : vector<32xbf16>
      %unpack3A_4069 = tpu.unpack_subelements %mul3A_4068, 0 {pack_format = #tpu.pack_format<interleaved>} : vector<32xbf16> -> vector<16xf32>
      %unpack3A_4070 = tpu.unpack_subelements %mul3A_4068, 1 {pack_format = #tpu.pack_format<interleaved>} : vector<32xbf16> -> vector<16xf32>
      %add3A_4071 = arith.addf %add3A_4062, %unpack3A_4069 : vector<16xf32>
      %add3A_4072 = arith.addf %add3A_4071, %unpack3A_4070 : vector<16xf32>
      %broadcast_in_dim3A_4073 = arith.constant true
      %broadcast_in_dim3A_4074 = vector.broadcast %broadcast_in_dim3A_4073 : i1 to vector<16xi1>
      %masked_cumsum3A_4075 = tpu.scan <sum>, %add3A_4072 masked %broadcast_in_dim3A_4074 : vector<16xf32>, vector<16xi1> -> vector<16xf32>
      %reshape3A_4076 = vector.shape_cast %broadcast_in_dim3A_272 : vector<16xi32> to vector<16x1xi32>
      %gather3A_4077 = vector.shape_cast %reshape3A_4076 : vector<16x1xi32> to vector<16xi32>
      %gather3A_4078 = tpu.dynamic_gather %masked_cumsum3A_4075[%gather3A_4077] in [0] : vector<16xf32>, vector<16xi32> -> vector<16xf32>
      %eq3A_4079 = arith.constant 9 : i32
      %eq3A_4080 = vector.broadcast %eq3A_4079 : i32 to vector<16xi32>
      %eq3A_4081 = arith.cmpi eq, %iota3A, %eq3A_4080 : vector<16xi32>
      %select_n3A_4082 = arith.select %eq3A_4081, %gather3A_4078, %select_n3A_4033 : vector<16xi1>, vector<16xf32>
      %get3A_4083 = arith.constant 74 : i32
      %get3A_4084 = arith.index_cast %rem3A_245 : i32 to index
      %get3A_4085 = arith.index_cast %get3A_4083 : i32 to index
      %get3A_4086 = arith.constant 0 : index
      %get3A_4087 = tpu.vector_load %arg9[%get3A_4084, %get3A_4085, %get3A_4086] {strides = array<i32>} : memref<10x80x128xbf16, #tpu.memory_space<vmem>>, vector<32xbf16>,
      %mul3A_4088 = arith.mulf %get3A_4087, %get3A_4087 : vector<32xbf16>
      %unpack3A_4089 = tpu.unpack_subelements %mul3A_4088, 0 {pack_format = #tpu.pack_format<interleaved>} : vector<32xbf16> -> vector<16xf32>
      %unpack3A_4090 = tpu.unpack_subelements %mul3A_4088, 1 {pack_format = #tpu.pack_format<interleaved>} : vector<32xbf16> -> vector<16xf32>
      %add3A_4091 = arith.addf %unpack3A_4089, %unpack3A_4090 : vector<16xf32>
      %get3A_4092 = arith.constant 74 : i32
      %get3A_4093 = arith.index_cast %rem3A_245 : i32 to index
      %get3A_4094 = arith.index_cast %get3A_4092 : i32 to index
      %get3A_4095 = arith.constant 32 : index
      %get3A_4096 = tpu.vector_load %arg9[%get3A_4093, %get3A_4094, %get3A_4095] {strides = array<i32>} : memref<10x80x128xbf16, #tpu.memory_space<vmem>>, vector<32xbf16>,
      %mul3A_4097 = arith.mulf %get3A_4096, %get3A_4096 : vector<32xbf16>
      %unpack3A_4098 = tpu.unpack_subelements %mul3A_4097, 0 {pack_format = #tpu.pack_format<interleaved>} : vector<32xbf16> -> vector<16xf32>
      %unpack3A_4099 = tpu.unpack_subelements %mul3A_4097, 1 {pack_format = #tpu.pack_format<interleaved>} : vector<32xbf16> -> vector<16xf32>
      %add3A_4100 = arith.addf %add3A_4091, %unpack3A_4098 : vector<16xf32>
      %add3A_4101 = arith.addf %add3A_4100, %unpack3A_4099 : vector<16xf32>
      %get3A_4102 = arith.constant 74 : i32
      %get3A_4103 = arith.index_cast %rem3A_245 : i32 to index
      %get3A_4104 = arith.index_cast %get3A_4102 : i32 to index
      %get3A_4105 = arith.constant 64 : index
      %get3A_4106 = tpu.vector_load %arg9[%get3A_4103, %get3A_4104, %get3A_4105] {strides = array<i32>} : memref<10x80x128xbf16, #tpu.memory_space<vmem>>, vector<32xbf16>,
      %mul3A_4107 = arith.mulf %get3A_4106, %get3A_4106 : vector<32xbf16>
      %unpack3A_4108 = tpu.unpack_subelements %mul3A_4107, 0 {pack_format = #tpu.pack_format<interleaved>} : vector<32xbf16> -> vector<16xf32>
      %unpack3A_4109 = tpu.unpack_subelements %mul3A_4107, 1 {pack_format = #tpu.pack_format<interleaved>} : vector<32xbf16> -> vector<16xf32>
      %add3A_4110 = arith.addf %add3A_4101, %unpack3A_4108 : vector<16xf32>
      %add3A_4111 = arith.addf %add3A_4110, %unpack3A_4109 : vector<16xf32>
      %get3A_4112 = arith.constant 74 : i32
      %get3A_4113 = arith.index_cast %rem3A_245 : i32 to index
      %get3A_4114 = arith.index_cast %get3A_4112 : i32 to index
      %get3A_4115 = arith.constant 96 : index
      %get3A_4116 = tpu.vector_load %arg9[%get3A_4113, %get3A_4114, %get3A_4115] {strides = array<i32>} : memref<10x80x128xbf16, #tpu.memory_space<vmem>>, vector<32xbf16>,
      %mul3A_4117 = arith.mulf %get3A_4116, %get3A_4116 : vector<32xbf16>
      %unpack3A_4118 = tpu.unpack_subelements %mul3A_4117, 0 {pack_format = #tpu.pack_format<interleaved>} : vector<32xbf16> -> vector<16xf32>
      %unpack3A_4119 = tpu.unpack_subelements %mul3A_4117, 1 {pack_format = #tpu.pack_format<interleaved>} : vector<32xbf16> -> vector<16xf32>
      %add3A_4120 = arith.addf %add3A_4111, %unpack3A_4118 : vector<16xf32>
      %add3A_4121 = arith.addf %add3A_4120, %unpack3A_4119 : vector<16xf32>
      %broadcast_in_dim3A_4122 = arith.constant true
      %broadcast_in_dim3A_4123 = vector.broadcast %broadcast_in_dim3A_4122 : i1 to vector<16xi1>
      %masked_cumsum3A_4124 = tpu.scan <sum>, %add3A_4121 masked %broadcast_in_dim3A_4123 : vector<16xf32>, vector<16xi1> -> vector<16xf32>
      %reshape3A_4125 = vector.shape_cast %broadcast_in_dim3A_272 : vector<16xi32> to vector<16x1xi32>
      %gather3A_4126 = vector.shape_cast %reshape3A_4125 : vector<16x1xi32> to vector<16xi32>
      %gather3A_4127 = tpu.dynamic_gather %masked_cumsum3A_4124[%gather3A_4126] in [0] : vector<16xf32>, vector<16xi32> -> vector<16xf32>
      %eq3A_4128 = arith.constant 10 : i32
      %eq3A_4129 = vector.broadcast %eq3A_4128 : i32 to vector<16xi32>
      %eq3A_4130 = arith.cmpi eq, %iota3A, %eq3A_4129 : vector<16xi32>
      %select_n3A_4131 = arith.select %eq3A_4130, %gather3A_4127, %select_n3A_4082 : vector<16xi1>, vector<16xf32>
      %get3A_4132 = arith.constant 75 : i32
      %get3A_4133 = arith.index_cast %rem3A_245 : i32 to index
      %get3A_4134 = arith.index_cast %get3A_4132 : i32 to index
      %get3A_4135 = arith.constant 0 : index
      %get3A_4136 = tpu.vector_load %arg9[%get3A_4133, %get3A_4134, %get3A_4135] {strides = array<i32>} : memref<10x80x128xbf16, #tpu.memory_space<vmem>>, vector<32xbf16>,
      %mul3A_4137 = arith.mulf %get3A_4136, %get3A_4136 : vector<32xbf16>
      %unpack3A_4138 = tpu.unpack_subelements %mul3A_4137, 0 {pack_format = #tpu.pack_format<interleaved>} : vector<32xbf16> -> vector<16xf32>
      %unpack3A_4139 = tpu.unpack_subelements %mul3A_4137, 1 {pack_format = #tpu.pack_format<interleaved>} : vector<32xbf16> -> vector<16xf32>
      %add3A_4140 = arith.addf %unpack3A_4138, %unpack3A_4139 : vector<16xf32>
      %get3A_4141 = arith.constant 75 : i32
      %get3A_4142 = arith.index_cast %rem3A_245 : i32 to index
      %get3A_4143 = arith.index_cast %get3A_4141 : i32 to index
      %get3A_4144 = arith.constant 32 : index
      %get3A_4145 = tpu.vector_load %arg9[%get3A_4142, %get3A_4143, %get3A_4144] {strides = array<i32>} : memref<10x80x128xbf16, #tpu.memory_space<vmem>>, vector<32xbf16>,
      %mul3A_4146 = arith.mulf %get3A_4145, %get3A_4145 : vector<32xbf16>
      %unpack3A_4147 = tpu.unpack_subelements %mul3A_4146, 0 {pack_format = #tpu.pack_format<interleaved>} : vector<32xbf16> -> vector<16xf32>
      %unpack3A_4148 = tpu.unpack_subelements %mul3A_4146, 1 {pack_format = #tpu.pack_format<interleaved>} : vector<32xbf16> -> vector<16xf32>
      %add3A_4149 = arith.addf %add3A_4140, %unpack3A_4147 : vector<16xf32>
      %add3A_4150 = arith.addf %add3A_4149, %unpack3A_4148 : vector<16xf32>
      %get3A_4151 = arith.constant 75 : i32
      %get3A_4152 = arith.index_cast %rem3A_245 : i32 to index
      %get3A_4153 = arith.index_cast %get3A_4151 : i32 to index
      %get3A_4154 = arith.constant 64 : index
      %get3A_4155 = tpu.vector_load %arg9[%get3A_4152, %get3A_4153, %get3A_4154] {strides = array<i32>} : memref<10x80x128xbf16, #tpu.memory_space<vmem>>, vector<32xbf16>,
      %mul3A_4156 = arith.mulf %get3A_4155, %get3A_4155 : vector<32xbf16>
      %unpack3A_4157 = tpu.unpack_subelements %mul3A_4156, 0 {pack_format = #tpu.pack_format<interleaved>} : vector<32xbf16> -> vector<16xf32>
      %unpack3A_4158 = tpu.unpack_subelements %mul3A_4156, 1 {pack_format = #tpu.pack_format<interleaved>} : vector<32xbf16> -> vector<16xf32>
      %add3A_4159 = arith.addf %add3A_4150, %unpack3A_4157 : vector<16xf32>
      %add3A_4160 = arith.addf %add3A_4159, %unpack3A_4158 : vector<16xf32>
      %get3A_4161 = arith.constant 75 : i32
      %get3A_4162 = arith.index_cast %rem3A_245 : i32 to index
      %get3A_4163 = arith.index_cast %get3A_4161 : i32 to index
      %get3A_4164 = arith.constant 96 : index
      %get3A_4165 = tpu.vector_load %arg9[%get3A_4162, %get3A_4163, %get3A_4164] {strides = array<i32>} : memref<10x80x128xbf16, #tpu.memory_space<vmem>>, vector<32xbf16>,
      %mul3A_4166 = arith.mulf %get3A_4165, %get3A_4165 : vector<32xbf16>
      %unpack3A_4167 = tpu.unpack_subelements %mul3A_4166, 0 {pack_format = #tpu.pack_format<interleaved>} : vector<32xbf16> -> vector<16xf32>
      %unpack3A_4168 = tpu.unpack_subelements %mul3A_4166, 1 {pack_format = #tpu.pack_format<interleaved>} : vector<32xbf16> -> vector<16xf32>
      %add3A_4169 = arith.addf %add3A_4160, %unpack3A_4167 : vector<16xf32>
      %add3A_4170 = arith.addf %add3A_4169, %unpack3A_4168 : vector<16xf32>
      %broadcast_in_dim3A_4171 = arith.constant true
      %broadcast_in_dim3A_4172 = vector.broadcast %broadcast_in_dim3A_4171 : i1 to vector<16xi1>
      %masked_cumsum3A_4173 = tpu.scan <sum>, %add3A_4170 masked %broadcast_in_dim3A_4172 : vector<16xf32>, vector<16xi1> -> vector<16xf32>
      %reshape3A_4174 = vector.shape_cast %broadcast_in_dim3A_272 : vector<16xi32> to vector<16x1xi32>
      %gather3A_4175 = vector.shape_cast %reshape3A_4174 : vector<16x1xi32> to vector<16xi32>
      %gather3A_4176 = tpu.dynamic_gather %masked_cumsum3A_4173[%gather3A_4175] in [0] : vector<16xf32>, vector<16xi32> -> vector<16xf32>
      %eq3A_4177 = arith.constant 11 : i32
      %eq3A_4178 = vector.broadcast %eq3A_4177 : i32 to vector<16xi32>
      %eq3A_4179 = arith.cmpi eq, %iota3A, %eq3A_4178 : vector<16xi32>
      %select_n3A_4180 = arith.select %eq3A_4179, %gather3A_4176, %select_n3A_4131 : vector<16xi1>, vector<16xf32>
      %get3A_4181 = arith.constant 76 : i32
      %get3A_4182 = arith.index_cast %rem3A_245 : i32 to index
      %get3A_4183 = arith.index_cast %get3A_4181 : i32 to index
      %get3A_4184 = arith.constant 0 : index
      %get3A_4185 = tpu.vector_load %arg9[%get3A_4182, %get3A_4183, %get3A_4184] {strides = array<i32>} : memref<10x80x128xbf16, #tpu.memory_space<vmem>>, vector<32xbf16>,
      %mul3A_4186 = arith.mulf %get3A_4185, %get3A_4185 : vector<32xbf16>
      %unpack3A_4187 = tpu.unpack_subelements %mul3A_4186, 0 {pack_format = #tpu.pack_format<interleaved>} : vector<32xbf16> -> vector<16xf32>
      %unpack3A_4188 = tpu.unpack_subelements %mul3A_4186, 1 {pack_format = #tpu.pack_format<interleaved>} : vector<32xbf16> -> vector<16xf32>
      %add3A_4189 = arith.addf %unpack3A_4187, %unpack3A_4188 : vector<16xf32>
      %get3A_4190 = arith.constant 76 : i32
      %get3A_4191 = arith.index_cast %rem3A_245 : i32 to index
      %get3A_4192 = arith.index_cast %get3A_4190 : i32 to index
      %get3A_4193 = arith.constant 32 : index
      %get3A_4194 = tpu.vector_load %arg9[%get3A_4191, %get3A_4192, %get3A_4193] {strides = array<i32>} : memref<10x80x128xbf16, #tpu.memory_space<vmem>>, vector<32xbf16>,
      %mul3A_4195 = arith.mulf %get3A_4194, %get3A_4194 : vector<32xbf16>
      %unpack3A_4196 = tpu.unpack_subelements %mul3A_4195, 0 {pack_format = #tpu.pack_format<interleaved>} : vector<32xbf16> -> vector<16xf32>
      %unpack3A_4197 = tpu.unpack_subelements %mul3A_4195, 1 {pack_format = #tpu.pack_format<interleaved>} : vector<32xbf16> -> vector<16xf32>
      %add3A_4198 = arith.addf %add3A_4189, %unpack3A_4196 : vector<16xf32>
      %add3A_4199 = arith.addf %add3A_4198, %unpack3A_4197 : vector<16xf32>
      %get3A_4200 = arith.constant 76 : i32
      %get3A_4201 = arith.index_cast %rem3A_245 : i32 to index
      %get3A_4202 = arith.index_cast %get3A_4200 : i32 to index
      %get3A_4203 = arith.constant 64 : index
      %get3A_4204 = tpu.vector_load %arg9[%get3A_4201, %get3A_4202, %get3A_4203] {strides = array<i32>} : memref<10x80x128xbf16, #tpu.memory_space<vmem>>, vector<32xbf16>,
      %mul3A_4205 = arith.mulf %get3A_4204, %get3A_4204 : vector<32xbf16>
      %unpack3A_4206 = tpu.unpack_subelements %mul3A_4205, 0 {pack_format = #tpu.pack_format<interleaved>} : vector<32xbf16> -> vector<16xf32>
      %unpack3A_4207 = tpu.unpack_subelements %mul3A_4205, 1 {pack_format = #tpu.pack_format<interleaved>} : vector<32xbf16> -> vector<16xf32>
      %add3A_4208 = arith.addf %add3A_4199, %unpack3A_4206 : vector<16xf32>
      %add3A_4209 = arith.addf %add3A_4208, %unpack3A_4207 : vector<16xf32>
      %get3A_4210 = arith.constant 76 : i32
      %get3A_4211 = arith.index_cast %rem3A_245 : i32 to index
      %get3A_4212 = arith.index_cast %get3A_4210 : i32 to index
      %get3A_4213 = arith.constant 96 : index
      %get3A_4214 = tpu.vector_load %arg9[%get3A_4211, %get3A_4212, %get3A_4213] {strides = array<i32>} : memref<10x80x128xbf16, #tpu.memory_space<vmem>>, vector<32xbf16>,
      %mul3A_4215 = arith.mulf %get3A_4214, %get3A_4214 : vector<32xbf16>
      %unpack3A_4216 = tpu.unpack_subelements %mul3A_4215, 0 {pack_format = #tpu.pack_format<interleaved>} : vector<32xbf16> -> vector<16xf32>
      %unpack3A_4217 = tpu.unpack_subelements %mul3A_4215, 1 {pack_format = #tpu.pack_format<interleaved>} : vector<32xbf16> -> vector<16xf32>
      %add3A_4218 = arith.addf %add3A_4209, %unpack3A_4216 : vector<16xf32>
      %add3A_4219 = arith.addf %add3A_4218, %unpack3A_4217 : vector<16xf32>
      %broadcast_in_dim3A_4220 = arith.constant true
      %broadcast_in_dim3A_4221 = vector.broadcast %broadcast_in_dim3A_4220 : i1 to vector<16xi1>
      %masked_cumsum3A_4222 = tpu.scan <sum>, %add3A_4219 masked %broadcast_in_dim3A_4221 : vector<16xf32>, vector<16xi1> -> vector<16xf32>
      %reshape3A_4223 = vector.shape_cast %broadcast_in_dim3A_272 : vector<16xi32> to vector<16x1xi32>
      %gather3A_4224 = vector.shape_cast %reshape3A_4223 : vector<16x1xi32> to vector<16xi32>
      %gather3A_4225 = tpu.dynamic_gather %masked_cumsum3A_4222[%gather3A_4224] in [0] : vector<16xf32>, vector<16xi32> -> vector<16xf32>
      %eq3A_4226 = arith.constant 12 : i32
      %eq3A_4227 = vector.broadcast %eq3A_4226 : i32 to vector<16xi32>
      %eq3A_4228 = arith.cmpi eq, %iota3A, %eq3A_4227 : vector<16xi32>
      %select_n3A_4229 = arith.select %eq3A_4228, %gather3A_4225, %select_n3A_4180 : vector<16xi1>, vector<16xf32>
      %get3A_4230 = arith.constant 77 : i32
      %get3A_4231 = arith.index_cast %rem3A_245 : i32 to index
      %get3A_4232 = arith.index_cast %get3A_4230 : i32 to index
      %get3A_4233 = arith.constant 0 : index
      %get3A_4234 = tpu.vector_load %arg9[%get3A_4231, %get3A_4232, %get3A_4233] {strides = array<i32>} : memref<10x80x128xbf16, #tpu.memory_space<vmem>>, vector<32xbf16>,
      %mul3A_4235 = arith.mulf %get3A_4234, %get3A_4234 : vector<32xbf16>
      %unpack3A_4236 = tpu.unpack_subelements %mul3A_4235, 0 {pack_format = #tpu.pack_format<interleaved>} : vector<32xbf16> -> vector<16xf32>
      %unpack3A_4237 = tpu.unpack_subelements %mul3A_4235, 1 {pack_format = #tpu.pack_format<interleaved>} : vector<32xbf16> -> vector<16xf32>
      %add3A_4238 = arith.addf %unpack3A_4236, %unpack3A_4237 : vector<16xf32>
      %get3A_4239 = arith.constant 77 : i32
      %get3A_4240 = arith.index_cast %rem3A_245 : i32 to index
      %get3A_4241 = arith.index_cast %get3A_4239 : i32 to index
      %get3A_4242 = arith.constant 32 : index
      %get3A_4243 = tpu.vector_load %arg9[%get3A_4240, %get3A_4241, %get3A_4242] {strides = array<i32>} : memref<10x80x128xbf16, #tpu.memory_space<vmem>>, vector<32xbf16>,
      %mul3A_4244 = arith.mulf %get3A_4243, %get3A_4243 : vector<32xbf16>
      %unpack3A_4245 = tpu.unpack_subelements %mul3A_4244, 0 {pack_format = #tpu.pack_format<interleaved>} : vector<32xbf16> -> vector<16xf32>
      %unpack3A_4246 = tpu.unpack_subelements %mul3A_4244, 1 {pack_format = #tpu.pack_format<interleaved>} : vector<32xbf16> -> vector<16xf32>
      %add3A_4247 = arith.addf %add3A_4238, %unpack3A_4245 : vector<16xf32>
      %add3A_4248 = arith.addf %add3A_4247, %unpack3A_4246 : vector<16xf32>
      %get3A_4249 = arith.constant 77 : i32
      %get3A_4250 = arith.index_cast %rem3A_245 : i32 to index
      %get3A_4251 = arith.index_cast %get3A_4249 : i32 to index
      %get3A_4252 = arith.constant 64 : index
      %get3A_4253 = tpu.vector_load %arg9[%get3A_4250, %get3A_4251, %get3A_4252] {strides = array<i32>} : memref<10x80x128xbf16, #tpu.memory_space<vmem>>, vector<32xbf16>,
      %mul3A_4254 = arith.mulf %get3A_4253, %get3A_4253 : vector<32xbf16>
      %unpack3A_4255 = tpu.unpack_subelements %mul3A_4254, 0 {pack_format = #tpu.pack_format<interleaved>} : vector<32xbf16> -> vector<16xf32>
      %unpack3A_4256 = tpu.unpack_subelements %mul3A_4254, 1 {pack_format = #tpu.pack_format<interleaved>} : vector<32xbf16> -> vector<16xf32>
      %add3A_4257 = arith.addf %add3A_4248, %unpack3A_4255 : vector<16xf32>
      %add3A_4258 = arith.addf %add3A_4257, %unpack3A_4256 : vector<16xf32>
      %get3A_4259 = arith.constant 77 : i32
      %get3A_4260 = arith.index_cast %rem3A_245 : i32 to index
      %get3A_4261 = arith.index_cast %get3A_4259 : i32 to index
      %get3A_4262 = arith.constant 96 : index
      %get3A_4263 = tpu.vector_load %arg9[%get3A_4260, %get3A_4261, %get3A_4262] {strides = array<i32>} : memref<10x80x128xbf16, #tpu.memory_space<vmem>>, vector<32xbf16>,
      %mul3A_4264 = arith.mulf %get3A_4263, %get3A_4263 : vector<32xbf16>
      %unpack3A_4265 = tpu.unpack_subelements %mul3A_4264, 0 {pack_format = #tpu.pack_format<interleaved>} : vector<32xbf16> -> vector<16xf32>
      %unpack3A_4266 = tpu.unpack_subelements %mul3A_4264, 1 {pack_format = #tpu.pack_format<interleaved>} : vector<32xbf16> -> vector<16xf32>
      %add3A_4267 = arith.addf %add3A_4258, %unpack3A_4265 : vector<16xf32>
      %add3A_4268 = arith.addf %add3A_4267, %unpack3A_4266 : vector<16xf32>
      %broadcast_in_dim3A_4269 = arith.constant true
      %broadcast_in_dim3A_4270 = vector.broadcast %broadcast_in_dim3A_4269 : i1 to vector<16xi1>
      %masked_cumsum3A_4271 = tpu.scan <sum>, %add3A_4268 masked %broadcast_in_dim3A_4270 : vector<16xf32>, vector<16xi1> -> vector<16xf32>
      %reshape3A_4272 = vector.shape_cast %broadcast_in_dim3A_272 : vector<16xi32> to vector<16x1xi32>
      %gather3A_4273 = vector.shape_cast %reshape3A_4272 : vector<16x1xi32> to vector<16xi32>
      %gather3A_4274 = tpu.dynamic_gather %masked_cumsum3A_4271[%gather3A_4273] in [0] : vector<16xf32>, vector<16xi32> -> vector<16xf32>
      %eq3A_4275 = arith.constant 13 : i32
      %eq3A_4276 = vector.broadcast %eq3A_4275 : i32 to vector<16xi32>
      %eq3A_4277 = arith.cmpi eq, %iota3A, %eq3A_4276 : vector<16xi32>
      %select_n3A_4278 = arith.select %eq3A_4277, %gather3A_4274, %select_n3A_4229 : vector<16xi1>, vector<16xf32>
      %get3A_4279 = arith.constant 78 : i32
      %get3A_4280 = arith.index_cast %rem3A_245 : i32 to index
      %get3A_4281 = arith.index_cast %get3A_4279 : i32 to index
      %get3A_4282 = arith.constant 0 : index
      %get3A_4283 = tpu.vector_load %arg9[%get3A_4280, %get3A_4281, %get3A_4282] {strides = array<i32>} : memref<10x80x128xbf16, #tpu.memory_space<vmem>>, vector<32xbf16>,
      %mul3A_4284 = arith.mulf %get3A_4283, %get3A_4283 : vector<32xbf16>
      %unpack3A_4285 = tpu.unpack_subelements %mul3A_4284, 0 {pack_format = #tpu.pack_format<interleaved>} : vector<32xbf16> -> vector<16xf32>
      %unpack3A_4286 = tpu.unpack_subelements %mul3A_4284, 1 {pack_format = #tpu.pack_format<interleaved>} : vector<32xbf16> -> vector<16xf32>
      %add3A_4287 = arith.addf %unpack3A_4285, %unpack3A_4286 : vector<16xf32>
      %get3A_4288 = arith.constant 78 : i32
      %get3A_4289 = arith.index_cast %rem3A_245 : i32 to index
      %get3A_4290 = arith.index_cast %get3A_4288 : i32 to index
      %get3A_4291 = arith.constant 32 : index
      %get3A_4292 = tpu.vector_load %arg9[%get3A_4289, %get3A_4290, %get3A_4291] {strides = array<i32>} : memref<10x80x128xbf16, #tpu.memory_space<vmem>>, vector<32xbf16>,
      %mul3A_4293 = arith.mulf %get3A_4292, %get3A_4292 : vector<32xbf16>
      %unpack3A_4294 = tpu.unpack_subelements %mul3A_4293, 0 {pack_format = #tpu.pack_format<interleaved>} : vector<32xbf16> -> vector<16xf32>
      %unpack3A_4295 = tpu.unpack_subelements %mul3A_4293, 1 {pack_format = #tpu.pack_format<interleaved>} : vector<32xbf16> -> vector<16xf32>
      %add3A_4296 = arith.addf %add3A_4287, %unpack3A_4294 : vector<16xf32>
      %add3A_4297 = arith.addf %add3A_4296, %unpack3A_4295 : vector<16xf32>
      %get3A_4298 = arith.constant 78 : i32
      %get3A_4299 = arith.index_cast %rem3A_245 : i32 to index
      %get3A_4300 = arith.index_cast %get3A_4298 : i32 to index
      %get3A_4301 = arith.constant 64 : index
      %get3A_4302 = tpu.vector_load %arg9[%get3A_4299, %get3A_4300, %get3A_4301] {strides = array<i32>} : memref<10x80x128xbf16, #tpu.memory_space<vmem>>, vector<32xbf16>,
      %mul3A_4303 = arith.mulf %get3A_4302, %get3A_4302 : vector<32xbf16>
      %unpack3A_4304 = tpu.unpack_subelements %mul3A_4303, 0 {pack_format = #tpu.pack_format<interleaved>} : vector<32xbf16> -> vector<16xf32>
      %unpack3A_4305 = tpu.unpack_subelements %mul3A_4303, 1 {pack_format = #tpu.pack_format<interleaved>} : vector<32xbf16> -> vector<16xf32>
      %add3A_4306 = arith.addf %add3A_4297, %unpack3A_4304 : vector<16xf32>
      %add3A_4307 = arith.addf %add3A_4306, %unpack3A_4305 : vector<16xf32>
      %get3A_4308 = arith.constant 78 : i32
      %get3A_4309 = arith.index_cast %rem3A_245 : i32 to index
      %get3A_4310 = arith.index_cast %get3A_4308 : i32 to index
      %get3A_4311 = arith.constant 96 : index
      %get3A_4312 = tpu.vector_load %arg9[%get3A_4309, %get3A_4310, %get3A_4311] {strides = array<i32>} : memref<10x80x128xbf16, #tpu.memory_space<vmem>>, vector<32xbf16>,
      %mul3A_4313 = arith.mulf %get3A_4312, %get3A_4312 : vector<32xbf16>
      %unpack3A_4314 = tpu.unpack_subelements %mul3A_4313, 0 {pack_format = #tpu.pack_format<interleaved>} : vector<32xbf16> -> vector<16xf32>
      %unpack3A_4315 = tpu.unpack_subelements %mul3A_4313, 1 {pack_format = #tpu.pack_format<interleaved>} : vector<32xbf16> -> vector<16xf32>
      %add3A_4316 = arith.addf %add3A_4307, %unpack3A_4314 : vector<16xf32>
      %add3A_4317 = arith.addf %add3A_4316, %unpack3A_4315 : vector<16xf32>
      %broadcast_in_dim3A_4318 = arith.constant true
      %broadcast_in_dim3A_4319 = vector.broadcast %broadcast_in_dim3A_4318 : i1 to vector<16xi1>
      %masked_cumsum3A_4320 = tpu.scan <sum>, %add3A_4317 masked %broadcast_in_dim3A_4319 : vector<16xf32>, vector<16xi1> -> vector<16xf32>
      %reshape3A_4321 = vector.shape_cast %broadcast_in_dim3A_272 : vector<16xi32> to vector<16x1xi32>
      %gather3A_4322 = vector.shape_cast %reshape3A_4321 : vector<16x1xi32> to vector<16xi32>
      %gather3A_4323 = tpu.dynamic_gather %masked_cumsum3A_4320[%gather3A_4322] in [0] : vector<16xf32>, vector<16xi32> -> vector<16xf32>
      %eq3A_4324 = arith.constant 14 : i32
      %eq3A_4325 = vector.broadcast %eq3A_4324 : i32 to vector<16xi32>
      %eq3A_4326 = arith.cmpi eq, %iota3A, %eq3A_4325 : vector<16xi32>
      %select_n3A_4327 = arith.select %eq3A_4326, %gather3A_4323, %select_n3A_4278 : vector<16xi1>, vector<16xf32>
      %get3A_4328 = arith.constant 79 : i32
      %get3A_4329 = arith.index_cast %rem3A_245 : i32 to index
      %get3A_4330 = arith.index_cast %get3A_4328 : i32 to index
      %get3A_4331 = arith.constant 0 : index
      %get3A_4332 = tpu.vector_load %arg9[%get3A_4329, %get3A_4330, %get3A_4331] {strides = array<i32>} : memref<10x80x128xbf16, #tpu.memory_space<vmem>>, vector<32xbf16>,
      %mul3A_4333 = arith.mulf %get3A_4332, %get3A_4332 : vector<32xbf16>
      %unpack3A_4334 = tpu.unpack_subelements %mul3A_4333, 0 {pack_format = #tpu.pack_format<interleaved>} : vector<32xbf16> -> vector<16xf32>
      %unpack3A_4335 = tpu.unpack_subelements %mul3A_4333, 1 {pack_format = #tpu.pack_format<interleaved>} : vector<32xbf16> -> vector<16xf32>
      %add3A_4336 = arith.addf %unpack3A_4334, %unpack3A_4335 : vector<16xf32>
      %get3A_4337 = arith.constant 79 : i32
      %get3A_4338 = arith.index_cast %rem3A_245 : i32 to index
      %get3A_4339 = arith.index_cast %get3A_4337 : i32 to index
      %get3A_4340 = arith.constant 32 : index
      %get3A_4341 = tpu.vector_load %arg9[%get3A_4338, %get3A_4339, %get3A_4340] {strides = array<i32>} : memref<10x80x128xbf16, #tpu.memory_space<vmem>>, vector<32xbf16>,
      %mul3A_4342 = arith.mulf %get3A_4341, %get3A_4341 : vector<32xbf16>
      %unpack3A_4343 = tpu.unpack_subelements %mul3A_4342, 0 {pack_format = #tpu.pack_format<interleaved>} : vector<32xbf16> -> vector<16xf32>
      %unpack3A_4344 = tpu.unpack_subelements %mul3A_4342, 1 {pack_format = #tpu.pack_format<interleaved>} : vector<32xbf16> -> vector<16xf32>
      %add3A_4345 = arith.addf %add3A_4336, %unpack3A_4343 : vector<16xf32>
      %add3A_4346 = arith.addf %add3A_4345, %unpack3A_4344 : vector<16xf32>
      %get3A_4347 = arith.constant 79 : i32
      %get3A_4348 = arith.index_cast %rem3A_245 : i32 to index
      %get3A_4349 = arith.index_cast %get3A_4347 : i32 to index
      %get3A_4350 = arith.constant 64 : index
      %get3A_4351 = tpu.vector_load %arg9[%get3A_4348, %get3A_4349, %get3A_4350] {strides = array<i32>} : memref<10x80x128xbf16, #tpu.memory_space<vmem>>, vector<32xbf16>,
      %mul3A_4352 = arith.mulf %get3A_4351, %get3A_4351 : vector<32xbf16>
      %unpack3A_4353 = tpu.unpack_subelements %mul3A_4352, 0 {pack_format = #tpu.pack_format<interleaved>} : vector<32xbf16> -> vector<16xf32>
      %unpack3A_4354 = tpu.unpack_subelements %mul3A_4352, 1 {pack_format = #tpu.pack_format<interleaved>} : vector<32xbf16> -> vector<16xf32>
      %add3A_4355 = arith.addf %add3A_4346, %unpack3A_4353 : vector<16xf32>
      %add3A_4356 = arith.addf %add3A_4355, %unpack3A_4354 : vector<16xf32>
      %get3A_4357 = arith.constant 79 : i32
      %get3A_4358 = arith.index_cast %rem3A_245 : i32 to index
      %get3A_4359 = arith.index_cast %get3A_4357 : i32 to index
      %get3A_4360 = arith.constant 96 : index
      %get3A_4361 = tpu.vector_load %arg9[%get3A_4358, %get3A_4359, %get3A_4360] {strides = array<i32>} : memref<10x80x128xbf16, #tpu.memory_space<vmem>>, vector<32xbf16>,
      %mul3A_4362 = arith.mulf %get3A_4361, %get3A_4361 : vector<32xbf16>
      %unpack3A_4363 = tpu.unpack_subelements %mul3A_4362, 0 {pack_format = #tpu.pack_format<interleaved>} : vector<32xbf16> -> vector<16xf32>
      %unpack3A_4364 = tpu.unpack_subelements %mul3A_4362, 1 {pack_format = #tpu.pack_format<interleaved>} : vector<32xbf16> -> vector<16xf32>
      %add3A_4365 = arith.addf %add3A_4356, %unpack3A_4363 : vector<16xf32>
      %add3A_4366 = arith.addf %add3A_4365, %unpack3A_4364 : vector<16xf32>
      %broadcast_in_dim3A_4367 = arith.constant true
      %broadcast_in_dim3A_4368 = vector.broadcast %broadcast_in_dim3A_4367 : i1 to vector<16xi1>
      %masked_cumsum3A_4369 = tpu.scan <sum>, %add3A_4366 masked %broadcast_in_dim3A_4368 : vector<16xf32>, vector<16xi1> -> vector<16xf32>
      %reshape3A_4370 = vector.shape_cast %broadcast_in_dim3A_272 : vector<16xi32> to vector<16x1xi32>
      %gather3A_4371 = vector.shape_cast %reshape3A_4370 : vector<16x1xi32> to vector<16xi32>
      %gather3A_4372 = tpu.dynamic_gather %masked_cumsum3A_4369[%gather3A_4371] in [0] : vector<16xf32>, vector<16xi32> -> vector<16xf32>
      %eq3A_4373 = arith.constant 15 : i32
      %eq3A_4374 = vector.broadcast %eq3A_4373 : i32 to vector<16xi32>
      %eq3A_4375 = arith.cmpi eq, %iota3A, %eq3A_4374 : vector<16xi32>
      %select_n3A_4376 = arith.select %eq3A_4375, %gather3A_4372, %select_n3A_4327 : vector<16xi1>, vector<16xf32>
      %max3A_4377 = arith.constant 1.000000e-30 : f32
      %max3A_4378 = vector.broadcast %max3A_4377 : f32 to vector<16xf32>
      %max3A_4379 = arith.maximumf %select_n3A_4376, %max3A_4378 : vector<16xf32>
      %bitcast_convert_type3A_4380 = tpu.bitcast %max3A_4379 : vector<16xf32> -> vector<16xi32>
      %shift_right_arithmetic3A_4381 = arith.constant 1 : i32
      %shift_right_arithmetic3A_4382 = vector.broadcast %shift_right_arithmetic3A_4381 : i32 to vector<16xi32>
      %shift_right_arithmetic3A_4383 = arith.shrsi %bitcast_convert_type3A_4380, %shift_right_arithmetic3A_4382 : vector<16xi32>
      %sub3A_4384 = arith.constant 1597463007 : i32
      %sub3A_4385 = vector.broadcast %sub3A_4384 : i32 to vector<16xi32>
      %sub3A_4386 = arith.subi %sub3A_4385, %shift_right_arithmetic3A_4383 : vector<16xi32>
      %bitcast_convert_type3A_4387 = tpu.bitcast %sub3A_4386 : vector<16xi32> -> vector<16xf32>
      %mul3A_4388 = arith.constant 5.000000e-01 : f32
      %mul3A_4389 = vector.broadcast %mul3A_4388 : f32 to vector<16xf32>
      %mul3A_4390 = arith.mulf %mul3A_4389, %max3A_4379 : vector<16xf32>
      %mul3A_4391 = arith.mulf %mul3A_4390, %bitcast_convert_type3A_4387 : vector<16xf32>
      %mul3A_4392 = arith.mulf %mul3A_4391, %bitcast_convert_type3A_4387 : vector<16xf32>
      %sub3A_4393 = arith.constant 1.500000e+00 : f32
      %sub3A_4394 = vector.broadcast %sub3A_4393 : f32 to vector<16xf32>
      %sub3A_4395 = arith.subf %sub3A_4394, %mul3A_4392 : vector<16xf32>
      %mul3A_4396 = arith.mulf %bitcast_convert_type3A_4387, %sub3A_4395 : vector<16xf32>
      %mul3A_4397 = arith.constant 5.000000e-01 : f32
      %mul3A_4398 = vector.broadcast %mul3A_4397 : f32 to vector<16xf32>
      %mul3A_4399 = arith.mulf %mul3A_4398, %max3A_4379 : vector<16xf32>
      %mul3A_4400 = arith.mulf %mul3A_4399, %mul3A_4396 : vector<16xf32>
      %mul3A_4401 = arith.mulf %mul3A_4400, %mul3A_4396 : vector<16xf32>
      %sub3A_4402 = arith.constant 1.500000e+00 : f32
      %sub3A_4403 = vector.broadcast %sub3A_4402 : f32 to vector<16xf32>
      %sub3A_4404 = arith.subf %sub3A_4403, %mul3A_4401 : vector<16xf32>
      %mul3A_4405 = arith.mulf %mul3A_4396, %sub3A_4404 : vector<16xf32>
      %mul3A_4406 = arith.constant 5.000000e-01 : f32
      %mul3A_4407 = vector.broadcast %mul3A_4406 : f32 to vector<16xf32>
      %mul3A_4408 = arith.mulf %mul3A_4407, %max3A_4379 : vector<16xf32>
      %mul3A_4409 = arith.mulf %mul3A_4408, %mul3A_4405 : vector<16xf32>
      %mul3A_4410 = arith.mulf %mul3A_4409, %mul3A_4405 : vector<16xf32>
      %sub3A_4411 = arith.constant 1.500000e+00 : f32
      %sub3A_4412 = vector.broadcast %sub3A_4411 : f32 to vector<16xf32>
      %sub3A_4413 = arith.subf %sub3A_4412, %mul3A_4410 : vector<16xf32>
      %mul3A_4414 = arith.mulf %mul3A_4405, %sub3A_4413 : vector<16xf32>
      %mul3A_4415 = arith.mulf %max3A_4379, %mul3A_4414 : vector<16xf32>
      %neg3A_4416 = arith.constant 0.000000e+00 : f32
      %neg3A_4417 = vector.broadcast %neg3A_4416 : f32 to vector<16xf32>
      %neg3A_4418 = arith.subf %neg3A_4417, %mul3A_4415 : vector<16xf32>
      %exp3A_4419 = math.exp %neg3A_4418 : vector<16xf32>
      %add3A_4420 = arith.constant 64 : i32
      %add3A_4421 = arith.addi %mul3A_271, %add3A_4420 : i32
      %swap3A_4422 = arith.index_cast %add3A_4421 : i32 to index
      %swap3A_4423 = tpu.vector_load %arg10[%swap3A_4422] {strides = array<i32>} : memref<10000xf32, #tpu.memory_space<vmem>>, vector<16xf32>,
      tpu.vector_store %arg10[%swap3A_4422], %exp3A_4419 {strides = array<i32>} : memref<10000xf32, #tpu.memory_space<vmem>>, vector<16xf32>,
    }
    %scan3A_242 = arith.constant 125 : i32
    "tpu.region"() ({
      %run_scoped3A = tpu.sem_alloc : memref<!tpu.dma_semaphore, #tpu.memory_space<semaphore_mem>>
      %dma_start3A_243 = tpu.memref_slice %arg6[%mul3A_2] : memref<320000xf32, #tpu.memory_space<hbm>> -> memref<10000xf32, #tpu.memory_space<hbm>>
      %dma_start3A_244 = tpu.memref_slice %arg6[%mul3A_2] : memref<320000xf32, #tpu.memory_space<hbm>> -> memref<10000xf32, #tpu.memory_space<hbm>>
      tpu.enqueue_dma source(%arg10 : memref<10000xf32, #tpu.memory_space<vmem>>) target(%dma_start3A_244 : memref<10000xf32, #tpu.memory_space<hbm>>) target_semaphore(%run_scoped3A : memref<!tpu.dma_semaphore, #tpu.memory_space<semaphore_mem>>)
      %dma_wait3A_245 = tpu.memref_slice %arg6[%mul3A_2] : memref<320000xf32, #tpu.memory_space<hbm>> -> memref<10000xf32, #tpu.memory_space<hbm>>
      %dma_wait3A_246 = tpu.memref_slice %arg6[%mul3A_2] : memref<320000xf32, #tpu.memory_space<hbm>> -> memref<10000xf32, #tpu.memory_space<hbm>>
      tpu.wait_dma2 semaphore(%run_scoped3A : memref<!tpu.dma_semaphore, #tpu.memory_space<semaphore_mem>>) src(%arg10 : memref<10000xf32, #tpu.memory_space<vmem>>) dst(%dma_wait3A_246 : memref<10000xf32, #tpu.memory_space<hbm>>)
      tpu.yield
    }) : () -> ()
    return
  }
}

module attributes {stable_mosaic.version = 14 : i64} {
  func.func @_tc_table_body(%arg0: memref<10000x128xf32, #tpu.memory_space<vmem>>, %arg1: memref<128x128xf32, #tpu.memory_space<vmem>>, %arg2: memref<1x128xf32, #tpu.memory_space<vmem>>, %arg3: memref<10000x128xbf16, #tpu.memory_space<vmem>>, %arg4: memref<10000x128xbf16, #tpu.memory_space<vmem>>) attributes {dimension_semantics = [], scalar_prefetch = 0 : i64, scratch_operands = 0 : i64, tpu.core_type = #tpu.core_type<tc>} {
    %get3A = arith.constant 0 : index
    %get3A_0 = arith.constant 0 : index
    %get3A_1 = vector.load %arg0[%get3A, %get3A_0] : memref<10000x128xf32, #tpu.memory_space<vmem>>, vector<10000x128xf32>
    %get3A_2 = arith.constant 0 : index
    %get3A_3 = arith.constant 0 : index
    %get3A_4 = vector.load %arg1[%get3A_2, %get3A_3] : memref<128x128xf32, #tpu.memory_space<vmem>>, vector<128x128xf32>
    %dot_general3A = arith.constant dense<0.000000e+00> : vector<10000x128xf32>
    %dot_general3A_5 = tpu.matmul %get3A_1, %get3A_4, %dot_general3A {dimension_numbers = #tpu.dot_dimension_numbers<[1], [1], [0], [0], [0, 0, 1, 0], [], []>, transpose_lhs_hint = false} : vector<10000x128xf32>, vector<128x128xf32>, vector<10000x128xf32> -> vector<10000x128xf32>
    %get3A_6 = arith.constant 0 : index
    %get3A_7 = arith.constant 0 : index
    %get3A_8 = vector.load %arg0[%get3A_6, %get3A_7] : memref<10000x128xf32, #tpu.memory_space<vmem>>, vector<10000x128xf32>
    %convert_element_type3A = arith.truncf %get3A_8 : vector<10000x128xf32> to vector<10000x128xbf16>
    %swap3A = arith.constant 0 : index
    %swap3A_9 = arith.constant 0 : index
    %swap3A_10 = vector.load %arg3[%swap3A, %swap3A_9] : memref<10000x128xbf16, #tpu.memory_space<vmem>>, vector<10000x128xbf16>
    tpu.vector_store %arg3[%swap3A, %swap3A_9], %convert_element_type3A {strides = array<i32>} : memref<10000x128xbf16, #tpu.memory_space<vmem>>, vector<10000x128xbf16>,
    %get3A_11 = arith.constant 0 : index
    %get3A_12 = arith.constant 0 : index
    %get3A_13 = vector.load %arg2[%get3A_11, %get3A_12] : memref<1x128xf32, #tpu.memory_space<vmem>>, vector<1x128xf32>
    %sub3A = arith.constant 9.99999997E-7 : f32
    %sub3A_14 = vector.broadcast %sub3A : f32 to vector<1x128xf32>
    %sub3A_15 = arith.subf %sub3A_14, %get3A_13 : vector<1x128xf32>
    %sub3A_16 = vector.broadcast %sub3A_15 : vector<1x128xf32> to vector<10000x128xf32>
    %sub3A_17 = arith.subf %sub3A_16, %dot_general3A_5 : vector<10000x128xf32>
    %convert_element_type3A_18 = arith.truncf %sub3A_17 : vector<10000x128xf32> to vector<10000x128xbf16>
    %swap3A_19 = arith.constant 0 : index
    %swap3A_20 = arith.constant 0 : index
    %swap3A_21 = vector.load %arg4[%swap3A_19, %swap3A_20] : memref<10000x128xbf16, #tpu.memory_space<vmem>>, vector<10000x128xbf16>
    tpu.vector_store %arg4[%swap3A_19, %swap3A_20], %convert_element_type3A_18 {strides = array<i32>} : memref<10000x128xbf16, #tpu.memory_space<vmem>>, vector<10000x128xbf16>,
    return
  }
}

</mosaic_0001>

<sc_bundles>
// kernel: kernel.4.cloned.1.call-start
scs
__scs_entry_jumppad:
0x0: {  	(pc) =	sbr.rel $0x88, $3  }
0x1: {  	(tag) =	ssettag $0x0;
	lr =	simm.s32 $0x1  }
0x2: {  	[smem:$0x3F9D] =	sst lr;
	_ =	strace $0xD0000000  }
0x3: {  	_ = 	snop  }
0x4: {  	_ = 	snop  }
0x5: {  	_ = 	snop  }
0x6: {  	_ = 	snop  }
0x7: {  	_ = 	snop  }
__scs_overlays_trampoline_lowered:
0x8: {  	[smem:$0x3FAC] =	sst s0  }
0x9: {  	[smem:$0x3FAD] =	sst s1  }
0xa: {  	[smem:$0x3FAE] =	sst s2  }
0xb: {  	[smem:$0x3FAF] =	sst s3  }
0xc: {  	[smem:$0x3FB0] =	sst s4  }
0xd: {  	[smem:$0x3FB1] =	sst s5  }
0xe: {  	[smem:$0x3FB2] =	sst s6  }
0xf: {  	[smem:$0x3FB3] =	sst s7  }
0x10: {  	[smem:$0x3FB4] =	sst s8  }
0x11: {  	[smem:$0x3FB5] =	sst s9;
	s0 =	simm.s32 @!p0 $0x0  }
0x12: {  	s1 =	sld [smem:$0x3F9B];
	s0 =	simm.s32 @p0 $0x1  }
0x13: {  	[smem:$0x3FB6] =	sst s0;
	s0 =	simm.s32 @!p1 $0x0  }
0x14: {  	s2 =	sld [smem:$0x3F9A];
	s0 =	simm.s32 @p1 $0x1  }
0x15: {  	[smem:$0x3FB7] =	sst s0;
	s0 =	simm.s32 @!p2 $0x0  }
0x16: {  	s3 =	sld [smem:$0x3FDB];
	s0 =	simm.s32 @p2 $0x1  }
0x17: {  	s4 =	simm.s32 $0x1BF5;
	[smem:$0x3FB9] =	sst s0  }
0x18: {  	s0 =	sld [smem:$0x3F9C];
	_ =	swait.ge [sflag:s4], $0x0  }
0x19: {  	s7 =	sld [smem:$0x3F9D]  }
0x1a: {  	s8 =	sadd.s32 $0xFFFFE003, lr  }
0x1b: {  	s9 =	sadd.s32 $0xFFFFFEF7, lr;
	s5 =	simm.s32 $0xFFFFFFFF;
	p2 =	slt.u32 s8, $0xFFFFF086  }
0x1c: {  	p1 =	slt.u32 s9, $0xF7A;
	s5 =	simm.s32 @!p2 $0x0  }
0x1d: {  	s5 =	simm.s32 @p1 $0x1;
	p0 =	seq.s32 s7, s2  }
0x1e: {  	s7 =	smul.u32 @!p0 $0xF7A, s2;
	p2 =	seq.s32 @!p0 s5, $0x0  }
0x1f: {  	s9 =	smul.u32 $0xF7A, s1;
	s8 =	simm.s32 @!p0 $0x1BF5;
	p2 =	por !p2, p0  }
0x20: {  	[sflag:s8] =	ssyncset.s32 @!p0 $0xFFFFF086;
	s6 =	sadd.s32 @!p0 s3, s7;
	s7 =	simm.s32 @!p0 $0x108  }
0x21: {  	s3 =	sadd.s32 s3, s9;
	s6 =	sadd.s32 @!p0 $0x88, s6;
	s7 =	simm.s32 @p2 $0x1082  }
0x22: {  	[simem:s7], [sflag:s8] =	dma.local @!p0 [hbm:s6], $0xF7A  }
0x23: {  	s9 =	sor.u32 $0xD0000000, s2;
	s6 =	simm.s32 $0x108;
	_ =	swait.ge @!p0 [sflag:s8], $0x0  }
0x24: {  	s3 =	sadd.s32 $0x88, s3;
	s6 =	simm.s32 @!p1 $0x1082;
	[sflag:s4] =	ssyncset.s32 $0xFFFFF086  }
0x25: {  	[simem:s6], [sflag:s4] =	dma.local [hbm:s3], $0xF7A  }
0x26: {  	[smem:$0x3F9D] =	sst s1;
	(tag) =	ssettag s2;
	_ =	strace s9  }
0x27: {  	s1 =	sld [smem:$0x3FAD]  }
0x28: {  	s2 =	sld [smem:$0x3FAE]  }
0x29: {  	s4 =	sld [smem:$0x3FB0]  }
0x2a: {  	p0 =	seq.s32 s5, $0x0;
	s5 =	sld [smem:$0x3FB1]  }
0x2b: {  	s6 =	sld [smem:$0x3FB2]  }
0x2c: {  	s7 =	sld [smem:$0x3FB3]  }
0x2d: {  	s3 =	simm.s32 $0x108;
	s8 =	sld [smem:$0x3FB4]  }
0x2e: {  	s3 =	simm.s32 @!p0 $0x1082;
	s9 =	sld [smem:$0x3FB5]  }
0x2f: {  	lr =	sadd.s32 s0, s3;
	s0 =	sld [smem:$0x3FAC]  }
0x30: {  	s3 =	sld [smem:$0x3FAF]  }
0x31: {  	[smem:$0x3FB8] =	sst s10  }
0x32: {  	s10 =	sld [smem:$0x3FB6];
	_ =	sdelay $0x3  }
0x33: {  	p0 =	seq.s32 s10, $0x1;
	s10 =	sld [smem:$0x3FB8];
	_ =	sdelay $0x3  }
0x34: {  	[smem:$0x3FB8] =	sst s10  }
0x35: {  	s10 =	sld [smem:$0x3FB7];
	_ =	sdelay $0x3  }
0x36: {  	p1 =	seq.s32 s10, $0x1;
	s10 =	sld [smem:$0x3FB8];
	_ =	sdelay $0x3  }
0x37: {  	[smem:$0x3FB8] =	sst s10  }
0x38: {  	s10 =	sld [smem:$0x3FB9]  }
0x39: {  	_ = 	snop;
	(pc) =	sbr.ind lr, $3  }
0x3a: {  	_ = 	snop  }
0x3b: {  	_ = 	snop  }
0x3c: {  	p2 =	seq.s32 s10, $0x1;
	s10 =	sld [smem:$0x3FB8]  }
0x3d: {  	_ =	shalt  }
0x3e: {  	_ =	shalt  }
0x3f: {  	_ =	shalt  }
0x40: {  	_ =	shalt  }
0x41: {  	_ =	shalt  }
0x42: {  	_ =	shalt  }
0x43: {  	_ =	shalt  }
0x44: {  	_ =	shalt  }
0x45: {  	_ =	shalt  }
0x46: {  	_ =	shalt  }
0x47: {  	_ =	shalt  }
0x48: {  	_ =	shalt  }
0x49: {  	_ =	shalt  }
0x4a: {  	_ =	shalt  }
0x4b: {  	_ =	shalt  }
0x4c: {  	_ =	shalt  }
0x4d: {  	_ =	shalt  }
0x4e: {  	_ =	shalt  }
0x4f: {  	_ =	shalt  }
0x50: {  	_ =	shalt  }
0x51: {  	_ =	shalt  }
0x52: {  	_ =	shalt  }
0x53: {  	_ =	shalt  }
0x54: {  	_ =	shalt  }
0x55: {  	_ =	shalt  }
0x56: {  	_ =	shalt  }
0x57: {  	_ =	shalt  }
0x58: {  	_ =	shalt  }
0x59: {  	_ =	shalt  }
0x5a: {  	_ =	shalt  }
0x5b: {  	_ =	shalt  }
0x5c: {  	_ =	shalt  }
0x5d: {  	_ =	shalt  }
0x5e: {  	_ =	shalt  }
0x5f: {  	_ =	shalt  }
0x60: {  	_ =	shalt  }
0x61: {  	_ =	shalt  }
0x62: {  	_ =	shalt  }
0x63: {  	_ =	shalt  }
0x64: {  	_ =	shalt  }
0x65: {  	_ =	shalt  }
0x66: {  	_ =	shalt  }
0x67: {  	_ =	shalt  }
0x68: {  	_ =	shalt  }
0x69: {  	_ =	shalt  }
0x6a: {  	_ =	shalt  }
0x6b: {  	_ =	shalt  }
0x6c: {  	_ =	shalt  }
0x6d: {  	_ =	shalt  }
0x6e: {  	_ =	shalt  }
0x6f: {  	_ =	shalt  }
0x70: {  	_ =	shalt  }
0x71: {  	_ =	shalt  }
0x72: {  	_ =	shalt  }
0x73: {  	_ =	shalt  }
0x74: {  	_ =	shalt  }
0x75: {  	_ =	shalt  }
0x76: {  	_ =	shalt  }
0x77: {  	_ =	shalt  }
0x78: {  	_ =	shalt  }
0x79: {  	_ =	shalt  }
0x7a: {  	_ =	shalt  }
0x7b: {  	_ =	shalt  }
0x7c: {  	_ =	shalt  }
0x7d: {  	_ =	shalt  }
0x7e: {  	_ =	shalt  }
0x7f: {  	_ =	shalt  }
0x80: {  	_ =	shalt  }
0x81: {  	_ =	shalt  }
0x82: {  	_ =	shalt  }
0x83: {  	_ =	shalt  }
0x84: {  	_ =	shalt  }
0x85: {  	_ =	shalt  }
0x86: {  	_ =	shalt  }
0x87: {  	_ =	shalt  }
.Lfunc_end0:
.L_simem_size_0:
called_computation_lowered:
.L_overlay_start_0:
0x88: {  	s2 =	sld [smem:$0x3FD9]  }
0x89: {  	s3 =	sld [smem:$0x3FFE];
	_ =	sdelay $0x1  }
0x8a: {  	s1 =	srdreg.scid  }
0x8b: {  	s0 =	sand.u32 $0x1, s1  }
0x8c: {  	s17 =	sshll.u32 s0, $0xA;
	s2 =	sadd.s32 s3, s2  }
0x8d: {  	s2 =	sadd.s32 s2, s17  }
0x8e: {  	[smem:$0x3FC4] =	sst s2  }
0x8f: {  	_ = 	snop  }
0x90: {  	s2 =	sld [smem:$0x3FD0];
	(tm) =	ssettm $0x1  }
0x91: {  	s18 =	sld [smem:$0x3FFB];
	_ =	sdelay $0x3  }
0x92: {  	_ =	strace s18  }
0x93: {  	s3 =	sld [smem:$0x3FFC];
	_ =	sdelay $0x3  }
0x94: {  	_ =	strace s3  }
0x95: {  	s3 =	sld [smem:$0x3FFD];
	_ =	sdelay $0x3  }
0x96: {  	_ =	strace s3  }
0x97: {  	_ =	strace $0x8FFFFFFF  }
0x98: {  	s19 =	sld [smem:$0x3FDB];
	_ =	sdelay $0x1  }
0x99: {  	s4 =	simm.s32 $_scs_section_size  }
0x9a: {  	s5 =	simm.s32 $_size__tile_overlayer_lowered;
	s6 =	simm.s32 $_tile_overlayer_lowered  }
0x9b: {  	s22 =	simm.s32 $0x1BFF;
	s21 =	sshll.u32 s6, $0x1;
	s3 =	sadd.s32 s4, s19  }
0x9c: {  	s7 =	simm.s32 $0x0;
	s20 =	sshll.u32 s5, $0x1;
	s5 =	sadd.s32 s21, s3  }
0x9d: {  	[timem:s7], [sflag:s22] =	dma.local [hbm:s5], s20  }
0x9e: {  	_ =	swait.ge [sflag:s22], s20  }
0x9f: {  	s4 =	ssub.s32 $0x0, s20;
	[sflag:s22] =	ssyncset.done $0x0  }
0xa0: {  	[sflag:s22] =	ssyncadd.s32 s4;
	_ =	sdelay $0x1  }
0xa1: {  	s23 =	simm.s32 $0x1B8B  }
0xa2: {  	_ =	swait.ge [sflag:s23], $0x1  }
0xa3: {  	[sflag:s23] =	ssyncset.done $0x0  }
0xa4: {  	s25 =	simm.s32 $0x1B8E;
	s24 =	sld [smem:$0x3FFE];
	[sflag:s23] =	ssyncadd.s32 $0xFFFFFFFF  }
0xa5: {  	s26 =	simm.s32 $execute0_lowered;
	[smem:$0x3FD2] =	sst s25  }
0xa6: {  	s5 =	sshll.u32 s26, $0x1;
	_ =	strace $0x80000046;
	[dreg:$0x1] =	wrdreg $0xFFFFFFFF  }
0xa7: {  	s28 =	simm.s32 $_size_execute0_lowered;
	s3 =	sadd.s32 s3, s5;
	[dreg:$0x0] =	wrdreg $0x0  }
0xa8: {  	s5 =	sshll.u32 s28, $0x1;
	[dreg:$0x2] =	wrdreg s3  }
0xa9: {  	[dreg:$0x3] =	wrdreg s5  }
0xaa: {  	[dreg:$0x4] =	wrdreg $0xC0  }
0xab: {  	_ =	task [dreg:s7], $0x5FFFF  }
0xac: {  	[dreg:$0x1] =	wrdreg $0xFFFFFFFF  }
0xad: {  	[dreg:$0x0] =	wrdreg $0x60  }
0xae: {  	[dreg:$0x2] =	wrdreg s24  }
0xaf: {  	[dreg:$0x3] =	wrdreg s2  }
0xb0: {  	[dreg:$0x4] =	wrdreg $0x9  }
0xb1: {  	_ =	task.clear_ibuf [dreg:s7], $0x5FFFF;
	_ =	strace $0x90000046  }
0xb2: {  	s29 =	simm.s32 $0x9;
	_ =	strace $0x80000048  }
0xb3: {  	_ =	swait.ge [sflag:s29], $0x1  }
0xb4: {  	[sflag:s29] =	ssyncadd.s32 $0xFFFFFFFF  }
0xb5: {  	_ =	strace $0x90000048  }
0xb6: {  	_ =	sfence  }
0xb7: {  	s30 =	sld [smem:$0x0];
	_ =	sdelay $0x2  }
0xb8: {  	s31 =	sshll.u32 s1, $0xD;
	s1 =	sshrl.u32 s1, $0x2  }
0xb9: {  	s3 =	sand.u32 $0x4000, s31;
	s1 =	sadd.s32 s1, s30  }
0xba: {  	s0 =	sor.u32 s3, s0;
	s1 =	sshll.u32 s1, $0x11  }
0xbb: {  	s0 =	sor.u32 s1, s0  }
0xbc: {  	s0 =	sadd.s32 $0x8F2B, s0  }
0xbd: {  	[sflag:s0] =	ssyncadd.remote.s32 $0x1  }
0xbe: {  	_ =	sfence.sel $0xFFFF  }
0xbf: {  	[dreg:$0x0] =	wrdreg $0xFFFFFFFF;
	(pc) =	sbr.abs _section_cstart, $3  }
0xc0: {  	[dreg:$0x1] =	wrdreg $0xFFFFFFFF  }
0xc1: {  	_ =	task.clear_ibuf [dreg:s7], $0x2FFFF;
	_ =	strace $0x9FFFFFFF  }
0xc2: {  	(tm) =	ssettm $0x7FFFFFFF  }
0xc3: {  	_ =	shalt  }
tec
execute0_lowered:
.L_overlay_start_1:
0x0: {  	(tag) =	ssettag $0x1  }
0x1: {  	s0 =	srdreg.scid  }
0x2: {  	s2 =	stileid.u32;
	s1 =	rddreg [dreg:$0x0]  }
0x3: {  	s7 =	rddreg [dreg:$0x1];
	s9 =	simm.s32 $0x15;
	s10 =	simm.s32 $0x2710  }
0x4: {  	s11 =	simm.s32 $0x50;
	s12 =	simm.s32 $0x4E20;
	s14 =	simm.s32 $0x6220  }
0x5: {  	s16 =	simm.s32 $0x7620;
	s18 =	simm.s32 $0x8A20;
	s28 =	simm.s32 $0x2990  }
0x6: {  	s29 =	simm.s32 $0xEE20;
	s30 =	simm.s32 $0x1;
	s31 =	simm.s32 $0x2  }
0x7: {  	s13 =	simm.s32 $0x4;
	s0 =	sand.u32 $0x1, s0;
	s2 =	sshll.u32 s2, $0x1  }
0x8: {  	s15 =	simm.s32 $0xF0;
	s17 =	simm.s32 $0x11620;
	s3 =	sor.u32 s0, s2  }
0x9: {  	v0 =	vimm.s32 $0xF;
	s19 =	simm.s32 $0x0;
	s4 =	sadd.s32 $0x600, s1;
	s8 =	smul.u32 $0x4E2, s3  }
.Ltmp0:
0xa: {  	vm0 =	vmmov $0x1;
	vm1 =	vmmov $0x3;
	vm2 =	vmmov $0x7;
	s2 =	simm.s32 $0x0;
	s0 =	ssub.s32 $0x2, s0;
	(pc) =	sbr.rel .LBB2_1-.Ltmp0, $4  }
0xb: {  	vm3 =	vmmov $0xf;
	vm4 =	vmmov $0x1f;
	vm5 =	vmmov $0x3f;
	[smem:$0x7FF] =	sst s2;
	s3 =	sadd.s32 $0x14000, s1;
	s26 =	sshrl.u32 s0, $0x1  }
0xc: {  	vm6 =	vmmov $0x7f;
	vm7 =	vmmov $0xff;
	vm8 =	vmmov $0x1ff;
	_ =	strace $0x80000047;
	s0 =	ssub.s32 s0, s26;
	s6 =	sadd.s32 s8, s1  }
0xd: {  	vm9 =	vmmov $0x3ff;
	vm10 =	vmmov $0x7ff;
	vm11 =	vmmov $0xfff;
	s7 =	sadd.s32 s7, s8;
	s8 =	smax.u32 s0, $0x1;
	s1 =	simm.s32 $0x3  }
0xe: {  	vm12 =	vmmov $0x1fff;
	vm13 =	vmmov $0x3fff;
	vm14 =	vmmov $0x7fff;
	s0 =	simm.s32 $0xA0;
	s5 =	sadd.s32 $0x31800, s6;
	s6 =	sadd.s32 $0x27A00, s6  }
.LBB2_7:
0xf: {  	s19 =	sadd.s32 $0x1, s19  }
0x10: {  	p0 =	sne.s32 s19, s8  }
.Ltmp1:
0x11: {  	_ = 	snop;
	(pc) =	sbr.rel @!p0 .LBB2_8-.Ltmp1, $4  }
0x12: {  	[hbm4b:s7+s2] =	stream.linear.scatter [tilespmem:s17], [sflag:$0x15], $0x2710, $0x38;
	[tilespmem:$0x13D30] =	vst v63  }
0x13: {  	_ =	swait.ge [sflag:s9], $0x2710  }
0x14: {  	[sflag:s9] =	ssyncset.done $0x0  }
0x15: {  	[sflag:s9] =	ssyncadd.s32 $0xFFFFD8F0  }
.LBB2_1:
0x16: {  	[tilespmem:s2], [sflag:$0x15] =	stream.linear.gather [hbm4b:s5+s2], $0x2710, $0x38;
	[tilespmem:$0x13D30] =	vst v63  }
0x17: {  	_ =	swait.ge [sflag:s9], $0x2710  }
0x18: {  	[sflag:s9] =	ssyncset.done $0x0  }
0x19: {  	[sflag:s9] =	ssyncadd.s32 $0xFFFFD8F0  }
0x1a: {  	[tilespmem:s10], [sflag:$0x15] =	stream.linear.gather [hbm4b:s6+s2], $0x2710, $0x38;
	[tilespmem:$0x13D30] =	vst v63  }
0x1b: {  	_ =	swait.ge [sflag:s9], $0x2710  }
0x1c: {  	[sflag:s9] =	ssyncset.done $0x0  }
0x1d: {  	[sflag:s9] =	ssyncadd.s32 $0xFFFFD8F0  }
0x1e: {  	[tilespmem:s12], [sflag:$0x1] =	stream.indirect.gather [hbm4b:s4+s11], $0x40, s10, s11, $0xb8;
	[tilespmem:$0x13D30] =	vst v63  }
0x1f: {  	s20 =	simm.s32 $0x2760  }
0x20: {  	[tilespmem:s14], [sflag:$0x2] =	stream.indirect.gather [hbm4b:s4+s11], $0x40, s20, s11, $0xb8;
	[tilespmem:$0x13D30] =	vst v63  }
0x21: {  	s24 =	simm.s32 $0x27B0  }
0x22: {  	[tilespmem:s16], [sflag:$0x3] =	stream.indirect.gather [hbm4b:s4+s11], $0x40, s24, s11, $0xb8;
	[tilespmem:$0x13D30] =	vst v63  }
0x23: {  	s25 =	simm.s32 $0x2800  }
0x24: {  	[tilespmem:s18], [sflag:$0x4] =	stream.indirect.gather [hbm4b:s4+s11], $0x40, s25, s11, $0xb8;
	[tilespmem:$0x13D30] =	vst v63  }
0x25: {  	s26 =	simm.s32 $0x2850;
	s21 =	simm.s32 $0x9E20  }
0x26: {  	[tilespmem:s21], [sflag:$0x5] =	stream.indirect.gather [hbm4b:s4+s11], $0x40, s26, s11, $0xb8;
	[tilespmem:$0x13D30] =	vst v63  }
0x27: {  	s22 =	simm.s32 $0xB220;
	s21 =	simm.s32 $0x28A0  }
0x28: {  	[tilespmem:s22], [sflag:$0x6] =	stream.indirect.gather [hbm4b:s4+s11], $0x40, s21, s11, $0xb8;
	[tilespmem:$0x13D30] =	vst v63  }
0x29: {  	s23 =	simm.s32 $0x28F0;
	s24 =	simm.s32 $0xC620  }
0x2a: {  	[tilespmem:s24], [sflag:$0x7] =	stream.indirect.gather [hbm4b:s4+s11], $0x40, s23, s11, $0xb8;
	[tilespmem:$0x13D30] =	vst v63  }
0x2b: {  	s25 =	simm.s32 $0x2940;
	s26 =	simm.s32 $0xDA20  }
0x2c: {  	[tilespmem:s26], [sflag:$0x8] =	stream.indirect.gather [hbm4b:s4+s11], $0x40, s25, s11, $0xb8;
	[tilespmem:$0x13D30] =	vst v63  }
0x2d: {  	_ = 	snop  }
0x2e: {  	[tilespmem:s29], [sflag:$0x9] =	stream.indirect.gather [hbm4b:s4+s11], $0x40, s28, s11, $0xb8;
	[tilespmem:$0x13D30] =	vst v63  }
0x2f: {  	_ =	swait.ge [sflag:s30], $0x1400  }
0x30: {  	[sflag:s30] =	ssyncset.done $0x0  }
0x31: {  	[sflag:s30] =	ssyncadd.s32 $0xFFFFEC00  }
0x32: {  	[tilespmem:s12], [sflag:$0xB] =	stream.indirect.gather.add.bf16 [hbm:s3], $0x40, s2, s11, $0xb8;
	[tilespmem:$0x13D30] =	vst v63  }
0x33: {  	_ =	swait.ge [sflag:s31], $0x1400  }
0x34: {  	[sflag:s31] =	ssyncset.done $0x0  }
0x35: {  	[sflag:s31] =	ssyncadd.s32 $0xFFFFEC00  }
0x36: {  	[tilespmem:s14], [sflag:$0xC] =	stream.indirect.gather.add.bf16 [hbm:s3], $0x40, s11, s11, $0xb8;
	[tilespmem:$0x13D30] =	vst v63  }
0x37: {  	_ =	swait.ge [sflag:s1], $0x1400  }
0x38: {  	[sflag:s1] =	ssyncset.done $0x0  }
0x39: {  	[sflag:s1] =	ssyncadd.s32 $0xFFFFEC00  }
0x3a: {  	[tilespmem:s16], [sflag:$0xD] =	stream.indirect.gather.add.bf16 [hbm:s3], $0x40, s0, s11, $0xb8;
	[tilespmem:$0x13D30] =	vst v63  }
.Ltmp2:
0x3b: {  	_ = 	snop;
	(pc) =	sbr.rel .LBB2_2-.Ltmp2, $4  }
0x3c: {  	_ =	swait.ge [sflag:s13], $0x1400  }
0x3d: {  	s20 =	simm.s32 $0x29E0;
	s21 =	simm.s32 $0x140;
	[sflag:s13] =	ssyncset.done $0x0  }
0x3e: {  	s22 =	simm.s32 $0x11640;
	s23 =	simm.s32 $0x0;
	[sflag:s13] =	ssyncadd.s32 $0xFFFFEC00  }
0x3f: {  	[tilespmem:s18], [sflag:$0xE] =	stream.indirect.gather.add.bf16 [hbm:s3], $0x40, s15, s11, $0xb8;
	[tilespmem:$0x13D30] =	vst v63  }
.LBB2_3:
0x40: {  	s24 =	sadd.s32 $0x9, s23  }
0x41: {  	s25 =	smul.u32 $0xCD, s24;
	_ =	sdelay $0x1  }
0x42: {  	s25 =	sshrl.u32 s25, $0xB  }
0x43: {  	s25 =	sand.u32 $0x1F, s25  }
0x44: {  	s25 =	smul.u32 $0xA, s25;
	_ =	sdelay $0x1  }
0x45: {  	s24 =	ssub.s32 s24, s25  }
0x46: {  	s24 =	sand.u32 $0xFF, s24  }
0x47: {  	s26 =	smul.u32 $0x5000, s24;
	_ =	sdelay $0x1  }
0x48: {  	s25 =	sshrl.u32 s26, $0x2  }
0x49: {  	s24 =	sadd.s32 $0x1, s24;
	s25 =	sadd.s32 $0x4E20, s25  }
0x4a: {  	[tilespmem:s25], [sflag:s24] =	stream.indirect.gather [hbm4b:s4+s11], $0x40, s20, s11, $0xb8;
	[tilespmem:$0x13D30] =	vst v63  }
.LBB2_5:
0x4b: {  	s24 =	sadd.s32 $0x4, s23  }
0x4c: {  	s25 =	smul.u32 $0xCD, s24;
	_ =	sdelay $0x1  }
0x4d: {  	s25 =	sshrl.u32 s25, $0xB  }
0x4e: {  	s25 =	sand.u32 $0x1F, s25  }
0x4f: {  	s25 =	smul.u32 $0xA, s25;
	_ =	sdelay $0x1  }
0x50: {  	s24 =	ssub.s32 s24, s25  }
0x51: {  	s24 =	sand.u32 $0xFF, s24  }
0x52: {  	s25 =	sadd.s32 $0x1, s24;
	s26 =	smul.u32 $0x5000, s24  }
0x53: {  	_ =	swait.ge [sflag:s25], $0x1400  }
0x54: {  	[sflag:s25] =	ssyncset.done $0x0;
	s26 =	sshrl.u32 s26, $0x2  }
0x55: {  	s24 =	sadd.s32 $0xB, s24;
	[sflag:s25] =	ssyncadd.s32 $0xFFFFEC00;
	s26 =	sadd.s32 $0x4E20, s26  }
0x56: {  	[tilespmem:s26], [sflag:s24] =	stream.indirect.gather.add.bf16 [hbm:s3], $0x40, s21, s11, $0xb8;
	[tilespmem:$0x13D30] =	vst v63  }
.LBB2_6:
0x57: {  	s24 =	smul.u32 $0xCD, s23;
	_ =	sdelay $0x1  }
0x58: {  	s24 =	sshrl.u32 s24, $0xB  }
0x59: {  	s24 =	sand.u32 $0x1F, s24  }
0x5a: {  	s24 =	smul.u32 $0xA, s24;
	_ =	sdelay $0x1  }
0x5b: {  	s24 =	ssub.s32 s23, s24  }
0x5c: {  	s24 =	sand.u32 $0xFF, s24  }
0x5d: {  	s25 =	sadd.s32 $0xB, s24  }
0x5e: {  	s24 =	smul.u32 $0x5000, s24;
	_ =	swait.ge [sflag:s25], $0x1400  }
0x5f: {  	[sflag:s25] =	ssyncset.done $0x0  }
0x60: {  	s24 =	sshrl.u32 s24, $0x2;
	[sflag:s25] =	ssyncadd.s32 $0xFFFFEC00  }
0x61: {  	v1 =	vld [tilespmem:s24+$0x4E20]  }
0x62: {  	v2 =	vld [tilespmem:s24+$0x4E30]  }
0x63: {  	v3 =	vld [tilespmem:s24+$0x4E40]  }
0x64: {  	v7 =	vld [tilespmem:s24+$0x4E80]  }
0x65: {  	v14 =	vld [tilespmem:s24+$0x4E90]  }
0x66: {  	v10 =	vld [tilespmem:s24+$0x4EC0]  }
0x67: {  	v11 =	vld [tilespmem:s24+$0x4F00]  }
0x68: {  	v25 =	vld [tilespmem:s24+$0x4F30]  }
0x69: {  	v31 =	vld [tilespmem:s24+$0x4F40]  }
0x6a: {  	v33 =	vld [tilespmem:s24+$0x4F60]  }
0x6b: {  	v35 =	vld [tilespmem:s24+$0x4F50]  }
0x6c: {  	v42 =	vld [tilespmem:s24+$0x4F80];
	v1 =	vmul.bf16 v1, v1  }
0x6d: {  	v51 =	vld [tilespmem:s24+$0x4F90];
	v2 =	vmul.bf16 v2, v2;
	v3 =	vmul.bf16 v3, v3  }
0x6e: {  	v13 =	vmul.bf16 v7, v7;
	v18 =	vmul.bf16 v14, v14  }
0x6f: {  	v22 =	vmul.bf16 v10, v10;
	v30 =	vmul.bf16 v11, v11  }
0x70: {  	v10 =	vmul.bf16 v25, v25;
	v38 =	vmul.bf16 v31, v31  }
0x71: {  	v41 =	vmul.bf16 v33, v33;
	v43 =	vmul.bf16 v35, v35  }
0x72: {  	v60 =	vld [tilespmem:s24+$0x4E60];
	v50 =	vmul.bf16 v42, v42;
	v11 =	vmul.bf16 v51, v51;
	v4 =	vunpack.i.u.bf16.f32 v1  }
0x73: {  	v1 =	vunpack.i.l.bf16.f32 v1;
	v5 =	vunpack.i.l.bf16.f32 v2;
	v2 =	vunpack.i.u.bf16.f32 v2  }
0x74: {  	v61 =	vld [tilespmem:s24+$0x4E70];
	v17 =	vunpack.i.u.bf16.f32 v13;
	v20 =	vunpack.i.l.bf16.f32 v18;
	v1 =	vadd.f32 v1, v4  }
0x75: {  	v14 =	vld [tilespmem:s24+$0x4FC0];
	v34 =	vunpack.i.l.bf16.f32 v10;
	v37 =	vunpack.i.u.bf16.f32 v10;
	v40 =	vunpack.i.l.bf16.f32 v38  }
0x76: {  	v6 =	vld [tilespmem:s24+$0x4E50];
	v10 =	vunpack.i.u.bf16.f32 v38;
	v45 =	vunpack.i.u.bf16.f32 v41;
	v1 =	vadd.f32 v5, v1  }
0x77: {  	v62 =	vld [tilespmem:s24+$0x4EA0];
	v47 =	vunpack.i.l.bf16.f32 v43;
	v52 =	vunpack.i.l.bf16.f32 v50;
	v4 =	vmul.bf16 v60, v60  }
0x78: {  	v58 =	vunpack.i.l.bf16.f32 v11;
	v11 =	vunpack.i.u.bf16.f32 v11;
	v1 =	vadd.f32 v1, v2  }
0x79: {  	v63 =	vld [tilespmem:s24+$0x4EB0];
	v8 =	vunpack.i.u.bf16.f32 v4;
	v5 =	vmul.bf16 v61, v61;
	v2 =	vunpack.i.l.bf16.f32 v3  }
0x7a: {  	v4 =	vunpack.i.l.bf16.f32 v4;
	v60 =	vmul.bf16 v14, v14;
	v1 =	vadd.f32 v2, v1  }
0x7b: {  	v21 =	vld [tilespmem:s24+$0x4ED0];
	v3 =	vunpack.i.u.bf16.f32 v3;
	v9 =	vunpack.i.l.bf16.f32 v5;
	v2 =	vmul.bf16 v6, v6  }
0x7c: {  	v5 =	vunpack.i.u.bf16.f32 v5;
	v6 =	vmul.bf16 v62, v62;
	v1 =	vadd.f32 v1, v3  }
0x7d: {  	v16 =	vld [tilespmem:s24+$0x4EF0];
	v3 =	vadd.f32 v4, v8;
	v12 =	vunpack.i.l.bf16.f32 v2;
	v2 =	vunpack.i.u.bf16.f32 v2  }
0x7e: {  	v15 =	vunpack.i.u.bf16.f32 v6;
	v6 =	vunpack.i.l.bf16.f32 v6;
	v4 =	vmul.bf16 v63, v63  }
0x7f: {  	v23 =	vld [tilespmem:s24+$0x4F20];
	v8 =	vunpack.i.u.bf16.f32 v18;
	v1 =	vadd.f32 v12, v1;
	v3 =	vadd.f32 v9, v3  }
0x80: {  	v28 =	vld [tilespmem:s24+$0x4F10];
	v19 =	vunpack.i.l.bf16.f32 v4;
	v4 =	vunpack.i.u.bf16.f32 v4;
	v9 =	vmul.bf16 v21, v21  }
0x81: {  	v63 =	vld [tilespmem:s24+$0x5030];
	v12 =	vunpack.i.l.bf16.f32 v22;
	v7 =	vadd.f32 v1, v2;
	v1 =	vadd.f32 v3, v5  }
0x82: {  	v2 =	vunpack.i.l.bf16.f32 v13;
	v5 =	vmul.bf16 v16, v16;
	v29 =	vunpack.i.u.bf16.f32 v9  }
0x83: {  	v3 =	vld [tilespmem:s24+$0x4EE0];
	v9 =	vunpack.i.l.bf16.f32 v9;
	v13 =	vunpack.i.l.bf16.f32 v30;
	v16 =	vunpack.i.l.bf16.f32 v60  }
0x84: {  	v1 =	vadd.f32 v2, v1;
	v2 =	vadd.f32 v6, v15;
	v26 =	vunpack.i.l.bf16.f32 v5  }
0x85: {  	v25 =	vld [tilespmem:s24+$0x5060];
	v27 =	vunpack.i.u.bf16.f32 v5;
	v6 =	vmul.bf16 v23, v23;
	v5 =	vmul.bf16 v28, v28  }
0x86: {  	v14 =	vmul.bf16 v63, v63;
	v15 =	vld [tilespmem:s24+$0x5000];
	v1 =	vadd.f32 v1, v17;
	v2 =	vadd.f32 v19, v2  }
0x87: {  	v44 =	vld [tilespmem:s24+$0x4FA0];
	v32 =	vunpack.i.u.bf16.f32 v6;
	v6 =	vunpack.i.l.bf16.f32 v6;
	v39 =	vunpack.i.l.bf16.f32 v5  }
0x88: {  	v35 =	vld [tilespmem:s24+$0x5080];
	v5 =	vunpack.i.u.bf16.f32 v5;
	v3 =	vmul.bf16 v3, v3;
	v6 =	vadd.f32 v6, v32  }
0x89: {  	v1 =	vadd.f32 v20, v1;
	v2 =	vadd.f32 v2, v4;
	v4 =	vunpack.i.u.bf16.f32 v22  }
0x8a: {  	v24 =	vunpack.i.u.bf16.f32 v3;
	v3 =	vunpack.i.l.bf16.f32 v3;
	v6 =	vadd.f32 v34, v6  }
0x8b: {  	v23 =	vld [tilespmem:s24+$0x5040];
	v22 =	vmul.bf16 v15, v15;
	v34 =	vmul.bf16 v25, v25;
	v3 =	vadd.f32 v3, v24  }
0x8c: {  	v56 =	vld [tilespmem:s24+$0x4FF0];
	v1 =	vadd.f32 v1, v8;
	v2 =	vadd.f32 v12, v2;
	v8 =	vunpack.i.l.bf16.f32 v41  }
0x8d: {  	v36 =	vld [tilespmem:s24+$0x4F70];
	v12 =	vmul.bf16 v44, v44;
	v41 =	vmul.bf16 v35, v35;
	v8 =	vadd.f32 v8, v45  }
0x8e: {  	v42 =	vld [tilespmem:s24+$0x5090];
	v17 =	vunpack.i.l.bf16.f32 v22;
	v3 =	vadd.f32 v26, v3;
	v2 =	vadd.f32 v2, v4  }
0x8f: {  	v4 =	vunpack.i.u.bf16.f32 v30;
	v54 =	vunpack.i.u.bf16.f32 v12;
	v12 =	vunpack.i.l.bf16.f32 v12  }
0x90: {  	v59 =	vld [tilespmem:s24+$0x4FD0];
	v26 =	vunpack.i.l.bf16.f32 v14;
	v30 =	vmul.bf16 v23, v23;
	v45 =	vunpack.i.l.bf16.f32 v41  }
0x91: {  	v55 =	vadd.f32 v12, v54;
	v12 =	vmul.bf16 v56, v56;
	v3 =	vadd.f32 v3, v27  }
0x92: {  	v63 =	vld [tilespmem:s24+$0x5140];
	v2 =	vadd.f32 v9, v2;
	v9 =	vmul.bf16 v36, v36;
	v33 =	vunpack.i.l.bf16.f32 v30  }
0x93: {  	v18 =	vunpack.i.l.bf16.f32 v12;
	v19 =	vunpack.i.u.bf16.f32 v12;
	v12 =	vmul.bf16 v42, v42  }
0x94: {  	v3 =	vadd.f32 v13, v3;
	v2 =	vadd.f32 v2, v29;
	v48 =	vunpack.i.l.bf16.f32 v9  }
0x95: {  	v27 =	vld [tilespmem:s24+$0x5050];
	v9 =	vunpack.i.u.bf16.f32 v9;
	v13 =	vmul.bf16 v59, v59;
	v29 =	vunpack.i.u.bf16.f32 v14  }
0x96: {  	v46 =	vld [tilespmem:s24+$0x4FB0];
	v14 =	vunpack.i.u.bf16.f32 v30;
	v3 =	vadd.f32 v3, v4;
	v4 =	vadd.f32 v6, v37  }
0x97: {  	v53 =	vld [tilespmem:s24+$0x4FE0];
	v30 =	vmul.bf16 v63, v63;
	v49 =	vadd.f32 v48, v8;
	v8 =	vunpack.i.u.bf16.f32 v50  }
0x98: {  	v51 =	vunpack.i.l.bf16.f32 v12;
	v12 =	vunpack.i.u.bf16.f32 v12;
	v37 =	vld [tilespmem:s24+$0x50A0];
	v4 =	vadd.f32 v40, v4  }
0x99: {  	v6 =	vunpack.i.u.bf16.f32 v43;
	v21 =	vunpack.i.u.bf16.f32 v13;
	v3 =	vadd.f32 v39, v3  }
0x9a: {  	v13 =	vunpack.i.l.bf16.f32 v13;
	v36 =	vmul.bf16 v27, v27;
	v4 =	vadd.f32 v4, v10  }
0x9b: {  	v27 =	vld [tilespmem:s24+$0x5150];
	v3 =	vadd.f32 v3, v5;
	v5 =	vadd.f32 v49, v9;
	v10 =	vmul.bf16 v46, v46  }
0x9c: {  	v61 =	vld [tilespmem:s24+$0x5020];
	v39 =	vunpack.i.l.bf16.f32 v36;
	v9 =	vmul.bf16 v53, v53;
	v4 =	vadd.f32 v47, v4  }
0x9d: {  	v54 =	vld [tilespmem:s24+$0x5120];
	v43 =	vmul.bf16 v37, v37;
	v5 =	vadd.f32 v52, v5;
	v57 =	vunpack.i.l.bf16.f32 v10  }
0x9e: {  	v10 =	vunpack.i.u.bf16.f32 v10;
	v62 =	vunpack.i.u.bf16.f32 v9;
	v47 =	vld [tilespmem:s24+$0x50C0];
	v4 =	vadd.f32 v4, v6  }
0x9f: {  	v20 =	vld [tilespmem:s24+$0x5010];
	v9 =	vunpack.i.l.bf16.f32 v9;
	v5 =	vadd.f32 v5, v8;
	v6 =	vadd.f32 v57, v55  }
0xa0: {  	v35 =	vmul.bf16 v27, v27;
	v9 =	vadd.f32 v9, v62;
	v15 =	vunpack.i.u.bf16.f32 v43  }
0xa1: {  	v8 =	vunpack.i.u.bf16.f32 v60;
	v5 =	vadd.f32 v58, v5;
	v6 =	vadd.f32 v6, v10  }
0xa2: {  	v60 =	vmul.bf16 v54, v54;
	v54 =	vld [tilespmem:s24+$0x5210];
	v9 =	vadd.f32 v18, v9;
	v10 =	vmul.bf16 v61, v61  }
0xa3: {  	v53 =	vmul.bf16 v47, v47;
	v5 =	vadd.f32 v5, v11;
	v6 =	vadd.f32 v16, v6  }
0xa4: {  	v28 =	vld [tilespmem:s24+$0x5070];
	v24 =	vunpack.i.u.bf16.f32 v10;
	v10 =	vunpack.i.l.bf16.f32 v10;
	v11 =	vmul.bf16 v20, v20  }
0xa5: {  	(xrf2) =	vadd.scan.msk.f32 $0xffff, v7;
	v56 =	vld [tilespmem:s24+$0x5130];
	v16 =	vunpack.i.u.bf16.f32 v34;
	v6 =	vadd.f32 v6, v8;
	v8 =	vadd.f32 v9, v19  }
0xa6: {  	v10 =	vadd.f32 v10, v24;
	v20 =	vunpack.i.l.bf16.f32 v53;
	v24 =	vunpack.i.u.bf16.f32 v60  }
0xa7: {  	v38 =	vld [tilespmem:s24+$0x50B0];
	v63 =	vmul.bf16 v54, v54;
	v9 =	vunpack.i.u.bf16.f32 v22;
	v8 =	vadd.f32 v17, v8  }
0xa8: {  	v31 =	vunpack.i.l.bf16.f32 v11;
	v19 =	vld [tilespmem:s24+$0x5100];
	v10 =	vadd.f32 v26, v10;
	v6 =	vadd.f32 v13, v6  }
0xa9: {  	v11 =	vunpack.i.u.bf16.f32 v11;
	v22 =	vld [tilespmem:s24+$0x51B0];
	v13 =	vmul.bf16 v28, v28;
	v8 =	vadd.f32 v8, v9  }
0xaa: {  	v25 =	vld [tilespmem:s24+$0x5160];
	v17 =	vmul.bf16 v56, v56;
	v6 =	vadd.f32 v6, v21;
	v9 =	vadd.f32 v10, v29  }
0xab: {  	v10 =	vunpack.i.l.bf16.f32 v34;
	v40 =	vunpack.i.l.bf16.f32 v13;
	v13 =	vunpack.i.u.bf16.f32 v13  }
0xac: {  	v26 =	vunpack.i.l.bf16.f32 v17;
	v29 =	vunpack.i.u.bf16.f32 v17;
	v17 =	vunpack.i.u.bf16.f32 v30  }
0xad: {  	v46 =	vld [tilespmem:s24+$0x50E0];
	v10 =	vadd.f32 v10, v16;
	v16 =	vmul.bf16 v38, v38;
	v62 =	vmul.bf16 v19, v19  }
0xae: {  	v34 =	vld [tilespmem:s24+$0x5180];
	v47 =	vmul.bf16 v22, v22;
	v32 =	vadd.f32 v31, v8;
	v8 =	vadd.f32 v33, v9  }
0xaf: {  	v49, _, _ =	vpop (xrf2);
	(xrf2) =	vadd.scan.msk.f32 $0xffff, v1;
	v9 =	vunpack.i.u.bf16.f32 v36;
	v33 =	vmul.bf16 v25, v25;
	v10 =	vadd.f32 v40, v10  }
0xb0: {  	(xrf2) =	vadd.scan.msk.f32 $0xffff, v2;
	v18 =	vunpack.i.l.bf16.f32 v16;
	v16 =	vunpack.i.u.bf16.f32 v16;
	v21 =	vunpack.i.l.bf16.f32 v62  }
0xb1: {  	v48 =	vld [tilespmem:s24+$0x50F0];
	(xrf2) =	vadd.scan.msk.f32 $0xffff, v3;
	v3 =	vunpack.i.u.bf16.f32 v47;
	v14 =	vadd.f32 v8, v14;
	v8 =	vadd.f32 v32, v11  }
0xb2: {  	v11 =	vunpack.i.u.bf16.f32 v41;
	v32 =	vunpack.i.l.bf16.f32 v30;
	v37 =	vunpack.i.u.bf16.f32 v33  }
0xb3: {  	v44 =	vadd.f32 v10, v13;
	v13 =	vmul.bf16 v46, v46;
	v42 =	vmul.bf16 v34, v34  }
0xb4: {  	v7 =	vadd.f32 v39, v14;
	v14 =	vunpack.i.l.bf16.f32 v43;
	v39 =	vunpack.i.l.bf16.f32 v35  }
0xb5: {  	v52 =	vld [tilespmem:s24+$0x50D0];
	v10 =	vadd.f32 v45, v44;
	v14 =	vadd.f32 v14, v15;
	v55 =	vunpack.i.u.bf16.f32 v13  }
0xb6: {  	v23 =	vld [tilespmem:s24+$0x51C0];
	v13 =	vunpack.i.l.bf16.f32 v13;
	v15 =	vmul.bf16 v48, v48;
	v44 =	vunpack.i.u.bf16.f32 v42  }
0xb7: {  	v9 =	vadd.f32 v7, v9;
	v7 =	vperm.xlane v49, v0;
	v10 =	vadd.f32 v10, v11  }
0xb8: {  	v13 =	vadd.f32 v13, v55;
	v49 =	vunpack.i.l.bf16.f32 v47;
	v50 =	vadd.f32 v18, v14  }
0xb9: {  	v43 =	vld [tilespmem:s24+$0x51F0];
	v57 =	vunpack.i.l.bf16.f32 v15;
	v14 =	vunpack.i.u.bf16.f32 v53;
	v10 =	vadd.f32 v51, v10  }
0xba: {  	v18 =	vmul.bf16 v52, v52;
	v58 =	vunpack.i.u.bf16.f32 v15;
	v15 =	vunpack.i.l.bf16.f32 v60  }
0xbb: {  	v36 =	vld [tilespmem:s24+$0x51A0];
	v53 =	vmul.bf16 v23, v23;
	v10 =	vadd.f32 v10, v12;
	v12 =	vadd.f32 v57, v13  }
0xbc: {  	v59 =	vld [tilespmem:s24+$0x5110];
	v15 =	vadd.f32 v15, v24;
	v11 =	vadd.f32 v50, v16;
	v61 =	vunpack.i.u.bf16.f32 v18  }
0xbd: {  	v28 =	vld [tilespmem:s24+$0x5170];
	v18 =	vunpack.i.l.bf16.f32 v18;
	v16 =	vunpack.i.l.bf16.f32 v33;
	v12 =	vadd.f32 v12, v58  }
0xbe: {  	v19 =	vmul.bf16 v43, v43;
	v15 =	vadd.f32 v26, v15;
	v11 =	vadd.f32 v20, v11  }
0xbf: {  	v60 =	vunpack.i.u.bf16.f32 v53;
	v16 =	vadd.f32 v16, v37;
	v12 =	vadd.f32 v21, v12  }
0xc0: {  	v38 =	vld [tilespmem:s24+$0x51E0];
	v13 =	vunpack.i.u.bf16.f32 v62;
	v20 =	vmul.bf16 v36, v36;
	v11 =	vadd.f32 v11, v14  }
0xc1: {  	v14 =	vmul.bf16 v59, v59;
	v12 =	vadd.f32 v12, v13;
	v13 =	vadd.f32 v15, v29  }
0xc2: {  	v46 =	vunpack.i.u.bf16.f32 v20;
	v11 =	vadd.f32 v18, v11;
	v18 =	vmul.bf16 v28, v28  }
0xc3: {  	v48 =	vld [tilespmem:s24+$0x5200];
	v20 =	vunpack.i.l.bf16.f32 v20;
	v31 =	vunpack.i.l.bf16.f32 v14;
	v13 =	vadd.f32 v32, v13  }
0xc4: {  	v14 =	vunpack.i.u.bf16.f32 v14;
	v40 =	vunpack.i.l.bf16.f32 v18;
	v12 =	vadd.f32 v31, v12  }
0xc5: {  	v45 =	vld [tilespmem:s24+$0x5190];
	v41 =	vadd.f32 v40, v16;
	v13 =	vadd.f32 v13, v17;
	v17 =	vmul.bf16 v38, v38  }
0xc6: {  	v20 =	vadd.f32 v20, v46;
	v18 =	vunpack.i.u.bf16.f32 v18;
	v12 =	vadd.f32 v12, v14  }
0xc7: {  	v14 =	vadd.f32 v41, v18;
	v24 =	vunpack.i.u.bf16.f32 v17;
	v17 =	vunpack.i.l.bf16.f32 v17  }
0xc8: {  	v56 =	vmul.bf16 v48, v48;
	v16 =	vunpack.i.l.bf16.f32 v42;
	v50 =	vadd.f32 v17, v24  }
0xc9: {  	v51 =	vld [tilespmem:s24+$0x51D0];
	v52 =	vunpack.i.l.bf16.f32 v19;
	v1 =	vadd.f32 v16, v14;
	v14 =	vadd.f32 v49, v20  }
0xca: {  	v2 =	vmul.bf16 v45, v45;
	v55 =	vunpack.i.u.bf16.f32 v19;
	v16 =	vadd.f32 v52, v50  }
0xcb: {  	(xrf2) =	vadd.scan.msk.f32 $0xffff, v4;
	v57 =	vunpack.i.l.bf16.f32 v53;
	v62 =	vunpack.i.u.bf16.f32 v56;
	v3 =	vadd.f32 v14, v3  }
0xcc: {  	(xrf2) =	vadd.scan.msk.f32 $0xffff, v5;
	v58 =	vunpack.i.l.bf16.f32 v2;
	v59 =	vunpack.i.l.bf16.f32 v56;
	v4 =	vadd.f32 v16, v55  }
0xcd: {  	(xrf2) =	vadd.scan.msk.f32 $0xffff, v6;
	v2 =	vunpack.i.u.bf16.f32 v2;
	v11 =	vadd.f32 v11, v61;
	v3 =	vadd.f32 v57, v3  }
0xce: {  	(xrf2) =	vadd.scan.msk.f32 $0xffff, v8;
	v61 =	vmul.bf16 v51, v51;
	v1 =	vadd.f32 v1, v44;
	v4 =	vadd.f32 v59, v4  }
0xcf: {  	(xrf2) =	vadd.scan.msk.f32 $0xffff, v9;
	v15 =	vunpack.i.u.bf16.f32 v35;
	v13 =	vadd.f32 v39, v13;
	v3 =	vadd.f32 v3, v60  }
0xd0: {  	(xrf2) =	vadd.scan.msk.f32 $0xffff, v10;
	v9 =	vunpack.i.l.bf16.f32 v61;
	v1 =	vadd.f32 v58, v1;
	v4 =	vadd.f32 v4, v62  }
0xd1: {  	v10 =	vunpack.i.l.bf16.f32 v63;
	(xrf2) =	vadd.scan.msk.f32 $0xffff, v11;
	v13 =	vadd.f32 v13, v15;
	v3 =	vadd.f32 v9, v3  }
0xd2: {  	v11, _, _ =	vpop (xrf2);
	(xrf2) =	vadd.scan.msk.f32 $0xffff, v12;
	v1 =	vadd.f32 v1, v2;
	v2 =	vunpack.i.u.bf16.f32 v61;
	v4 =	vadd.f32 v10, v4  }
0xd3: {  	v14 =	vperm.xlane v11, v0;
	v15, _, _ =	vpop (xrf2);
	(xrf2) =	vadd.scan.msk.f32 $0xffff, v13;
	v2 =	vadd.f32 v3, v2;
	v3 =	vunpack.i.u.bf16.f32 v63  }
0xd4: {  	v6 =	vperm.xlane v15, v0;
	v16, _, _ =	vpop (xrf2);
	(xrf2) =	vadd.scan.msk.f32 $0xffff, v1;
	v1 =	vadd.f32 v4, v3  }
0xd5: {  	v17 =	vperm.xlane v16, v0;
	v18, _, _ =	vpop (xrf2);
	(xrf2) =	vadd.scan.msk.f32 $0xffff, v2;
	v3 =	vsel vm0, v7, v14  }
0xd6: {  	v19, _, _ =	vpop (xrf2);
	v2 =	vsel vm1, v3, v6;
	v3 =	vperm.xlane v18, v0;
	(xrf2) =	vadd.scan.msk.f32 $0xffff, v1  }
0xd7: {  	v20, _, _ =	vpop (xrf2);
	v1 =	vsel vm2, v2, v17;
	v2 =	vperm.xlane v19, v0  }
0xd8: {  	v21, _, _ =	vpop (xrf2);
	v1 =	vsel vm3, v1, v3;
	v3 =	vperm.xlane v20, v0  }
0xd9: {  	v22, _, _ =	vpop (xrf2);
	v1 =	vsel vm4, v1, v2;
	v2 =	vperm.xlane v21, v0  }
0xda: {  	v23, _, _ =	vpop (xrf2);
	v1 =	vsel vm5, v1, v3;
	v3 =	vperm.xlane v22, v0  }
0xdb: {  	v24, _, _ =	vpop (xrf2);
	v1 =	vsel vm6, v1, v2;
	v2 =	vperm.xlane v23, v0  }
0xdc: {  	v25, _, _ =	vpop (xrf2);
	v1 =	vsel vm7, v1, v3;
	v3 =	vperm.xlane v24, v0  }
0xdd: {  	v26, _, _ =	vpop (xrf2);
	v1 =	vsel vm8, v1, v2;
	v2 =	vperm.xlane v25, v0  }
0xde: {  	v27, _, _ =	vpop (xrf2);
	v1 =	vsel vm9, v1, v3;
	v3 =	vperm.xlane v26, v0  }
0xdf: {  	v28, _, _ =	vpop (xrf2);
	v1 =	vsel vm10, v1, v2;
	v2 =	vperm.xlane v27, v0  }
0xe0: {  	v1 =	vsel vm11, v1, v3;
	v3 =	vperm.xlane v28, v0;
	v29, _, _ =	vpop (xrf2)  }
0xe1: {  	v1 =	vsel vm12, v1, v2;
	v2 =	vperm.xlane v29, v0  }
0xe2: {  	v1 =	vsel vm13, v1, v3  }
0xe3: {  	v1 =	vsel vm14, v1, v2  }
0xe4: {  	v1 =	vmax.f32 v1, $1.000000000e-30  }
0xe5: {  	v2 =	vshra.s32 v1, $0x1;
	v3 =	vmul.f32 $5.000000000e-01, v1  }
0xe6: {  	v2 =	vsub.s32 $0x5F3759DF, v2  }
0xe7: {  	v30 =	vmul.f32 v2, v3;
	_ =	sdelay $0x1  }
0xe8: {  	v4 =	vmul.f32 v2, v30;
	_ =	sdelay $0x1  }
0xe9: {  	v4 =	vsub.f32 $1.500000000e+00, v4;
	_ =	sdelay $0x1  }
0xea: {  	v2 =	vmul.f32 v2, v4;
	_ =	sdelay $0x1  }
0xeb: {  	v4 =	vmul.f32 v2, v3;
	_ =	sdelay $0x1  }
0xec: {  	v4 =	vmul.f32 v4, v2;
	_ =	sdelay $0x1  }
0xed: {  	v4 =	vsub.f32 $1.500000000e+00, v4;
	_ =	sdelay $0x1  }
0xee: {  	v2 =	vmul.f32 v4, v2;
	_ =	sdelay $0x1  }
0xef: {  	v3 =	vmul.f32 v2, v3;
	_ =	sdelay $0x1  }
0xf0: {  	v3 =	vmul.f32 v3, v2;
	_ =	sdelay $0x1  }
0xf1: {  	v3 =	vsub.f32 $1.500000000e+00, v3;
	_ =	sdelay $0x1  }
0xf2: {  	v2 =	vmul.f32 v3, v2;
	_ =	sdelay $0x1  }
0xf3: {  	v1 =	vmul.f32 v2, v1;
	_ =	sdelay $0x1  }
0xf4: {  	v1 =	vsub.f32 $0.0e+00, v1;
	_ =	sdelay $0x1  }
0xf5: {  	v1 =	vmul.f32 $1.442695020e+00, v1;
	_ =	sdelay $0x1  }
0xf6: {  	(erf) = vpow2.f32 v1;
	_ =	sdelay $0x8  }
0xf7: {  	v1 =	vpop (erf)  }
0xf8: {  	[tilespmem:s22+$0xFFFFFFE0] =	vst v1  }
0xf9: {  	v1 =	vld [tilespmem:s24+$0x5220]  }
0xfa: {  	v2 =	vld [tilespmem:s24+$0x5230]  }
0xfb: {  	v3 =	vld [tilespmem:s24+$0x5240]  }
0xfc: {  	v32 =	vld [tilespmem:s24+$0x5260]  }
0xfd: {  	v35 =	vld [tilespmem:s24+$0x5270]  }
0xfe: {  	v36 =	vld [tilespmem:s24+$0x5280]  }
0xff: {  	v37 =	vld [tilespmem:s24+$0x52A0]  }
0x100: {  	v43 =	vld [tilespmem:s24+$0x5290]  }
0x101: {  	v45 =	vld [tilespmem:s24+$0x52C0]  }
0x102: {  	v51 =	vld [tilespmem:s24+$0x52D0]  }
0x103: {  	v55 =	vld [tilespmem:s24+$0x5300]  }
0x104: {  	v57 =	vld [tilespmem:s24+$0x5330]  }
0x105: {  	v63 =	vld [tilespmem:s24+$0x5340]  }
0x106: {  	v18 =	vld [tilespmem:s24+$0x5360];
	v1 =	vmul.bf16 v1, v1  }
0x107: {  	v20 =	vld [tilespmem:s24+$0x5350];
	v2 =	vmul.bf16 v2, v2;
	v3 =	vmul.bf16 v3, v3  }
0x108: {  	v27 =	vld [tilespmem:s24+$0x5380];
	v4 =	vmul.bf16 v32, v32;
	v5 =	vmul.bf16 v35, v35  }
0x109: {  	v29 =	vld [tilespmem:s24+$0x53A0];
	v42 =	vmul.bf16 v36, v36;
	v6 =	vmul.bf16 v37, v37  }
0x10a: {  	v48 =	vmul.bf16 v43, v43;
	v52 =	vmul.bf16 v45, v45  }
0x10b: {  	v9 =	vmul.bf16 v51, v51;
	v62 =	vmul.bf16 v55, v55  }
0x10c: {  	v10 =	vmul.bf16 v57, v57;
	v23 =	vmul.bf16 v63, v63  }
0x10d: {  	v26 =	vmul.bf16 v18, v18;
	v28 =	vmul.bf16 v20, v20  }
0x10e: {  	v35 =	vmul.bf16 v27, v27;
	v12 =	vmul.bf16 v29, v29  }
0x10f: {  	v31 =	vunpack.i.u.bf16.f32 v1;
	v1 =	vunpack.i.l.bf16.f32 v1;
	v33 =	vunpack.i.l.bf16.f32 v2  }
0x110: {  	v2 =	vunpack.i.u.bf16.f32 v2;
	v38 =	vunpack.i.u.bf16.f32 v4;
	v4 =	vunpack.i.l.bf16.f32 v4  }
0x111: {  	v41 =	vunpack.i.l.bf16.f32 v5;
	v5 =	vunpack.i.u.bf16.f32 v5;
	v44 =	vunpack.i.u.bf16.f32 v6  }
0x112: {  	v34 =	vld [tilespmem:s24+$0x5250];
	v6 =	vunpack.i.l.bf16.f32 v6;
	v47 =	vunpack.i.u.bf16.f32 v42;
	v1 =	vadd.f32 v1, v31  }
0x113: {  	v36 =	vld [tilespmem:s24+$0x5390];
	v50 =	vunpack.i.l.bf16.f32 v48;
	v8 =	vunpack.i.u.bf16.f32 v48;
	v56 =	vunpack.i.l.bf16.f32 v52  }
0x114: {  	v45 =	vld [tilespmem:s24+$0x53D0];
	v61 =	vunpack.i.u.bf16.f32 v9;
	v9 =	vunpack.i.l.bf16.f32 v9;
	v1 =	vadd.f32 v33, v1  }
0x115: {  	v51 =	vld [tilespmem:s24+$0x5430];
	v17 =	vunpack.i.l.bf16.f32 v62;
	v19 =	vunpack.i.l.bf16.f32 v10;
	v22 =	vunpack.i.u.bf16.f32 v10  }
0x116: {  	v25 =	vunpack.i.l.bf16.f32 v23;
	v10 =	vunpack.i.u.bf16.f32 v23;
	v1 =	vadd.f32 v1, v2  }
0x117: {  	v30 =	vunpack.i.u.bf16.f32 v26;
	v32 =	vunpack.i.l.bf16.f32 v28;
	v2 =	vunpack.i.l.bf16.f32 v3  }
0x118: {  	v39 =	vld [tilespmem:s24+$0x52B0];
	v37 =	vunpack.i.l.bf16.f32 v35;
	v11 =	vmul.bf16 v36, v36;
	v1 =	vadd.f32 v2, v1  }
0x119: {  	v13 =	vmul.bf16 v45, v45;
	v3 =	vunpack.i.u.bf16.f32 v3;
	v2 =	vmul.bf16 v34, v34  }
0x11a: {  	v46 =	vld [tilespmem:s24+$0x52F0];
	v14 =	vmul.bf16 v51, v51;
	v1 =	vadd.f32 v1, v3;
	v3 =	vadd.f32 v4, v38  }
0x11b: {  	v55 =	vunpack.i.u.bf16.f32 v13;
	v13 =	vunpack.i.l.bf16.f32 v13;
	v40 =	vunpack.i.l.bf16.f32 v2  }
0x11c: {  	v53 =	vld [tilespmem:s24+$0x5320];
	v18 =	vunpack.i.u.bf16.f32 v14;
	v1 =	vadd.f32 v40, v1;
	v3 =	vadd.f32 v41, v3  }
0x11d: {  	v60 =	vld [tilespmem:s24+$0x5310];
	v2 =	vunpack.i.u.bf16.f32 v2;
	v4 =	vmul.bf16 v39, v39;
	v39 =	vunpack.i.u.bf16.f32 v12  }
0x11e: {  	v12 =	vunpack.i.l.bf16.f32 v12;
	v40 =	vld [tilespmem:s24+$0x53C0];
	v7 =	vadd.f32 v1, v2;
	v1 =	vadd.f32 v3, v5  }
0x11f: {  	v49 =	vunpack.i.l.bf16.f32 v4;
	v2 =	vunpack.i.l.bf16.f32 v42;
	v3 =	vld [tilespmem:s24+$0x52E0];
	v5 =	vmul.bf16 v46, v46  }
0x120: {  	v4 =	vunpack.i.u.bf16.f32 v4;
	v41 =	vadd.f32 v12, v39;
	v1 =	vadd.f32 v2, v1  }
0x121: {  	v2 =	vadd.f32 v6, v44;
	v58 =	vunpack.i.l.bf16.f32 v5;
	v59 =	vunpack.i.u.bf16.f32 v5  }
0x122: {  	v42 =	vld [tilespmem:s24+$0x53F0];
	v6 =	vmul.bf16 v53, v53;
	v5 =	vmul.bf16 v60, v60;
	v44 =	vunpack.i.l.bf16.f32 v11  }
0x123: {  	v11 =	vunpack.i.u.bf16.f32 v11;
	v46 =	vmul.bf16 v40, v40;
	v1 =	vadd.f32 v1, v47  }
0x124: {  	v2 =	vadd.f32 v49, v2;
	v16 =	vunpack.i.u.bf16.f32 v6;
	v3 =	vmul.bf16 v3, v3  }
0x125: {  	v60 =	vld [tilespmem:s24+$0x5460];
	v6 =	vunpack.i.l.bf16.f32 v6;
	v24 =	vunpack.i.l.bf16.f32 v5;
	v5 =	vunpack.i.u.bf16.f32 v5  }
0x126: {  	v6 =	vadd.f32 v6, v16;
	v54 =	vunpack.i.u.bf16.f32 v3;
	v3 =	vunpack.i.l.bf16.f32 v3  }
0x127: {  	v57 =	vld [tilespmem:s24+$0x5440];
	v12 =	vmul.bf16 v42, v42;
	v1 =	vadd.f32 v50, v1;
	v3 =	vadd.f32 v3, v54  }
0x128: {  	v49 =	vld [tilespmem:s24+$0x5400];
	v2 =	vadd.f32 v2, v4;
	v4 =	vunpack.i.u.bf16.f32 v52;
	v50 =	vunpack.i.l.bf16.f32 v46  }
0x129: {  	v21 =	vld [tilespmem:s24+$0x5370];
	v6 =	vadd.f32 v19, v6;
	v52 =	vunpack.i.l.bf16.f32 v12;
	v3 =	vadd.f32 v58, v3  }
0x12a: {  	v53 =	vunpack.i.u.bf16.f32 v12;
	v23 =	vmul.bf16 v60, v60;
	v2 =	vadd.f32 v56, v2  }
0x12b: {  	v1 =	vadd.f32 v1, v8;
	v8 =	vunpack.i.l.bf16.f32 v26;
	v3 =	vadd.f32 v3, v59  }
0x12c: {  	v19 =	vmul.bf16 v57, v57;
	v8 =	vadd.f32 v8, v30;
	v2 =	vadd.f32 v2, v4  }
0x12d: {  	v56 =	vmul.bf16 v49, v49;
	v16 =	vunpack.i.u.bf16.f32 v23;
	v3 =	vadd.f32 v17, v3  }
0x12e: {  	v4 =	vunpack.i.u.bf16.f32 v62;
	v62 =	vld [tilespmem:s24+$0x5450];
	v2 =	vadd.f32 v9, v2;
	v9 =	vmul.bf16 v21, v21  }
0x12f: {  	v31 =	vld [tilespmem:s24+$0x53B0];
	v59 =	vunpack.i.l.bf16.f32 v56;
	v3 =	vadd.f32 v3, v4;
	v4 =	vadd.f32 v6, v22  }
0x130: {  	v38 =	vld [tilespmem:s24+$0x53E0];
	v2 =	vadd.f32 v2, v61;
	v33 =	vunpack.i.l.bf16.f32 v9;
	v9 =	vunpack.i.u.bf16.f32 v9  }
0x131: {  	v61 =	vunpack.i.l.bf16.f32 v14;
	v14 =	vunpack.i.u.bf16.f32 v19;
	v4 =	vadd.f32 v25, v4  }
0x132: {  	v60 =	vld [tilespmem:s24+$0x5550];
	v34 =	vadd.f32 v33, v8;
	v8 =	vunpack.i.u.bf16.f32 v35;
	v3 =	vadd.f32 v24, v3  }
0x133: {  	v26 =	vld [tilespmem:s24+$0x54A0];
	v6 =	vunpack.i.u.bf16.f32 v28;
	v25 =	vmul.bf16 v62, v62;
	v4 =	vadd.f32 v4, v10  }
0x134: {  	v24 =	vld [tilespmem:s24+$0x5480];
	v3 =	vadd.f32 v3, v5;
	v5 =	vadd.f32 v34, v9;
	v10 =	vmul.bf16 v31, v31  }
0x135: {  	v36 =	vld [tilespmem:s24+$0x54C0];
	v22 =	vunpack.i.l.bf16.f32 v19;
	v9 =	vmul.bf16 v38, v38;
	v28 =	vunpack.i.l.bf16.f32 v25  }
0x136: {  	v31 =	vld [tilespmem:s24+$0x5490];
	v4 =	vadd.f32 v32, v4;
	v5 =	vadd.f32 v37, v5;
	v43 =	vunpack.i.l.bf16.f32 v10  }
0x137: {  	v10 =	vunpack.i.u.bf16.f32 v10;
	v48 =	vunpack.i.u.bf16.f32 v9;
	v9 =	vunpack.i.l.bf16.f32 v9  }
0x138: {  	v47 =	vld [tilespmem:s24+$0x5420];
	v32 =	vmul.bf16 v26, v26;
	v26 =	vmul.bf16 v60, v60;
	v9 =	vadd.f32 v9, v48  }
0x139: {  	v54 =	vld [tilespmem:s24+$0x5410];
	v30 =	vmul.bf16 v24, v24;
	v4 =	vadd.f32 v4, v6;
	v5 =	vadd.f32 v5, v8  }
0x13a: {  	v48 =	vld [tilespmem:s24+$0x5530];
	v6 =	vadd.f32 v43, v41;
	v8 =	vunpack.i.u.bf16.f32 v46;
	v15 =	vunpack.i.u.bf16.f32 v32  }
0x13b: {  	v43 =	vmul.bf16 v36, v36;
	v46 =	vld [tilespmem:s24+$0x5500];
	v9 =	vadd.f32 v52, v9;
	v12 =	vmul.bf16 v31, v31  }
0x13c: {  	v34 =	vunpack.i.l.bf16.f32 v30;
	v5 =	vadd.f32 v44, v5;
	v6 =	vadd.f32 v6, v10  }
0x13d: {  	v10 =	vmul.bf16 v47, v47;
	v47 =	vunpack.i.l.bf16.f32 v43;
	v41 =	vunpack.i.l.bf16.f32 v12  }
0x13e: {  	v44 =	vld [tilespmem:s24+$0x5520];
	v12 =	vunpack.i.u.bf16.f32 v12;
	v5 =	vadd.f32 v5, v11;
	v6 =	vadd.f32 v50, v6  }
0x13f: {  	v63 =	vld [tilespmem:s24+$0x5470];
	v58 =	vunpack.i.u.bf16.f32 v10;
	v10 =	vunpack.i.l.bf16.f32 v10;
	v11 =	vmul.bf16 v54, v54  }
0x140: {  	v17 =	vmul.bf16 v48, v48;
	v10 =	vadd.f32 v10, v58;
	v54 =	vmul.bf16 v46, v46  }
0x141: {  	v27 =	vld [tilespmem:s24+$0x54B0];
	v6 =	vadd.f32 v6, v8;
	v8 =	vadd.f32 v9, v53;
	v9 =	vunpack.i.u.bf16.f32 v56  }
0x142: {  	v42 =	vld [tilespmem:s24+$0x54D0];
	v20 =	vunpack.i.l.bf16.f32 v11;
	v11 =	vunpack.i.u.bf16.f32 v11;
	v62 =	vunpack.i.u.bf16.f32 v17  }
0x143: {  	v58 =	vld [tilespmem:s24+$0x5560];
	v10 =	vadd.f32 v61, v10;
	v52 =	vmul.bf16 v44, v44;
	v8 =	vadd.f32 v59, v8  }
0x144: {  	v57 =	vunpack.i.l.bf16.f32 v54;
	v6 =	vadd.f32 v13, v6;
	v13 =	vmul.bf16 v63, v63  }
0x145: {  	v59 =	vunpack.i.l.bf16.f32 v17;
	v56 =	vunpack.i.u.bf16.f32 v52;
	v8 =	vadd.f32 v8, v9  }
0x146: {  	v6 =	vadd.f32 v6, v55;
	v9 =	vadd.f32 v10, v18;
	v10 =	vunpack.i.l.bf16.f32 v23  }
0x147: {  	(xrf2) =	vadd.scan.msk.f32 $0xffff, v7;
	v35 =	vld [tilespmem:s24+$0x54E0];
	v29 =	vunpack.i.l.bf16.f32 v13;
	v13 =	vunpack.i.u.bf16.f32 v13;
	v18 =	vmul.bf16 v42, v42  }
0x148: {  	v55 =	vld [tilespmem:s24+$0x5540];
	v24 =	vmul.bf16 v58, v58;
	v10 =	vadd.f32 v10, v16;
	v16 =	vmul.bf16 v27, v27  }
0x149: {  	v21 =	vadd.f32 v20, v8;
	v8 =	vadd.f32 v22, v9;
	v9 =	vunpack.i.u.bf16.f32 v25  }
0x14a: {  	v27 =	vld [tilespmem:s24+$0x55A0];
	v53 =	vunpack.i.u.bf16.f32 v18;
	v18 =	vunpack.i.l.bf16.f32 v18;
	v10 =	vadd.f32 v29, v10  }
0x14b: {  	v37 =	vld [tilespmem:s24+$0x54F0];
	v39 =	vunpack.i.l.bf16.f32 v16;
	v16 =	vunpack.i.u.bf16.f32 v16;
	v14 =	vadd.f32 v8, v14  }
0x14c: {  	v25 =	vld [tilespmem:s24+$0x5580];
	v8 =	vadd.f32 v21, v11;
	v11 =	vunpack.i.u.bf16.f32 v30;
	v30 =	vunpack.i.l.bf16.f32 v26  }
0x14d: {  	v33 =	vadd.f32 v10, v13;
	v13 =	vmul.bf16 v35, v35;
	v63 =	vmul.bf16 v55, v55  }
0x14e: {  	v7 =	vadd.f32 v28, v14;
	v14 =	vunpack.i.l.bf16.f32 v32;
	v28 =	vunpack.i.u.bf16.f32 v24  }
0x14f: {  	v20 =	vmul.bf16 v27, v27;
	v10 =	vadd.f32 v34, v33;
	v14 =	vadd.f32 v14, v15  }
0x150: {  	v45 =	vunpack.i.u.bf16.f32 v13;
	v13 =	vunpack.i.l.bf16.f32 v13;
	v15 =	vmul.bf16 v37, v37  }
0x151: {  	v38, _, _ =	vpop (xrf2);
	v23 =	vunpack.i.l.bf16.f32 v63;
	v17 =	vunpack.i.u.bf16.f32 v63;
	v34 =	vmul.bf16 v25, v25  }
0x152: {  	v9 =	vadd.f32 v7, v9;
	v7 =	vperm.xlane v38, v0;
	v10 =	vadd.f32 v10, v11  }
0x153: {  	v35 =	vld [tilespmem:s24+$0x55F0];
	v13 =	vadd.f32 v13, v45;
	v38 =	vunpack.i.u.bf16.f32 v20;
	v20 =	vunpack.i.l.bf16.f32 v20  }
0x154: {  	v32 =	vld [tilespmem:s24+$0x55B0];
	v40 =	vadd.f32 v39, v14;
	v49 =	vunpack.i.l.bf16.f32 v15;
	v10 =	vadd.f32 v41, v10  }
0x155: {  	v37 =	vld [tilespmem:s24+$0x5590];
	v14 =	vunpack.i.u.bf16.f32 v43;
	v50 =	vunpack.i.u.bf16.f32 v15;
	v20 =	vadd.f32 v20, v38  }
0x156: {  	v15 =	vunpack.i.l.bf16.f32 v52;
	v10 =	vadd.f32 v10, v12;
	v12 =	vadd.f32 v49, v13  }
0x157: {  	v51 =	vld [tilespmem:s24+$0x5510];
	v36 =	vunpack.i.u.bf16.f32 v34;
	v15 =	vadd.f32 v15, v56;
	v11 =	vadd.f32 v40, v16  }
0x158: {  	v61 =	vld [tilespmem:s24+$0x5570];
	v19 =	vmul.bf16 v35, v35;
	v16 =	vunpack.i.l.bf16.f32 v24;
	v12 =	vadd.f32 v12, v50  }
0x159: {  	(xrf2) =	vadd.scan.msk.f32 $0xffff, v1;
	v40 =	vmul.bf16 v32, v32;
	v15 =	vadd.f32 v59, v15;
	v11 =	vadd.f32 v47, v11  }
0x15a: {  	(xrf2) =	vadd.scan.msk.f32 $0xffff, v2;
	v16 =	vadd.f32 v16, v28;
	v2 =	vmul.bf16 v37, v37;
	v12 =	vadd.f32 v57, v12  }
0x15b: {  	v29 =	vld [tilespmem:s24+$0x55E0];
	v46 =	vunpack.i.l.bf16.f32 v19;
	v13 =	vunpack.i.u.bf16.f32 v54;
	v11 =	vadd.f32 v11, v14  }
0x15c: {  	v14 =	vmul.bf16 v51, v51;
	v12 =	vadd.f32 v12, v13;
	v13 =	vadd.f32 v15, v62  }
0x15d: {  	v43 =	vunpack.i.l.bf16.f32 v40;
	v11 =	vadd.f32 v18, v11;
	v18 =	vmul.bf16 v61, v61  }
0x15e: {  	(xrf2) =	vadd.scan.msk.f32 $0xffff, v3;
	v45 =	vld [tilespmem:s24+$0x55D0];
	v3 =	vunpack.i.u.bf16.f32 v40;
	v22 =	vunpack.i.l.bf16.f32 v14;
	v13 =	vadd.f32 v23, v13  }
0x15f: {  	v39 =	vld [tilespmem:s24+$0x55C0];
	v14 =	vunpack.i.u.bf16.f32 v14;
	v31 =	vunpack.i.l.bf16.f32 v18;
	v12 =	vadd.f32 v22, v12  }
0x160: {  	v33 =	vadd.f32 v31, v16;
	v13 =	vadd.f32 v13, v17;
	v17 =	vmul.bf16 v29, v29  }
0x161: {  	v41 =	vld [tilespmem:s24+$0x5600];
	v49 =	vunpack.i.u.bf16.f32 v19;
	v18 =	vunpack.i.u.bf16.f32 v18;
	v12 =	vadd.f32 v12, v14  }
0x162: {  	v14 =	vadd.f32 v33, v18;
	v42 =	vunpack.i.u.bf16.f32 v17;
	v17 =	vunpack.i.l.bf16.f32 v17  }
0x163: {  	v55 =	vmul.bf16 v45, v45;
	v16 =	vunpack.i.l.bf16.f32 v34;
	v44 =	vadd.f32 v17, v42  }
0x164: {  	v48 =	vld [tilespmem:s24+$0x5610];
	v47 =	vmul.bf16 v39, v39;
	v1 =	vadd.f32 v16, v14;
	v14 =	vadd.f32 v43, v20  }
0x165: {  	v52 =	vunpack.i.l.bf16.f32 v2;
	v2 =	vunpack.i.u.bf16.f32 v2;
	v16 =	vadd.f32 v46, v44  }
0x166: {  	(xrf2) =	vadd.scan.msk.f32 $0xffff, v4;
	v58 =	vunpack.i.l.bf16.f32 v55;
	v50 =	vmul.bf16 v41, v41;
	v3 =	vadd.f32 v14, v3  }
0x167: {  	(xrf2) =	vadd.scan.msk.f32 $0xffff, v5;
	v51 =	vunpack.i.l.bf16.f32 v47;
	v54 =	vunpack.i.u.bf16.f32 v47;
	v4 =	vadd.f32 v16, v49  }
0x168: {  	(xrf2) =	vadd.scan.msk.f32 $0xffff, v6;
	v11 =	vadd.f32 v11, v53;
	v53 =	vunpack.i.l.bf16.f32 v50;
	v3 =	vadd.f32 v51, v3  }
0x169: {  	(xrf2) =	vadd.scan.msk.f32 $0xffff, v8;
	v57 =	vmul.bf16 v48, v48;
	v1 =	vadd.f32 v1, v36;
	v4 =	vadd.f32 v53, v4  }
0x16a: {  	(xrf2) =	vadd.scan.msk.f32 $0xffff, v9;
	v56 =	vunpack.i.u.bf16.f32 v50;
	v13 =	vadd.f32 v30, v13;
	v3 =	vadd.f32 v3, v54  }
0x16b: {  	(xrf2) =	vadd.scan.msk.f32 $0xffff, v10;
	v15 =	vunpack.i.u.bf16.f32 v26;
	v1 =	vadd.f32 v52, v1;
	v4 =	vadd.f32 v4, v56  }
0x16c: {  	v59 =	vunpack.i.l.bf16.f32 v57;
	(xrf2) =	vadd.scan.msk.f32 $0xffff, v11;
	v13 =	vadd.f32 v13, v15;
	v3 =	vadd.f32 v58, v3  }
0x16d: {  	v60, _, _ =	vpop (xrf2);
	(xrf2) =	vadd.scan.msk.f32 $0xffff, v12;
	v1 =	vadd.f32 v1, v2;
	v2 =	vunpack.i.u.bf16.f32 v55;
	v4 =	vadd.f32 v59, v4  }
0x16e: {  	v61 =	vperm.xlane v60, v0;
	v62, _, _ =	vpop (xrf2);
	(xrf2) =	vadd.scan.msk.f32 $0xffff, v13;
	v2 =	vadd.f32 v3, v2;
	v3 =	vunpack.i.u.bf16.f32 v57  }
0x16f: {  	v6 =	vperm.xlane v62, v0;
	v63, _, _ =	vpop (xrf2);
	(xrf2) =	vadd.scan.msk.f32 $0xffff, v1;
	v1 =	vadd.f32 v4, v3  }
0x170: {  	v10 =	vperm.xlane v63, v0;
	v11, _, _ =	vpop (xrf2);
	(xrf2) =	vadd.scan.msk.f32 $0xffff, v2;
	v3 =	vsel vm0, v7, v61  }
0x171: {  	v12, _, _ =	vpop (xrf2);
	v2 =	vsel vm1, v3, v6;
	v3 =	vperm.xlane v11, v0;
	(xrf2) =	vadd.scan.msk.f32 $0xffff, v1  }
0x172: {  	v13, _, _ =	vpop (xrf2);
	v1 =	vsel vm2, v2, v10;
	v2 =	vperm.xlane v12, v0  }
0x173: {  	v14, _, _ =	vpop (xrf2);
	v1 =	vsel vm3, v1, v3;
	v3 =	vperm.xlane v13, v0  }
0x174: {  	v15, _, _ =	vpop (xrf2);
	v1 =	vsel vm4, v1, v2;
	v2 =	vperm.xlane v14, v0  }
0x175: {  	v16, _, _ =	vpop (xrf2);
	v1 =	vsel vm5, v1, v3;
	v3 =	vperm.xlane v15, v0  }
0x176: {  	v17, _, _ =	vpop (xrf2);
	v1 =	vsel vm6, v1, v2;
	v2 =	vperm.xlane v16, v0  }
0x177: {  	v18, _, _ =	vpop (xrf2);
	v1 =	vsel vm7, v1, v3;
	v3 =	vperm.xlane v17, v0  }
0x178: {  	v19, _, _ =	vpop (xrf2);
	v1 =	vsel vm8, v1, v2;
	v2 =	vperm.xlane v18, v0  }
0x179: {  	v20, _, _ =	vpop (xrf2);
	v1 =	vsel vm9, v1, v3;
	v3 =	vperm.xlane v19, v0  }
0x17a: {  	v21, _, _ =	vpop (xrf2);
	v1 =	vsel vm10, v1, v2;
	v2 =	vperm.xlane v20, v0  }
0x17b: {  	v1 =	vsel vm11, v1, v3;
	v3 =	vperm.xlane v21, v0;
	v22, _, _ =	vpop (xrf2)  }
0x17c: {  	v1 =	vsel vm12, v1, v2;
	v2 =	vperm.xlane v22, v0  }
0x17d: {  	v1 =	vsel vm13, v1, v3  }
0x17e: {  	v1 =	vsel vm14, v1, v2  }
0x17f: {  	v1 =	vmax.f32 v1, $1.000000000e-30  }
0x180: {  	v2 =	vshra.s32 v1, $0x1;
	v3 =	vmul.f32 $5.000000000e-01, v1  }
0x181: {  	v2 =	vsub.s32 $0x5F3759DF, v2  }
0x182: {  	v23 =	vmul.f32 v2, v3;
	_ =	sdelay $0x1  }
0x183: {  	v4 =	vmul.f32 v2, v23;
	_ =	sdelay $0x1  }
0x184: {  	v4 =	vsub.f32 $1.500000000e+00, v4;
	_ =	sdelay $0x1  }
0x185: {  	v2 =	vmul.f32 v2, v4;
	_ =	sdelay $0x1  }
0x186: {  	v4 =	vmul.f32 v2, v3;
	_ =	sdelay $0x1  }
0x187: {  	v4 =	vmul.f32 v4, v2;
	_ =	sdelay $0x1  }
0x188: {  	v4 =	vsub.f32 $1.500000000e+00, v4;
	_ =	sdelay $0x1  }
0x189: {  	v2 =	vmul.f32 v4, v2;
	_ =	sdelay $0x1  }
0x18a: {  	v3 =	vmul.f32 v2, v3;
	_ =	sdelay $0x1  }
0x18b: {  	v3 =	vmul.f32 v3, v2;
	_ =	sdelay $0x1  }
0x18c: {  	v3 =	vsub.f32 $1.500000000e+00, v3;
	_ =	sdelay $0x1  }
0x18d: {  	v2 =	vmul.f32 v3, v2;
	_ =	sdelay $0x1  }
0x18e: {  	v1 =	vmul.f32 v2, v1;
	_ =	sdelay $0x1  }
0x18f: {  	v1 =	vsub.f32 $0.0e+00, v1;
	_ =	sdelay $0x1  }
0x190: {  	v1 =	vmul.f32 $1.442695020e+00, v1;
	_ =	sdelay $0x1  }
0x191: {  	(erf) = vpow2.f32 v1;
	_ =	sdelay $0x8  }
0x192: {  	v1 =	vpop (erf)  }
0x193: {  	[tilespmem:s22+$0xFFFFFFF0] =	vst v1  }
0x194: {  	v1 =	vld [tilespmem:s24+$0x5620]  }
0x195: {  	v2 =	vld [tilespmem:s24+$0x5630]  }
0x196: {  	v3 =	vld [tilespmem:s24+$0x5640]  }
0x197: {  	v25 =	vld [tilespmem:s24+$0x5660]  }
0x198: {  	v28 =	vld [tilespmem:s24+$0x5670]  }
0x199: {  	v29 =	vld [tilespmem:s24+$0x5680]  }
0x19a: {  	v30 =	vld [tilespmem:s24+$0x56A0]  }
0x19b: {  	v36 =	vld [tilespmem:s24+$0x5690]  }
0x19c: {  	v38 =	vld [tilespmem:s24+$0x56C0]  }
0x19d: {  	v44 =	vld [tilespmem:s24+$0x56D0]  }
0x19e: {  	v48 =	vld [tilespmem:s24+$0x5700]  }
0x19f: {  	v50 =	vld [tilespmem:s24+$0x5730]  }
0x1a0: {  	v56 =	vld [tilespmem:s24+$0x5740]  }
0x1a1: {  	v59 =	vld [tilespmem:s24+$0x5760];
	v1 =	vmul.bf16 v1, v1;
	v2 =	vmul.bf16 v2, v2  }
0x1a2: {  	v61 =	vld [tilespmem:s24+$0x5750];
	v3 =	vmul.bf16 v3, v3;
	v4 =	vmul.bf16 v25, v25  }
0x1a3: {  	v20 =	vld [tilespmem:s24+$0x57A0];
	v5 =	vmul.bf16 v28, v28;
	v35 =	vmul.bf16 v29, v29  }
0x1a4: {  	v6 =	vmul.bf16 v30, v30;
	v41 =	vmul.bf16 v36, v36  }
0x1a5: {  	v45 =	vmul.bf16 v38, v38;
	v9 =	vmul.bf16 v44, v44  }
0x1a6: {  	v55 =	vmul.bf16 v48, v48;
	v10 =	vmul.bf16 v50, v50  }
0x1a7: {  	v14 =	vmul.bf16 v56, v56;
	v17 =	vmul.bf16 v59, v59  }
0x1a8: {  	v19 =	vmul.bf16 v61, v61;
	v12 =	vmul.bf16 v20, v20;
	v24 =	vunpack.i.u.bf16.f32 v1  }
0x1a9: {  	v1 =	vunpack.i.l.bf16.f32 v1;
	v26 =	vunpack.i.l.bf16.f32 v2;
	v2 =	vunpack.i.u.bf16.f32 v2  }
0x1aa: {  	v31 =	vunpack.i.u.bf16.f32 v4;
	v4 =	vunpack.i.l.bf16.f32 v4;
	v34 =	vunpack.i.l.bf16.f32 v5  }
0x1ab: {  	v5 =	vunpack.i.u.bf16.f32 v5;
	v37 =	vunpack.i.u.bf16.f32 v6;
	v6 =	vunpack.i.l.bf16.f32 v6  }
0x1ac: {  	v27 =	vld [tilespmem:s24+$0x5650];
	v40 =	vunpack.i.u.bf16.f32 v35;
	v43 =	vunpack.i.l.bf16.f32 v41;
	v1 =	vadd.f32 v1, v24  }
0x1ad: {  	v18 =	vld [tilespmem:s24+$0x5780];
	v8 =	vunpack.i.u.bf16.f32 v41;
	v49 =	vunpack.i.l.bf16.f32 v45;
	v54 =	vunpack.i.u.bf16.f32 v9  }
0x1ae: {  	v36 =	vld [tilespmem:s24+$0x57D0];
	v9 =	vunpack.i.l.bf16.f32 v9;
	v58 =	vunpack.i.l.bf16.f32 v55;
	v1 =	vadd.f32 v26, v1  }
0x1af: {  	v48 =	vld [tilespmem:s24+$0x5840];
	v60 =	vunpack.i.l.bf16.f32 v10;
	v63 =	vunpack.i.u.bf16.f32 v10;
	v16 =	vunpack.i.l.bf16.f32 v14  }
0x1b0: {  	v32 =	vld [tilespmem:s24+$0x56B0];
	v10 =	vunpack.i.u.bf16.f32 v14;
	v21 =	vunpack.i.u.bf16.f32 v17;
	v1 =	vadd.f32 v1, v2  }
0x1b1: {  	v23 =	vunpack.i.l.bf16.f32 v19;
	v30 =	vunpack.i.u.bf16.f32 v12;
	v2 =	vunpack.i.l.bf16.f32 v3  }
0x1b2: {  	v12 =	vunpack.i.l.bf16.f32 v12;
	v26 =	vmul.bf16 v18, v18;
	v1 =	vadd.f32 v2, v1  }
0x1b3: {  	v13 =	vmul.bf16 v36, v36;
	v3 =	vunpack.i.u.bf16.f32 v3;
	v2 =	vmul.bf16 v27, v27;
	v27 =	vld [tilespmem:s24+$0x5790]  }
0x1b4: {  	v39 =	vld [tilespmem:s24+$0x56F0];
	v56 =	vmul.bf16 v48, v48;
	v1 =	vadd.f32 v1, v3;
	v3 =	vadd.f32 v4, v31  }
0x1b5: {  	v46 =	vld [tilespmem:s24+$0x5720];
	v28 =	vunpack.i.l.bf16.f32 v26;
	v33 =	vunpack.i.l.bf16.f32 v2;
	v4 =	vmul.bf16 v32, v32  }
0x1b6: {  	v53 =	vld [tilespmem:s24+$0x5710];
	v59 =	vunpack.i.l.bf16.f32 v56;
	v1 =	vadd.f32 v33, v1;
	v3 =	vadd.f32 v34, v3  }
0x1b7: {  	v2 =	vunpack.i.u.bf16.f32 v2;
	v31 =	vld [tilespmem:s24+$0x57C0];
	v32 =	vadd.f32 v12, v30;
	v42 =	vunpack.i.l.bf16.f32 v4  }
0x1b8: {  	v33 =	vld [tilespmem:s24+$0x57F0];
	v11 =	vmul.bf16 v27, v27;
	v7 =	vadd.f32 v1, v2;
	v1 =	vadd.f32 v3, v5  }
0x1b9: {  	v4 =	vunpack.i.u.bf16.f32 v4;
	v2 =	vunpack.i.l.bf16.f32 v35;
	v5 =	vmul.bf16 v39, v39  }
0x1ba: {  	v3 =	vld [tilespmem:s24+$0x56E0];
	v35 =	vunpack.i.l.bf16.f32 v11;
	v11 =	vunpack.i.u.bf16.f32 v11;
	v1 =	vadd.f32 v2, v1  }
0x1bb: {  	v2 =	vadd.f32 v6, v37;
	v51 =	vunpack.i.l.bf16.f32 v5;
	v6 =	vmul.bf16 v46, v46  }
0x1bc: {  	v52 =	vunpack.i.u.bf16.f32 v5;
	v5 =	vmul.bf16 v53, v53;
	v37 =	vmul.bf16 v31, v31  }
0x1bd: {  	v46 =	vunpack.i.u.bf16.f32 v13;
	v13 =	vunpack.i.l.bf16.f32 v13;
	v12 =	vmul.bf16 v33, v33  }
0x1be: {  	v1 =	vadd.f32 v1, v40;
	v2 =	vadd.f32 v42, v2;
	v57 =	vunpack.i.u.bf16.f32 v6  }
0x1bf: {  	v6 =	vunpack.i.l.bf16.f32 v6;
	v15 =	vunpack.i.l.bf16.f32 v5;
	v3 =	vmul.bf16 v3, v3  }
0x1c0: {  	v5 =	vunpack.i.u.bf16.f32 v5;
	v40 =	vld [tilespmem:s24+$0x5800];
	v41 =	vunpack.i.l.bf16.f32 v37;
	v2 =	vadd.f32 v2, v4  }
0x1c1: {  	v62 =	vld [tilespmem:s24+$0x5770];
	v6 =	vadd.f32 v6, v57;
	v47 =	vunpack.i.u.bf16.f32 v3;
	v3 =	vunpack.i.l.bf16.f32 v3  }
0x1c2: {  	v42 =	vld [tilespmem:s24+$0x5830];
	v44 =	vunpack.i.u.bf16.f32 v12;
	v3 =	vadd.f32 v3, v47;
	v2 =	vadd.f32 v49, v2  }
0x1c3: {  	v1 =	vadd.f32 v43, v1;
	v4 =	vunpack.i.u.bf16.f32 v45;
	v6 =	vadd.f32 v60, v6  }
0x1c4: {  	v43 =	vunpack.i.l.bf16.f32 v12;
	v3 =	vadd.f32 v51, v3;
	v2 =	vadd.f32 v2, v4  }
0x1c5: {  	v48 =	vld [tilespmem:s24+$0x5940];
	v1 =	vadd.f32 v1, v8;
	v8 =	vunpack.i.l.bf16.f32 v17;
	v47 =	vmul.bf16 v40, v40  }
0x1c6: {  	v53 =	vld [tilespmem:s24+$0x5850];
	v3 =	vadd.f32 v3, v52;
	v2 =	vadd.f32 v9, v2;
	v9 =	vmul.bf16 v62, v62  }
0x1c7: {  	v22 =	vld [tilespmem:s24+$0x57B0];
	v8 =	vadd.f32 v8, v21;
	v14 =	vmul.bf16 v42, v42;
	v4 =	vunpack.i.u.bf16.f32 v55  }
0x1c8: {  	v51 =	vld [tilespmem:s24+$0x5860];
	v50 =	vunpack.i.l.bf16.f32 v47;
	v3 =	vadd.f32 v58, v3;
	v24 =	vunpack.i.l.bf16.f32 v9  }
0x1c9: {  	v29 =	vld [tilespmem:s24+$0x57E0];
	v55 =	vunpack.i.u.bf16.f32 v14;
	v52 =	vunpack.i.l.bf16.f32 v14;
	v25 =	vadd.f32 v24, v8  }
0x1ca: {  	v14 =	vunpack.i.u.bf16.f32 v56;
	v24 =	vld [tilespmem:s24+$0x5890];
	v3 =	vadd.f32 v3, v4;
	v4 =	vadd.f32 v6, v63  }
0x1cb: {  	v62 =	vmul.bf16 v53, v53;
	v56 =	vmul.bf16 v48, v48;
	v2 =	vadd.f32 v2, v54;
	v63 =	vld [tilespmem:s24+$0x58A0]  }
0x1cc: {  	v9 =	vunpack.i.u.bf16.f32 v9;
	v3 =	vadd.f32 v15, v3;
	v4 =	vadd.f32 v16, v4  }
0x1cd: {  	v61 =	vld [tilespmem:s24+$0x5880];
	v21 =	vunpack.i.l.bf16.f32 v62;
	v8 =	vunpack.i.u.bf16.f32 v26;
	v60 =	vmul.bf16 v51, v51  }
0x1ce: {  	v53 =	vld [tilespmem:s24+$0x5950];
	v6 =	vunpack.i.u.bf16.f32 v19;
	v4 =	vadd.f32 v4, v10;
	v3 =	vadd.f32 v3, v5  }
0x1cf: {  	v5 =	vadd.f32 v25, v9;
	v10 =	vmul.bf16 v22, v22;
	v9 =	vmul.bf16 v29, v29  }
0x1d0: {  	v16 =	vunpack.i.u.bf16.f32 v60;
	v12 =	vmul.bf16 v24, v24;
	v25 =	vmul.bf16 v63, v63  }
0x1d1: {  	v29 =	vld [tilespmem:s24+$0x58C0];
	v4 =	vadd.f32 v23, v4;
	v5 =	vadd.f32 v28, v5;
	v34 =	vunpack.i.l.bf16.f32 v10  }
0x1d2: {  	v38 =	vld [tilespmem:s24+$0x5820];
	v10 =	vunpack.i.u.bf16.f32 v10;
	v39 =	vunpack.i.u.bf16.f32 v9;
	v9 =	vunpack.i.l.bf16.f32 v9  }
0x1d3: {  	v23 =	vmul.bf16 v61, v61;
	v61 =	vmul.bf16 v53, v53;
	v9 =	vadd.f32 v9, v39  }
0x1d4: {  	v45 =	vld [tilespmem:s24+$0x5810];
	v15 =	vunpack.i.u.bf16.f32 v25;
	v4 =	vadd.f32 v4, v6;
	v5 =	vadd.f32 v5, v8  }
0x1d5: {  	v6 =	vadd.f32 v34, v32;
	v8 =	vunpack.i.u.bf16.f32 v37;
	v27 =	vunpack.i.l.bf16.f32 v23;
	v37 =	vld [tilespmem:s24+$0x5920]  }
0x1d6: {  	v34 =	vunpack.i.l.bf16.f32 v12;
	v36 =	vmul.bf16 v29, v29;
	v5 =	vadd.f32 v35, v5  }
0x1d7: {  	v39 =	vld [tilespmem:s24+$0x5900];
	v12 =	vunpack.i.u.bf16.f32 v12;
	v6 =	vadd.f32 v6, v10;
	v10 =	vmul.bf16 v38, v38  }
0x1d8: {  	v9 =	vadd.f32 v43, v9;
	v35 =	vld [tilespmem:s24+$0x58D0];
	v40 =	vunpack.i.l.bf16.f32 v36;
	v5 =	vadd.f32 v5, v11  }
0x1d9: {  	v54 =	vld [tilespmem:s24+$0x5870];
	v6 =	vadd.f32 v41, v6;
	v49 =	vunpack.i.u.bf16.f32 v10;
	v10 =	vunpack.i.l.bf16.f32 v10  }
0x1da: {  	v11 =	vmul.bf16 v45, v45;
	v41 =	vld [tilespmem:s24+$0x5930];
	v10 =	vadd.f32 v10, v49;
	v45 =	vmul.bf16 v37, v37  }
0x1db: {  	v6 =	vadd.f32 v6, v8;
	v8 =	vadd.f32 v9, v44;
	v9 =	vunpack.i.u.bf16.f32 v47  }
0x1dc: {  	v57 =	vunpack.i.l.bf16.f32 v11;
	v11 =	vunpack.i.u.bf16.f32 v11;
	v47 =	vmul.bf16 v39, v39  }
0x1dd: {  	v20 =	vld [tilespmem:s24+$0x58B0];
	v10 =	vadd.f32 v52, v10;
	v18 =	vmul.bf16 v35, v35;
	v8 =	vadd.f32 v50, v8  }
0x1de: {  	v49 =	vunpack.i.u.bf16.f32 v45;
	v6 =	vadd.f32 v13, v6;
	v13 =	vmul.bf16 v54, v54  }
0x1df: {  	v50 =	vunpack.i.l.bf16.f32 v47;
	v17 =	vmul.bf16 v41, v41;
	v8 =	vadd.f32 v8, v9  }
0x1e0: {  	v51 =	vld [tilespmem:s24+$0x5960];
	v6 =	vadd.f32 v6, v46;
	v9 =	vadd.f32 v10, v55;
	v10 =	vunpack.i.l.bf16.f32 v60  }
0x1e1: {  	(xrf2) =	vadd.scan.msk.f32 $0xffff, v7;
	v22 =	vunpack.i.l.bf16.f32 v13;
	v13 =	vunpack.i.u.bf16.f32 v13;
	v46 =	vunpack.i.u.bf16.f32 v18  }
0x1e2: {  	v28 =	vld [tilespmem:s24+$0x58E0];
	v18 =	vunpack.i.l.bf16.f32 v18;
	v10 =	vadd.f32 v10, v16;
	v16 =	vmul.bf16 v20, v20  }
0x1e3: {  	v60 =	vld [tilespmem:s24+$0x5980];
	v52 =	vunpack.i.l.bf16.f32 v17;
	v55 =	vunpack.i.u.bf16.f32 v17;
	v17 =	vunpack.i.u.bf16.f32 v56  }
0x1e4: {  	v58 =	vadd.f32 v57, v8;
	v8 =	vadd.f32 v59, v9;
	v9 =	vunpack.i.u.bf16.f32 v62  }
0x1e5: {  	v30 =	vld [tilespmem:s24+$0x58F0];
	v59 =	vmul.bf16 v51, v51;
	v10 =	vadd.f32 v22, v10;
	v32 =	vunpack.i.l.bf16.f32 v16  }
0x1e6: {  	v62 =	vld [tilespmem:s24+$0x59A0];
	v16 =	vunpack.i.u.bf16.f32 v16;
	v14 =	vadd.f32 v8, v14;
	v8 =	vadd.f32 v58, v11  }
0x1e7: {  	v11 =	vunpack.i.u.bf16.f32 v23;
	v58 =	vunpack.i.l.bf16.f32 v56;
	v63 =	vunpack.i.u.bf16.f32 v59  }
0x1e8: {  	v26 =	vadd.f32 v10, v13;
	v13 =	vmul.bf16 v28, v28;
	v29 =	vmul.bf16 v60, v60  }
0x1e9: {  	v7 =	vadd.f32 v21, v14;
	v14 =	vunpack.i.l.bf16.f32 v25;
	v25 =	vunpack.i.l.bf16.f32 v61  }
0x1ea: {  	v10 =	vadd.f32 v27, v26;
	v14 =	vadd.f32 v14, v15;
	v38 =	vunpack.i.u.bf16.f32 v13  }
0x1eb: {  	v31, _, _ =	vpop (xrf2);
	v13 =	vunpack.i.l.bf16.f32 v13;
	v15 =	vmul.bf16 v30, v30;
	v20 =	vmul.bf16 v62, v62  }
0x1ec: {  	v9 =	vadd.f32 v7, v9;
	v7 =	vperm.xlane v31, v0;
	v10 =	vadd.f32 v10, v11  }
0x1ed: {  	v13 =	vadd.f32 v13, v38;
	v33 =	vadd.f32 v32, v14;
	v42 =	vunpack.i.l.bf16.f32 v15  }
0x1ee: {  	v27 =	vld [tilespmem:s24+$0x59B0];
	v43 =	vunpack.i.u.bf16.f32 v15;
	v15 =	vunpack.i.l.bf16.f32 v45;
	v10 =	vadd.f32 v34, v10  }
0x1ef: {  	v30 =	vld [tilespmem:s24+$0x59F0];
	v31 =	vunpack.i.u.bf16.f32 v29;
	v15 =	vadd.f32 v15, v49;
	v11 =	vadd.f32 v33, v16  }
0x1f0: {  	v14 =	vunpack.i.u.bf16.f32 v36;
	v32 =	vld [tilespmem:s24+$0x5990];
	v10 =	vadd.f32 v10, v12;
	v12 =	vadd.f32 v42, v13  }
0x1f1: {  	v44 =	vld [tilespmem:s24+$0x5910];
	v16 =	vunpack.i.l.bf16.f32 v59;
	v33 =	vunpack.i.u.bf16.f32 v20;
	v15 =	vadd.f32 v52, v15  }
0x1f2: {  	v54 =	vld [tilespmem:s24+$0x5970];
	v20 =	vunpack.i.l.bf16.f32 v20;
	v16 =	vadd.f32 v16, v63;
	v12 =	vadd.f32 v12, v43  }
0x1f3: {  	v20 =	vadd.f32 v20, v33;
	v35 =	vmul.bf16 v27, v27;
	v11 =	vadd.f32 v40, v11  }
0x1f4: {  	(xrf2) =	vadd.scan.msk.f32 $0xffff, v1;
	v19 =	vmul.bf16 v30, v30;
	v13 =	vunpack.i.u.bf16.f32 v47;
	v12 =	vadd.f32 v50, v12  }
0x1f5: {  	(xrf2) =	vadd.scan.msk.f32 $0xffff, v2;
	v24 =	vld [tilespmem:s24+$0x59E0];
	v38 =	vunpack.i.l.bf16.f32 v35;
	v2 =	vmul.bf16 v32, v32;
	v11 =	vadd.f32 v11, v14  }
0x1f6: {  	v36 =	vld [tilespmem:s24+$0x5A00];
	v14 =	vmul.bf16 v44, v44;
	v12 =	vadd.f32 v12, v13;
	v13 =	vadd.f32 v15, v55  }
0x1f7: {  	v41 =	vunpack.i.l.bf16.f32 v19;
	v11 =	vadd.f32 v18, v11;
	v18 =	vmul.bf16 v54, v54  }
0x1f8: {  	(xrf2) =	vadd.scan.msk.f32 $0xffff, v3;
	v3 =	vunpack.i.u.bf16.f32 v35;
	v57 =	vunpack.i.l.bf16.f32 v14;
	v13 =	vadd.f32 v58, v13  }
0x1f9: {  	v34 =	vld [tilespmem:s24+$0x59C0];
	v14 =	vunpack.i.u.bf16.f32 v14;
	v26 =	vunpack.i.l.bf16.f32 v18;
	v12 =	vadd.f32 v57, v12  }
0x1fa: {  	v28 =	vadd.f32 v26, v16;
	v13 =	vadd.f32 v13, v17;
	v17 =	vmul.bf16 v24, v24  }
0x1fb: {  	v45 =	vmul.bf16 v36, v36;
	v18 =	vunpack.i.u.bf16.f32 v18;
	v12 =	vadd.f32 v12, v14  }
0x1fc: {  	v14 =	vadd.f32 v28, v18;
	v37 =	vunpack.i.u.bf16.f32 v17;
	v17 =	vunpack.i.l.bf16.f32 v17  }
0x1fd: {  	v40 =	vld [tilespmem:s24+$0x59D0];
	v44 =	vunpack.i.u.bf16.f32 v19;
	v16 =	vunpack.i.l.bf16.f32 v29;
	v39 =	vadd.f32 v17, v37  }
0x1fe: {  	v42 =	vmul.bf16 v34, v34;
	v1 =	vadd.f32 v16, v14;
	v14 =	vadd.f32 v38, v20  }
0x1ff: {  	v43 =	vld [tilespmem:s24+$0x5A10];
	v47 =	vunpack.i.l.bf16.f32 v2;
	v48 =	vunpack.i.l.bf16.f32 v45;
	v16 =	vadd.f32 v41, v39  }
0x200: {  	(xrf2) =	vadd.scan.msk.f32 $0xffff, v4;
	v51 =	vunpack.i.u.bf16.f32 v45;
	v2 =	vunpack.i.u.bf16.f32 v2;
	v3 =	vadd.f32 v14, v3  }
0x201: {  	(xrf2) =	vadd.scan.msk.f32 $0xffff, v5;
	v11 =	vadd.f32 v11, v46;
	v46 =	vunpack.i.l.bf16.f32 v42;
	v4 =	vadd.f32 v16, v44  }
0x202: {  	(xrf2) =	vadd.scan.msk.f32 $0xffff, v6;
	v49 =	vunpack.i.u.bf16.f32 v42;
	v50 =	vmul.bf16 v40, v40;
	v3 =	vadd.f32 v46, v3  }
0x203: {  	(xrf2) =	vadd.scan.msk.f32 $0xffff, v8;
	v15 =	vunpack.i.u.bf16.f32 v61;
	v1 =	vadd.f32 v1, v31;
	v4 =	vadd.f32 v48, v4  }
0x204: {  	(xrf2) =	vadd.scan.msk.f32 $0xffff, v9;
	v52 =	vmul.bf16 v43, v43;
	v13 =	vadd.f32 v25, v13;
	v3 =	vadd.f32 v3, v49  }
0x205: {  	(xrf2) =	vadd.scan.msk.f32 $0xffff, v10;
	v53 =	vunpack.i.l.bf16.f32 v50;
	v1 =	vadd.f32 v47, v1;
	v4 =	vadd.f32 v4, v51  }
0x206: {  	(xrf2) =	vadd.scan.msk.f32 $0xffff, v11;
	v54 =	vunpack.i.l.bf16.f32 v52;
	v13 =	vadd.f32 v13, v15;
	v3 =	vadd.f32 v53, v3  }
0x207: {  	v55, _, _ =	vpop (xrf2);
	(xrf2) =	vadd.scan.msk.f32 $0xffff, v12;
	v1 =	vadd.f32 v1, v2;
	v2 =	vunpack.i.u.bf16.f32 v50;
	v4 =	vadd.f32 v54, v4  }
0x208: {  	v56 =	vperm.xlane v55, v0;
	v57, _, _ =	vpop (xrf2);
	(xrf2) =	vadd.scan.msk.f32 $0xffff, v13;
	v2 =	vadd.f32 v3, v2;
	v3 =	vunpack.i.u.bf16.f32 v52  }
0x209: {  	v6 =	vperm.xlane v57, v0;
	v58, _, _ =	vpop (xrf2);
	(xrf2) =	vadd.scan.msk.f32 $0xffff, v1;
	v1 =	vadd.f32 v4, v3  }
0x20a: {  	v59 =	vperm.xlane v58, v0;
	v60, _, _ =	vpop (xrf2);
	(xrf2) =	vadd.scan.msk.f32 $0xffff, v2;
	v3 =	vsel vm0, v7, v56  }
0x20b: {  	v61, _, _ =	vpop (xrf2);
	v2 =	vsel vm1, v3, v6;
	v3 =	vperm.xlane v60, v0;
	(xrf2) =	vadd.scan.msk.f32 $0xffff, v1  }
0x20c: {  	v62, _, _ =	vpop (xrf2);
	v1 =	vsel vm2, v2, v59;
	v2 =	vperm.xlane v61, v0  }
0x20d: {  	v63, _, _ =	vpop (xrf2);
	v1 =	vsel vm3, v1, v3;
	v3 =	vperm.xlane v62, v0  }
0x20e: {  	v8, _, _ =	vpop (xrf2);
	v1 =	vsel vm4, v1, v2;
	v2 =	vperm.xlane v63, v0  }
0x20f: {  	v9, _, _ =	vpop (xrf2);
	v1 =	vsel vm5, v1, v3;
	v3 =	vperm.xlane v8, v0  }
0x210: {  	v10, _, _ =	vpop (xrf2);
	v1 =	vsel vm6, v1, v2;
	v2 =	vperm.xlane v9, v0  }
0x211: {  	v11, _, _ =	vpop (xrf2);
	v1 =	vsel vm7, v1, v3;
	v3 =	vperm.xlane v10, v0  }
0x212: {  	v12, _, _ =	vpop (xrf2);
	v1 =	vsel vm8, v1, v2;
	v2 =	vperm.xlane v11, v0  }
0x213: {  	v13, _, _ =	vpop (xrf2);
	v1 =	vsel vm9, v1, v3;
	v3 =	vperm.xlane v12, v0  }
0x214: {  	v14, _, _ =	vpop (xrf2);
	v1 =	vsel vm10, v1, v2;
	v2 =	vperm.xlane v13, v0  }
0x215: {  	v1 =	vsel vm11, v1, v3;
	v3 =	vperm.xlane v14, v0;
	v15, _, _ =	vpop (xrf2)  }
0x216: {  	v1 =	vsel vm12, v1, v2;
	v2 =	vperm.xlane v15, v0  }
0x217: {  	v1 =	vsel vm13, v1, v3  }
0x218: {  	v1 =	vsel vm14, v1, v2  }
0x219: {  	v1 =	vmax.f32 v1, $1.000000000e-30  }
0x21a: {  	v2 =	vshra.s32 v1, $0x1;
	v3 =	vmul.f32 $5.000000000e-01, v1  }
0x21b: {  	v2 =	vsub.s32 $0x5F3759DF, v2  }
0x21c: {  	v16 =	vmul.f32 v2, v3;
	_ =	sdelay $0x1  }
0x21d: {  	v4 =	vmul.f32 v2, v16;
	_ =	sdelay $0x1  }
0x21e: {  	v4 =	vsub.f32 $1.500000000e+00, v4;
	_ =	sdelay $0x1  }
0x21f: {  	v2 =	vmul.f32 v2, v4;
	_ =	sdelay $0x1  }
0x220: {  	v4 =	vmul.f32 v2, v3;
	_ =	sdelay $0x1  }
0x221: {  	v4 =	vmul.f32 v4, v2;
	_ =	sdelay $0x1  }
0x222: {  	v4 =	vsub.f32 $1.500000000e+00, v4;
	_ =	sdelay $0x1  }
0x223: {  	v2 =	vmul.f32 v4, v2;
	_ =	sdelay $0x1  }
0x224: {  	v3 =	vmul.f32 v2, v3;
	_ =	sdelay $0x1  }
0x225: {  	v3 =	vmul.f32 v3, v2;
	_ =	sdelay $0x1  }
0x226: {  	v3 =	vsub.f32 $1.500000000e+00, v3;
	_ =	sdelay $0x1  }
0x227: {  	v2 =	vmul.f32 v3, v2;
	_ =	sdelay $0x1  }
0x228: {  	v1 =	vmul.f32 v2, v1;
	_ =	sdelay $0x1  }
0x229: {  	v1 =	vsub.f32 $0.0e+00, v1;
	_ =	sdelay $0x1  }
0x22a: {  	v1 =	vmul.f32 $1.442695020e+00, v1;
	_ =	sdelay $0x1  }
0x22b: {  	(erf) = vpow2.f32 v1;
	_ =	sdelay $0x8  }
0x22c: {  	v1 =	vpop (erf)  }
0x22d: {  	[tilespmem:s22+$0x0] =	vst v1  }
0x22e: {  	v1 =	vld [tilespmem:s24+$0x5A20]  }
0x22f: {  	v2 =	vld [tilespmem:s24+$0x5A30]  }
0x230: {  	v3 =	vld [tilespmem:s24+$0x5A40]  }
0x231: {  	v18 =	vld [tilespmem:s24+$0x5A60]  }
0x232: {  	v21 =	vld [tilespmem:s24+$0x5A70]  }
0x233: {  	v22 =	vld [tilespmem:s24+$0x5A80]  }
0x234: {  	v23 =	vld [tilespmem:s24+$0x5AA0]  }
0x235: {  	v29 =	vld [tilespmem:s24+$0x5A90]  }
0x236: {  	v31 =	vld [tilespmem:s24+$0x5AC0]  }
0x237: {  	v37 =	vld [tilespmem:s24+$0x5AD0]  }
0x238: {  	v41 =	vld [tilespmem:s24+$0x5B00]  }
0x239: {  	v43 =	vld [tilespmem:s24+$0x5B30]  }
0x23a: {  	v49 =	vld [tilespmem:s24+$0x5B40]  }
0x23b: {  	v52 =	vld [tilespmem:s24+$0x5B60];
	v1 =	vmul.bf16 v1, v1  }
0x23c: {  	v54 =	vld [tilespmem:s24+$0x5B50];
	v2 =	vmul.bf16 v2, v2;
	v3 =	vmul.bf16 v3, v3  }
0x23d: {  	v61 =	vld [tilespmem:s24+$0x5B80];
	v4 =	vmul.bf16 v18, v18;
	v5 =	vmul.bf16 v21, v21  }
0x23e: {  	v63 =	vld [tilespmem:s24+$0x5BA0];
	v28 =	vmul.bf16 v22, v22;
	v6 =	vmul.bf16 v23, v23  }
0x23f: {  	v34 =	vmul.bf16 v29, v29;
	v38 =	vmul.bf16 v31, v31  }
0x240: {  	v9 =	vmul.bf16 v37, v37;
	v48 =	vmul.bf16 v41, v41  }
0x241: {  	v10 =	vmul.bf16 v43, v43;
	v57 =	vmul.bf16 v49, v49  }
0x242: {  	v60 =	vmul.bf16 v52, v52;
	v62 =	vmul.bf16 v54, v54  }
0x243: {  	v21 =	vmul.bf16 v61, v61;
	v12 =	vmul.bf16 v63, v63  }
0x244: {  	v17 =	vunpack.i.u.bf16.f32 v1;
	v1 =	vunpack.i.l.bf16.f32 v1;
	v19 =	vunpack.i.l.bf16.f32 v2  }
0x245: {  	v2 =	vunpack.i.u.bf16.f32 v2;
	v24 =	vunpack.i.u.bf16.f32 v4;
	v4 =	vunpack.i.l.bf16.f32 v4  }
0x246: {  	v27 =	vunpack.i.l.bf16.f32 v5;
	v5 =	vunpack.i.u.bf16.f32 v5;
	v30 =	vunpack.i.u.bf16.f32 v6  }
0x247: {  	v20 =	vld [tilespmem:s24+$0x5A50];
	v6 =	vunpack.i.l.bf16.f32 v6;
	v33 =	vunpack.i.u.bf16.f32 v28;
	v1 =	vadd.f32 v1, v17  }
0x248: {  	v22 =	vld [tilespmem:s24+$0x5B90];
	v36 =	vunpack.i.l.bf16.f32 v34;
	v8 =	vunpack.i.u.bf16.f32 v34;
	v42 =	vunpack.i.l.bf16.f32 v38  }
0x249: {  	v31 =	vld [tilespmem:s24+$0x5BD0];
	v47 =	vunpack.i.u.bf16.f32 v9;
	v9 =	vunpack.i.l.bf16.f32 v9;
	v1 =	vadd.f32 v19, v1  }
0x24a: {  	v37 =	vld [tilespmem:s24+$0x5C30];
	v51 =	vunpack.i.l.bf16.f32 v48;
	v53 =	vunpack.i.l.bf16.f32 v10;
	v56 =	vunpack.i.u.bf16.f32 v10  }
0x24b: {  	v59 =	vunpack.i.l.bf16.f32 v57;
	v10 =	vunpack.i.u.bf16.f32 v57;
	v1 =	vadd.f32 v1, v2  }
0x24c: {  	v25 =	vld [tilespmem:s24+$0x5AB0];
	v16 =	vunpack.i.u.bf16.f32 v60;
	v18 =	vunpack.i.l.bf16.f32 v62;
	v2 =	vunpack.i.l.bf16.f32 v3  }
0x24d: {  	v23 =	vunpack.i.l.bf16.f32 v21;
	v11 =	vmul.bf16 v22, v22;
	v1 =	vadd.f32 v2, v1  }
0x24e: {  	v13 =	vmul.bf16 v31, v31;
	v3 =	vunpack.i.u.bf16.f32 v3;
	v2 =	vmul.bf16 v20, v20  }
0x24f: {  	v32 =	vld [tilespmem:s24+$0x5AF0];
	v14 =	vmul.bf16 v37, v37;
	v1 =	vadd.f32 v1, v3;
	v3 =	vadd.f32 v4, v24  }
0x250: {  	v41 =	vunpack.i.u.bf16.f32 v13;
	v13 =	vunpack.i.l.bf16.f32 v13;
	v26 =	vunpack.i.l.bf16.f32 v2  }
0x251: {  	v39 =	vld [tilespmem:s24+$0x5B20];
	v4 =	vmul.bf16 v25, v25;
	v1 =	vadd.f32 v26, v1;
	v3 =	vadd.f32 v27, v3  }
0x252: {  	v46 =	vld [tilespmem:s24+$0x5B10];
	v2 =	vunpack.i.u.bf16.f32 v2;
	v25 =	vunpack.i.u.bf16.f32 v12;
	v12 =	vunpack.i.l.bf16.f32 v12  }
0x253: {  	v35 =	vunpack.i.l.bf16.f32 v4;
	v26 =	vld [tilespmem:s24+$0x5BC0];
	v7 =	vadd.f32 v1, v2;
	v1 =	vadd.f32 v3, v5  }
0x254: {  	v27 =	vadd.f32 v12, v25;
	v2 =	vunpack.i.l.bf16.f32 v28;
	v5 =	vmul.bf16 v32, v32  }
0x255: {  	v4 =	vunpack.i.u.bf16.f32 v4;
	v3 =	vld [tilespmem:s24+$0x5AE0];
	v1 =	vadd.f32 v2, v1;
	v2 =	vadd.f32 v6, v30  }
0x256: {  	v28 =	vld [tilespmem:s24+$0x5BF0];
	v44 =	vunpack.i.l.bf16.f32 v5;
	v45 =	vunpack.i.u.bf16.f32 v5;
	v6 =	vmul.bf16 v39, v39  }
0x257: {  	v5 =	vmul.bf16 v46, v46;
	v30 =	vunpack.i.l.bf16.f32 v11;
	v11 =	vunpack.i.u.bf16.f32 v11  }
0x258: {  	v32 =	vmul.bf16 v26, v26;
	v1 =	vadd.f32 v1, v33;
	v2 =	vadd.f32 v35, v2  }
0x259: {  	v50 =	vunpack.i.u.bf16.f32 v6;
	v6 =	vunpack.i.l.bf16.f32 v6;
	v58 =	vunpack.i.l.bf16.f32 v5  }
0x25a: {  	v63 =	vld [tilespmem:s24+$0x5C90];
	v5 =	vunpack.i.u.bf16.f32 v5;
	v3 =	vmul.bf16 v3, v3;
	v6 =	vadd.f32 v6, v50  }
0x25b: {  	v12 =	vmul.bf16 v28, v28;
	v50 =	vunpack.i.u.bf16.f32 v14;
	v1 =	vadd.f32 v36, v1  }
0x25c: {  	v35 =	vld [tilespmem:s24+$0x5C00];
	v2 =	vadd.f32 v2, v4;
	v40 =	vunpack.i.u.bf16.f32 v3;
	v3 =	vunpack.i.l.bf16.f32 v3  }
0x25d: {  	v55 =	vld [tilespmem:s24+$0x5B70];
	v4 =	vunpack.i.u.bf16.f32 v38;
	v36 =	vunpack.i.l.bf16.f32 v32;
	v3 =	vadd.f32 v3, v40  }
0x25e: {  	v46 =	vld [tilespmem:s24+$0x5C60];
	v6 =	vadd.f32 v53, v6;
	v38 =	vunpack.i.l.bf16.f32 v12;
	v2 =	vadd.f32 v42, v2  }
0x25f: {  	v43 =	vld [tilespmem:s24+$0x5C40];
	v39 =	vunpack.i.u.bf16.f32 v12;
	v12 =	vmul.bf16 v63, v63;
	v3 =	vadd.f32 v44, v3  }
0x260: {  	v1 =	vadd.f32 v1, v8;
	v8 =	vunpack.i.l.bf16.f32 v60;
	v2 =	vadd.f32 v2, v4  }
0x261: {  	v8 =	vadd.f32 v8, v16;
	v42 =	vmul.bf16 v35, v35;
	v3 =	vadd.f32 v3, v45  }
0x262: {  	v4 =	vunpack.i.u.bf16.f32 v48;
	v48 =	vld [tilespmem:s24+$0x5C50];
	v2 =	vadd.f32 v9, v2;
	v9 =	vmul.bf16 v55, v55  }
0x263: {  	v17 =	vld [tilespmem:s24+$0x5BB0];
	v45 =	vunpack.i.l.bf16.f32 v42;
	v55 =	vmul.bf16 v46, v46;
	v3 =	vadd.f32 v51, v3  }
0x264: {  	v2 =	vadd.f32 v2, v47;
	v19 =	vunpack.i.l.bf16.f32 v9;
	v51 =	vmul.bf16 v43, v43;
	v43 =	vld [tilespmem:s24+$0x5D40]  }
0x265: {  	v24 =	vld [tilespmem:s24+$0x5BE0];
	v9 =	vunpack.i.u.bf16.f32 v9;
	v3 =	vadd.f32 v3, v4;
	v4 =	vadd.f32 v6, v56  }
0x266: {  	v47 =	vunpack.i.l.bf16.f32 v14;
	v16 =	vunpack.i.u.bf16.f32 v55;
	v20 =	vadd.f32 v19, v8;
	v56 =	vld [tilespmem:s24+$0x5C80]  }
0x267: {  	v8 =	vunpack.i.u.bf16.f32 v21;
	v57 =	vmul.bf16 v48, v48;
	v48 =	vld [tilespmem:s24+$0x5D50];
	v4 =	vadd.f32 v59, v4  }
0x268: {  	v6 =	vunpack.i.u.bf16.f32 v62;
	v54 =	vunpack.i.l.bf16.f32 v51;
	v3 =	vadd.f32 v58, v3  }
0x269: {  	v14 =	vunpack.i.u.bf16.f32 v51;
	v58 =	vld [tilespmem:s24+$0x5CA0];
	v51 =	vmul.bf16 v43, v43;
	v4 =	vadd.f32 v4, v10  }
0x26a: {  	v3 =	vadd.f32 v3, v5;
	v5 =	vadd.f32 v20, v9;
	v10 =	vmul.bf16 v17, v17  }
0x26b: {  	v60 =	vunpack.i.l.bf16.f32 v57;
	v9 =	vmul.bf16 v24, v24;
	v62 =	vmul.bf16 v56, v56  }
0x26c: {  	v24 =	vld [tilespmem:s24+$0x5CC0];
	v56 =	vmul.bf16 v48, v48;
	v4 =	vadd.f32 v18, v4;
	v5 =	vadd.f32 v23, v5  }
0x26d: {  	v33 =	vld [tilespmem:s24+$0x5C20];
	v29 =	vunpack.i.l.bf16.f32 v10;
	v34 =	vunpack.i.u.bf16.f32 v9;
	v9 =	vunpack.i.l.bf16.f32 v9  }
0x26e: {  	v10 =	vunpack.i.u.bf16.f32 v10;
	v9 =	vadd.f32 v9, v34;
	v20 =	vmul.bf16 v58, v58  }
0x26f: {  	v40 =	vld [tilespmem:s24+$0x5C10];
	v22 =	vunpack.i.l.bf16.f32 v62;
	v4 =	vadd.f32 v4, v6;
	v5 =	vadd.f32 v5, v8  }
0x270: {  	v6 =	vadd.f32 v29, v27;
	v8 =	vunpack.i.u.bf16.f32 v32;
	v29 =	vunpack.i.l.bf16.f32 v12;
	v32 =	vld [tilespmem:s24+$0x5D20]  }
0x271: {  	v12 =	vunpack.i.u.bf16.f32 v12;
	v31 =	vmul.bf16 v24, v24;
	v5 =	vadd.f32 v30, v5  }
0x272: {  	v34 =	vld [tilespmem:s24+$0x5D00];
	v9 =	vadd.f32 v38, v9;
	v6 =	vadd.f32 v6, v10;
	v10 =	vmul.bf16 v33, v33  }
0x273: {  	v15 =	vunpack.i.u.bf16.f32 v20;
	v30 =	vld [tilespmem:s24+$0x5CD0];
	v35 =	vunpack.i.l.bf16.f32 v31;
	v5 =	vadd.f32 v5, v11  }
0x274: {  	v49 =	vld [tilespmem:s24+$0x5C70];
	v6 =	vadd.f32 v36, v6;
	v44 =	vunpack.i.u.bf16.f32 v10;
	v10 =	vunpack.i.l.bf16.f32 v10  }
0x275: {  	v11 =	vmul.bf16 v40, v40;
	v36 =	vld [tilespmem:s24+$0x5D30];
	v10 =	vadd.f32 v10, v44;
	v40 =	vmul.bf16 v32, v32  }
0x276: {  	v6 =	vadd.f32 v6, v8;
	v8 =	vadd.f32 v9, v39;
	v9 =	vunpack.i.u.bf16.f32 v42  }
0x277: {  	v52 =	vunpack.i.l.bf16.f32 v11;
	v11 =	vunpack.i.u.bf16.f32 v11;
	v42 =	vmul.bf16 v34, v34  }
0x278: {  	v59 =	vld [tilespmem:s24+$0x5CB0];
	v10 =	vadd.f32 v47, v10;
	v18 =	vmul.bf16 v30, v30;
	v8 =	vadd.f32 v45, v8  }
0x279: {  	v44 =	vunpack.i.u.bf16.f32 v40;
	v6 =	vadd.f32 v13, v6;
	v13 =	vmul.bf16 v49, v49  }
0x27a: {  	v45 =	vunpack.i.l.bf16.f32 v42;
	v17 =	vmul.bf16 v36, v36;
	v8 =	vadd.f32 v8, v9  }
0x27b: {  	v46 =	vld [tilespmem:s24+$0x5D60];
	v6 =	vadd.f32 v6, v41;
	v9 =	vadd.f32 v10, v50;
	v10 =	vunpack.i.l.bf16.f32 v55  }
0x27c: {  	v61 =	vunpack.i.l.bf16.f32 v13;
	v13 =	vunpack.i.u.bf16.f32 v13;
	v41 =	vunpack.i.u.bf16.f32 v18  }
0x27d: {  	(xrf2) =	vadd.scan.msk.f32 $0xffff, v7;
	v23 =	vld [tilespmem:s24+$0x5CE0];
	v18 =	vunpack.i.l.bf16.f32 v18;
	v10 =	vadd.f32 v10, v16;
	v16 =	vmul.bf16 v59, v59  }
0x27e: {  	v36 =	vld [tilespmem:s24+$0x5DD0];
	v47 =	vunpack.i.l.bf16.f32 v17;
	v50 =	vunpack.i.u.bf16.f32 v17;
	v17 =	vunpack.i.u.bf16.f32 v51  }
0x27f: {  	v55 =	vld [tilespmem:s24+$0x5D80];
	v53 =	vadd.f32 v52, v8;
	v8 =	vadd.f32 v54, v9;
	v9 =	vunpack.i.u.bf16.f32 v57  }
0x280: {  	v54 =	vmul.bf16 v46, v46;
	v10 =	vadd.f32 v61, v10;
	v27 =	vunpack.i.l.bf16.f32 v16  }
0x281: {  	v25 =	vld [tilespmem:s24+$0x5CF0];
	v16 =	vunpack.i.u.bf16.f32 v16;
	v14 =	vadd.f32 v8, v14;
	v8 =	vadd.f32 v53, v11  }
0x282: {  	v57 =	vld [tilespmem:s24+$0x5DA0];
	v11 =	vunpack.i.u.bf16.f32 v62;
	v53 =	vunpack.i.l.bf16.f32 v51;
	v58 =	vunpack.i.u.bf16.f32 v54  }
0x283: {  	v46 =	vmul.bf16 v36, v36;
	v21 =	vadd.f32 v10, v13;
	v13 =	vmul.bf16 v23, v23  }
0x284: {  	v24 =	vmul.bf16 v55, v55;
	v7 =	vadd.f32 v60, v14;
	v14 =	vunpack.i.l.bf16.f32 v20  }
0x285: {  	v60 =	vunpack.i.l.bf16.f32 v56;
	v10 =	vadd.f32 v22, v21;
	v14 =	vadd.f32 v14, v15  }
0x286: {  	v33 =	vunpack.i.u.bf16.f32 v13;
	v13 =	vunpack.i.l.bf16.f32 v13;
	v15 =	vmul.bf16 v25, v25  }
0x287: {  	(xrf2) =	vadd.scan.msk.f32 $0xffff, v1;
	v26, _, _ =	vpop (xrf2);
	v62 =	vld [tilespmem:s24+$0x5DB0];
	v20 =	vmul.bf16 v57, v57;
	v1 =	vunpack.i.u.bf16.f32 v24;
	v10 =	vadd.f32 v10, v11  }
0x288: {  	v9 =	vadd.f32 v7, v9;
	v7 =	vperm.xlane v26, v0;
	v13 =	vadd.f32 v13, v33  }
0x289: {  	v26 =	vunpack.i.l.bf16.f32 v24;
	v28 =	vadd.f32 v27, v14;
	v10 =	vadd.f32 v29, v10  }
0x28a: {  	v37 =	vunpack.i.l.bf16.f32 v15;
	v14 =	vunpack.i.u.bf16.f32 v31;
	v38 =	vunpack.i.u.bf16.f32 v15  }
0x28b: {  	v39 =	vld [tilespmem:s24+$0x5D10];
	v15 =	vunpack.i.l.bf16.f32 v40;
	v10 =	vadd.f32 v10, v12;
	v12 =	vadd.f32 v37, v13  }
0x28c: {  	v25 =	vld [tilespmem:s24+$0x5DF0];
	v31 =	vmul.bf16 v62, v62;
	v15 =	vadd.f32 v15, v44;
	v11 =	vadd.f32 v28, v16  }
0x28d: {  	v27 =	vld [tilespmem:s24+$0x5D90];
	v16 =	vunpack.i.l.bf16.f32 v54;
	v28 =	vunpack.i.u.bf16.f32 v20;
	v12 =	vadd.f32 v12, v38  }
0x28e: {  	(xrf2) =	vadd.scan.msk.f32 $0xffff, v2;
	v49 =	vld [tilespmem:s24+$0x5D70];
	v20 =	vunpack.i.l.bf16.f32 v20;
	v15 =	vadd.f32 v47, v15;
	v11 =	vadd.f32 v35, v11  }
0x28f: {  	(xrf2) =	vadd.scan.msk.f32 $0xffff, v3;
	v3 =	vunpack.i.u.bf16.f32 v31;
	v16 =	vadd.f32 v16, v58;
	v12 =	vadd.f32 v45, v12  }
0x290: {  	v59 =	vld [tilespmem:s24+$0x5DE0];
	v30 =	vadd.f32 v20, v28;
	v13 =	vunpack.i.u.bf16.f32 v42;
	v11 =	vadd.f32 v11, v14  }
0x291: {  	v19 =	vmul.bf16 v25, v25;
	v12 =	vadd.f32 v12, v13;
	v13 =	vadd.f32 v15, v50  }
0x292: {  	v35 =	vunpack.i.l.bf16.f32 v31;
	v2 =	vmul.bf16 v27, v27;
	v14 =	vmul.bf16 v39, v39  }
0x293: {  	v11 =	vadd.f32 v18, v11;
	v18 =	vmul.bf16 v49, v49;
	v13 =	vadd.f32 v53, v13  }
0x294: {  	v37 =	vunpack.i.l.bf16.f32 v19;
	v40 =	vunpack.i.u.bf16.f32 v19;
	v52 =	vunpack.i.l.bf16.f32 v14  }
0x295: {  	v29 =	vld [tilespmem:s24+$0x5DC0];
	v61 =	vunpack.i.l.bf16.f32 v18;
	v13 =	vadd.f32 v13, v17;
	v17 =	vmul.bf16 v59, v59  }
0x296: {  	v32 =	vld [tilespmem:s24+$0x5E00];
	v14 =	vunpack.i.u.bf16.f32 v14;
	v63 =	vadd.f32 v61, v16;
	v12 =	vadd.f32 v52, v12  }
0x297: {  	v13 =	vadd.f32 v60, v13;
	v33 =	vunpack.i.u.bf16.f32 v17;
	v17 =	vunpack.i.l.bf16.f32 v17  }
0x298: {  	v15 =	vunpack.i.u.bf16.f32 v56;
	v12 =	vadd.f32 v12, v14;
	v34 =	vadd.f32 v17, v33  }
0x299: {  	v18 =	vunpack.i.u.bf16.f32 v18;
	v13 =	vadd.f32 v13, v15;
	v15 =	vadd.f32 v35, v30  }
0x29a: {  	v39 =	vld [tilespmem:s24+$0x5E10];
	v38 =	vmul.bf16 v29, v29;
	v14 =	vadd.f32 v63, v18;
	v16 =	vadd.f32 v37, v34  }
0x29b: {  	(xrf2) =	vadd.scan.msk.f32 $0xffff, v4;
	v11 =	vadd.f32 v11, v41;
	v41 =	vmul.bf16 v32, v32;
	v3 =	vadd.f32 v15, v3  }
0x29c: {  	(xrf2) =	vadd.scan.msk.f32 $0xffff, v5;
	v42 =	vunpack.i.l.bf16.f32 v38;
	v14 =	vadd.f32 v26, v14;
	v4 =	vadd.f32 v16, v40  }
0x29d: {  	(xrf2) =	vadd.scan.msk.f32 $0xffff, v6;
	v43 =	vunpack.i.l.bf16.f32 v2;
	v44 =	vunpack.i.l.bf16.f32 v41;
	v3 =	vadd.f32 v42, v3  }
0x29e: {  	(xrf2) =	vadd.scan.msk.f32 $0xffff, v8;
	v45 =	vunpack.i.u.bf16.f32 v38;
	v1 =	vadd.f32 v14, v1;
	v4 =	vadd.f32 v44, v4  }
0x29f: {  	(xrf2) =	vadd.scan.msk.f32 $0xffff, v9;
	v48 =	vmul.bf16 v39, v39;
	v47 =	vunpack.i.u.bf16.f32 v41;
	v3 =	vadd.f32 v3, v45  }
0x2a0: {  	(xrf2) =	vadd.scan.msk.f32 $0xffff, v10;
	v49 =	vunpack.i.l.bf16.f32 v46;
	v1 =	vadd.f32 v43, v1;
	v4 =	vadd.f32 v4, v47  }
0x2a1: {  	v2 =	vunpack.i.u.bf16.f32 v2;
	(xrf2) =	vadd.scan.msk.f32 $0xffff, v11;
	v50 =	vunpack.i.l.bf16.f32 v48;
	v3 =	vadd.f32 v49, v3  }
0x2a2: {  	v51, _, _ =	vpop (xrf2);
	(xrf2) =	vadd.scan.msk.f32 $0xffff, v12;
	v1 =	vadd.f32 v1, v2;
	v2 =	vunpack.i.u.bf16.f32 v46;
	v4 =	vadd.f32 v50, v4  }
0x2a3: {  	v52 =	vperm.xlane v51, v0;
	v53, _, _ =	vpop (xrf2);
	(xrf2) =	vadd.scan.msk.f32 $0xffff, v13;
	v2 =	vadd.f32 v3, v2;
	v3 =	vunpack.i.u.bf16.f32 v48  }
0x2a4: {  	v6 =	vperm.xlane v53, v0;
	v54, _, _ =	vpop (xrf2);
	(xrf2) =	vadd.scan.msk.f32 $0xffff, v1;
	v1 =	vadd.f32 v4, v3  }
0x2a5: {  	v55 =	vperm.xlane v54, v0;
	v56, _, _ =	vpop (xrf2);
	v3 =	vsel vm0, v7, v52;
	(xrf2) =	vadd.scan.msk.f32 $0xffff, v2  }
0x2a6: {  	v57, _, _ =	vpop (xrf2);
	v2 =	vsel vm1, v3, v6;
	v3 =	vperm.xlane v56, v0;
	(xrf2) =	vadd.scan.msk.f32 $0xffff, v1  }
0x2a7: {  	v58, _, _ =	vpop (xrf2);
	v1 =	vsel vm2, v2, v55;
	v2 =	vperm.xlane v57, v0  }
0x2a8: {  	v59, _, _ =	vpop (xrf2);
	v1 =	vsel vm3, v1, v3;
	v3 =	vperm.xlane v58, v0  }
0x2a9: {  	v60, _, _ =	vpop (xrf2);
	v1 =	vsel vm4, v1, v2;
	v2 =	vperm.xlane v59, v0  }
0x2aa: {  	v61, _, _ =	vpop (xrf2);
	v1 =	vsel vm5, v1, v3;
	v3 =	vperm.xlane v60, v0  }
0x2ab: {  	v62, _, _ =	vpop (xrf2);
	v1 =	vsel vm6, v1, v2;
	v2 =	vperm.xlane v61, v0  }
0x2ac: {  	v63, _, _ =	vpop (xrf2);
	v1 =	vsel vm7, v1, v3;
	v3 =	vperm.xlane v62, v0  }
0x2ad: {  	v8, _, _ =	vpop (xrf2);
	v1 =	vsel vm8, v1, v2;
	v2 =	vperm.xlane v63, v0  }
0x2ae: {  	v9, _, _ =	vpop (xrf2);
	v1 =	vsel vm9, v1, v3;
	v3 =	vperm.xlane v8, v0  }
0x2af: {  	v1 =	vsel vm10, v1, v2;
	v2 =	vperm.xlane v9, v0;
	v10, _, _ =	vpop (xrf2)  }
0x2b0: {  	v1 =	vsel vm11, v1, v3;
	v3 =	vperm.xlane v10, v0;
	v11, _, _ =	vpop (xrf2)  }
0x2b1: {  	v1 =	vsel vm12, v1, v2;
	v2 =	vperm.xlane v11, v0  }
0x2b2: {  	v1 =	vsel vm13, v1, v3  }
0x2b3: {  	v1 =	vsel vm14, v1, v2  }
0x2b4: {  	v1 =	vmax.f32 v1, $1.000000000e-30  }
0x2b5: {  	v2 =	vshra.s32 v1, $0x1;
	v3 =	vmul.f32 $5.000000000e-01, v1  }
0x2b6: {  	v2 =	vsub.s32 $0x5F3759DF, v2  }
0x2b7: {  	v12 =	vmul.f32 v2, v3;
	_ =	sdelay $0x1  }
0x2b8: {  	v4 =	vmul.f32 v2, v12;
	_ =	sdelay $0x1  }
0x2b9: {  	v4 =	vsub.f32 $1.500000000e+00, v4;
	_ =	sdelay $0x1  }
0x2ba: {  	v2 =	vmul.f32 v2, v4;
	_ =	sdelay $0x1  }
0x2bb: {  	v4 =	vmul.f32 v2, v3;
	_ =	sdelay $0x1  }
0x2bc: {  	v4 =	vmul.f32 v4, v2;
	_ =	sdelay $0x1  }
0x2bd: {  	v4 =	vsub.f32 $1.500000000e+00, v4;
	_ =	sdelay $0x1  }
0x2be: {  	v2 =	vmul.f32 v4, v2;
	_ =	sdelay $0x1  }
0x2bf: {  	v3 =	vmul.f32 v2, v3;
	_ =	sdelay $0x1  }
0x2c0: {  	v3 =	vmul.f32 v3, v2;
	_ =	sdelay $0x1  }
0x2c1: {  	v3 =	vsub.f32 $1.500000000e+00, v3;
	_ =	sdelay $0x1  }
0x2c2: {  	v2 =	vmul.f32 v3, v2;
	_ =	sdelay $0x1  }
0x2c3: {  	v1 =	vmul.f32 v2, v1;
	_ =	sdelay $0x1  }
0x2c4: {  	v1 =	vsub.f32 $0.0e+00, v1;
	_ =	sdelay $0x1  }
0x2c5: {  	v1 =	vmul.f32 $1.442695020e+00, v1;
	_ =	sdelay $0x1  }
0x2c6: {  	(erf) = vpow2.f32 v1;
	_ =	sdelay $0x8  }
0x2c7: {  	v1 =	vpop (erf)  }
0x2c8: {  	[tilespmem:s22+$0x10] =	vst v1  }
0x2c9: {  	v1 =	vld [tilespmem:s24+$0x5E20]  }
0x2ca: {  	v2 =	vld [tilespmem:s24+$0x5E30]  }
0x2cb: {  	v3 =	vld [tilespmem:s24+$0x5E40]  }
0x2cc: {  	v13 =	vld [tilespmem:s24+$0x5E60]  }
0x2cd: {  	v15 =	vld [tilespmem:s24+$0x5E70]  }
0x2ce: {  	v17 =	vld [tilespmem:s24+$0x5E50]  }
0x2cf: {  	v18 =	vld [tilespmem:s24+$0x5EA0]  }
0x2d0: {  	v23 =	vld [tilespmem:s24+$0x5E90]  }
0x2d1: {  	v26 =	vld [tilespmem:s24+$0x5EC0]  }
0x2d2: {  	v28 =	vld [tilespmem:s24+$0x5EF0]  }
0x2d3: {  	v33 =	vld [tilespmem:s24+$0x5F00]  }
0x2d4: {  	v36 =	vld [tilespmem:s24+$0x5F20]  }
0x2d5: {  	v38 =	vld [tilespmem:s24+$0x5F10]  }
0x2d6: {  	v45 =	vld [tilespmem:s24+$0x5F40]  }
0x2d7: {  	v47 =	vld [tilespmem:s24+$0x5F60];
	v1 =	vmul.bf16 v1, v1;
	v2 =	vmul.bf16 v2, v2  }
0x2d8: {  	v54 =	vld [tilespmem:s24+$0x5F50];
	v3 =	vmul.bf16 v3, v3;
	v4 =	vmul.bf16 v13, v13  }
0x2d9: {  	v58 =	vld [tilespmem:s24+$0x5F80];
	v5 =	vmul.bf16 v15, v15;
	v6 =	vmul.bf16 v17, v17  }
0x2da: {  	v63 =	vld [tilespmem:s24+$0x5F90];
	v7 =	vmul.bf16 v18, v18;
	v8 =	vmul.bf16 v23, v23  }
0x2db: {  	v32 =	vmul.bf16 v26, v26;
	v9 =	vmul.bf16 v28, v28  }
0x2dc: {  	v41 =	vmul.bf16 v33, v33;
	v44 =	vmul.bf16 v36, v36  }
0x2dd: {  	v46 =	vmul.bf16 v38, v38;
	v53 =	vmul.bf16 v45, v45  }
0x2de: {  	v11 =	vmul.bf16 v47, v47;
	v10 =	vmul.bf16 v54, v54  }
0x2df: {  	v18 =	vmul.bf16 v58, v58;
	v12 =	vmul.bf16 v63, v63;
	v14 =	vunpack.i.u.bf16.f32 v1  }
0x2e0: {  	v1 =	vunpack.i.l.bf16.f32 v1;
	v16 =	vunpack.i.l.bf16.f32 v2;
	v2 =	vunpack.i.u.bf16.f32 v2  }
0x2e1: {  	v19 =	vunpack.i.u.bf16.f32 v4;
	v4 =	vunpack.i.l.bf16.f32 v4;
	v22 =	vunpack.i.l.bf16.f32 v5  }
0x2e2: {  	v60 =	vld [tilespmem:s24+$0x5FB0];
	v5 =	vunpack.i.u.bf16.f32 v5;
	v25 =	vunpack.i.u.bf16.f32 v7;
	v7 =	vunpack.i.l.bf16.f32 v7  }
0x2e3: {  	v23 =	vld [tilespmem:s24+$0x5FF0];
	v31 =	vunpack.i.u.bf16.f32 v8;
	v8 =	vunpack.i.l.bf16.f32 v8;
	v35 =	vunpack.i.l.bf16.f32 v32  }
0x2e4: {  	v37 =	vunpack.i.l.bf16.f32 v9;
	v40 =	vunpack.i.u.bf16.f32 v9;
	v43 =	vunpack.i.l.bf16.f32 v41  }
0x2e5: {  	v9 =	vunpack.i.u.bf16.f32 v41;
	v48 =	vunpack.i.u.bf16.f32 v44;
	v1 =	vadd.f32 v1, v14  }
0x2e6: {  	v21 =	vld [tilespmem:s24+$0x5EB0];
	v50 =	vunpack.i.l.bf16.f32 v46;
	v57 =	vunpack.i.u.bf16.f32 v11;
	v11 =	vunpack.i.l.bf16.f32 v11  }
0x2e7: {  	v59 =	vadd.f32 v11, v57;
	v11 =	vmul.bf16 v60, v60;
	v60 =	vld [tilespmem:s24+$0x6090];
	v1 =	vadd.f32 v16, v1  }
0x2e8: {  	v55 =	vunpack.i.l.bf16.f32 v53;
	v62 =	vunpack.i.l.bf16.f32 v10;
	v13 =	vmul.bf16 v23, v23;
	v23 =	vld [tilespmem:s24+$0x60F0]  }
0x2e9: {  	v10 =	vunpack.i.u.bf16.f32 v10;
	v7 =	vadd.f32 v7, v25;
	v1 =	vadd.f32 v1, v2  }
0x2ea: {  	v20 =	vld [tilespmem:s24+$0x5E80];
	v25 =	vunpack.i.u.bf16.f32 v11;
	v2 =	vunpack.i.l.bf16.f32 v3;
	v3 =	vunpack.i.u.bf16.f32 v3  }
0x2eb: {  	v24 =	vld [tilespmem:s24+$0x5EE0];
	v33 =	vunpack.i.l.bf16.f32 v13;
	v1 =	vadd.f32 v2, v1;
	v2 =	vadd.f32 v4, v19  }
0x2ec: {  	v36 =	vunpack.i.u.bf16.f32 v13;
	v16 =	vmul.bf16 v60, v60;
	v4 =	vmul.bf16 v21, v21;
	v21 =	vld [tilespmem:s24+$0x5FC0]  }
0x2ed: {  	v17 =	vmul.bf16 v23, v23;
	v1 =	vadd.f32 v1, v3;
	v2 =	vadd.f32 v22, v2  }
0x2ee: {  	v3 =	vunpack.i.l.bf16.f32 v6;
	v6 =	vunpack.i.u.bf16.f32 v6;
	v29 =	vunpack.i.l.bf16.f32 v4  }
0x2ef: {  	v22 =	vunpack.i.l.bf16.f32 v18;
	v1 =	vadd.f32 v3, v1;
	v3 =	vmul.bf16 v20, v20  }
0x2f0: {  	v30 =	vld [tilespmem:s24+$0x5ED0];
	v2 =	vadd.f32 v2, v5;
	v5 =	vmul.bf16 v24, v24;
	v24 =	vunpack.i.l.bf16.f32 v11  }
0x2f1: {  	v28 =	vmul.bf16 v21, v21;
	v27 =	vunpack.i.l.bf16.f32 v3;
	v1 =	vadd.f32 v1, v6  }
0x2f2: {  	v3 =	vunpack.i.u.bf16.f32 v3;
	v6 =	vadd.f32 v29, v7;
	v34 =	vunpack.i.u.bf16.f32 v5  }
0x2f3: {  	v39 =	vld [tilespmem:s24+$0x5F30];
	v5 =	vunpack.i.l.bf16.f32 v5;
	v7 =	vunpack.i.l.bf16.f32 v44;
	v2 =	vadd.f32 v27, v2  }
0x2f4: {  	v29 =	vld [tilespmem:s24+$0x6000];
	v5 =	vadd.f32 v5, v34;
	v7 =	vadd.f32 v7, v48;
	v27 =	vunpack.i.u.bf16.f32 v12  }
0x2f5: {  	v2 =	vadd.f32 v2, v3;
	v3 =	vunpack.i.u.bf16.f32 v4;
	v4 =	vmul.bf16 v30, v30  }
0x2f6: {  	v49 =	vld [tilespmem:s24+$0x5F70];
	v12 =	vunpack.i.l.bf16.f32 v12;
	v5 =	vadd.f32 v37, v5;
	v3 =	vadd.f32 v6, v3  }
0x2f7: {  	v41 =	vld [tilespmem:s24+$0x6040];
	v6 =	vunpack.i.u.bf16.f32 v32;
	v2 =	vadd.f32 v8, v2;
	v42 =	vunpack.i.l.bf16.f32 v4  }
0x2f8: {  	v34 =	vld [tilespmem:s24+$0x6010];
	v5 =	vadd.f32 v5, v40;
	v8 =	vmul.bf16 v39, v39;
	v4 =	vunpack.i.u.bf16.f32 v4  }
0x2f9: {  	v32 =	vld [tilespmem:s24+$0x6020];
	v37 =	vmul.bf16 v29, v29;
	v3 =	vadd.f32 v35, v3;
	v2 =	vadd.f32 v2, v31  }
0x2fa: {  	v29 =	vld [tilespmem:s24+$0x6100];
	v5 =	vadd.f32 v43, v5;
	v51 =	vunpack.i.l.bf16.f32 v8;
	v8 =	vunpack.i.u.bf16.f32 v8  }
0x2fb: {  	v31 =	vunpack.i.l.bf16.f32 v28;
	v39 =	vunpack.i.l.bf16.f32 v37;
	v13 =	vunpack.i.u.bf16.f32 v37  }
0x2fc: {  	v3 =	vadd.f32 v3, v6;
	v52 =	vadd.f32 v51, v7;
	v6 =	vunpack.i.u.bf16.f32 v46  }
0x2fd: {  	v56 =	vld [tilespmem:s24+$0x5FA0];
	v7 =	vunpack.i.u.bf16.f32 v53;
	v5 =	vadd.f32 v5, v9;
	v9 =	vmul.bf16 v49, v49  }
0x2fe: {  	v43 =	vld [tilespmem:s24+$0x6060];
	v40 =	vmul.bf16 v32, v32;
	v49 =	vmul.bf16 v41, v41;
	v3 =	vadd.f32 v42, v3  }
0x2ff: {  	v42 =	vmul.bf16 v34, v34;
	v37 =	vmul.bf16 v29, v29;
	v61 =	vunpack.i.l.bf16.f32 v9  }
0x300: {  	v9 =	vunpack.i.u.bf16.f32 v9;
	v44 =	vunpack.i.u.bf16.f32 v40;
	v3 =	vadd.f32 v3, v4  }
0x301: {  	v32 =	vld [tilespmem:s24+$0x6120];
	v11 =	vunpack.i.l.bf16.f32 v40;
	v4 =	vadd.f32 v50, v5;
	v5 =	vadd.f32 v52, v8  }
0x302: {  	v57 =	vld [tilespmem:s24+$0x60B0];
	v8 =	vmul.bf16 v56, v56;
	v11 =	vadd.f32 v11, v44;
	v46 =	vunpack.i.l.bf16.f32 v42  }
0x303: {  	v19 =	vld [tilespmem:s24+$0x5FE0];
	v15 =	vmul.bf16 v43, v43;
	v52 =	vunpack.i.l.bf16.f32 v49;
	v4 =	vadd.f32 v4, v6  }
0x304: {  	v50 =	vld [tilespmem:s24+$0x6050];
	v5 =	vadd.f32 v55, v5;
	v6 =	vadd.f32 v61, v59;
	v20 =	vunpack.i.u.bf16.f32 v8  }
0x305: {  	v8 =	vunpack.i.l.bf16.f32 v8;
	v54 =	vunpack.i.u.bf16.f32 v15;
	v15 =	vunpack.i.l.bf16.f32 v15  }
0x306: {  	v43 =	vld [tilespmem:s24+$0x6160];
	v40 =	vmul.bf16 v32, v32;
	v8 =	vadd.f32 v8, v20;
	v56 =	vadd.f32 v15, v54  }
0x307: {  	v55 =	vld [tilespmem:s24+$0x6080];
	v15 =	vmul.bf16 v57, v57;
	v5 =	vadd.f32 v5, v7;
	v6 =	vadd.f32 v6, v9  }
0x308: {  	v7 =	vunpack.i.u.bf16.f32 v18;
	v9 =	vmul.bf16 v19, v19;
	v44 =	vunpack.i.u.bf16.f32 v40  }
0x309: {  	v26 =	vld [tilespmem:s24+$0x5FD0];
	v8 =	vadd.f32 v24, v8;
	v14 =	vmul.bf16 v50, v50;
	v24 =	vunpack.i.l.bf16.f32 v15  }
0x30a: {  	v21 =	vld [tilespmem:s24+$0x60C0];
	v5 =	vadd.f32 v62, v5;
	v30 =	vunpack.i.u.bf16.f32 v9;
	v9 =	vunpack.i.l.bf16.f32 v9  }
0x30b: {  	v29 =	vld [tilespmem:s24+$0x61D0];
	v19 =	vmul.bf16 v43, v43;
	v6 =	vadd.f32 v22, v6;
	v9 =	vadd.f32 v9, v30  }
0x30c: {  	v59 =	vunpack.i.l.bf16.f32 v14;
	v61 =	vmul.bf16 v55, v55;
	v14 =	vunpack.i.u.bf16.f32 v14  }
0x30d: {  	v54 =	vunpack.i.u.bf16.f32 v19;
	v19 =	vunpack.i.l.bf16.f32 v19;
	v5 =	vadd.f32 v5, v10  }
0x30e: {  	v35 =	vld [tilespmem:s24+$0x6030];
	v6 =	vadd.f32 v6, v7;
	v7 =	vadd.f32 v8, v25;
	v8 =	vunpack.i.u.bf16.f32 v28  }
0x30f: {  	v50 =	vld [tilespmem:s24+$0x6150];
	v10 =	vmul.bf16 v26, v26;
	v25 =	vunpack.i.u.bf16.f32 v15;
	v28 =	vmul.bf16 v21, v21  }
0x310: {  	v15 =	vunpack.i.l.bf16.f32 v40;
	v55 =	vadd.f32 v19, v54;
	v40 =	vmul.bf16 v29, v29  }
0x311: {  	v9 =	vadd.f32 v33, v9;
	v22 =	vunpack.i.l.bf16.f32 v61;
	v15 =	vadd.f32 v15, v44  }
0x312: {  	v33 =	vunpack.i.l.bf16.f32 v17;
	v6 =	vadd.f32 v12, v6;
	v7 =	vadd.f32 v31, v7  }
0x313: {  	v45 =	vld [tilespmem:s24+$0x6070];
	v38 =	vunpack.i.l.bf16.f32 v10;
	v12 =	vmul.bf16 v35, v35;
	v10 =	vunpack.i.u.bf16.f32 v10  }
0x314: {  	v53 =	vld [tilespmem:s24+$0x60A0];
	v31 =	vunpack.i.l.bf16.f32 v28;
	v18 =	vmul.bf16 v50, v50;
	v43 =	vunpack.i.l.bf16.f32 v40  }
0x315: {  	v34 =	vld [tilespmem:s24+$0x6110];
	v7 =	vadd.f32 v7, v8;
	v8 =	vadd.f32 v9, v36;
	v47 =	vunpack.i.l.bf16.f32 v12  }
0x316: {  	v6 =	vadd.f32 v6, v27;
	v9 =	vunpack.i.u.bf16.f32 v42;
	v48 =	vadd.f32 v47, v11  }
0x317: {  	v12 =	vunpack.i.u.bf16.f32 v12;
	v27 =	vunpack.i.u.bf16.f32 v16;
	v8 =	vadd.f32 v39, v8  }
0x318: {  	v16 =	vunpack.i.l.bf16.f32 v16;
	v7 =	vadd.f32 v38, v7;
	v51 =	vadd.f32 v48, v12  }
0x319: {  	v62 =	vld [tilespmem:s24+$0x60E0];
	v12 =	vmul.bf16 v53, v53;
	v8 =	vadd.f32 v8, v13;
	v13 =	vmul.bf16 v45, v45  }
0x31a: {  	v41 =	vld [tilespmem:s24+$0x6140];
	v36 =	vunpack.i.u.bf16.f32 v17;
	v17 =	vunpack.i.u.bf16.f32 v37;
	v42 =	vmul.bf16 v34, v34  }
0x31b: {  	v7 =	vadd.f32 v7, v10;
	v63 =	vunpack.i.u.bf16.f32 v12;
	v58 =	vunpack.i.l.bf16.f32 v13  }
0x31c: {  	v12 =	vunpack.i.l.bf16.f32 v12;
	v8 =	vadd.f32 v46, v8;
	v10 =	vadd.f32 v58, v56  }
0x31d: {  	v11 =	vunpack.i.u.bf16.f32 v49;
	v13 =	vunpack.i.u.bf16.f32 v13;
	v12 =	vadd.f32 v12, v63  }
0x31e: {  	v8 =	vadd.f32 v8, v9;
	v10 =	vadd.f32 v10, v13;
	v13 =	vmul.bf16 v62, v62  }
0x31f: {  	v49 =	vmul.bf16 v41, v41;
	v63 =	vld [tilespmem:s24+$0x6190];
	v9 =	vadd.f32 v52, v51;
	v12 =	vadd.f32 v24, v12  }
0x320: {  	v26 =	vld [tilespmem:s24+$0x60D0];
	v10 =	vadd.f32 v22, v10;
	v30 =	vunpack.i.u.bf16.f32 v13;
	v13 =	vunpack.i.l.bf16.f32 v13  }
0x321: {  	v56 =	vld [tilespmem:s24+$0x61A0];
	v9 =	vadd.f32 v9, v11;
	v11 =	vunpack.i.u.bf16.f32 v61;
	v13 =	vadd.f32 v13, v30  }
0x322: {  	(xrf2) =	vadd.scan.msk.f32 $0xffff, v1;
	v35 =	vld [tilespmem:s24+$0x6130];
	v39 =	vunpack.i.l.bf16.f32 v37;
	v10 =	vadd.f32 v10, v11;
	v11 =	vadd.f32 v12, v25  }
0x323: {  	(xrf2) =	vadd.scan.msk.f32 $0xffff, v2;
	v46 =	vunpack.i.l.bf16.f32 v42;
	v52 =	vunpack.i.l.bf16.f32 v49;
	v9 =	vadd.f32 v59, v9  }
0x324: {  	(xrf2) =	vadd.scan.msk.f32 $0xffff, v3;
	v3 =	vmul.bf16 v63, v63;
	v13 =	vadd.f32 v33, v13;
	v11 =	vadd.f32 v31, v11  }
0x325: {  	v45 =	vld [tilespmem:s24+$0x6170];
	v59 =	vunpack.i.l.bf16.f32 v18;
	v12 =	vunpack.i.u.bf16.f32 v28;
	v9 =	vadd.f32 v9, v14  }
0x326: {  	v19 =	vmul.bf16 v56, v56;
	v11 =	vadd.f32 v11, v12;
	v12 =	vadd.f32 v13, v36  }
0x327: {  	v14 =	vmul.bf16 v26, v26;
	v10 =	vadd.f32 v16, v10;
	v16 =	vmul.bf16 v35, v35  }
0x328: {  	v18 =	vunpack.i.u.bf16.f32 v18;
	v24 =	vunpack.i.u.bf16.f32 v19;
	v12 =	vadd.f32 v39, v12  }
0x329: {  	v60 =	vld [tilespmem:s24+$0x61B0];
	v19 =	vunpack.i.l.bf16.f32 v19;
	v38 =	vunpack.i.l.bf16.f32 v14;
	v47 =	vunpack.i.l.bf16.f32 v16  }
0x32a: {  	v53 =	vld [tilespmem:s24+$0x6180];
	v48 =	vadd.f32 v47, v15;
	v12 =	vadd.f32 v12, v17;
	v17 =	vmul.bf16 v45, v45  }
0x32b: {  	v58 =	vld [tilespmem:s24+$0x61E0];
	v14 =	vunpack.i.u.bf16.f32 v14;
	v16 =	vunpack.i.u.bf16.f32 v16;
	v11 =	vadd.f32 v38, v11  }
0x32c: {  	v61 =	vld [tilespmem:s24+$0x61F0];
	v51 =	vadd.f32 v48, v16;
	v12 =	vadd.f32 v46, v12;
	v57 =	vunpack.i.l.bf16.f32 v17  }
0x32d: {  	v13 =	vunpack.i.u.bf16.f32 v42;
	v11 =	vadd.f32 v11, v14;
	v14 =	vadd.f32 v57, v55  }
0x32e: {  	v26 =	vmul.bf16 v60, v60;
	v12 =	vadd.f32 v12, v13;
	v13 =	vadd.f32 v52, v51  }
0x32f: {  	v15 =	vunpack.i.u.bf16.f32 v49;
	v16 =	vmul.bf16 v53, v53;
	v17 =	vunpack.i.u.bf16.f32 v17  }
0x330: {  	v25 =	vld [tilespmem:s24+$0x61C0];
	v14 =	vadd.f32 v14, v17;
	v13 =	vadd.f32 v13, v15;
	v15 =	vmul.bf16 v58, v58  }
0x331: {  	v10 =	vadd.f32 v10, v27;
	v27 =	vld [tilespmem:s24+$0x6200];
	v62 =	vunpack.i.l.bf16.f32 v16;
	v17 =	vmul.bf16 v61, v61  }
0x332: {  	v14 =	vadd.f32 v62, v14;
	v1 =	vunpack.i.u.bf16.f32 v15;
	v15 =	vunpack.i.l.bf16.f32 v15  }
0x333: {  	v33 =	vld [tilespmem:s24+$0x6210];
	v19 =	vadd.f32 v19, v24;
	v16 =	vunpack.i.u.bf16.f32 v16;
	v1 =	vadd.f32 v15, v1  }
0x334: {  	v28 =	vunpack.i.l.bf16.f32 v26;
	v30 =	vunpack.i.l.bf16.f32 v17;
	v2 =	vadd.f32 v14, v16  }
0x335: {  	v31 =	vunpack.i.u.bf16.f32 v26;
	v14 =	vadd.f32 v28, v19;
	v1 =	vadd.f32 v30, v1  }
0x336: {  	(xrf2) =	vadd.scan.msk.f32 $0xffff, v4;
	v32 =	vmul.bf16 v25, v25;
	v35 =	vmul.bf16 v27, v27;
	v34 =	vunpack.i.u.bf16.f32 v17  }
0x337: {  	(xrf2) =	vadd.scan.msk.f32 $0xffff, v5;
	v36 =	vunpack.i.l.bf16.f32 v3;
	v4 =	vadd.f32 v14, v31;
	v1 =	vadd.f32 v1, v34  }
0x338: {  	(xrf2) =	vadd.scan.msk.f32 $0xffff, v6;
	v42 =	vmul.bf16 v33, v33;
	v37 =	vunpack.i.l.bf16.f32 v32;
	v38 =	vunpack.i.l.bf16.f32 v35  }
0x339: {  	(xrf2) =	vadd.scan.msk.f32 $0xffff, v7;
	v39 =	vunpack.i.u.bf16.f32 v32;
	v4 =	vadd.f32 v37, v4;
	v1 =	vadd.f32 v38, v1  }
0x33a: {  	(xrf2) =	vadd.scan.msk.f32 $0xffff, v8;
	v41 =	vunpack.i.u.bf16.f32 v35;
	v13 =	vadd.f32 v59, v13;
	v2 =	vadd.f32 v36, v2  }
0x33b: {  	(xrf2) =	vadd.scan.msk.f32 $0xffff, v9;
	v3 =	vunpack.i.u.bf16.f32 v3;
	v4 =	vadd.f32 v4, v39;
	v1 =	vadd.f32 v1, v41  }
0x33c: {  	(xrf2) =	vadd.scan.msk.f32 $0xffff, v10;
	v45 =	vunpack.i.l.bf16.f32 v42;
	v13 =	vadd.f32 v13, v18;
	v2 =	vadd.f32 v2, v3  }
0x33d: {  	v44, _, _ =	vpop (xrf2);
	(xrf2) =	vadd.scan.msk.f32 $0xffff, v11;
	v3 =	vadd.f32 v43, v4;
	v1 =	vadd.f32 v45, v1  }
0x33e: {  	v5 =	vperm.xlane v44, v0;
	v6 =	vunpack.i.u.bf16.f32 v40;
	v48 =	vunpack.i.u.bf16.f32 v42;
	v46, _, _ =	vpop (xrf2);
	(xrf2) =	vadd.scan.msk.f32 $0xffff, v12  }
0x33f: {  	v47, _, _ =	vpop (xrf2);
	v8 =	vperm.xlane v46, v0;
	(xrf2) =	vadd.scan.msk.f32 $0xffff, v13;
	v3 =	vadd.f32 v3, v6;
	v1 =	vadd.f32 v1, v48  }
0x340: {  	v49, _, _ =	vpop (xrf2);
	(xrf2) =	vadd.scan.msk.f32 $0xffff, v2;
	v2 =	vperm.xlane v47, v0  }
0x341: {  	v50 =	vsel vm0, v5, v8;
	v51, _, _ =	vpop (xrf2);
	(xrf2) =	vadd.scan.msk.f32 $0xffff, v3;
	v3 =	vperm.xlane v49, v0  }
0x342: {  	v52 =	vperm.xlane v51, v0;
	v53, _, _ =	vpop (xrf2);
	v2 =	vsel vm1, v50, v2;
	(xrf2) =	vadd.scan.msk.f32 $0xffff, v1  }
0x343: {  	v2 =	vsel vm2, v2, v3;
	v3 =	vperm.xlane v53, v0;
	v1, _, _ =	vpop (xrf2)  }
0x344: {  	v2 =	vsel vm3, v2, v52;
	v54, _, _ =	vpop (xrf2);
	v1 =	vperm.xlane v1, v0  }
0x345: {  	v2 =	vsel vm4, v2, v3;
	v55, _, _ =	vpop (xrf2);
	v3 =	vperm.xlane v54, v0  }
0x346: {  	v56, _, _ =	vpop (xrf2);
	v1 =	vsel vm5, v2, v1;
	v2 =	vperm.xlane v55, v0  }
0x347: {  	v57, _, _ =	vpop (xrf2);
	v1 =	vsel vm6, v1, v3;
	v3 =	vperm.xlane v56, v0  }
0x348: {  	v58, _, _ =	vpop (xrf2);
	v1 =	vsel vm7, v1, v2;
	v2 =	vperm.xlane v57, v0  }
0x349: {  	v59, _, _ =	vpop (xrf2);
	v1 =	vsel vm8, v1, v3;
	v3 =	vperm.xlane v58, v0  }
0x34a: {  	v60, _, _ =	vpop (xrf2);
	v1 =	vsel vm9, v1, v2;
	v2 =	vperm.xlane v59, v0  }
0x34b: {  	v61, _, _ =	vpop (xrf2);
	v1 =	vsel vm10, v1, v3;
	v3 =	vperm.xlane v60, v0  }
0x34c: {  	v1 =	vsel vm11, v1, v2;
	v2 =	vperm.xlane v61, v0;
	v62, _, _ =	vpop (xrf2)  }
0x34d: {  	v1 =	vsel vm12, v1, v3;
	v3 =	vperm.xlane v62, v0  }
0x34e: {  	v1 =	vsel vm13, v1, v2  }
0x34f: {  	v1 =	vsel vm14, v1, v3  }
0x350: {  	v1 =	vmax.f32 v1, $1.000000000e-30  }
0x351: {  	v2 =	vshra.s32 v1, $0x1;
	v3 =	vmul.f32 $5.000000000e-01, v1  }
0x352: {  	v2 =	vsub.s32 $0x5F3759DF, v2  }
0x353: {  	v63 =	vmul.f32 v2, v3;
	_ =	sdelay $0x1  }
0x354: {  	v4 =	vmul.f32 v2, v63;
	_ =	sdelay $0x1  }
0x355: {  	v4 =	vsub.f32 $1.500000000e+00, v4;
	_ =	sdelay $0x1  }
0x356: {  	v2 =	vmul.f32 v2, v4;
	_ =	sdelay $0x1  }
0x357: {  	v4 =	vmul.f32 v2, v3;
	_ =	sdelay $0x1  }
0x358: {  	v4 =	vmul.f32 v4, v2;
	_ =	sdelay $0x1  }
0x359: {  	v4 =	vsub.f32 $1.500000000e+00, v4;
	_ =	sdelay $0x1  }
0x35a: {  	v2 =	vmul.f32 v4, v2;
	_ =	sdelay $0x1  }
0x35b: {  	v3 =	vmul.f32 v2, v3;
	_ =	sdelay $0x1  }
0x35c: {  	v3 =	vmul.f32 v3, v2;
	_ =	sdelay $0x1  }
0x35d: {  	v3 =	vsub.f32 $1.500000000e+00, v3;
	_ =	sdelay $0x1  }
0x35e: {  	v2 =	vmul.f32 v3, v2;
	_ =	sdelay $0x1  }
0x35f: {  	v1 =	vmul.f32 v2, v1;
	_ =	sdelay $0x1  }
0x360: {  	v1 =	vsub.f32 $0.0e+00, v1;
	_ =	sdelay $0x1  }
0x361: {  	v1 =	vmul.f32 $1.442695020e+00, v1;
	_ =	sdelay $0x1  }
0x362: {  	(erf) = vpow2.f32 v1;
	_ =	sdelay $0x3  }
0x363: {  	s23 =	sadd.s32 $0x1, s23  }
0x364: {  	p0 =	sne.s32 s23, $0x7D  }
.Ltmp3:
0x365: {  	_ = 	snop;
	(pc) =	sbr.rel @!p0 .LBB2_7-.Ltmp3, $3  }
0x366: {  	_ =	sdelay $0x1  }
0x367: {  	v1 =	vpop (erf)  }
0x368: {  	s20 =	sadd.s32 $0x50, s20;
	s21 =	sadd.s32 $0x50, s21;
	[tilespmem:s22+$0x20] =	vst v1;
	s22 =	sadd.s32 $0x50, s22  }
.LBB2_2:
0x369: {  	p0 =	sgt.u32 s23, $0x73  }
.Ltmp4:
0x36a: {  	_ = 	snop;
	(pc) =	sbr.rel @!p0 .LBB2_3-.Ltmp4, $1  }
0x36b: {  	_ =	sdelay $0x3  }
0x36c: {  	p0 =	sgt.u32 s23, $0x78  }
.Ltmp5:
0x36d: {  	_ = 	snop;
	(pc) =	sbr.rel @p0 .LBB2_6-.Ltmp5, $4  }
.Ltmp6:
0x36e: {  	_ = 	snop;
	(pc) =	sbr.rel @!p0 .LBB2_5-.Ltmp6, $4  }
0x36f: {  	_ = 	snop  }
0x370: {  	_ = 	snop  }
0x371: {  	_ = 	snop  }
0x372: {  	_ = 	snop  }
.LBB2_8:
0x373: {  	_ =	sfence.sel $0x180000  }
0x374: {  	[bflag:$0x0] =	sbarrier.arrive $0xFFFF  }
0x375: {  	_ =	strace $0x90000047  }
0x376: {  	s0 =	stileid.u32;
	[bflag:$0x2] =	sbarrier.arrive $0xFFFF  }
0x377: {  	p0 =	sne.s32 s0, $0x0;
	s0 =	rddreg [dreg:$0x2]  }
0x378: {  	s0 =	sadd.s32 @!p0 $0x100000, s0  }
0x379: {  	[sflag:s0] =	ssyncadd.tile.s32 @!p0 $0x1;
	_ =	shalt  }
.Lfunc_end2:
_tile_overlayer_lowered:
.L_overlay_start_2:
0x37a: {  	(tag) =	ssettag $0x2  }
0x37b: {  	s0 =	rddreg [dreg:$0x0];
	s2 =	stileid.u32  }
0x37c: {  	s1 =	rddreg [dreg:$0x1];
	p0 =	sne.s32 s2, $0x0  }
0x37d: {  	s3 =	rddreg [dreg:$0x2];
	[bflag:$0x3] =	sbarrier.arrive $0xFFFF;
	s2 =	simm.s32 @!p0 $0x1C15  }
0x37e: {  	[timem:s3], [sflag:s2] =	dma.local @!p0 [hbm:s0], s1  }
0x37f: {  	s0 =	simm.s32 @!p0 $0x15  }
0x380: {  	_ =	swait.ge @!p0 [sflag:s0], s1  }
0x381: {  	s1 =	ssub.s32 @!p0 $0x0, s1;
	[sflag:s0] =	ssyncset.done @!p0 $0x0  }
0x382: {  	[sflag:s0] =	ssyncadd.s32 @!p0 s1  }
0x383: {  	[bflag:$0x3] =	sbarrier.arrive $0xFFFF  }
0x384: {  	_ =	shalt  }

</sc_bundles>
